<compile_context>
chip_gen: v7x
topology: tpu7x:2x2x1
jax: 0.10.2.dev20260603
libtpu: 0.0.44.dev20260713+nightly
codegen_flags: <defaults>
</compile_context>

<pallas_src>
import functools

import jax
import jax.numpy as jnp
from jax import lax
from jax.experimental import pallas as pl
from jax.experimental.pallas import tpu as pltpu
from jax.experimental.pallas import tpu_sc as plsc

N = 10000
D = 128
E = 320000

NC = 2
NS = 16
NW = NC * NS
EPW = E // NW
KA = 80
NCA = EPW // KA
NBUF = 3
RCH = 400
NDC = N // RCH
RTC = 2000
RROW = 80
NRC = N // RROW

_mesh = plsc.VectorSubcoreMesh(core_axis_name="c", subcore_axis_name="s")


@functools.partial(
    pl.kernel,
    out_type=jax.ShapeDtypeStruct((NC * 3 * N,), jnp.float32),
    mesh=_mesh,
    scratch_types=[
        pltpu.VMEM_SHARED((N,), jnp.float32),
        pltpu.VMEM_SHARED((N,), jnp.float32),
        pltpu.VMEM_SHARED((N,), jnp.float32),
        pltpu.VMEM((EPW,), jnp.int32),
        pltpu.VMEM((EPW,), jnp.int32),
        pltpu.VMEM((EPW,), jnp.int32),
        pltpu.VMEM((EPW,), jnp.float32),
        pltpu.VMEM((RCH,), jnp.float32),
        pltpu.SemaphoreType.DMA,
        pltpu.SemaphoreType.DMA,
        pltpu.SemaphoreType.DMA,
    ],
)
def _deg_kernel(e0, e1, e2, out, d0_sh, d1_sh, d2_sh,
                idx0, idx1, idx2, onesv, zv, sem0, sem1, sem2):
    cid = lax.axis_index("c")
    sid = lax.axis_index("s")
    deg_sh = (d0_sh, d1_sh, d2_sh)
    idxb = (idx0, idx1, idx2)
    sems = (sem0, sem1, sem2)

    def ones_body(k, _):
        onesv[pl.ds(k * 16, 16)] = jnp.ones((16,), jnp.float32)
        return 0

    lax.fori_loop(0, EPW // 16, ones_body, 0)
    for k in range(RCH // 16):
        zv[pl.ds(k * 16, 16)] = jnp.zeros((16,), jnp.float32)

    for r in range(3):
        for k in range((NDC + NS - 1) // NS):
            ch = sid + NS * k

            @pl.when(ch < NDC)
            def _():
                pltpu.sync_copy(zv, deg_sh[r].at[pl.ds(ch * RCH, RCH)])
    plsc.subcore_barrier()

    base = (sid * NC + cid) * EPW
    for r, ei in enumerate((e0, e1, e2)):
        pltpu.async_copy(ei.at[pl.ds(base, EPW)], idxb[r], sems[r])
    for r, ei in enumerate((e0, e1, e2)):
        pltpu.make_async_copy(ei.at[pl.ds(base, EPW)], idxb[r], sems[r]).wait()
        pltpu.sync_copy(onesv, deg_sh[r].at[idxb[r]], add=True)
    plsc.subcore_barrier()

    for r in range(3):
        for k in range((NDC + NS - 1) // NS):
            ch = sid + NS * k

            @pl.when(ch < NDC)
            def _():
                pltpu.sync_copy(deg_sh[r].at[pl.ds(ch * RCH, RCH)], zv)
                pltpu.sync_copy(
                    zv, out.at[pl.ds((cid * 3 + r) * N + ch * RCH, RCH)]
                )


def _isq_block(degp_ref):
    deg = degp_ref[0, 0] + degp_ref[0, 1]
    return jnp.clip(deg, 1e-12, None) ** -0.5


def _tc_pre_body(degp_ref, x_ref, w0_ref, w1_ref, w2_ref,
                 z0_ref, z1_ref, z2_ref):
    x = x_ref[...]
    isq = _isq_block(degp_ref)
    for r, (z_ref, w_ref) in enumerate(
        ((z0_ref, w0_ref), (z1_ref, w1_ref), (z2_ref, w2_ref))
    ):
        z_ref[...] = jnp.dot(
            x * isq[r][:, None], w_ref[...],
            preferred_element_type=jnp.float32,
        )


def _tc_pre(degp4, X, W0, W1, W2):
    R = RTC
    f32 = jnp.float32
    return pl.pallas_call(
        _tc_pre_body,
        grid=(N // R,),
        in_specs=[
            pl.BlockSpec((1, NC, 3, R), lambda b: (b, 0, 0, 0)),
            pl.BlockSpec((R, D), lambda b: (b, 0)),
            pl.BlockSpec((D, D), lambda b: (0, 0)),
            pl.BlockSpec((D, D), lambda b: (0, 0)),
            pl.BlockSpec((D, D), lambda b: (0, 0)),
        ],
        out_specs=[
            pl.BlockSpec((R, D), lambda b: (b, 0)),
            pl.BlockSpec((R, D), lambda b: (b, 0)),
            pl.BlockSpec((R, D), lambda b: (b, 0)),
        ],
        out_shape=[
            jax.ShapeDtypeStruct((N, D), f32),
            jax.ShapeDtypeStruct((N, D), f32),
            jax.ShapeDtypeStruct((N, D), f32),
        ],
    )(degp4, X, W0, W1, W2)


@functools.partial(
    pl.kernel,
    out_type=jax.ShapeDtypeStruct((3, NC, N, D), jnp.float32),
    mesh=_mesh,
    scratch_types=[
        pltpu.VMEM_SHARED((N, D), jnp.float32),
        pltpu.VMEM((EPW,), jnp.int32),
        pltpu.VMEM((EPW,), jnp.int32),
        pltpu.VMEM((KA, D), jnp.float32),
        pltpu.VMEM((KA, D), jnp.float32),
        pltpu.VMEM((KA, D), jnp.float32),
        pltpu.SemaphoreType.DMA,
        pltpu.SemaphoreType.DMA,
        pltpu.SemaphoreType.DMA,
        pltpu.SemaphoreType.DMA,
    ],
)
def _agg_kernel(z0, z1, z2, e0, e1, e2, out,
                acc_sh, iiv, jjv, rows0, rows1, rows2,
                semi, sem0, sem1, sem2):
    cid = lax.axis_index("c")
    sid = lax.axis_index("s")
    wid = sid * NC + cid
    base = wid * EPW
    rowsb = (rows0, rows1, rows2)
    sems = (sem0, sem1, sem2)

    for r, (z, ei) in enumerate(((z0, e0), (z1, e1), (z2, e2))):
        pltpu.async_copy(ei.at[pl.ds(base, EPW)], iiv, semi)
        pltpu.async_copy(ei.at[pl.ds(E + base, EPW)], jjv, semi)

        def zb(q, _):
            rows0[q // (D // 16), pl.ds((q % (D // 16)) * 16, 16)] = (
                jnp.zeros((16,), jnp.float32)
            )
            return 0

        lax.fori_loop(0, RROW * (D // 16), zb, 0)
        for k in range((NRC + NS - 1) // NS):
            ch = sid + NS * k

            @pl.when(ch < NRC)
            def _():
                pltpu.sync_copy(rows0, acc_sh.at[pl.ds(ch * RROW, RROW)])
        plsc.subcore_barrier()

        pltpu.make_async_copy(ei.at[pl.ds(base, EPW)], iiv, semi).wait()
        pltpu.make_async_copy(ei.at[pl.ds(base, EPW)], jjv, semi).wait()

        for b in range(NBUF):
            pltpu.async_copy(z.at[jjv.at[pl.ds(b * KA, KA)]],
                             rowsb[b], sems[b])

        def body(it, _, z=z):
            for b in range(NBUF):
                c = it * NBUF + b
                pltpu.make_async_copy(z.at[jjv.at[pl.ds(c * KA, KA)]],
                                      rowsb[b], sems[b]).wait()
                pltpu.sync_copy(rowsb[b],
                                acc_sh.at[iiv.at[pl.ds(c * KA, KA)]],
                                add=True)
                nxt = c + NBUF

                @pl.when(nxt < NCA)
                def _():
                    pltpu.async_copy(z.at[jjv.at[pl.ds(nxt * KA, KA)]],
                                     rowsb[b], sems[b])
            return 0

        lax.fori_loop(0, NCA // NBUF, body, 0)
        for tc in range((NCA // NBUF) * NBUF, NCA):
            b = tc % NBUF
            pltpu.make_async_copy(z.at[jjv.at[pl.ds(tc * KA, KA)]],
                                  rowsb[b], sems[b]).wait()
            pltpu.sync_copy(rowsb[b],
                            acc_sh.at[iiv.at[pl.ds(tc * KA, KA)]], add=True)
        plsc.subcore_barrier()

        for k in range((NRC + NS - 1) // NS):
            ch = sid + NS * k
            b = k % 2

            @pl.when(ch < NRC)
            def _():
                sl = pl.ds(ch * RROW, RROW)
                if k >= 2:
                    pltpu.make_async_copy(
                        rowsb[b], out.at[r, cid, sl], sems[b]
                    ).wait()
                pltpu.sync_copy(acc_sh.at[sl], rowsb[b])
                pltpu.async_copy(rowsb[b], out.at[r, cid, sl], sems[b])
        for b in range(2):
            pltpu.make_async_copy(
                rowsb[b], out.at[r, cid, pl.ds(0, RROW)], sems[b]
            ).wait()
        plsc.subcore_barrier()


def _tc_post_body(degp_ref, p_ref, x_ref, ws_ref, b_ref, out_ref):
    isq = _isq_block(degp_ref)
    acc = (
        jnp.dot(x_ref[...], ws_ref[...], preferred_element_type=jnp.float32)
        + b_ref[...]
    )
    for r in range(3):
        acc = acc + isq[r][:, None] * (p_ref[r, 0] + p_ref[r, 1])
    out_ref[...] = acc


def _tc_post(degp4, partials, X, W_self, bias2):
    R = RTC
    return pl.pallas_call(
        _tc_post_body,
        grid=(N // R,),
        in_specs=[
            pl.BlockSpec((1, NC, 3, R), lambda b: (b, 0, 0, 0)),
            pl.BlockSpec((3, NC, R, D), lambda b: (0, 0, b, 0)),
            pl.BlockSpec((R, D), lambda b: (b, 0)),
            pl.BlockSpec((D, D), lambda b: (0, 0)),
            pl.BlockSpec((1, D), lambda b: (0, 0)),
        ],
        out_specs=pl.BlockSpec((R, D), lambda b: (b, 0)),
        out_shape=jax.ShapeDtypeStruct((N, D), jnp.float32),
    )(degp4, partials, X, W_self, bias2)


def kernel(X, edge_index_0, edge_index_1, edge_index_2,
           W_self, W0, W1, W2, bias):
    e0 = edge_index_0.reshape(2 * E)
    e1 = edge_index_1.reshape(2 * E)
    e2 = edge_index_2.reshape(2 * E)
    degp4 = (
        _deg_kernel(e0, e1, e2)
        .reshape(NC, 3, N // RTC, RTC)
        .transpose(2, 0, 1, 3)
    )
    z0, z1, z2 = _tc_pre(degp4, X, W0, W1, W2)
    partials = _agg_kernel(z0, z1, z2, e0, e1, e2)
    return _tc_post(degp4, partials, X, W_self, bias.reshape(1, D))

# --- scband reference (transcript-rebuilt; emitter-appended) ---
"""Pipeline reference for scband-med-gcnlayer-45827301048843 (READ-ONLY COPY).

The authoritative reference and input builder live on the scoring server;
editing this copy changes nothing except your own understanding.
"""

import jax, jax.numpy as jnp
import numpy as np

N = 10000
D = 128
DOUT = 128
E = 320000

def _xavier(key, shape):
    limit = np.sqrt(6.0 / (shape[0] + shape[1]))
    return jax.random.uniform(key, shape, dtype=jnp.float32, minval=-limit, maxval=limit)

def setup_inputs(seed: int = 0):
    key = jax.random.key(seed)
    ks = jax.random.split(key, 9)
    X = jax.random.normal(ks[0], (N, D), dtype=jnp.float32)
    edge_index_0 = jax.random.randint(ks[1], (2, E), 0, N, dtype=jnp.int32)
    edge_index_1 = jax.random.randint(ks[2], (2, E), 0, N, dtype=jnp.int32)
    edge_index_2 = jax.random.randint(ks[3], (2, E), 0, N, dtype=jnp.int32)
    W_self = _xavier(ks[4], (D, DOUT))
    W0 = _xavier(ks[5], (D, DOUT))
    W1 = _xavier(ks[6], (D, DOUT))
    W2 = _xavier(ks[7], (D, DOUT))
    bias = jnp.zeros((DOUT,), dtype=jnp.float32)
    return {"X": X, "edge_index_0": edge_index_0, "edge_index_1": edge_index_1, "edge_index_2": edge_index_2, "W_self": W_self, "W0": W0, "W1": W1, "W2": W2, "bias": bias}

def _spmm_sym_norm(edge_index, X):
    # symmetric normalization D^{-1/2} A D^{-1/2} for COO adjacency with ones values,
    # followed by sparse-dense matmul A_norm @ X (scatter-add over destination rows)
    i = edge_index[0]
    j = edge_index[1]
    vals = jnp.ones((edge_index.shape[1],), dtype=X.dtype)
    deg = jax.ops.segment_sum(vals, i, num_segments=N)
    invsqrt = jnp.clip(deg, 1e-12, None) ** -0.5
    v = vals * invsqrt[i] * invsqrt[j]
    gathered = v[:, None] * jnp.take(X, j, axis=0)
    return jax.ops.segment_sum(gathered, i, num_segments=N)

def reference(X, edge_index_0, edge_index_1, edge_index_2, W_self, W0, W1, W2, bias):
    out = X @ W_self
    for ei, W in ((edge_index_0, W0), (edge_index_1, W1), (edge_index_2, W2)):
        out = out + _spmm_sym_norm(ei, X) @ W
    return out + bias

if __name__ == "__main__":
    import jax
    _d = setup_inputs()
    print(jax.jit(kernel)(*tuple(_d.values())))

</pallas_src>

<mosaic_0001>
#map = affine_map<(d0, d1) -> (0, 0)>
#map1 = affine_map<(d0, d1) -> (0)>
#map2 = affine_map<(d0, d1) -> (0, 0, 0, 0)>
module attributes {stable_mosaic.version = 14 : i64} {
  func.func @_agg_kernel(%arg0: i32, %arg1: i32, %arg2: memref<10000x128xf32, #tpu.memory_space<hbm>>, %arg3: memref<10000x128xf32, #tpu.memory_space<hbm>>, %arg4: memref<10000x128xf32, #tpu.memory_space<hbm>>, %arg5: memref<640000xi32, #tpu.memory_space<hbm>>, %arg6: memref<640000xi32, #tpu.memory_space<hbm>>, %arg7: memref<640000xi32, #tpu.memory_space<hbm>>, %arg8: memref<3x2x10000x128xf32, #tpu.memory_space<hbm>>, %arg9: memref<10000x128xf32, #tpu.memory_space<vmem_shared>>, %arg10: memref<10000xi32, #tpu.memory_space<vmem>>, %arg11: memref<10000xi32, #tpu.memory_space<vmem>>, %arg12: memref<80x128xf32, #tpu.memory_space<vmem>>, %arg13: memref<80x128xf32, #tpu.memory_space<vmem>>, %arg14: memref<80x128xf32, #tpu.memory_space<vmem>>, %arg15: memref<!tpu.dma_semaphore, #tpu.memory_space<semaphore_mem>>, %arg16: memref<!tpu.dma_semaphore, #tpu.memory_space<semaphore_mem>>, %arg17: memref<!tpu.dma_semaphore, #tpu.memory_space<semaphore_mem>>, %arg18: memref<!tpu.dma_semaphore, #tpu.memory_space<semaphore_mem>>) attributes {dimension_semantics = [#tpu.dimension_semantics<core_parallel>, #tpu.dimension_semantics<subcore_parallel>], iteration_bounds = array<i64: 2, 16>, scalar_prefetch = 0 : i64, scratch_operands = 10 : i64, tpu.core_type = #tpu.core_type<sc_vector_subcore>, window_params = [{transform_indices = #map}, {transform_indices = #map}, {transform_indices = #map}, {transform_indices = #map1}, {transform_indices = #map1}, {transform_indices = #map1}, {transform_indices = #map2}]} {
    %mul3A = arith.constant 2 : i32
    %mul3A_0 = arith.muli %arg1, %mul3A : i32
    %add3A = arith.addi %mul3A_0, %arg0 : i32
    %mul3A_1 = arith.constant 10000 : i32
    %mul3A_2 = arith.muli %add3A, %mul3A_1 : i32
    %dma_start3A = tpu.memref_slice %arg5[%mul3A_2] : memref<640000xi32, #tpu.memory_space<hbm>> -> memref<10000xi32, #tpu.memory_space<hbm>>
    %dma_start3A_3 = tpu.memref_slice %arg5[%mul3A_2] : memref<640000xi32, #tpu.memory_space<hbm>> -> memref<10000xi32, #tpu.memory_space<hbm>>
    tpu.enqueue_dma source(%dma_start3A_3 : memref<10000xi32, #tpu.memory_space<hbm>>) target(%arg10 : memref<10000xi32, #tpu.memory_space<vmem>>) target_semaphore(%arg15 : memref<!tpu.dma_semaphore, #tpu.memory_space<semaphore_mem>>)
    %add3A_4 = arith.constant 320000 : i32
    %add3A_5 = arith.addi %add3A_4, %mul3A_2 : i32
    %dma_start3A_6 = tpu.memref_slice %arg5[%add3A_5] : memref<640000xi32, #tpu.memory_space<hbm>> -> memref<10000xi32, #tpu.memory_space<hbm>>
    %dma_start3A_7 = tpu.memref_slice %arg5[%add3A_5] : memref<640000xi32, #tpu.memory_space<hbm>> -> memref<10000xi32, #tpu.memory_space<hbm>>
    tpu.enqueue_dma source(%dma_start3A_7 : memref<10000xi32, #tpu.memory_space<hbm>>) target(%arg11 : memref<10000xi32, #tpu.memory_space<vmem>>) target_semaphore(%arg15 : memref<!tpu.dma_semaphore, #tpu.memory_space<semaphore_mem>>)
    %scan3A = arith.constant 0 : i32
    %scan3A_8 = arith.constant 0 : i32
    %scan3A_9 = arith.constant 640 : i32
    %scan3A_10 = arith.addi %scan3A_8, %scan3A_9 : i32
    %scan3A_11 = arith.constant 1 : i32
    %scan3A_12 = scf.for %scan3A_542 = %scan3A_8 to %scan3A_10 step %scan3A_11 iter_args(%scan3A_543 = %scan3A) -> (i32)  : i32 {
      %broadcast_in_dim3A = arith.constant 0.000000e+00 : f32
      %broadcast_in_dim3A_544 = vector.broadcast %broadcast_in_dim3A : f32 to vector<16xf32>
      %jit3A = arith.constant 8 : i32
      %div3A = arith.divsi %scan3A_542, %jit3A : i32
      %sign3A = arith.constant 0 : i32
      %sign3A_545 = arith.cmpi sgt, %scan3A_542, %sign3A : i32
      %sign3A_546 = arith.extui %sign3A_545 : i1 to i32
      %sign3A_547 = arith.constant 0 : i32
      %sign3A_548 = arith.cmpi slt, %scan3A_542, %sign3A_547 : i32
      %sign3A_549 = arith.extui %sign3A_548 : i1 to i32
      %sign3A_550 = arith.subi %sign3A_546, %sign3A_549 : i32
      %sign3A_551 = arith.constant 0 : i32
      %sign3A_552 = arith.cmpi sgt, %jit3A, %sign3A_551 : i32
      %sign3A_553 = arith.extui %sign3A_552 : i1 to i32
      %sign3A_554 = arith.constant 0 : i32
      %sign3A_555 = arith.cmpi slt, %jit3A, %sign3A_554 : i32
      %sign3A_556 = arith.extui %sign3A_555 : i1 to i32
      %sign3A_557 = arith.subi %sign3A_553, %sign3A_556 : i32
      %ne3A = arith.cmpi ne, %sign3A_550, %sign3A_557 : i32
      %rem3A = arith.remsi %scan3A_542, %jit3A : i32
      %ne3A_558 = arith.constant 0 : i32
      %ne3A_559 = arith.cmpi ne, %rem3A, %ne3A_558 : i32
      %and3A = arith.andi %ne3A, %ne3A_559 : i1
      %sub3A = arith.constant 1 : i32
      %sub3A_560 = arith.subi %div3A, %sub3A : i32
      %select_n3A = arith.select %and3A, %sub3A_560, %div3A : i32
      %jit3A_561 = arith.constant 8 : i32
      %eq3A = arith.constant 0 : i32
      %eq3A_562 = arith.cmpi eq, %jit3A_561, %eq3A : i32
      %jit3A_563 = arith.constant 1 : i32
      %select_n3A_564 = arith.select %eq3A_562, %jit3A_563, %jit3A_561 : i32
      %rem3A_565 = arith.remsi %scan3A_542, %select_n3A_564 : i32
      %ne3A_566 = arith.constant 0 : i32
      %ne3A_567 = arith.cmpi ne, %rem3A_565, %ne3A_566 : i32
      %lt3A_568 = arith.constant 0 : i32
      %lt3A_569 = arith.cmpi slt, %rem3A_565, %lt3A_568 : i32
      %lt3A_570 = arith.constant 0 : i32
      %lt3A_571 = arith.cmpi slt, %select_n3A_564, %lt3A_570 : i32
      %ne3A_572 = arith.xori %lt3A_569, %lt3A_571 : i1
      %and3A_573 = arith.andi %ne3A_572, %ne3A_567 : i1
      %add3A_574 = arith.addi %rem3A_565, %select_n3A_564 : i32
      %select_n3A_575 = arith.select %and3A_573, %add3A_574, %rem3A_565 : i32
      %mul3A_576 = arith.constant 16 : i32
      %mul3A_577 = arith.muli %select_n3A_575, %mul3A_576 : i32
      %swap3A = arith.index_cast %select_n3A : i32 to index
      %swap3A_578 = arith.index_cast %mul3A_577 : i32 to index
      %swap3A_579 = tpu.vector_load %arg12[%swap3A, %swap3A_578] {strides = array<i32>} : memref<80x128xf32, #tpu.memory_space<vmem>>, vector<1x16xf32>,
      %swap3A_580 = vector.shape_cast %swap3A_579 : vector<1x16xf32> to vector<16xf32>
      %swap3A_581 = vector.shape_cast %broadcast_in_dim3A_544 : vector<16xf32> to vector<1x16xf32>
      tpu.vector_store %arg12[%swap3A, %swap3A_578], %swap3A_581 {strides = array<i32>} : memref<80x128xf32, #tpu.memory_space<vmem>>, vector<1x16xf32>,
      %scan3A_582 = arith.constant 0 : i32
      scf.yield %scan3A_582 : i32
    }
    %scan3A_13 = arith.constant 640 : i32
    %add3A_14 = arith.constant 0 : i32
    %add3A_15 = arith.addi %arg1, %add3A_14 : i32
    %lt3A = arith.constant 125 : i32
    %lt3A_16 = arith.cmpi slt, %add3A_15, %lt3A : i32
    %convert_element_type3A = arith.extui %lt3A_16 : i1 to i32
    %cond3A = arith.constant 0 : i32
    %cond3A_17 = arith.cmpi ne, %convert_element_type3A, %cond3A : i32
    scf.if %cond3A_17 {
      %mul3A_542 = arith.constant 80 : i32
      %mul3A_543 = arith.muli %add3A_15, %mul3A_542 : i32
      "tpu.region"() ({
        %run_scoped3A = tpu.sem_alloc : memref<!tpu.dma_semaphore, #tpu.memory_space<semaphore_mem>>
        %dma_start3A_544 = arith.constant 0 : i32
        %dma_start3A_545 = tpu.memref_slice %arg9[%mul3A_543, %dma_start3A_544] : memref<10000x128xf32, #tpu.memory_space<vmem_shared>> -> memref<80x128xf32, #tpu.memory_space<vmem_shared>>
        %dma_start3A_546 = arith.constant 0 : i32
        %dma_start3A_547 = tpu.memref_slice %arg9[%mul3A_543, %dma_start3A_546] : memref<10000x128xf32, #tpu.memory_space<vmem_shared>> -> memref<80x128xf32, #tpu.memory_space<vmem_shared>>
        tpu.enqueue_dma source(%arg12 : memref<80x128xf32, #tpu.memory_space<vmem>>) target(%dma_start3A_547 : memref<80x128xf32, #tpu.memory_space<vmem_shared>>) target_semaphore(%run_scoped3A : memref<!tpu.dma_semaphore, #tpu.memory_space<semaphore_mem>>)
        %dma_wait3A_548 = arith.constant 0 : i32
        %dma_wait3A_549 = tpu.memref_slice %arg9[%mul3A_543, %dma_wait3A_548] : memref<10000x128xf32, #tpu.memory_space<vmem_shared>> -> memref<80x128xf32, #tpu.memory_space<vmem_shared>>
        %dma_wait3A_550 = arith.constant 0 : i32
        %dma_wait3A_551 = tpu.memref_slice %arg9[%mul3A_543, %dma_wait3A_550] : memref<10000x128xf32, #tpu.memory_space<vmem_shared>> -> memref<80x128xf32, #tpu.memory_space<vmem_shared>>
        tpu.wait_dma2 semaphore(%run_scoped3A : memref<!tpu.dma_semaphore, #tpu.memory_space<semaphore_mem>>) src(%arg12 : memref<80x128xf32, #tpu.memory_space<vmem>>) dst(%dma_wait3A_551 : memref<80x128xf32, #tpu.memory_space<vmem_shared>>)
        tpu.yield
      }) : () -> ()
    } else {
    }
    %add3A_18 = arith.constant 16 : i32
    %add3A_19 = arith.addi %arg1, %add3A_18 : i32
    %lt3A_20 = arith.constant 125 : i32
    %lt3A_21 = arith.cmpi slt, %add3A_19, %lt3A_20 : i32
    %convert_element_type3A_22 = arith.extui %lt3A_21 : i1 to i32
    %cond3A_23 = arith.constant 0 : i32
    %cond3A_24 = arith.cmpi ne, %convert_element_type3A_22, %cond3A_23 : i32
    scf.if %cond3A_24 {
      %mul3A_542 = arith.constant 80 : i32
      %mul3A_543 = arith.muli %add3A_19, %mul3A_542 : i32
      "tpu.region"() ({
        %run_scoped3A = tpu.sem_alloc : memref<!tpu.dma_semaphore, #tpu.memory_space<semaphore_mem>>
        %dma_start3A_544 = arith.constant 0 : i32
        %dma_start3A_545 = tpu.memref_slice %arg9[%mul3A_543, %dma_start3A_544] : memref<10000x128xf32, #tpu.memory_space<vmem_shared>> -> memref<80x128xf32, #tpu.memory_space<vmem_shared>>
        %dma_start3A_546 = arith.constant 0 : i32
        %dma_start3A_547 = tpu.memref_slice %arg9[%mul3A_543, %dma_start3A_546] : memref<10000x128xf32, #tpu.memory_space<vmem_shared>> -> memref<80x128xf32, #tpu.memory_space<vmem_shared>>
        tpu.enqueue_dma source(%arg12 : memref<80x128xf32, #tpu.memory_space<vmem>>) target(%dma_start3A_547 : memref<80x128xf32, #tpu.memory_space<vmem_shared>>) target_semaphore(%run_scoped3A : memref<!tpu.dma_semaphore, #tpu.memory_space<semaphore_mem>>)
        %dma_wait3A_548 = arith.constant 0 : i32
        %dma_wait3A_549 = tpu.memref_slice %arg9[%mul3A_543, %dma_wait3A_548] : memref<10000x128xf32, #tpu.memory_space<vmem_shared>> -> memref<80x128xf32, #tpu.memory_space<vmem_shared>>
        %dma_wait3A_550 = arith.constant 0 : i32
        %dma_wait3A_551 = tpu.memref_slice %arg9[%mul3A_543, %dma_wait3A_550] : memref<10000x128xf32, #tpu.memory_space<vmem_shared>> -> memref<80x128xf32, #tpu.memory_space<vmem_shared>>
        tpu.wait_dma2 semaphore(%run_scoped3A : memref<!tpu.dma_semaphore, #tpu.memory_space<semaphore_mem>>) src(%arg12 : memref<80x128xf32, #tpu.memory_space<vmem>>) dst(%dma_wait3A_551 : memref<80x128xf32, #tpu.memory_space<vmem_shared>>)
        tpu.yield
      }) : () -> ()
    } else {
    }
    %add3A_25 = arith.constant 32 : i32
    %add3A_26 = arith.addi %arg1, %add3A_25 : i32
    %lt3A_27 = arith.constant 125 : i32
    %lt3A_28 = arith.cmpi slt, %add3A_26, %lt3A_27 : i32
    %convert_element_type3A_29 = arith.extui %lt3A_28 : i1 to i32
    %cond3A_30 = arith.constant 0 : i32
    %cond3A_31 = arith.cmpi ne, %convert_element_type3A_29, %cond3A_30 : i32
    scf.if %cond3A_31 {
      %mul3A_542 = arith.constant 80 : i32
      %mul3A_543 = arith.muli %add3A_26, %mul3A_542 : i32
      "tpu.region"() ({
        %run_scoped3A = tpu.sem_alloc : memref<!tpu.dma_semaphore, #tpu.memory_space<semaphore_mem>>
        %dma_start3A_544 = arith.constant 0 : i32
        %dma_start3A_545 = tpu.memref_slice %arg9[%mul3A_543, %dma_start3A_544] : memref<10000x128xf32, #tpu.memory_space<vmem_shared>> -> memref<80x128xf32, #tpu.memory_space<vmem_shared>>
        %dma_start3A_546 = arith.constant 0 : i32
        %dma_start3A_547 = tpu.memref_slice %arg9[%mul3A_543, %dma_start3A_546] : memref<10000x128xf32, #tpu.memory_space<vmem_shared>> -> memref<80x128xf32, #tpu.memory_space<vmem_shared>>
        tpu.enqueue_dma source(%arg12 : memref<80x128xf32, #tpu.memory_space<vmem>>) target(%dma_start3A_547 : memref<80x128xf32, #tpu.memory_space<vmem_shared>>) target_semaphore(%run_scoped3A : memref<!tpu.dma_semaphore, #tpu.memory_space<semaphore_mem>>)
        %dma_wait3A_548 = arith.constant 0 : i32
        %dma_wait3A_549 = tpu.memref_slice %arg9[%mul3A_543, %dma_wait3A_548] : memref<10000x128xf32, #tpu.memory_space<vmem_shared>> -> memref<80x128xf32, #tpu.memory_space<vmem_shared>>
        %dma_wait3A_550 = arith.constant 0 : i32
        %dma_wait3A_551 = tpu.memref_slice %arg9[%mul3A_543, %dma_wait3A_550] : memref<10000x128xf32, #tpu.memory_space<vmem_shared>> -> memref<80x128xf32, #tpu.memory_space<vmem_shared>>
        tpu.wait_dma2 semaphore(%run_scoped3A : memref<!tpu.dma_semaphore, #tpu.memory_space<semaphore_mem>>) src(%arg12 : memref<80x128xf32, #tpu.memory_space<vmem>>) dst(%dma_wait3A_551 : memref<80x128xf32, #tpu.memory_space<vmem_shared>>)
        tpu.yield
      }) : () -> ()
    } else {
    }
    %add3A_32 = arith.constant 48 : i32
    %add3A_33 = arith.addi %arg1, %add3A_32 : i32
    %lt3A_34 = arith.constant 125 : i32
    %lt3A_35 = arith.cmpi slt, %add3A_33, %lt3A_34 : i32
    %convert_element_type3A_36 = arith.extui %lt3A_35 : i1 to i32
    %cond3A_37 = arith.constant 0 : i32
    %cond3A_38 = arith.cmpi ne, %convert_element_type3A_36, %cond3A_37 : i32
    scf.if %cond3A_38 {
      %mul3A_542 = arith.constant 80 : i32
      %mul3A_543 = arith.muli %add3A_33, %mul3A_542 : i32
      "tpu.region"() ({
        %run_scoped3A = tpu.sem_alloc : memref<!tpu.dma_semaphore, #tpu.memory_space<semaphore_mem>>
        %dma_start3A_544 = arith.constant 0 : i32
        %dma_start3A_545 = tpu.memref_slice %arg9[%mul3A_543, %dma_start3A_544] : memref<10000x128xf32, #tpu.memory_space<vmem_shared>> -> memref<80x128xf32, #tpu.memory_space<vmem_shared>>
        %dma_start3A_546 = arith.constant 0 : i32
        %dma_start3A_547 = tpu.memref_slice %arg9[%mul3A_543, %dma_start3A_546] : memref<10000x128xf32, #tpu.memory_space<vmem_shared>> -> memref<80x128xf32, #tpu.memory_space<vmem_shared>>
        tpu.enqueue_dma source(%arg12 : memref<80x128xf32, #tpu.memory_space<vmem>>) target(%dma_start3A_547 : memref<80x128xf32, #tpu.memory_space<vmem_shared>>) target_semaphore(%run_scoped3A : memref<!tpu.dma_semaphore, #tpu.memory_space<semaphore_mem>>)
        %dma_wait3A_548 = arith.constant 0 : i32
        %dma_wait3A_549 = tpu.memref_slice %arg9[%mul3A_543, %dma_wait3A_548] : memref<10000x128xf32, #tpu.memory_space<vmem_shared>> -> memref<80x128xf32, #tpu.memory_space<vmem_shared>>
        %dma_wait3A_550 = arith.constant 0 : i32
        %dma_wait3A_551 = tpu.memref_slice %arg9[%mul3A_543, %dma_wait3A_550] : memref<10000x128xf32, #tpu.memory_space<vmem_shared>> -> memref<80x128xf32, #tpu.memory_space<vmem_shared>>
        tpu.wait_dma2 semaphore(%run_scoped3A : memref<!tpu.dma_semaphore, #tpu.memory_space<semaphore_mem>>) src(%arg12 : memref<80x128xf32, #tpu.memory_space<vmem>>) dst(%dma_wait3A_551 : memref<80x128xf32, #tpu.memory_space<vmem_shared>>)
        tpu.yield
      }) : () -> ()
    } else {
    }
    %add3A_39 = arith.constant 64 : i32
    %add3A_40 = arith.addi %arg1, %add3A_39 : i32
    %lt3A_41 = arith.constant 125 : i32
    %lt3A_42 = arith.cmpi slt, %add3A_40, %lt3A_41 : i32
    %convert_element_type3A_43 = arith.extui %lt3A_42 : i1 to i32
    %cond3A_44 = arith.constant 0 : i32
    %cond3A_45 = arith.cmpi ne, %convert_element_type3A_43, %cond3A_44 : i32
    scf.if %cond3A_45 {
      %mul3A_542 = arith.constant 80 : i32
      %mul3A_543 = arith.muli %add3A_40, %mul3A_542 : i32
      "tpu.region"() ({
        %run_scoped3A = tpu.sem_alloc : memref<!tpu.dma_semaphore, #tpu.memory_space<semaphore_mem>>
        %dma_start3A_544 = arith.constant 0 : i32
        %dma_start3A_545 = tpu.memref_slice %arg9[%mul3A_543, %dma_start3A_544] : memref<10000x128xf32, #tpu.memory_space<vmem_shared>> -> memref<80x128xf32, #tpu.memory_space<vmem_shared>>
        %dma_start3A_546 = arith.constant 0 : i32
        %dma_start3A_547 = tpu.memref_slice %arg9[%mul3A_543, %dma_start3A_546] : memref<10000x128xf32, #tpu.memory_space<vmem_shared>> -> memref<80x128xf32, #tpu.memory_space<vmem_shared>>
        tpu.enqueue_dma source(%arg12 : memref<80x128xf32, #tpu.memory_space<vmem>>) target(%dma_start3A_547 : memref<80x128xf32, #tpu.memory_space<vmem_shared>>) target_semaphore(%run_scoped3A : memref<!tpu.dma_semaphore, #tpu.memory_space<semaphore_mem>>)
        %dma_wait3A_548 = arith.constant 0 : i32
        %dma_wait3A_549 = tpu.memref_slice %arg9[%mul3A_543, %dma_wait3A_548] : memref<10000x128xf32, #tpu.memory_space<vmem_shared>> -> memref<80x128xf32, #tpu.memory_space<vmem_shared>>
        %dma_wait3A_550 = arith.constant 0 : i32
        %dma_wait3A_551 = tpu.memref_slice %arg9[%mul3A_543, %dma_wait3A_550] : memref<10000x128xf32, #tpu.memory_space<vmem_shared>> -> memref<80x128xf32, #tpu.memory_space<vmem_shared>>
        tpu.wait_dma2 semaphore(%run_scoped3A : memref<!tpu.dma_semaphore, #tpu.memory_space<semaphore_mem>>) src(%arg12 : memref<80x128xf32, #tpu.memory_space<vmem>>) dst(%dma_wait3A_551 : memref<80x128xf32, #tpu.memory_space<vmem_shared>>)
        tpu.yield
      }) : () -> ()
    } else {
    }
    %add3A_46 = arith.constant 80 : i32
    %add3A_47 = arith.addi %arg1, %add3A_46 : i32
    %lt3A_48 = arith.constant 125 : i32
    %lt3A_49 = arith.cmpi slt, %add3A_47, %lt3A_48 : i32
    %convert_element_type3A_50 = arith.extui %lt3A_49 : i1 to i32
    %cond3A_51 = arith.constant 0 : i32
    %cond3A_52 = arith.cmpi ne, %convert_element_type3A_50, %cond3A_51 : i32
    scf.if %cond3A_52 {
      %mul3A_542 = arith.constant 80 : i32
      %mul3A_543 = arith.muli %add3A_47, %mul3A_542 : i32
      "tpu.region"() ({
        %run_scoped3A = tpu.sem_alloc : memref<!tpu.dma_semaphore, #tpu.memory_space<semaphore_mem>>
        %dma_start3A_544 = arith.constant 0 : i32
        %dma_start3A_545 = tpu.memref_slice %arg9[%mul3A_543, %dma_start3A_544] : memref<10000x128xf32, #tpu.memory_space<vmem_shared>> -> memref<80x128xf32, #tpu.memory_space<vmem_shared>>
        %dma_start3A_546 = arith.constant 0 : i32
        %dma_start3A_547 = tpu.memref_slice %arg9[%mul3A_543, %dma_start3A_546] : memref<10000x128xf32, #tpu.memory_space<vmem_shared>> -> memref<80x128xf32, #tpu.memory_space<vmem_shared>>
        tpu.enqueue_dma source(%arg12 : memref<80x128xf32, #tpu.memory_space<vmem>>) target(%dma_start3A_547 : memref<80x128xf32, #tpu.memory_space<vmem_shared>>) target_semaphore(%run_scoped3A : memref<!tpu.dma_semaphore, #tpu.memory_space<semaphore_mem>>)
        %dma_wait3A_548 = arith.constant 0 : i32
        %dma_wait3A_549 = tpu.memref_slice %arg9[%mul3A_543, %dma_wait3A_548] : memref<10000x128xf32, #tpu.memory_space<vmem_shared>> -> memref<80x128xf32, #tpu.memory_space<vmem_shared>>
        %dma_wait3A_550 = arith.constant 0 : i32
        %dma_wait3A_551 = tpu.memref_slice %arg9[%mul3A_543, %dma_wait3A_550] : memref<10000x128xf32, #tpu.memory_space<vmem_shared>> -> memref<80x128xf32, #tpu.memory_space<vmem_shared>>
        tpu.wait_dma2 semaphore(%run_scoped3A : memref<!tpu.dma_semaphore, #tpu.memory_space<semaphore_mem>>) src(%arg12 : memref<80x128xf32, #tpu.memory_space<vmem>>) dst(%dma_wait3A_551 : memref<80x128xf32, #tpu.memory_space<vmem_shared>>)
        tpu.yield
      }) : () -> ()
    } else {
    }
    %add3A_53 = arith.constant 96 : i32
    %add3A_54 = arith.addi %arg1, %add3A_53 : i32
    %lt3A_55 = arith.constant 125 : i32
    %lt3A_56 = arith.cmpi slt, %add3A_54, %lt3A_55 : i32
    %convert_element_type3A_57 = arith.extui %lt3A_56 : i1 to i32
    %cond3A_58 = arith.constant 0 : i32
    %cond3A_59 = arith.cmpi ne, %convert_element_type3A_57, %cond3A_58 : i32
    scf.if %cond3A_59 {
      %mul3A_542 = arith.constant 80 : i32
      %mul3A_543 = arith.muli %add3A_54, %mul3A_542 : i32
      "tpu.region"() ({
        %run_scoped3A = tpu.sem_alloc : memref<!tpu.dma_semaphore, #tpu.memory_space<semaphore_mem>>
        %dma_start3A_544 = arith.constant 0 : i32
        %dma_start3A_545 = tpu.memref_slice %arg9[%mul3A_543, %dma_start3A_544] : memref<10000x128xf32, #tpu.memory_space<vmem_shared>> -> memref<80x128xf32, #tpu.memory_space<vmem_shared>>
        %dma_start3A_546 = arith.constant 0 : i32
        %dma_start3A_547 = tpu.memref_slice %arg9[%mul3A_543, %dma_start3A_546] : memref<10000x128xf32, #tpu.memory_space<vmem_shared>> -> memref<80x128xf32, #tpu.memory_space<vmem_shared>>
        tpu.enqueue_dma source(%arg12 : memref<80x128xf32, #tpu.memory_space<vmem>>) target(%dma_start3A_547 : memref<80x128xf32, #tpu.memory_space<vmem_shared>>) target_semaphore(%run_scoped3A : memref<!tpu.dma_semaphore, #tpu.memory_space<semaphore_mem>>)
        %dma_wait3A_548 = arith.constant 0 : i32
        %dma_wait3A_549 = tpu.memref_slice %arg9[%mul3A_543, %dma_wait3A_548] : memref<10000x128xf32, #tpu.memory_space<vmem_shared>> -> memref<80x128xf32, #tpu.memory_space<vmem_shared>>
        %dma_wait3A_550 = arith.constant 0 : i32
        %dma_wait3A_551 = tpu.memref_slice %arg9[%mul3A_543, %dma_wait3A_550] : memref<10000x128xf32, #tpu.memory_space<vmem_shared>> -> memref<80x128xf32, #tpu.memory_space<vmem_shared>>
        tpu.wait_dma2 semaphore(%run_scoped3A : memref<!tpu.dma_semaphore, #tpu.memory_space<semaphore_mem>>) src(%arg12 : memref<80x128xf32, #tpu.memory_space<vmem>>) dst(%dma_wait3A_551 : memref<80x128xf32, #tpu.memory_space<vmem_shared>>)
        tpu.yield
      }) : () -> ()
    } else {
    }
    %add3A_60 = arith.constant 112 : i32
    %add3A_61 = arith.addi %arg1, %add3A_60 : i32
    %lt3A_62 = arith.constant 125 : i32
    %lt3A_63 = arith.cmpi slt, %add3A_61, %lt3A_62 : i32
    %convert_element_type3A_64 = arith.extui %lt3A_63 : i1 to i32
    %cond3A_65 = arith.constant 0 : i32
    %cond3A_66 = arith.cmpi ne, %convert_element_type3A_64, %cond3A_65 : i32
    scf.if %cond3A_66 {
      %mul3A_542 = arith.constant 80 : i32
      %mul3A_543 = arith.muli %add3A_61, %mul3A_542 : i32
      "tpu.region"() ({
        %run_scoped3A = tpu.sem_alloc : memref<!tpu.dma_semaphore, #tpu.memory_space<semaphore_mem>>
        %dma_start3A_544 = arith.constant 0 : i32
        %dma_start3A_545 = tpu.memref_slice %arg9[%mul3A_543, %dma_start3A_544] : memref<10000x128xf32, #tpu.memory_space<vmem_shared>> -> memref<80x128xf32, #tpu.memory_space<vmem_shared>>
        %dma_start3A_546 = arith.constant 0 : i32
        %dma_start3A_547 = tpu.memref_slice %arg9[%mul3A_543, %dma_start3A_546] : memref<10000x128xf32, #tpu.memory_space<vmem_shared>> -> memref<80x128xf32, #tpu.memory_space<vmem_shared>>
        tpu.enqueue_dma source(%arg12 : memref<80x128xf32, #tpu.memory_space<vmem>>) target(%dma_start3A_547 : memref<80x128xf32, #tpu.memory_space<vmem_shared>>) target_semaphore(%run_scoped3A : memref<!tpu.dma_semaphore, #tpu.memory_space<semaphore_mem>>)
        %dma_wait3A_548 = arith.constant 0 : i32
        %dma_wait3A_549 = tpu.memref_slice %arg9[%mul3A_543, %dma_wait3A_548] : memref<10000x128xf32, #tpu.memory_space<vmem_shared>> -> memref<80x128xf32, #tpu.memory_space<vmem_shared>>
        %dma_wait3A_550 = arith.constant 0 : i32
        %dma_wait3A_551 = tpu.memref_slice %arg9[%mul3A_543, %dma_wait3A_550] : memref<10000x128xf32, #tpu.memory_space<vmem_shared>> -> memref<80x128xf32, #tpu.memory_space<vmem_shared>>
        tpu.wait_dma2 semaphore(%run_scoped3A : memref<!tpu.dma_semaphore, #tpu.memory_space<semaphore_mem>>) src(%arg12 : memref<80x128xf32, #tpu.memory_space<vmem>>) dst(%dma_wait3A_551 : memref<80x128xf32, #tpu.memory_space<vmem_shared>>)
        tpu.yield
      }) : () -> ()
    } else {
    }
    %barrier3A = arith.constant 0 : index
    tpu.barrier barrier_id(%barrier3A)
    %dma_wait3A = tpu.memref_slice %arg5[%mul3A_2] : memref<640000xi32, #tpu.memory_space<hbm>> -> memref<10000xi32, #tpu.memory_space<hbm>>
    %dma_wait3A_67 = tpu.memref_slice %arg5[%mul3A_2] : memref<640000xi32, #tpu.memory_space<hbm>> -> memref<10000xi32, #tpu.memory_space<hbm>>
    tpu.wait_dma2 semaphore(%arg15 : memref<!tpu.dma_semaphore, #tpu.memory_space<semaphore_mem>>) src(%dma_wait3A_67 : memref<10000xi32, #tpu.memory_space<hbm>>) dst(%arg10 : memref<10000xi32, #tpu.memory_space<vmem>>)
    %dma_wait3A_68 = tpu.memref_slice %arg5[%mul3A_2] : memref<640000xi32, #tpu.memory_space<hbm>> -> memref<10000xi32, #tpu.memory_space<hbm>>
    %dma_wait3A_69 = tpu.memref_slice %arg5[%mul3A_2] : memref<640000xi32, #tpu.memory_space<hbm>> -> memref<10000xi32, #tpu.memory_space<hbm>>
    tpu.wait_dma2 semaphore(%arg15 : memref<!tpu.dma_semaphore, #tpu.memory_space<semaphore_mem>>) src(%dma_wait3A_69 : memref<10000xi32, #tpu.memory_space<hbm>>) dst(%arg11 : memref<10000xi32, #tpu.memory_space<vmem>>)
    %dma_start3A_70 = arith.constant 0 : i32
    %dma_start3A_71 = tpu.memref_slice %arg11[%dma_start3A_70] : memref<10000xi32, #tpu.memory_space<vmem>> -> memref<80xi32, #tpu.memory_space<vmem>>
    %dma_start3A_72 = arith.constant 0 : i32
    %dma_start3A_73 = arith.constant 0 : i32
    %dma_start3A_74 = tpu.memref_slice %arg2[%dma_start3A_72, %dma_start3A_73] : memref<10000x128xf32, #tpu.memory_space<hbm>> -> memref<10000x128xf32, #tpu.memory_space<hbm>>
    tpu.enqueue_indirect_dma source(%dma_start3A_74 : memref<10000x128xf32, #tpu.memory_space<hbm>>) target(%arg12 : memref<80x128xf32, #tpu.memory_space<vmem>>) offsets(%dma_start3A_71 : memref<80xi32, #tpu.memory_space<vmem>>) semaphore(%arg16 : memref<!tpu.dma_semaphore, #tpu.memory_space<semaphore_mem>>)
    %dma_start3A_75 = arith.constant 80 : i32
    %dma_start3A_76 = tpu.memref_slice %arg11[%dma_start3A_75] : memref<10000xi32, #tpu.memory_space<vmem>> -> memref<80xi32, #tpu.memory_space<vmem>>
    %dma_start3A_77 = arith.constant 0 : i32
    %dma_start3A_78 = arith.constant 0 : i32
    %dma_start3A_79 = tpu.memref_slice %arg2[%dma_start3A_77, %dma_start3A_78] : memref<10000x128xf32, #tpu.memory_space<hbm>> -> memref<10000x128xf32, #tpu.memory_space<hbm>>
    tpu.enqueue_indirect_dma source(%dma_start3A_79 : memref<10000x128xf32, #tpu.memory_space<hbm>>) target(%arg13 : memref<80x128xf32, #tpu.memory_space<vmem>>) offsets(%dma_start3A_76 : memref<80xi32, #tpu.memory_space<vmem>>) semaphore(%arg17 : memref<!tpu.dma_semaphore, #tpu.memory_space<semaphore_mem>>)
    %dma_start3A_80 = arith.constant 160 : i32
    %dma_start3A_81 = tpu.memref_slice %arg11[%dma_start3A_80] : memref<10000xi32, #tpu.memory_space<vmem>> -> memref<80xi32, #tpu.memory_space<vmem>>
    %dma_start3A_82 = arith.constant 0 : i32
    %dma_start3A_83 = arith.constant 0 : i32
    %dma_start3A_84 = tpu.memref_slice %arg2[%dma_start3A_82, %dma_start3A_83] : memref<10000x128xf32, #tpu.memory_space<hbm>> -> memref<10000x128xf32, #tpu.memory_space<hbm>>
    tpu.enqueue_indirect_dma source(%dma_start3A_84 : memref<10000x128xf32, #tpu.memory_space<hbm>>) target(%arg14 : memref<80x128xf32, #tpu.memory_space<vmem>>) offsets(%dma_start3A_81 : memref<80xi32, #tpu.memory_space<vmem>>) semaphore(%arg18 : memref<!tpu.dma_semaphore, #tpu.memory_space<semaphore_mem>>)
    %scan3A_85 = arith.constant 0 : i32
    %scan3A_86 = arith.constant 0 : i32
    %scan3A_87 = arith.constant 41 : i32
    %scan3A_88 = arith.addi %scan3A_86, %scan3A_87 : i32
    %scan3A_89 = arith.constant 1 : i32
    %scan3A_90 = scf.for %scan3A_542 = %scan3A_86 to %scan3A_88 step %scan3A_89 iter_args(%scan3A_543 = %scan3A_85) -> (i32)  : i32 {
      %mul3A_544 = arith.constant 3 : i32
      %mul3A_545 = arith.muli %scan3A_542, %mul3A_544 : i32
      %add3A_546 = arith.constant 0 : i32
      %add3A_547 = arith.addi %mul3A_545, %add3A_546 : i32
      %mul3A_548 = arith.constant 80 : i32
      %mul3A_549 = arith.muli %add3A_547, %mul3A_548 : i32
      %dma_wait3A_550 = tpu.memref_slice %arg11[%mul3A_549] : memref<10000xi32, #tpu.memory_space<vmem>> -> memref<80xi32, #tpu.memory_space<vmem>>
      %dma_wait3A_551 = arith.constant 0 : i32
      %dma_wait3A_552 = arith.constant 0 : i32
      %dma_wait3A_553 = tpu.memref_slice %arg2[%dma_wait3A_551, %dma_wait3A_552] : memref<10000x128xf32, #tpu.memory_space<hbm>> -> memref<10000x128xf32, #tpu.memory_space<hbm>>
      tpu.wait_indirect_dma semaphore(%arg16 : memref<!tpu.dma_semaphore, #tpu.memory_space<semaphore_mem>>) src(%dma_wait3A_553 : memref<10000x128xf32, #tpu.memory_space<hbm>>) dst(%arg12 : memref<80x128xf32, #tpu.memory_space<vmem>>)
      %mul3A_554 = arith.constant 80 : i32
      %mul3A_555 = arith.muli %add3A_547, %mul3A_554 : i32
      "tpu.region"() ({
        %run_scoped3A = tpu.sem_alloc : memref<!tpu.dma_semaphore, #tpu.memory_space<semaphore_mem>>
        %dma_start3A_602 = tpu.memref_slice %arg10[%mul3A_555] : memref<10000xi32, #tpu.memory_space<vmem>> -> memref<80xi32, #tpu.memory_space<vmem>>
        %dma_start3A_603 = arith.constant 0 : i32
        %dma_start3A_604 = arith.constant 0 : i32
        %dma_start3A_605 = tpu.memref_slice %arg9[%dma_start3A_603, %dma_start3A_604] : memref<10000x128xf32, #tpu.memory_space<vmem_shared>> -> memref<10000x128xf32, #tpu.memory_space<vmem_shared>>
        tpu.enqueue_indirect_dma source(%arg12 : memref<80x128xf32, #tpu.memory_space<vmem>>) target(%dma_start3A_605 : memref<10000x128xf32, #tpu.memory_space<vmem_shared>>) offsets(%dma_start3A_602 : memref<80xi32, #tpu.memory_space<vmem>>) semaphore(%run_scoped3A : memref<!tpu.dma_semaphore, #tpu.memory_space<semaphore_mem>>) {add = true}
        %dma_wait3A_606 = tpu.memref_slice %arg10[%mul3A_555] : memref<10000xi32, #tpu.memory_space<vmem>> -> memref<80xi32, #tpu.memory_space<vmem>>
        %dma_wait3A_607 = arith.constant 0 : i32
        %dma_wait3A_608 = arith.constant 0 : i32
        %dma_wait3A_609 = tpu.memref_slice %arg9[%dma_wait3A_607, %dma_wait3A_608] : memref<10000x128xf32, #tpu.memory_space<vmem_shared>> -> memref<10000x128xf32, #tpu.memory_space<vmem_shared>>
        tpu.wait_indirect_dma semaphore(%run_scoped3A : memref<!tpu.dma_semaphore, #tpu.memory_space<semaphore_mem>>) src(%arg12 : memref<80x128xf32, #tpu.memory_space<vmem>>) dst(%dma_wait3A_609 : memref<10000x128xf32, #tpu.memory_space<vmem_shared>>)
        tpu.yield
      }) : () -> ()
      %add3A_556 = arith.constant 3 : i32
      %add3A_557 = arith.addi %add3A_547, %add3A_556 : i32
      %lt3A_558 = arith.constant 125 : i32
      %lt3A_559 = arith.cmpi slt, %add3A_557, %lt3A_558 : i32
      %convert_element_type3A_560 = arith.extui %lt3A_559 : i1 to i32
      %cond3A_561 = arith.constant 0 : i32
      %cond3A_562 = arith.cmpi ne, %convert_element_type3A_560, %cond3A_561 : i32
      scf.if %cond3A_562 {
        %mul3A_602 = arith.constant 80 : i32
        %mul3A_603 = arith.muli %add3A_557, %mul3A_602 : i32
        %dma_start3A_604 = tpu.memref_slice %arg11[%mul3A_603] : memref<10000xi32, #tpu.memory_space<vmem>> -> memref<80xi32, #tpu.memory_space<vmem>>
        %dma_start3A_605 = arith.constant 0 : i32
        %dma_start3A_606 = arith.constant 0 : i32
        %dma_start3A_607 = tpu.memref_slice %arg2[%dma_start3A_605, %dma_start3A_606] : memref<10000x128xf32, #tpu.memory_space<hbm>> -> memref<10000x128xf32, #tpu.memory_space<hbm>>
        tpu.enqueue_indirect_dma source(%dma_start3A_607 : memref<10000x128xf32, #tpu.memory_space<hbm>>) target(%arg12 : memref<80x128xf32, #tpu.memory_space<vmem>>) offsets(%dma_start3A_604 : memref<80xi32, #tpu.memory_space<vmem>>) semaphore(%arg16 : memref<!tpu.dma_semaphore, #tpu.memory_space<semaphore_mem>>)
      } else {
      }
      %mul3A_563 = arith.constant 3 : i32
      %mul3A_564 = arith.muli %scan3A_542, %mul3A_563 : i32
      %add3A_565 = arith.constant 1 : i32
      %add3A_566 = arith.addi %mul3A_564, %add3A_565 : i32
      %mul3A_567 = arith.constant 80 : i32
      %mul3A_568 = arith.muli %add3A_566, %mul3A_567 : i32
      %dma_wait3A_569 = tpu.memref_slice %arg11[%mul3A_568] : memref<10000xi32, #tpu.memory_space<vmem>> -> memref<80xi32, #tpu.memory_space<vmem>>
      %dma_wait3A_570 = arith.constant 0 : i32
      %dma_wait3A_571 = arith.constant 0 : i32
      %dma_wait3A_572 = tpu.memref_slice %arg2[%dma_wait3A_570, %dma_wait3A_571] : memref<10000x128xf32, #tpu.memory_space<hbm>> -> memref<10000x128xf32, #tpu.memory_space<hbm>>
      tpu.wait_indirect_dma semaphore(%arg17 : memref<!tpu.dma_semaphore, #tpu.memory_space<semaphore_mem>>) src(%dma_wait3A_572 : memref<10000x128xf32, #tpu.memory_space<hbm>>) dst(%arg13 : memref<80x128xf32, #tpu.memory_space<vmem>>)
      %mul3A_573 = arith.constant 80 : i32
      %mul3A_574 = arith.muli %add3A_566, %mul3A_573 : i32
      "tpu.region"() ({
        %run_scoped3A = tpu.sem_alloc : memref<!tpu.dma_semaphore, #tpu.memory_space<semaphore_mem>>
        %dma_start3A_602 = tpu.memref_slice %arg10[%mul3A_574] : memref<10000xi32, #tpu.memory_space<vmem>> -> memref<80xi32, #tpu.memory_space<vmem>>
        %dma_start3A_603 = arith.constant 0 : i32
        %dma_start3A_604 = arith.constant 0 : i32
        %dma_start3A_605 = tpu.memref_slice %arg9[%dma_start3A_603, %dma_start3A_604] : memref<10000x128xf32, #tpu.memory_space<vmem_shared>> -> memref<10000x128xf32, #tpu.memory_space<vmem_shared>>
        tpu.enqueue_indirect_dma source(%arg13 : memref<80x128xf32, #tpu.memory_space<vmem>>) target(%dma_start3A_605 : memref<10000x128xf32, #tpu.memory_space<vmem_shared>>) offsets(%dma_start3A_602 : memref<80xi32, #tpu.memory_space<vmem>>) semaphore(%run_scoped3A : memref<!tpu.dma_semaphore, #tpu.memory_space<semaphore_mem>>) {add = true}
        %dma_wait3A_606 = tpu.memref_slice %arg10[%mul3A_574] : memref<10000xi32, #tpu.memory_space<vmem>> -> memref<80xi32, #tpu.memory_space<vmem>>
        %dma_wait3A_607 = arith.constant 0 : i32
        %dma_wait3A_608 = arith.constant 0 : i32
        %dma_wait3A_609 = tpu.memref_slice %arg9[%dma_wait3A_607, %dma_wait3A_608] : memref<10000x128xf32, #tpu.memory_space<vmem_shared>> -> memref<10000x128xf32, #tpu.memory_space<vmem_shared>>
        tpu.wait_indirect_dma semaphore(%run_scoped3A : memref<!tpu.dma_semaphore, #tpu.memory_space<semaphore_mem>>) src(%arg13 : memref<80x128xf32, #tpu.memory_space<vmem>>) dst(%dma_wait3A_609 : memref<10000x128xf32, #tpu.memory_space<vmem_shared>>)
        tpu.yield
      }) : () -> ()
      %add3A_575 = arith.constant 3 : i32
      %add3A_576 = arith.addi %add3A_566, %add3A_575 : i32
      %lt3A_577 = arith.constant 125 : i32
      %lt3A_578 = arith.cmpi slt, %add3A_576, %lt3A_577 : i32
      %convert_element_type3A_579 = arith.extui %lt3A_578 : i1 to i32
      %cond3A_580 = arith.constant 0 : i32
      %cond3A_581 = arith.cmpi ne, %convert_element_type3A_579, %cond3A_580 : i32
      scf.if %cond3A_581 {
        %mul3A_602 = arith.constant 80 : i32
        %mul3A_603 = arith.muli %add3A_576, %mul3A_602 : i32
        %dma_start3A_604 = tpu.memref_slice %arg11[%mul3A_603] : memref<10000xi32, #tpu.memory_space<vmem>> -> memref<80xi32, #tpu.memory_space<vmem>>
        %dma_start3A_605 = arith.constant 0 : i32
        %dma_start3A_606 = arith.constant 0 : i32
        %dma_start3A_607 = tpu.memref_slice %arg2[%dma_start3A_605, %dma_start3A_606] : memref<10000x128xf32, #tpu.memory_space<hbm>> -> memref<10000x128xf32, #tpu.memory_space<hbm>>
        tpu.enqueue_indirect_dma source(%dma_start3A_607 : memref<10000x128xf32, #tpu.memory_space<hbm>>) target(%arg13 : memref<80x128xf32, #tpu.memory_space<vmem>>) offsets(%dma_start3A_604 : memref<80xi32, #tpu.memory_space<vmem>>) semaphore(%arg17 : memref<!tpu.dma_semaphore, #tpu.memory_space<semaphore_mem>>)
      } else {
      }
      %mul3A_582 = arith.constant 3 : i32
      %mul3A_583 = arith.muli %scan3A_542, %mul3A_582 : i32
      %add3A_584 = arith.constant 2 : i32
      %add3A_585 = arith.addi %mul3A_583, %add3A_584 : i32
      %mul3A_586 = arith.constant 80 : i32
      %mul3A_587 = arith.muli %add3A_585, %mul3A_586 : i32
      %dma_wait3A_588 = tpu.memref_slice %arg11[%mul3A_587] : memref<10000xi32, #tpu.memory_space<vmem>> -> memref<80xi32, #tpu.memory_space<vmem>>
      %dma_wait3A_589 = arith.constant 0 : i32
      %dma_wait3A_590 = arith.constant 0 : i32
      %dma_wait3A_591 = tpu.memref_slice %arg2[%dma_wait3A_589, %dma_wait3A_590] : memref<10000x128xf32, #tpu.memory_space<hbm>> -> memref<10000x128xf32, #tpu.memory_space<hbm>>
      tpu.wait_indirect_dma semaphore(%arg18 : memref<!tpu.dma_semaphore, #tpu.memory_space<semaphore_mem>>) src(%dma_wait3A_591 : memref<10000x128xf32, #tpu.memory_space<hbm>>) dst(%arg14 : memref<80x128xf32, #tpu.memory_space<vmem>>)
      %mul3A_592 = arith.constant 80 : i32
      %mul3A_593 = arith.muli %add3A_585, %mul3A_592 : i32
      "tpu.region"() ({
        %run_scoped3A = tpu.sem_alloc : memref<!tpu.dma_semaphore, #tpu.memory_space<semaphore_mem>>
        %dma_start3A_602 = tpu.memref_slice %arg10[%mul3A_593] : memref<10000xi32, #tpu.memory_space<vmem>> -> memref<80xi32, #tpu.memory_space<vmem>>
        %dma_start3A_603 = arith.constant 0 : i32
        %dma_start3A_604 = arith.constant 0 : i32
        %dma_start3A_605 = tpu.memref_slice %arg9[%dma_start3A_603, %dma_start3A_604] : memref<10000x128xf32, #tpu.memory_space<vmem_shared>> -> memref<10000x128xf32, #tpu.memory_space<vmem_shared>>
        tpu.enqueue_indirect_dma source(%arg14 : memref<80x128xf32, #tpu.memory_space<vmem>>) target(%dma_start3A_605 : memref<10000x128xf32, #tpu.memory_space<vmem_shared>>) offsets(%dma_start3A_602 : memref<80xi32, #tpu.memory_space<vmem>>) semaphore(%run_scoped3A : memref<!tpu.dma_semaphore, #tpu.memory_space<semaphore_mem>>) {add = true}
        %dma_wait3A_606 = tpu.memref_slice %arg10[%mul3A_593] : memref<10000xi32, #tpu.memory_space<vmem>> -> memref<80xi32, #tpu.memory_space<vmem>>
        %dma_wait3A_607 = arith.constant 0 : i32
        %dma_wait3A_608 = arith.constant 0 : i32
        %dma_wait3A_609 = tpu.memref_slice %arg9[%dma_wait3A_607, %dma_wait3A_608] : memref<10000x128xf32, #tpu.memory_space<vmem_shared>> -> memref<10000x128xf32, #tpu.memory_space<vmem_shared>>
        tpu.wait_indirect_dma semaphore(%run_scoped3A : memref<!tpu.dma_semaphore, #tpu.memory_space<semaphore_mem>>) src(%arg14 : memref<80x128xf32, #tpu.memory_space<vmem>>) dst(%dma_wait3A_609 : memref<10000x128xf32, #tpu.memory_space<vmem_shared>>)
        tpu.yield
      }) : () -> ()
      %add3A_594 = arith.constant 3 : i32
      %add3A_595 = arith.addi %add3A_585, %add3A_594 : i32
      %lt3A_596 = arith.constant 125 : i32
      %lt3A_597 = arith.cmpi slt, %add3A_595, %lt3A_596 : i32
      %convert_element_type3A_598 = arith.extui %lt3A_597 : i1 to i32
      %cond3A_599 = arith.constant 0 : i32
      %cond3A_600 = arith.cmpi ne, %convert_element_type3A_598, %cond3A_599 : i32
      scf.if %cond3A_600 {
        %mul3A_602 = arith.constant 80 : i32
        %mul3A_603 = arith.muli %add3A_595, %mul3A_602 : i32
        %dma_start3A_604 = tpu.memref_slice %arg11[%mul3A_603] : memref<10000xi32, #tpu.memory_space<vmem>> -> memref<80xi32, #tpu.memory_space<vmem>>
        %dma_start3A_605 = arith.constant 0 : i32
        %dma_start3A_606 = arith.constant 0 : i32
        %dma_start3A_607 = tpu.memref_slice %arg2[%dma_start3A_605, %dma_start3A_606] : memref<10000x128xf32, #tpu.memory_space<hbm>> -> memref<10000x128xf32, #tpu.memory_space<hbm>>
        tpu.enqueue_indirect_dma source(%dma_start3A_607 : memref<10000x128xf32, #tpu.memory_space<hbm>>) target(%arg14 : memref<80x128xf32, #tpu.memory_space<vmem>>) offsets(%dma_start3A_604 : memref<80xi32, #tpu.memory_space<vmem>>) semaphore(%arg18 : memref<!tpu.dma_semaphore, #tpu.memory_space<semaphore_mem>>)
      } else {
      }
      %scan3A_601 = arith.constant 0 : i32
      scf.yield %scan3A_601 : i32
    }
    %scan3A_91 = arith.constant 41 : i32
    %dma_wait3A_92 = arith.constant 9840 : i32
    %dma_wait3A_93 = tpu.memref_slice %arg11[%dma_wait3A_92] : memref<10000xi32, #tpu.memory_space<vmem>> -> memref<80xi32, #tpu.memory_space<vmem>>
    %dma_wait3A_94 = arith.constant 0 : i32
    %dma_wait3A_95 = arith.constant 0 : i32
    %dma_wait3A_96 = tpu.memref_slice %arg2[%dma_wait3A_94, %dma_wait3A_95] : memref<10000x128xf32, #tpu.memory_space<hbm>> -> memref<10000x128xf32, #tpu.memory_space<hbm>>
    tpu.wait_indirect_dma semaphore(%arg16 : memref<!tpu.dma_semaphore, #tpu.memory_space<semaphore_mem>>) src(%dma_wait3A_96 : memref<10000x128xf32, #tpu.memory_space<hbm>>) dst(%arg12 : memref<80x128xf32, #tpu.memory_space<vmem>>)
    "tpu.region"() ({
      %run_scoped3A = tpu.sem_alloc : memref<!tpu.dma_semaphore, #tpu.memory_space<semaphore_mem>>
      %dma_start3A_542 = arith.constant 9840 : i32
      %dma_start3A_543 = tpu.memref_slice %arg10[%dma_start3A_542] : memref<10000xi32, #tpu.memory_space<vmem>> -> memref<80xi32, #tpu.memory_space<vmem>>
      %dma_start3A_544 = arith.constant 0 : i32
      %dma_start3A_545 = arith.constant 0 : i32
      %dma_start3A_546 = tpu.memref_slice %arg9[%dma_start3A_544, %dma_start3A_545] : memref<10000x128xf32, #tpu.memory_space<vmem_shared>> -> memref<10000x128xf32, #tpu.memory_space<vmem_shared>>
      tpu.enqueue_indirect_dma source(%arg12 : memref<80x128xf32, #tpu.memory_space<vmem>>) target(%dma_start3A_546 : memref<10000x128xf32, #tpu.memory_space<vmem_shared>>) offsets(%dma_start3A_543 : memref<80xi32, #tpu.memory_space<vmem>>) semaphore(%run_scoped3A : memref<!tpu.dma_semaphore, #tpu.memory_space<semaphore_mem>>) {add = true}
      %dma_wait3A_547 = arith.constant 9840 : i32
      %dma_wait3A_548 = tpu.memref_slice %arg10[%dma_wait3A_547] : memref<10000xi32, #tpu.memory_space<vmem>> -> memref<80xi32, #tpu.memory_space<vmem>>
      %dma_wait3A_549 = arith.constant 0 : i32
      %dma_wait3A_550 = arith.constant 0 : i32
      %dma_wait3A_551 = tpu.memref_slice %arg9[%dma_wait3A_549, %dma_wait3A_550] : memref<10000x128xf32, #tpu.memory_space<vmem_shared>> -> memref<10000x128xf32, #tpu.memory_space<vmem_shared>>
      tpu.wait_indirect_dma semaphore(%run_scoped3A : memref<!tpu.dma_semaphore, #tpu.memory_space<semaphore_mem>>) src(%arg12 : memref<80x128xf32, #tpu.memory_space<vmem>>) dst(%dma_wait3A_551 : memref<10000x128xf32, #tpu.memory_space<vmem_shared>>)
      tpu.yield
    }) : () -> ()
    %dma_wait3A_97 = arith.constant 9920 : i32
    %dma_wait3A_98 = tpu.memref_slice %arg11[%dma_wait3A_97] : memref<10000xi32, #tpu.memory_space<vmem>> -> memref<80xi32, #tpu.memory_space<vmem>>
    %dma_wait3A_99 = arith.constant 0 : i32
    %dma_wait3A_100 = arith.constant 0 : i32
    %dma_wait3A_101 = tpu.memref_slice %arg2[%dma_wait3A_99, %dma_wait3A_100] : memref<10000x128xf32, #tpu.memory_space<hbm>> -> memref<10000x128xf32, #tpu.memory_space<hbm>>
    tpu.wait_indirect_dma semaphore(%arg17 : memref<!tpu.dma_semaphore, #tpu.memory_space<semaphore_mem>>) src(%dma_wait3A_101 : memref<10000x128xf32, #tpu.memory_space<hbm>>) dst(%arg13 : memref<80x128xf32, #tpu.memory_space<vmem>>)
    "tpu.region"() ({
      %run_scoped3A = tpu.sem_alloc : memref<!tpu.dma_semaphore, #tpu.memory_space<semaphore_mem>>
      %dma_start3A_542 = arith.constant 9920 : i32
      %dma_start3A_543 = tpu.memref_slice %arg10[%dma_start3A_542] : memref<10000xi32, #tpu.memory_space<vmem>> -> memref<80xi32, #tpu.memory_space<vmem>>
      %dma_start3A_544 = arith.constant 0 : i32
      %dma_start3A_545 = arith.constant 0 : i32
      %dma_start3A_546 = tpu.memref_slice %arg9[%dma_start3A_544, %dma_start3A_545] : memref<10000x128xf32, #tpu.memory_space<vmem_shared>> -> memref<10000x128xf32, #tpu.memory_space<vmem_shared>>
      tpu.enqueue_indirect_dma source(%arg13 : memref<80x128xf32, #tpu.memory_space<vmem>>) target(%dma_start3A_546 : memref<10000x128xf32, #tpu.memory_space<vmem_shared>>) offsets(%dma_start3A_543 : memref<80xi32, #tpu.memory_space<vmem>>) semaphore(%run_scoped3A : memref<!tpu.dma_semaphore, #tpu.memory_space<semaphore_mem>>) {add = true}
      %dma_wait3A_547 = arith.constant 9920 : i32
      %dma_wait3A_548 = tpu.memref_slice %arg10[%dma_wait3A_547] : memref<10000xi32, #tpu.memory_space<vmem>> -> memref<80xi32, #tpu.memory_space<vmem>>
      %dma_wait3A_549 = arith.constant 0 : i32
      %dma_wait3A_550 = arith.constant 0 : i32
      %dma_wait3A_551 = tpu.memref_slice %arg9[%dma_wait3A_549, %dma_wait3A_550] : memref<10000x128xf32, #tpu.memory_space<vmem_shared>> -> memref<10000x128xf32, #tpu.memory_space<vmem_shared>>
      tpu.wait_indirect_dma semaphore(%run_scoped3A : memref<!tpu.dma_semaphore, #tpu.memory_space<semaphore_mem>>) src(%arg13 : memref<80x128xf32, #tpu.memory_space<vmem>>) dst(%dma_wait3A_551 : memref<10000x128xf32, #tpu.memory_space<vmem_shared>>)
      tpu.yield
    }) : () -> ()
    %barrier3A_102 = arith.constant 0 : index
    tpu.barrier barrier_id(%barrier3A_102)
    %add3A_103 = arith.constant 0 : i32
    %add3A_104 = arith.addi %arg1, %add3A_103 : i32
    %lt3A_105 = arith.constant 125 : i32
    %lt3A_106 = arith.cmpi slt, %add3A_104, %lt3A_105 : i32
    %convert_element_type3A_107 = arith.extui %lt3A_106 : i1 to i32
    %cond3A_108 = arith.constant 0 : i32
    %cond3A_109 = arith.cmpi ne, %convert_element_type3A_107, %cond3A_108 : i32
    scf.if %cond3A_109 {
      %mul3A_542 = arith.constant 80 : i32
      %mul3A_543 = arith.muli %add3A_104, %mul3A_542 : i32
      "tpu.region"() ({
        %run_scoped3A = tpu.sem_alloc : memref<!tpu.dma_semaphore, #tpu.memory_space<semaphore_mem>>
        %dma_start3A_551 = arith.constant 0 : i32
        %dma_start3A_552 = tpu.memref_slice %arg9[%mul3A_543, %dma_start3A_551] : memref<10000x128xf32, #tpu.memory_space<vmem_shared>> -> memref<80x128xf32, #tpu.memory_space<vmem_shared>>
        %dma_start3A_553 = arith.constant 0 : i32
        %dma_start3A_554 = tpu.memref_slice %arg9[%mul3A_543, %dma_start3A_553] : memref<10000x128xf32, #tpu.memory_space<vmem_shared>> -> memref<80x128xf32, #tpu.memory_space<vmem_shared>>
        tpu.enqueue_dma source(%dma_start3A_554 : memref<80x128xf32, #tpu.memory_space<vmem_shared>>) target(%arg12 : memref<80x128xf32, #tpu.memory_space<vmem>>) target_semaphore(%run_scoped3A : memref<!tpu.dma_semaphore, #tpu.memory_space<semaphore_mem>>)
        %dma_wait3A_555 = arith.constant 0 : i32
        %dma_wait3A_556 = tpu.memref_slice %arg9[%mul3A_543, %dma_wait3A_555] : memref<10000x128xf32, #tpu.memory_space<vmem_shared>> -> memref<80x128xf32, #tpu.memory_space<vmem_shared>>
        %dma_wait3A_557 = arith.constant 0 : i32
        %dma_wait3A_558 = tpu.memref_slice %arg9[%mul3A_543, %dma_wait3A_557] : memref<10000x128xf32, #tpu.memory_space<vmem_shared>> -> memref<80x128xf32, #tpu.memory_space<vmem_shared>>
        tpu.wait_dma2 semaphore(%run_scoped3A : memref<!tpu.dma_semaphore, #tpu.memory_space<semaphore_mem>>) src(%dma_wait3A_558 : memref<80x128xf32, #tpu.memory_space<vmem_shared>>) dst(%arg12 : memref<80x128xf32, #tpu.memory_space<vmem>>)
        tpu.yield
      }) : () -> ()
      %dma_start3A_544 = arith.constant 0 : i32
      %dma_start3A_545 = arith.constant 0 : i32
      %dma_start3A_546 = tpu.memref_slice %arg8[%dma_start3A_544, %arg0, %mul3A_543, %dma_start3A_545] : memref<3x2x10000x128xf32, #tpu.memory_space<hbm>> -> memref<1x1x80x128xf32, #tpu.memory_space<hbm>>
      %dma_start3A_547 = tpu.memref_squeeze %dma_start3A_546 : memref<1x1x80x128xf32, #tpu.memory_space<hbm>> -> memref<80x128xf32, #tpu.memory_space<hbm>>
      %dma_start3A_548 = arith.constant 0 : i32
      %dma_start3A_549 = tpu.memref_slice %arg8[%dma_start3A_544, %arg0, %mul3A_543, %dma_start3A_548] : memref<3x2x10000x128xf32, #tpu.memory_space<hbm>> -> memref<1x1x80x128xf32, #tpu.memory_space<hbm>>
      %dma_start3A_550 = tpu.memref_squeeze %dma_start3A_549 : memref<1x1x80x128xf32, #tpu.memory_space<hbm>> -> memref<80x128xf32, #tpu.memory_space<hbm>>
      tpu.enqueue_dma source(%arg12 : memref<80x128xf32, #tpu.memory_space<vmem>>) target(%dma_start3A_550 : memref<80x128xf32, #tpu.memory_space<hbm>>) target_semaphore(%arg16 : memref<!tpu.dma_semaphore, #tpu.memory_space<semaphore_mem>>)
    } else {
    }
    %add3A_110 = arith.constant 16 : i32
    %add3A_111 = arith.addi %arg1, %add3A_110 : i32
    %lt3A_112 = arith.constant 125 : i32
    %lt3A_113 = arith.cmpi slt, %add3A_111, %lt3A_112 : i32
    %convert_element_type3A_114 = arith.extui %lt3A_113 : i1 to i32
    %cond3A_115 = arith.constant 0 : i32
    %cond3A_116 = arith.cmpi ne, %convert_element_type3A_114, %cond3A_115 : i32
    scf.if %cond3A_116 {
      %mul3A_542 = arith.constant 80 : i32
      %mul3A_543 = arith.muli %add3A_111, %mul3A_542 : i32
      "tpu.region"() ({
        %run_scoped3A = tpu.sem_alloc : memref<!tpu.dma_semaphore, #tpu.memory_space<semaphore_mem>>
        %dma_start3A_551 = arith.constant 0 : i32
        %dma_start3A_552 = tpu.memref_slice %arg9[%mul3A_543, %dma_start3A_551] : memref<10000x128xf32, #tpu.memory_space<vmem_shared>> -> memref<80x128xf32, #tpu.memory_space<vmem_shared>>
        %dma_start3A_553 = arith.constant 0 : i32
        %dma_start3A_554 = tpu.memref_slice %arg9[%mul3A_543, %dma_start3A_553] : memref<10000x128xf32, #tpu.memory_space<vmem_shared>> -> memref<80x128xf32, #tpu.memory_space<vmem_shared>>
        tpu.enqueue_dma source(%dma_start3A_554 : memref<80x128xf32, #tpu.memory_space<vmem_shared>>) target(%arg13 : memref<80x128xf32, #tpu.memory_space<vmem>>) target_semaphore(%run_scoped3A : memref<!tpu.dma_semaphore, #tpu.memory_space<semaphore_mem>>)
        %dma_wait3A_555 = arith.constant 0 : i32
        %dma_wait3A_556 = tpu.memref_slice %arg9[%mul3A_543, %dma_wait3A_555] : memref<10000x128xf32, #tpu.memory_space<vmem_shared>> -> memref<80x128xf32, #tpu.memory_space<vmem_shared>>
        %dma_wait3A_557 = arith.constant 0 : i32
        %dma_wait3A_558 = tpu.memref_slice %arg9[%mul3A_543, %dma_wait3A_557] : memref<10000x128xf32, #tpu.memory_space<vmem_shared>> -> memref<80x128xf32, #tpu.memory_space<vmem_shared>>
        tpu.wait_dma2 semaphore(%run_scoped3A : memref<!tpu.dma_semaphore, #tpu.memory_space<semaphore_mem>>) src(%dma_wait3A_558 : memref<80x128xf32, #tpu.memory_space<vmem_shared>>) dst(%arg13 : memref<80x128xf32, #tpu.memory_space<vmem>>)
        tpu.yield
      }) : () -> ()
      %dma_start3A_544 = arith.constant 0 : i32
      %dma_start3A_545 = arith.constant 0 : i32
      %dma_start3A_546 = tpu.memref_slice %arg8[%dma_start3A_544, %arg0, %mul3A_543, %dma_start3A_545] : memref<3x2x10000x128xf32, #tpu.memory_space<hbm>> -> memref<1x1x80x128xf32, #tpu.memory_space<hbm>>
      %dma_start3A_547 = tpu.memref_squeeze %dma_start3A_546 : memref<1x1x80x128xf32, #tpu.memory_space<hbm>> -> memref<80x128xf32, #tpu.memory_space<hbm>>
      %dma_start3A_548 = arith.constant 0 : i32
      %dma_start3A_549 = tpu.memref_slice %arg8[%dma_start3A_544, %arg0, %mul3A_543, %dma_start3A_548] : memref<3x2x10000x128xf32, #tpu.memory_space<hbm>> -> memref<1x1x80x128xf32, #tpu.memory_space<hbm>>
      %dma_start3A_550 = tpu.memref_squeeze %dma_start3A_549 : memref<1x1x80x128xf32, #tpu.memory_space<hbm>> -> memref<80x128xf32, #tpu.memory_space<hbm>>
      tpu.enqueue_dma source(%arg13 : memref<80x128xf32, #tpu.memory_space<vmem>>) target(%dma_start3A_550 : memref<80x128xf32, #tpu.memory_space<hbm>>) target_semaphore(%arg17 : memref<!tpu.dma_semaphore, #tpu.memory_space<semaphore_mem>>)
    } else {
    }
    %add3A_117 = arith.constant 32 : i32
    %add3A_118 = arith.addi %arg1, %add3A_117 : i32
    %lt3A_119 = arith.constant 125 : i32
    %lt3A_120 = arith.cmpi slt, %add3A_118, %lt3A_119 : i32
    %convert_element_type3A_121 = arith.extui %lt3A_120 : i1 to i32
    %cond3A_122 = arith.constant 0 : i32
    %cond3A_123 = arith.cmpi ne, %convert_element_type3A_121, %cond3A_122 : i32
    scf.if %cond3A_123 {
      %mul3A_542 = arith.constant 80 : i32
      %mul3A_543 = arith.muli %add3A_118, %mul3A_542 : i32
      %dma_wait3A_544 = arith.constant 0 : i32
      %dma_wait3A_545 = arith.constant 0 : i32
      %dma_wait3A_546 = tpu.memref_slice %arg8[%dma_wait3A_544, %arg0, %mul3A_543, %dma_wait3A_545] : memref<3x2x10000x128xf32, #tpu.memory_space<hbm>> -> memref<1x1x80x128xf32, #tpu.memory_space<hbm>>
      %dma_wait3A_547 = tpu.memref_squeeze %dma_wait3A_546 : memref<1x1x80x128xf32, #tpu.memory_space<hbm>> -> memref<80x128xf32, #tpu.memory_space<hbm>>
      %dma_wait3A_548 = arith.constant 0 : i32
      %dma_wait3A_549 = tpu.memref_slice %arg8[%dma_wait3A_544, %arg0, %mul3A_543, %dma_wait3A_548] : memref<3x2x10000x128xf32, #tpu.memory_space<hbm>> -> memref<1x1x80x128xf32, #tpu.memory_space<hbm>>
      %dma_wait3A_550 = tpu.memref_squeeze %dma_wait3A_549 : memref<1x1x80x128xf32, #tpu.memory_space<hbm>> -> memref<80x128xf32, #tpu.memory_space<hbm>>
      tpu.wait_dma2 semaphore(%arg16 : memref<!tpu.dma_semaphore, #tpu.memory_space<semaphore_mem>>) src(%arg12 : memref<80x128xf32, #tpu.memory_space<vmem>>) dst(%dma_wait3A_550 : memref<80x128xf32, #tpu.memory_space<hbm>>)
      "tpu.region"() ({
        %run_scoped3A = tpu.sem_alloc : memref<!tpu.dma_semaphore, #tpu.memory_space<semaphore_mem>>
        %dma_start3A_558 = arith.constant 0 : i32
        %dma_start3A_559 = tpu.memref_slice %arg9[%mul3A_543, %dma_start3A_558] : memref<10000x128xf32, #tpu.memory_space<vmem_shared>> -> memref<80x128xf32, #tpu.memory_space<vmem_shared>>
        %dma_start3A_560 = arith.constant 0 : i32
        %dma_start3A_561 = tpu.memref_slice %arg9[%mul3A_543, %dma_start3A_560] : memref<10000x128xf32, #tpu.memory_space<vmem_shared>> -> memref<80x128xf32, #tpu.memory_space<vmem_shared>>
        tpu.enqueue_dma source(%dma_start3A_561 : memref<80x128xf32, #tpu.memory_space<vmem_shared>>) target(%arg12 : memref<80x128xf32, #tpu.memory_space<vmem>>) target_semaphore(%run_scoped3A : memref<!tpu.dma_semaphore, #tpu.memory_space<semaphore_mem>>)
        %dma_wait3A_562 = arith.constant 0 : i32
        %dma_wait3A_563 = tpu.memref_slice %arg9[%mul3A_543, %dma_wait3A_562] : memref<10000x128xf32, #tpu.memory_space<vmem_shared>> -> memref<80x128xf32, #tpu.memory_space<vmem_shared>>
        %dma_wait3A_564 = arith.constant 0 : i32
        %dma_wait3A_565 = tpu.memref_slice %arg9[%mul3A_543, %dma_wait3A_564] : memref<10000x128xf32, #tpu.memory_space<vmem_shared>> -> memref<80x128xf32, #tpu.memory_space<vmem_shared>>
        tpu.wait_dma2 semaphore(%run_scoped3A : memref<!tpu.dma_semaphore, #tpu.memory_space<semaphore_mem>>) src(%dma_wait3A_565 : memref<80x128xf32, #tpu.memory_space<vmem_shared>>) dst(%arg12 : memref<80x128xf32, #tpu.memory_space<vmem>>)
        tpu.yield
      }) : () -> ()
      %dma_start3A_551 = arith.constant 0 : i32
      %dma_start3A_552 = arith.constant 0 : i32
      %dma_start3A_553 = tpu.memref_slice %arg8[%dma_start3A_551, %arg0, %mul3A_543, %dma_start3A_552] : memref<3x2x10000x128xf32, #tpu.memory_space<hbm>> -> memref<1x1x80x128xf32, #tpu.memory_space<hbm>>
      %dma_start3A_554 = tpu.memref_squeeze %dma_start3A_553 : memref<1x1x80x128xf32, #tpu.memory_space<hbm>> -> memref<80x128xf32, #tpu.memory_space<hbm>>
      %dma_start3A_555 = arith.constant 0 : i32
      %dma_start3A_556 = tpu.memref_slice %arg8[%dma_start3A_551, %arg0, %mul3A_543, %dma_start3A_555] : memref<3x2x10000x128xf32, #tpu.memory_space<hbm>> -> memref<1x1x80x128xf32, #tpu.memory_space<hbm>>
      %dma_start3A_557 = tpu.memref_squeeze %dma_start3A_556 : memref<1x1x80x128xf32, #tpu.memory_space<hbm>> -> memref<80x128xf32, #tpu.memory_space<hbm>>
      tpu.enqueue_dma source(%arg12 : memref<80x128xf32, #tpu.memory_space<vmem>>) target(%dma_start3A_557 : memref<80x128xf32, #tpu.memory_space<hbm>>) target_semaphore(%arg16 : memref<!tpu.dma_semaphore, #tpu.memory_space<semaphore_mem>>)
    } else {
    }
    %add3A_124 = arith.constant 48 : i32
    %add3A_125 = arith.addi %arg1, %add3A_124 : i32
    %lt3A_126 = arith.constant 125 : i32
    %lt3A_127 = arith.cmpi slt, %add3A_125, %lt3A_126 : i32
    %convert_element_type3A_128 = arith.extui %lt3A_127 : i1 to i32
    %cond3A_129 = arith.constant 0 : i32
    %cond3A_130 = arith.cmpi ne, %convert_element_type3A_128, %cond3A_129 : i32
    scf.if %cond3A_130 {
      %mul3A_542 = arith.constant 80 : i32
      %mul3A_543 = arith.muli %add3A_125, %mul3A_542 : i32
      %dma_wait3A_544 = arith.constant 0 : i32
      %dma_wait3A_545 = arith.constant 0 : i32
      %dma_wait3A_546 = tpu.memref_slice %arg8[%dma_wait3A_544, %arg0, %mul3A_543, %dma_wait3A_545] : memref<3x2x10000x128xf32, #tpu.memory_space<hbm>> -> memref<1x1x80x128xf32, #tpu.memory_space<hbm>>
      %dma_wait3A_547 = tpu.memref_squeeze %dma_wait3A_546 : memref<1x1x80x128xf32, #tpu.memory_space<hbm>> -> memref<80x128xf32, #tpu.memory_space<hbm>>
      %dma_wait3A_548 = arith.constant 0 : i32
      %dma_wait3A_549 = tpu.memref_slice %arg8[%dma_wait3A_544, %arg0, %mul3A_543, %dma_wait3A_548] : memref<3x2x10000x128xf32, #tpu.memory_space<hbm>> -> memref<1x1x80x128xf32, #tpu.memory_space<hbm>>
      %dma_wait3A_550 = tpu.memref_squeeze %dma_wait3A_549 : memref<1x1x80x128xf32, #tpu.memory_space<hbm>> -> memref<80x128xf32, #tpu.memory_space<hbm>>
      tpu.wait_dma2 semaphore(%arg17 : memref<!tpu.dma_semaphore, #tpu.memory_space<semaphore_mem>>) src(%arg13 : memref<80x128xf32, #tpu.memory_space<vmem>>) dst(%dma_wait3A_550 : memref<80x128xf32, #tpu.memory_space<hbm>>)
      "tpu.region"() ({
        %run_scoped3A = tpu.sem_alloc : memref<!tpu.dma_semaphore, #tpu.memory_space<semaphore_mem>>
        %dma_start3A_558 = arith.constant 0 : i32
        %dma_start3A_559 = tpu.memref_slice %arg9[%mul3A_543, %dma_start3A_558] : memref<10000x128xf32, #tpu.memory_space<vmem_shared>> -> memref<80x128xf32, #tpu.memory_space<vmem_shared>>
        %dma_start3A_560 = arith.constant 0 : i32
        %dma_start3A_561 = tpu.memref_slice %arg9[%mul3A_543, %dma_start3A_560] : memref<10000x128xf32, #tpu.memory_space<vmem_shared>> -> memref<80x128xf32, #tpu.memory_space<vmem_shared>>
        tpu.enqueue_dma source(%dma_start3A_561 : memref<80x128xf32, #tpu.memory_space<vmem_shared>>) target(%arg13 : memref<80x128xf32, #tpu.memory_space<vmem>>) target_semaphore(%run_scoped3A : memref<!tpu.dma_semaphore, #tpu.memory_space<semaphore_mem>>)
        %dma_wait3A_562 = arith.constant 0 : i32
        %dma_wait3A_563 = tpu.memref_slice %arg9[%mul3A_543, %dma_wait3A_562] : memref<10000x128xf32, #tpu.memory_space<vmem_shared>> -> memref<80x128xf32, #tpu.memory_space<vmem_shared>>
        %dma_wait3A_564 = arith.constant 0 : i32
        %dma_wait3A_565 = tpu.memref_slice %arg9[%mul3A_543, %dma_wait3A_564] : memref<10000x128xf32, #tpu.memory_space<vmem_shared>> -> memref<80x128xf32, #tpu.memory_space<vmem_shared>>
        tpu.wait_dma2 semaphore(%run_scoped3A : memref<!tpu.dma_semaphore, #tpu.memory_space<semaphore_mem>>) src(%dma_wait3A_565 : memref<80x128xf32, #tpu.memory_space<vmem_shared>>) dst(%arg13 : memref<80x128xf32, #tpu.memory_space<vmem>>)
        tpu.yield
      }) : () -> ()
      %dma_start3A_551 = arith.constant 0 : i32
      %dma_start3A_552 = arith.constant 0 : i32
      %dma_start3A_553 = tpu.memref_slice %arg8[%dma_start3A_551, %arg0, %mul3A_543, %dma_start3A_552] : memref<3x2x10000x128xf32, #tpu.memory_space<hbm>> -> memref<1x1x80x128xf32, #tpu.memory_space<hbm>>
      %dma_start3A_554 = tpu.memref_squeeze %dma_start3A_553 : memref<1x1x80x128xf32, #tpu.memory_space<hbm>> -> memref<80x128xf32, #tpu.memory_space<hbm>>
      %dma_start3A_555 = arith.constant 0 : i32
      %dma_start3A_556 = tpu.memref_slice %arg8[%dma_start3A_551, %arg0, %mul3A_543, %dma_start3A_555] : memref<3x2x10000x128xf32, #tpu.memory_space<hbm>> -> memref<1x1x80x128xf32, #tpu.memory_space<hbm>>
      %dma_start3A_557 = tpu.memref_squeeze %dma_start3A_556 : memref<1x1x80x128xf32, #tpu.memory_space<hbm>> -> memref<80x128xf32, #tpu.memory_space<hbm>>
      tpu.enqueue_dma source(%arg13 : memref<80x128xf32, #tpu.memory_space<vmem>>) target(%dma_start3A_557 : memref<80x128xf32, #tpu.memory_space<hbm>>) target_semaphore(%arg17 : memref<!tpu.dma_semaphore, #tpu.memory_space<semaphore_mem>>)
    } else {
    }
    %add3A_131 = arith.constant 64 : i32
    %add3A_132 = arith.addi %arg1, %add3A_131 : i32
    %lt3A_133 = arith.constant 125 : i32
    %lt3A_134 = arith.cmpi slt, %add3A_132, %lt3A_133 : i32
    %convert_element_type3A_135 = arith.extui %lt3A_134 : i1 to i32
    %cond3A_136 = arith.constant 0 : i32
    %cond3A_137 = arith.cmpi ne, %convert_element_type3A_135, %cond3A_136 : i32
    scf.if %cond3A_137 {
      %mul3A_542 = arith.constant 80 : i32
      %mul3A_543 = arith.muli %add3A_132, %mul3A_542 : i32
      %dma_wait3A_544 = arith.constant 0 : i32
      %dma_wait3A_545 = arith.constant 0 : i32
      %dma_wait3A_546 = tpu.memref_slice %arg8[%dma_wait3A_544, %arg0, %mul3A_543, %dma_wait3A_545] : memref<3x2x10000x128xf32, #tpu.memory_space<hbm>> -> memref<1x1x80x128xf32, #tpu.memory_space<hbm>>
      %dma_wait3A_547 = tpu.memref_squeeze %dma_wait3A_546 : memref<1x1x80x128xf32, #tpu.memory_space<hbm>> -> memref<80x128xf32, #tpu.memory_space<hbm>>
      %dma_wait3A_548 = arith.constant 0 : i32
      %dma_wait3A_549 = tpu.memref_slice %arg8[%dma_wait3A_544, %arg0, %mul3A_543, %dma_wait3A_548] : memref<3x2x10000x128xf32, #tpu.memory_space<hbm>> -> memref<1x1x80x128xf32, #tpu.memory_space<hbm>>
      %dma_wait3A_550 = tpu.memref_squeeze %dma_wait3A_549 : memref<1x1x80x128xf32, #tpu.memory_space<hbm>> -> memref<80x128xf32, #tpu.memory_space<hbm>>
      tpu.wait_dma2 semaphore(%arg16 : memref<!tpu.dma_semaphore, #tpu.memory_space<semaphore_mem>>) src(%arg12 : memref<80x128xf32, #tpu.memory_space<vmem>>) dst(%dma_wait3A_550 : memref<80x128xf32, #tpu.memory_space<hbm>>)
      "tpu.region"() ({
        %run_scoped3A = tpu.sem_alloc : memref<!tpu.dma_semaphore, #tpu.memory_space<semaphore_mem>>
        %dma_start3A_558 = arith.constant 0 : i32
        %dma_start3A_559 = tpu.memref_slice %arg9[%mul3A_543, %dma_start3A_558] : memref<10000x128xf32, #tpu.memory_space<vmem_shared>> -> memref<80x128xf32, #tpu.memory_space<vmem_shared>>
        %dma_start3A_560 = arith.constant 0 : i32
        %dma_start3A_561 = tpu.memref_slice %arg9[%mul3A_543, %dma_start3A_560] : memref<10000x128xf32, #tpu.memory_space<vmem_shared>> -> memref<80x128xf32, #tpu.memory_space<vmem_shared>>
        tpu.enqueue_dma source(%dma_start3A_561 : memref<80x128xf32, #tpu.memory_space<vmem_shared>>) target(%arg12 : memref<80x128xf32, #tpu.memory_space<vmem>>) target_semaphore(%run_scoped3A : memref<!tpu.dma_semaphore, #tpu.memory_space<semaphore_mem>>)
        %dma_wait3A_562 = arith.constant 0 : i32
        %dma_wait3A_563 = tpu.memref_slice %arg9[%mul3A_543, %dma_wait3A_562] : memref<10000x128xf32, #tpu.memory_space<vmem_shared>> -> memref<80x128xf32, #tpu.memory_space<vmem_shared>>
        %dma_wait3A_564 = arith.constant 0 : i32
        %dma_wait3A_565 = tpu.memref_slice %arg9[%mul3A_543, %dma_wait3A_564] : memref<10000x128xf32, #tpu.memory_space<vmem_shared>> -> memref<80x128xf32, #tpu.memory_space<vmem_shared>>
        tpu.wait_dma2 semaphore(%run_scoped3A : memref<!tpu.dma_semaphore, #tpu.memory_space<semaphore_mem>>) src(%dma_wait3A_565 : memref<80x128xf32, #tpu.memory_space<vmem_shared>>) dst(%arg12 : memref<80x128xf32, #tpu.memory_space<vmem>>)
        tpu.yield
      }) : () -> ()
      %dma_start3A_551 = arith.constant 0 : i32
      %dma_start3A_552 = arith.constant 0 : i32
      %dma_start3A_553 = tpu.memref_slice %arg8[%dma_start3A_551, %arg0, %mul3A_543, %dma_start3A_552] : memref<3x2x10000x128xf32, #tpu.memory_space<hbm>> -> memref<1x1x80x128xf32, #tpu.memory_space<hbm>>
      %dma_start3A_554 = tpu.memref_squeeze %dma_start3A_553 : memref<1x1x80x128xf32, #tpu.memory_space<hbm>> -> memref<80x128xf32, #tpu.memory_space<hbm>>
      %dma_start3A_555 = arith.constant 0 : i32
      %dma_start3A_556 = tpu.memref_slice %arg8[%dma_start3A_551, %arg0, %mul3A_543, %dma_start3A_555] : memref<3x2x10000x128xf32, #tpu.memory_space<hbm>> -> memref<1x1x80x128xf32, #tpu.memory_space<hbm>>
      %dma_start3A_557 = tpu.memref_squeeze %dma_start3A_556 : memref<1x1x80x128xf32, #tpu.memory_space<hbm>> -> memref<80x128xf32, #tpu.memory_space<hbm>>
      tpu.enqueue_dma source(%arg12 : memref<80x128xf32, #tpu.memory_space<vmem>>) target(%dma_start3A_557 : memref<80x128xf32, #tpu.memory_space<hbm>>) target_semaphore(%arg16 : memref<!tpu.dma_semaphore, #tpu.memory_space<semaphore_mem>>)
    } else {
    }
    %add3A_138 = arith.constant 80 : i32
    %add3A_139 = arith.addi %arg1, %add3A_138 : i32
    %lt3A_140 = arith.constant 125 : i32
    %lt3A_141 = arith.cmpi slt, %add3A_139, %lt3A_140 : i32
    %convert_element_type3A_142 = arith.extui %lt3A_141 : i1 to i32
    %cond3A_143 = arith.constant 0 : i32
    %cond3A_144 = arith.cmpi ne, %convert_element_type3A_142, %cond3A_143 : i32
    scf.if %cond3A_144 {
      %mul3A_542 = arith.constant 80 : i32
      %mul3A_543 = arith.muli %add3A_139, %mul3A_542 : i32
      %dma_wait3A_544 = arith.constant 0 : i32
      %dma_wait3A_545 = arith.constant 0 : i32
      %dma_wait3A_546 = tpu.memref_slice %arg8[%dma_wait3A_544, %arg0, %mul3A_543, %dma_wait3A_545] : memref<3x2x10000x128xf32, #tpu.memory_space<hbm>> -> memref<1x1x80x128xf32, #tpu.memory_space<hbm>>
      %dma_wait3A_547 = tpu.memref_squeeze %dma_wait3A_546 : memref<1x1x80x128xf32, #tpu.memory_space<hbm>> -> memref<80x128xf32, #tpu.memory_space<hbm>>
      %dma_wait3A_548 = arith.constant 0 : i32
      %dma_wait3A_549 = tpu.memref_slice %arg8[%dma_wait3A_544, %arg0, %mul3A_543, %dma_wait3A_548] : memref<3x2x10000x128xf32, #tpu.memory_space<hbm>> -> memref<1x1x80x128xf32, #tpu.memory_space<hbm>>
      %dma_wait3A_550 = tpu.memref_squeeze %dma_wait3A_549 : memref<1x1x80x128xf32, #tpu.memory_space<hbm>> -> memref<80x128xf32, #tpu.memory_space<hbm>>
      tpu.wait_dma2 semaphore(%arg17 : memref<!tpu.dma_semaphore, #tpu.memory_space<semaphore_mem>>) src(%arg13 : memref<80x128xf32, #tpu.memory_space<vmem>>) dst(%dma_wait3A_550 : memref<80x128xf32, #tpu.memory_space<hbm>>)
      "tpu.region"() ({
        %run_scoped3A = tpu.sem_alloc : memref<!tpu.dma_semaphore, #tpu.memory_space<semaphore_mem>>
        %dma_start3A_558 = arith.constant 0 : i32
        %dma_start3A_559 = tpu.memref_slice %arg9[%mul3A_543, %dma_start3A_558] : memref<10000x128xf32, #tpu.memory_space<vmem_shared>> -> memref<80x128xf32, #tpu.memory_space<vmem_shared>>
        %dma_start3A_560 = arith.constant 0 : i32
        %dma_start3A_561 = tpu.memref_slice %arg9[%mul3A_543, %dma_start3A_560] : memref<10000x128xf32, #tpu.memory_space<vmem_shared>> -> memref<80x128xf32, #tpu.memory_space<vmem_shared>>
        tpu.enqueue_dma source(%dma_start3A_561 : memref<80x128xf32, #tpu.memory_space<vmem_shared>>) target(%arg13 : memref<80x128xf32, #tpu.memory_space<vmem>>) target_semaphore(%run_scoped3A : memref<!tpu.dma_semaphore, #tpu.memory_space<semaphore_mem>>)
        %dma_wait3A_562 = arith.constant 0 : i32
        %dma_wait3A_563 = tpu.memref_slice %arg9[%mul3A_543, %dma_wait3A_562] : memref<10000x128xf32, #tpu.memory_space<vmem_shared>> -> memref<80x128xf32, #tpu.memory_space<vmem_shared>>
        %dma_wait3A_564 = arith.constant 0 : i32
        %dma_wait3A_565 = tpu.memref_slice %arg9[%mul3A_543, %dma_wait3A_564] : memref<10000x128xf32, #tpu.memory_space<vmem_shared>> -> memref<80x128xf32, #tpu.memory_space<vmem_shared>>
        tpu.wait_dma2 semaphore(%run_scoped3A : memref<!tpu.dma_semaphore, #tpu.memory_space<semaphore_mem>>) src(%dma_wait3A_565 : memref<80x128xf32, #tpu.memory_space<vmem_shared>>) dst(%arg13 : memref<80x128xf32, #tpu.memory_space<vmem>>)
        tpu.yield
      }) : () -> ()
      %dma_start3A_551 = arith.constant 0 : i32
      %dma_start3A_552 = arith.constant 0 : i32
      %dma_start3A_553 = tpu.memref_slice %arg8[%dma_start3A_551, %arg0, %mul3A_543, %dma_start3A_552] : memref<3x2x10000x128xf32, #tpu.memory_space<hbm>> -> memref<1x1x80x128xf32, #tpu.memory_space<hbm>>
      %dma_start3A_554 = tpu.memref_squeeze %dma_start3A_553 : memref<1x1x80x128xf32, #tpu.memory_space<hbm>> -> memref<80x128xf32, #tpu.memory_space<hbm>>
      %dma_start3A_555 = arith.constant 0 : i32
      %dma_start3A_556 = tpu.memref_slice %arg8[%dma_start3A_551, %arg0, %mul3A_543, %dma_start3A_555] : memref<3x2x10000x128xf32, #tpu.memory_space<hbm>> -> memref<1x1x80x128xf32, #tpu.memory_space<hbm>>
      %dma_start3A_557 = tpu.memref_squeeze %dma_start3A_556 : memref<1x1x80x128xf32, #tpu.memory_space<hbm>> -> memref<80x128xf32, #tpu.memory_space<hbm>>
      tpu.enqueue_dma source(%arg13 : memref<80x128xf32, #tpu.memory_space<vmem>>) target(%dma_start3A_557 : memref<80x128xf32, #tpu.memory_space<hbm>>) target_semaphore(%arg17 : memref<!tpu.dma_semaphore, #tpu.memory_space<semaphore_mem>>)
    } else {
    }
    %add3A_145 = arith.constant 96 : i32
    %add3A_146 = arith.addi %arg1, %add3A_145 : i32
    %lt3A_147 = arith.constant 125 : i32
    %lt3A_148 = arith.cmpi slt, %add3A_146, %lt3A_147 : i32
    %convert_element_type3A_149 = arith.extui %lt3A_148 : i1 to i32
    %cond3A_150 = arith.constant 0 : i32
    %cond3A_151 = arith.cmpi ne, %convert_element_type3A_149, %cond3A_150 : i32
    scf.if %cond3A_151 {
      %mul3A_542 = arith.constant 80 : i32
      %mul3A_543 = arith.muli %add3A_146, %mul3A_542 : i32
      %dma_wait3A_544 = arith.constant 0 : i32
      %dma_wait3A_545 = arith.constant 0 : i32
      %dma_wait3A_546 = tpu.memref_slice %arg8[%dma_wait3A_544, %arg0, %mul3A_543, %dma_wait3A_545] : memref<3x2x10000x128xf32, #tpu.memory_space<hbm>> -> memref<1x1x80x128xf32, #tpu.memory_space<hbm>>
      %dma_wait3A_547 = tpu.memref_squeeze %dma_wait3A_546 : memref<1x1x80x128xf32, #tpu.memory_space<hbm>> -> memref<80x128xf32, #tpu.memory_space<hbm>>
      %dma_wait3A_548 = arith.constant 0 : i32
      %dma_wait3A_549 = tpu.memref_slice %arg8[%dma_wait3A_544, %arg0, %mul3A_543, %dma_wait3A_548] : memref<3x2x10000x128xf32, #tpu.memory_space<hbm>> -> memref<1x1x80x128xf32, #tpu.memory_space<hbm>>
      %dma_wait3A_550 = tpu.memref_squeeze %dma_wait3A_549 : memref<1x1x80x128xf32, #tpu.memory_space<hbm>> -> memref<80x128xf32, #tpu.memory_space<hbm>>
      tpu.wait_dma2 semaphore(%arg16 : memref<!tpu.dma_semaphore, #tpu.memory_space<semaphore_mem>>) src(%arg12 : memref<80x128xf32, #tpu.memory_space<vmem>>) dst(%dma_wait3A_550 : memref<80x128xf32, #tpu.memory_space<hbm>>)
      "tpu.region"() ({
        %run_scoped3A = tpu.sem_alloc : memref<!tpu.dma_semaphore, #tpu.memory_space<semaphore_mem>>
        %dma_start3A_558 = arith.constant 0 : i32
        %dma_start3A_559 = tpu.memref_slice %arg9[%mul3A_543, %dma_start3A_558] : memref<10000x128xf32, #tpu.memory_space<vmem_shared>> -> memref<80x128xf32, #tpu.memory_space<vmem_shared>>
        %dma_start3A_560 = arith.constant 0 : i32
        %dma_start3A_561 = tpu.memref_slice %arg9[%mul3A_543, %dma_start3A_560] : memref<10000x128xf32, #tpu.memory_space<vmem_shared>> -> memref<80x128xf32, #tpu.memory_space<vmem_shared>>
        tpu.enqueue_dma source(%dma_start3A_561 : memref<80x128xf32, #tpu.memory_space<vmem_shared>>) target(%arg12 : memref<80x128xf32, #tpu.memory_space<vmem>>) target_semaphore(%run_scoped3A : memref<!tpu.dma_semaphore, #tpu.memory_space<semaphore_mem>>)
        %dma_wait3A_562 = arith.constant 0 : i32
        %dma_wait3A_563 = tpu.memref_slice %arg9[%mul3A_543, %dma_wait3A_562] : memref<10000x128xf32, #tpu.memory_space<vmem_shared>> -> memref<80x128xf32, #tpu.memory_space<vmem_shared>>
        %dma_wait3A_564 = arith.constant 0 : i32
        %dma_wait3A_565 = tpu.memref_slice %arg9[%mul3A_543, %dma_wait3A_564] : memref<10000x128xf32, #tpu.memory_space<vmem_shared>> -> memref<80x128xf32, #tpu.memory_space<vmem_shared>>
        tpu.wait_dma2 semaphore(%run_scoped3A : memref<!tpu.dma_semaphore, #tpu.memory_space<semaphore_mem>>) src(%dma_wait3A_565 : memref<80x128xf32, #tpu.memory_space<vmem_shared>>) dst(%arg12 : memref<80x128xf32, #tpu.memory_space<vmem>>)
        tpu.yield
      }) : () -> ()
      %dma_start3A_551 = arith.constant 0 : i32
      %dma_start3A_552 = arith.constant 0 : i32
      %dma_start3A_553 = tpu.memref_slice %arg8[%dma_start3A_551, %arg0, %mul3A_543, %dma_start3A_552] : memref<3x2x10000x128xf32, #tpu.memory_space<hbm>> -> memref<1x1x80x128xf32, #tpu.memory_space<hbm>>
      %dma_start3A_554 = tpu.memref_squeeze %dma_start3A_553 : memref<1x1x80x128xf32, #tpu.memory_space<hbm>> -> memref<80x128xf32, #tpu.memory_space<hbm>>
      %dma_start3A_555 = arith.constant 0 : i32
      %dma_start3A_556 = tpu.memref_slice %arg8[%dma_start3A_551, %arg0, %mul3A_543, %dma_start3A_555] : memref<3x2x10000x128xf32, #tpu.memory_space<hbm>> -> memref<1x1x80x128xf32, #tpu.memory_space<hbm>>
      %dma_start3A_557 = tpu.memref_squeeze %dma_start3A_556 : memref<1x1x80x128xf32, #tpu.memory_space<hbm>> -> memref<80x128xf32, #tpu.memory_space<hbm>>
      tpu.enqueue_dma source(%arg12 : memref<80x128xf32, #tpu.memory_space<vmem>>) target(%dma_start3A_557 : memref<80x128xf32, #tpu.memory_space<hbm>>) target_semaphore(%arg16 : memref<!tpu.dma_semaphore, #tpu.memory_space<semaphore_mem>>)
    } else {
    }
    %add3A_152 = arith.constant 112 : i32
    %add3A_153 = arith.addi %arg1, %add3A_152 : i32
    %lt3A_154 = arith.constant 125 : i32
    %lt3A_155 = arith.cmpi slt, %add3A_153, %lt3A_154 : i32
    %convert_element_type3A_156 = arith.extui %lt3A_155 : i1 to i32
    %cond3A_157 = arith.constant 0 : i32
    %cond3A_158 = arith.cmpi ne, %convert_element_type3A_156, %cond3A_157 : i32
    scf.if %cond3A_158 {
      %mul3A_542 = arith.constant 80 : i32
      %mul3A_543 = arith.muli %add3A_153, %mul3A_542 : i32
      %dma_wait3A_544 = arith.constant 0 : i32
      %dma_wait3A_545 = arith.constant 0 : i32
      %dma_wait3A_546 = tpu.memref_slice %arg8[%dma_wait3A_544, %arg0, %mul3A_543, %dma_wait3A_545] : memref<3x2x10000x128xf32, #tpu.memory_space<hbm>> -> memref<1x1x80x128xf32, #tpu.memory_space<hbm>>
      %dma_wait3A_547 = tpu.memref_squeeze %dma_wait3A_546 : memref<1x1x80x128xf32, #tpu.memory_space<hbm>> -> memref<80x128xf32, #tpu.memory_space<hbm>>
      %dma_wait3A_548 = arith.constant 0 : i32
      %dma_wait3A_549 = tpu.memref_slice %arg8[%dma_wait3A_544, %arg0, %mul3A_543, %dma_wait3A_548] : memref<3x2x10000x128xf32, #tpu.memory_space<hbm>> -> memref<1x1x80x128xf32, #tpu.memory_space<hbm>>
      %dma_wait3A_550 = tpu.memref_squeeze %dma_wait3A_549 : memref<1x1x80x128xf32, #tpu.memory_space<hbm>> -> memref<80x128xf32, #tpu.memory_space<hbm>>
      tpu.wait_dma2 semaphore(%arg17 : memref<!tpu.dma_semaphore, #tpu.memory_space<semaphore_mem>>) src(%arg13 : memref<80x128xf32, #tpu.memory_space<vmem>>) dst(%dma_wait3A_550 : memref<80x128xf32, #tpu.memory_space<hbm>>)
      "tpu.region"() ({
        %run_scoped3A = tpu.sem_alloc : memref<!tpu.dma_semaphore, #tpu.memory_space<semaphore_mem>>
        %dma_start3A_558 = arith.constant 0 : i32
        %dma_start3A_559 = tpu.memref_slice %arg9[%mul3A_543, %dma_start3A_558] : memref<10000x128xf32, #tpu.memory_space<vmem_shared>> -> memref<80x128xf32, #tpu.memory_space<vmem_shared>>
        %dma_start3A_560 = arith.constant 0 : i32
        %dma_start3A_561 = tpu.memref_slice %arg9[%mul3A_543, %dma_start3A_560] : memref<10000x128xf32, #tpu.memory_space<vmem_shared>> -> memref<80x128xf32, #tpu.memory_space<vmem_shared>>
        tpu.enqueue_dma source(%dma_start3A_561 : memref<80x128xf32, #tpu.memory_space<vmem_shared>>) target(%arg13 : memref<80x128xf32, #tpu.memory_space<vmem>>) target_semaphore(%run_scoped3A : memref<!tpu.dma_semaphore, #tpu.memory_space<semaphore_mem>>)
        %dma_wait3A_562 = arith.constant 0 : i32
        %dma_wait3A_563 = tpu.memref_slice %arg9[%mul3A_543, %dma_wait3A_562] : memref<10000x128xf32, #tpu.memory_space<vmem_shared>> -> memref<80x128xf32, #tpu.memory_space<vmem_shared>>
        %dma_wait3A_564 = arith.constant 0 : i32
        %dma_wait3A_565 = tpu.memref_slice %arg9[%mul3A_543, %dma_wait3A_564] : memref<10000x128xf32, #tpu.memory_space<vmem_shared>> -> memref<80x128xf32, #tpu.memory_space<vmem_shared>>
        tpu.wait_dma2 semaphore(%run_scoped3A : memref<!tpu.dma_semaphore, #tpu.memory_space<semaphore_mem>>) src(%dma_wait3A_565 : memref<80x128xf32, #tpu.memory_space<vmem_shared>>) dst(%arg13 : memref<80x128xf32, #tpu.memory_space<vmem>>)
        tpu.yield
      }) : () -> ()
      %dma_start3A_551 = arith.constant 0 : i32
      %dma_start3A_552 = arith.constant 0 : i32
      %dma_start3A_553 = tpu.memref_slice %arg8[%dma_start3A_551, %arg0, %mul3A_543, %dma_start3A_552] : memref<3x2x10000x128xf32, #tpu.memory_space<hbm>> -> memref<1x1x80x128xf32, #tpu.memory_space<hbm>>
      %dma_start3A_554 = tpu.memref_squeeze %dma_start3A_553 : memref<1x1x80x128xf32, #tpu.memory_space<hbm>> -> memref<80x128xf32, #tpu.memory_space<hbm>>
      %dma_start3A_555 = arith.constant 0 : i32
      %dma_start3A_556 = tpu.memref_slice %arg8[%dma_start3A_551, %arg0, %mul3A_543, %dma_start3A_555] : memref<3x2x10000x128xf32, #tpu.memory_space<hbm>> -> memref<1x1x80x128xf32, #tpu.memory_space<hbm>>
      %dma_start3A_557 = tpu.memref_squeeze %dma_start3A_556 : memref<1x1x80x128xf32, #tpu.memory_space<hbm>> -> memref<80x128xf32, #tpu.memory_space<hbm>>
      tpu.enqueue_dma source(%arg13 : memref<80x128xf32, #tpu.memory_space<vmem>>) target(%dma_start3A_557 : memref<80x128xf32, #tpu.memory_space<hbm>>) target_semaphore(%arg17 : memref<!tpu.dma_semaphore, #tpu.memory_space<semaphore_mem>>)
    } else {
    }
    %dma_wait3A_159 = arith.constant 0 : i32
    %dma_wait3A_160 = arith.constant 0 : i32
    %dma_wait3A_161 = arith.constant 0 : i32
    %dma_wait3A_162 = tpu.memref_slice %arg8[%dma_wait3A_159, %arg0, %dma_wait3A_160, %dma_wait3A_161] : memref<3x2x10000x128xf32, #tpu.memory_space<hbm>> -> memref<1x1x80x128xf32, #tpu.memory_space<hbm>>
    %dma_wait3A_163 = tpu.memref_squeeze %dma_wait3A_162 : memref<1x1x80x128xf32, #tpu.memory_space<hbm>> -> memref<80x128xf32, #tpu.memory_space<hbm>>
    %dma_wait3A_164 = arith.constant 0 : i32
    %dma_wait3A_165 = arith.constant 0 : i32
    %dma_wait3A_166 = tpu.memref_slice %arg8[%dma_wait3A_159, %arg0, %dma_wait3A_164, %dma_wait3A_165] : memref<3x2x10000x128xf32, #tpu.memory_space<hbm>> -> memref<1x1x80x128xf32, #tpu.memory_space<hbm>>
    %dma_wait3A_167 = tpu.memref_squeeze %dma_wait3A_166 : memref<1x1x80x128xf32, #tpu.memory_space<hbm>> -> memref<80x128xf32, #tpu.memory_space<hbm>>
    tpu.wait_dma2 semaphore(%arg16 : memref<!tpu.dma_semaphore, #tpu.memory_space<semaphore_mem>>) src(%arg12 : memref<80x128xf32, #tpu.memory_space<vmem>>) dst(%dma_wait3A_167 : memref<80x128xf32, #tpu.memory_space<hbm>>)
    %dma_wait3A_168 = arith.constant 0 : i32
    %dma_wait3A_169 = arith.constant 0 : i32
    %dma_wait3A_170 = arith.constant 0 : i32
    %dma_wait3A_171 = tpu.memref_slice %arg8[%dma_wait3A_168, %arg0, %dma_wait3A_169, %dma_wait3A_170] : memref<3x2x10000x128xf32, #tpu.memory_space<hbm>> -> memref<1x1x80x128xf32, #tpu.memory_space<hbm>>
    %dma_wait3A_172 = tpu.memref_squeeze %dma_wait3A_171 : memref<1x1x80x128xf32, #tpu.memory_space<hbm>> -> memref<80x128xf32, #tpu.memory_space<hbm>>
    %dma_wait3A_173 = arith.constant 0 : i32
    %dma_wait3A_174 = arith.constant 0 : i32
    %dma_wait3A_175 = tpu.memref_slice %arg8[%dma_wait3A_168, %arg0, %dma_wait3A_173, %dma_wait3A_174] : memref<3x2x10000x128xf32, #tpu.memory_space<hbm>> -> memref<1x1x80x128xf32, #tpu.memory_space<hbm>>
    %dma_wait3A_176 = tpu.memref_squeeze %dma_wait3A_175 : memref<1x1x80x128xf32, #tpu.memory_space<hbm>> -> memref<80x128xf32, #tpu.memory_space<hbm>>
    tpu.wait_dma2 semaphore(%arg17 : memref<!tpu.dma_semaphore, #tpu.memory_space<semaphore_mem>>) src(%arg13 : memref<80x128xf32, #tpu.memory_space<vmem>>) dst(%dma_wait3A_176 : memref<80x128xf32, #tpu.memory_space<hbm>>)
    %barrier3A_177 = arith.constant 0 : index
    tpu.barrier barrier_id(%barrier3A_177)
    %dma_start3A_178 = tpu.memref_slice %arg6[%mul3A_2] : memref<640000xi32, #tpu.memory_space<hbm>> -> memref<10000xi32, #tpu.memory_space<hbm>>
    %dma_start3A_179 = tpu.memref_slice %arg6[%mul3A_2] : memref<640000xi32, #tpu.memory_space<hbm>> -> memref<10000xi32, #tpu.memory_space<hbm>>
    tpu.enqueue_dma source(%dma_start3A_179 : memref<10000xi32, #tpu.memory_space<hbm>>) target(%arg10 : memref<10000xi32, #tpu.memory_space<vmem>>) target_semaphore(%arg15 : memref<!tpu.dma_semaphore, #tpu.memory_space<semaphore_mem>>)
    %add3A_180 = arith.constant 320000 : i32
    %add3A_181 = arith.addi %add3A_180, %mul3A_2 : i32
    %dma_start3A_182 = tpu.memref_slice %arg6[%add3A_181] : memref<640000xi32, #tpu.memory_space<hbm>> -> memref<10000xi32, #tpu.memory_space<hbm>>
    %dma_start3A_183 = tpu.memref_slice %arg6[%add3A_181] : memref<640000xi32, #tpu.memory_space<hbm>> -> memref<10000xi32, #tpu.memory_space<hbm>>
    tpu.enqueue_dma source(%dma_start3A_183 : memref<10000xi32, #tpu.memory_space<hbm>>) target(%arg11 : memref<10000xi32, #tpu.memory_space<vmem>>) target_semaphore(%arg15 : memref<!tpu.dma_semaphore, #tpu.memory_space<semaphore_mem>>)
    %scan3A_184 = arith.constant 0 : i32
    %scan3A_185 = arith.constant 0 : i32
    %scan3A_186 = arith.constant 640 : i32
    %scan3A_187 = arith.addi %scan3A_185, %scan3A_186 : i32
    %scan3A_188 = arith.constant 1 : i32
    %scan3A_189 = scf.for %scan3A_542 = %scan3A_185 to %scan3A_187 step %scan3A_188 iter_args(%scan3A_543 = %scan3A_184) -> (i32)  : i32 {
      %broadcast_in_dim3A = arith.constant 0.000000e+00 : f32
      %broadcast_in_dim3A_544 = vector.broadcast %broadcast_in_dim3A : f32 to vector<16xf32>
      %jit3A = arith.constant 8 : i32
      %div3A = arith.divsi %scan3A_542, %jit3A : i32
      %sign3A = arith.constant 0 : i32
      %sign3A_545 = arith.cmpi sgt, %scan3A_542, %sign3A : i32
      %sign3A_546 = arith.extui %sign3A_545 : i1 to i32
      %sign3A_547 = arith.constant 0 : i32
      %sign3A_548 = arith.cmpi slt, %scan3A_542, %sign3A_547 : i32
      %sign3A_549 = arith.extui %sign3A_548 : i1 to i32
      %sign3A_550 = arith.subi %sign3A_546, %sign3A_549 : i32
      %sign3A_551 = arith.constant 0 : i32
      %sign3A_552 = arith.cmpi sgt, %jit3A, %sign3A_551 : i32
      %sign3A_553 = arith.extui %sign3A_552 : i1 to i32
      %sign3A_554 = arith.constant 0 : i32
      %sign3A_555 = arith.cmpi slt, %jit3A, %sign3A_554 : i32
      %sign3A_556 = arith.extui %sign3A_555 : i1 to i32
      %sign3A_557 = arith.subi %sign3A_553, %sign3A_556 : i32
      %ne3A = arith.cmpi ne, %sign3A_550, %sign3A_557 : i32
      %rem3A = arith.remsi %scan3A_542, %jit3A : i32
      %ne3A_558 = arith.constant 0 : i32
      %ne3A_559 = arith.cmpi ne, %rem3A, %ne3A_558 : i32
      %and3A = arith.andi %ne3A, %ne3A_559 : i1
      %sub3A = arith.constant 1 : i32
      %sub3A_560 = arith.subi %div3A, %sub3A : i32
      %select_n3A = arith.select %and3A, %sub3A_560, %div3A : i32
      %jit3A_561 = arith.constant 8 : i32
      %eq3A = arith.constant 0 : i32
      %eq3A_562 = arith.cmpi eq, %jit3A_561, %eq3A : i32
      %jit3A_563 = arith.constant 1 : i32
      %select_n3A_564 = arith.select %eq3A_562, %jit3A_563, %jit3A_561 : i32
      %rem3A_565 = arith.remsi %scan3A_542, %select_n3A_564 : i32
      %ne3A_566 = arith.constant 0 : i32
      %ne3A_567 = arith.cmpi ne, %rem3A_565, %ne3A_566 : i32
      %lt3A_568 = arith.constant 0 : i32
      %lt3A_569 = arith.cmpi slt, %rem3A_565, %lt3A_568 : i32
      %lt3A_570 = arith.constant 0 : i32
      %lt3A_571 = arith.cmpi slt, %select_n3A_564, %lt3A_570 : i32
      %ne3A_572 = arith.xori %lt3A_569, %lt3A_571 : i1
      %and3A_573 = arith.andi %ne3A_572, %ne3A_567 : i1
      %add3A_574 = arith.addi %rem3A_565, %select_n3A_564 : i32
      %select_n3A_575 = arith.select %and3A_573, %add3A_574, %rem3A_565 : i32
      %mul3A_576 = arith.constant 16 : i32
      %mul3A_577 = arith.muli %select_n3A_575, %mul3A_576 : i32
      %swap3A = arith.index_cast %select_n3A : i32 to index
      %swap3A_578 = arith.index_cast %mul3A_577 : i32 to index
      %swap3A_579 = tpu.vector_load %arg12[%swap3A, %swap3A_578] {strides = array<i32>} : memref<80x128xf32, #tpu.memory_space<vmem>>, vector<1x16xf32>,
      %swap3A_580 = vector.shape_cast %swap3A_579 : vector<1x16xf32> to vector<16xf32>
      %swap3A_581 = vector.shape_cast %broadcast_in_dim3A_544 : vector<16xf32> to vector<1x16xf32>
      tpu.vector_store %arg12[%swap3A, %swap3A_578], %swap3A_581 {strides = array<i32>} : memref<80x128xf32, #tpu.memory_space<vmem>>, vector<1x16xf32>,
      %scan3A_582 = arith.constant 0 : i32
      scf.yield %scan3A_582 : i32
    }
    %scan3A_190 = arith.constant 640 : i32
    %add3A_191 = arith.constant 0 : i32
    %add3A_192 = arith.addi %arg1, %add3A_191 : i32
    %lt3A_193 = arith.constant 125 : i32
    %lt3A_194 = arith.cmpi slt, %add3A_192, %lt3A_193 : i32
    %convert_element_type3A_195 = arith.extui %lt3A_194 : i1 to i32
    %cond3A_196 = arith.constant 0 : i32
    %cond3A_197 = arith.cmpi ne, %convert_element_type3A_195, %cond3A_196 : i32
    scf.if %cond3A_197 {
      %mul3A_542 = arith.constant 80 : i32
      %mul3A_543 = arith.muli %add3A_192, %mul3A_542 : i32
      "tpu.region"() ({
        %run_scoped3A = tpu.sem_alloc : memref<!tpu.dma_semaphore, #tpu.memory_space<semaphore_mem>>
        %dma_start3A_544 = arith.constant 0 : i32
        %dma_start3A_545 = tpu.memref_slice %arg9[%mul3A_543, %dma_start3A_544] : memref<10000x128xf32, #tpu.memory_space<vmem_shared>> -> memref<80x128xf32, #tpu.memory_space<vmem_shared>>
        %dma_start3A_546 = arith.constant 0 : i32
        %dma_start3A_547 = tpu.memref_slice %arg9[%mul3A_543, %dma_start3A_546] : memref<10000x128xf32, #tpu.memory_space<vmem_shared>> -> memref<80x128xf32, #tpu.memory_space<vmem_shared>>
        tpu.enqueue_dma source(%arg12 : memref<80x128xf32, #tpu.memory_space<vmem>>) target(%dma_start3A_547 : memref<80x128xf32, #tpu.memory_space<vmem_shared>>) target_semaphore(%run_scoped3A : memref<!tpu.dma_semaphore, #tpu.memory_space<semaphore_mem>>)
        %dma_wait3A_548 = arith.constant 0 : i32
        %dma_wait3A_549 = tpu.memref_slice %arg9[%mul3A_543, %dma_wait3A_548] : memref<10000x128xf32, #tpu.memory_space<vmem_shared>> -> memref<80x128xf32, #tpu.memory_space<vmem_shared>>
        %dma_wait3A_550 = arith.constant 0 : i32
        %dma_wait3A_551 = tpu.memref_slice %arg9[%mul3A_543, %dma_wait3A_550] : memref<10000x128xf32, #tpu.memory_space<vmem_shared>> -> memref<80x128xf32, #tpu.memory_space<vmem_shared>>
        tpu.wait_dma2 semaphore(%run_scoped3A : memref<!tpu.dma_semaphore, #tpu.memory_space<semaphore_mem>>) src(%arg12 : memref<80x128xf32, #tpu.memory_space<vmem>>) dst(%dma_wait3A_551 : memref<80x128xf32, #tpu.memory_space<vmem_shared>>)
        tpu.yield
      }) : () -> ()
    } else {
    }
    %add3A_198 = arith.constant 16 : i32
    %add3A_199 = arith.addi %arg1, %add3A_198 : i32
    %lt3A_200 = arith.constant 125 : i32
    %lt3A_201 = arith.cmpi slt, %add3A_199, %lt3A_200 : i32
    %convert_element_type3A_202 = arith.extui %lt3A_201 : i1 to i32
    %cond3A_203 = arith.constant 0 : i32
    %cond3A_204 = arith.cmpi ne, %convert_element_type3A_202, %cond3A_203 : i32
    scf.if %cond3A_204 {
      %mul3A_542 = arith.constant 80 : i32
      %mul3A_543 = arith.muli %add3A_199, %mul3A_542 : i32
      "tpu.region"() ({
        %run_scoped3A = tpu.sem_alloc : memref<!tpu.dma_semaphore, #tpu.memory_space<semaphore_mem>>
        %dma_start3A_544 = arith.constant 0 : i32
        %dma_start3A_545 = tpu.memref_slice %arg9[%mul3A_543, %dma_start3A_544] : memref<10000x128xf32, #tpu.memory_space<vmem_shared>> -> memref<80x128xf32, #tpu.memory_space<vmem_shared>>
        %dma_start3A_546 = arith.constant 0 : i32
        %dma_start3A_547 = tpu.memref_slice %arg9[%mul3A_543, %dma_start3A_546] : memref<10000x128xf32, #tpu.memory_space<vmem_shared>> -> memref<80x128xf32, #tpu.memory_space<vmem_shared>>
        tpu.enqueue_dma source(%arg12 : memref<80x128xf32, #tpu.memory_space<vmem>>) target(%dma_start3A_547 : memref<80x128xf32, #tpu.memory_space<vmem_shared>>) target_semaphore(%run_scoped3A : memref<!tpu.dma_semaphore, #tpu.memory_space<semaphore_mem>>)
        %dma_wait3A_548 = arith.constant 0 : i32
        %dma_wait3A_549 = tpu.memref_slice %arg9[%mul3A_543, %dma_wait3A_548] : memref<10000x128xf32, #tpu.memory_space<vmem_shared>> -> memref<80x128xf32, #tpu.memory_space<vmem_shared>>
        %dma_wait3A_550 = arith.constant 0 : i32
        %dma_wait3A_551 = tpu.memref_slice %arg9[%mul3A_543, %dma_wait3A_550] : memref<10000x128xf32, #tpu.memory_space<vmem_shared>> -> memref<80x128xf32, #tpu.memory_space<vmem_shared>>
        tpu.wait_dma2 semaphore(%run_scoped3A : memref<!tpu.dma_semaphore, #tpu.memory_space<semaphore_mem>>) src(%arg12 : memref<80x128xf32, #tpu.memory_space<vmem>>) dst(%dma_wait3A_551 : memref<80x128xf32, #tpu.memory_space<vmem_shared>>)
        tpu.yield
      }) : () -> ()
    } else {
    }
    %add3A_205 = arith.constant 32 : i32
    %add3A_206 = arith.addi %arg1, %add3A_205 : i32
    %lt3A_207 = arith.constant 125 : i32
    %lt3A_208 = arith.cmpi slt, %add3A_206, %lt3A_207 : i32
    %convert_element_type3A_209 = arith.extui %lt3A_208 : i1 to i32
    %cond3A_210 = arith.constant 0 : i32
    %cond3A_211 = arith.cmpi ne, %convert_element_type3A_209, %cond3A_210 : i32
    scf.if %cond3A_211 {
      %mul3A_542 = arith.constant 80 : i32
      %mul3A_543 = arith.muli %add3A_206, %mul3A_542 : i32
      "tpu.region"() ({
        %run_scoped3A = tpu.sem_alloc : memref<!tpu.dma_semaphore, #tpu.memory_space<semaphore_mem>>
        %dma_start3A_544 = arith.constant 0 : i32
        %dma_start3A_545 = tpu.memref_slice %arg9[%mul3A_543, %dma_start3A_544] : memref<10000x128xf32, #tpu.memory_space<vmem_shared>> -> memref<80x128xf32, #tpu.memory_space<vmem_shared>>
        %dma_start3A_546 = arith.constant 0 : i32
        %dma_start3A_547 = tpu.memref_slice %arg9[%mul3A_543, %dma_start3A_546] : memref<10000x128xf32, #tpu.memory_space<vmem_shared>> -> memref<80x128xf32, #tpu.memory_space<vmem_shared>>
        tpu.enqueue_dma source(%arg12 : memref<80x128xf32, #tpu.memory_space<vmem>>) target(%dma_start3A_547 : memref<80x128xf32, #tpu.memory_space<vmem_shared>>) target_semaphore(%run_scoped3A : memref<!tpu.dma_semaphore, #tpu.memory_space<semaphore_mem>>)
        %dma_wait3A_548 = arith.constant 0 : i32
        %dma_wait3A_549 = tpu.memref_slice %arg9[%mul3A_543, %dma_wait3A_548] : memref<10000x128xf32, #tpu.memory_space<vmem_shared>> -> memref<80x128xf32, #tpu.memory_space<vmem_shared>>
        %dma_wait3A_550 = arith.constant 0 : i32
        %dma_wait3A_551 = tpu.memref_slice %arg9[%mul3A_543, %dma_wait3A_550] : memref<10000x128xf32, #tpu.memory_space<vmem_shared>> -> memref<80x128xf32, #tpu.memory_space<vmem_shared>>
        tpu.wait_dma2 semaphore(%run_scoped3A : memref<!tpu.dma_semaphore, #tpu.memory_space<semaphore_mem>>) src(%arg12 : memref<80x128xf32, #tpu.memory_space<vmem>>) dst(%dma_wait3A_551 : memref<80x128xf32, #tpu.memory_space<vmem_shared>>)
        tpu.yield
      }) : () -> ()
    } else {
    }
    %add3A_212 = arith.constant 48 : i32
    %add3A_213 = arith.addi %arg1, %add3A_212 : i32
    %lt3A_214 = arith.constant 125 : i32
    %lt3A_215 = arith.cmpi slt, %add3A_213, %lt3A_214 : i32
    %convert_element_type3A_216 = arith.extui %lt3A_215 : i1 to i32
    %cond3A_217 = arith.constant 0 : i32
    %cond3A_218 = arith.cmpi ne, %convert_element_type3A_216, %cond3A_217 : i32
    scf.if %cond3A_218 {
      %mul3A_542 = arith.constant 80 : i32
      %mul3A_543 = arith.muli %add3A_213, %mul3A_542 : i32
      "tpu.region"() ({
        %run_scoped3A = tpu.sem_alloc : memref<!tpu.dma_semaphore, #tpu.memory_space<semaphore_mem>>
        %dma_start3A_544 = arith.constant 0 : i32
        %dma_start3A_545 = tpu.memref_slice %arg9[%mul3A_543, %dma_start3A_544] : memref<10000x128xf32, #tpu.memory_space<vmem_shared>> -> memref<80x128xf32, #tpu.memory_space<vmem_shared>>
        %dma_start3A_546 = arith.constant 0 : i32
        %dma_start3A_547 = tpu.memref_slice %arg9[%mul3A_543, %dma_start3A_546] : memref<10000x128xf32, #tpu.memory_space<vmem_shared>> -> memref<80x128xf32, #tpu.memory_space<vmem_shared>>
        tpu.enqueue_dma source(%arg12 : memref<80x128xf32, #tpu.memory_space<vmem>>) target(%dma_start3A_547 : memref<80x128xf32, #tpu.memory_space<vmem_shared>>) target_semaphore(%run_scoped3A : memref<!tpu.dma_semaphore, #tpu.memory_space<semaphore_mem>>)
        %dma_wait3A_548 = arith.constant 0 : i32
        %dma_wait3A_549 = tpu.memref_slice %arg9[%mul3A_543, %dma_wait3A_548] : memref<10000x128xf32, #tpu.memory_space<vmem_shared>> -> memref<80x128xf32, #tpu.memory_space<vmem_shared>>
        %dma_wait3A_550 = arith.constant 0 : i32
        %dma_wait3A_551 = tpu.memref_slice %arg9[%mul3A_543, %dma_wait3A_550] : memref<10000x128xf32, #tpu.memory_space<vmem_shared>> -> memref<80x128xf32, #tpu.memory_space<vmem_shared>>
        tpu.wait_dma2 semaphore(%run_scoped3A : memref<!tpu.dma_semaphore, #tpu.memory_space<semaphore_mem>>) src(%arg12 : memref<80x128xf32, #tpu.memory_space<vmem>>) dst(%dma_wait3A_551 : memref<80x128xf32, #tpu.memory_space<vmem_shared>>)
        tpu.yield
      }) : () -> ()
    } else {
    }
    %add3A_219 = arith.constant 64 : i32
    %add3A_220 = arith.addi %arg1, %add3A_219 : i32
    %lt3A_221 = arith.constant 125 : i32
    %lt3A_222 = arith.cmpi slt, %add3A_220, %lt3A_221 : i32
    %convert_element_type3A_223 = arith.extui %lt3A_222 : i1 to i32
    %cond3A_224 = arith.constant 0 : i32
    %cond3A_225 = arith.cmpi ne, %convert_element_type3A_223, %cond3A_224 : i32
    scf.if %cond3A_225 {
      %mul3A_542 = arith.constant 80 : i32
      %mul3A_543 = arith.muli %add3A_220, %mul3A_542 : i32
      "tpu.region"() ({
        %run_scoped3A = tpu.sem_alloc : memref<!tpu.dma_semaphore, #tpu.memory_space<semaphore_mem>>
        %dma_start3A_544 = arith.constant 0 : i32
        %dma_start3A_545 = tpu.memref_slice %arg9[%mul3A_543, %dma_start3A_544] : memref<10000x128xf32, #tpu.memory_space<vmem_shared>> -> memref<80x128xf32, #tpu.memory_space<vmem_shared>>
        %dma_start3A_546 = arith.constant 0 : i32
        %dma_start3A_547 = tpu.memref_slice %arg9[%mul3A_543, %dma_start3A_546] : memref<10000x128xf32, #tpu.memory_space<vmem_shared>> -> memref<80x128xf32, #tpu.memory_space<vmem_shared>>
        tpu.enqueue_dma source(%arg12 : memref<80x128xf32, #tpu.memory_space<vmem>>) target(%dma_start3A_547 : memref<80x128xf32, #tpu.memory_space<vmem_shared>>) target_semaphore(%run_scoped3A : memref<!tpu.dma_semaphore, #tpu.memory_space<semaphore_mem>>)
        %dma_wait3A_548 = arith.constant 0 : i32
        %dma_wait3A_549 = tpu.memref_slice %arg9[%mul3A_543, %dma_wait3A_548] : memref<10000x128xf32, #tpu.memory_space<vmem_shared>> -> memref<80x128xf32, #tpu.memory_space<vmem_shared>>
        %dma_wait3A_550 = arith.constant 0 : i32
        %dma_wait3A_551 = tpu.memref_slice %arg9[%mul3A_543, %dma_wait3A_550] : memref<10000x128xf32, #tpu.memory_space<vmem_shared>> -> memref<80x128xf32, #tpu.memory_space<vmem_shared>>
        tpu.wait_dma2 semaphore(%run_scoped3A : memref<!tpu.dma_semaphore, #tpu.memory_space<semaphore_mem>>) src(%arg12 : memref<80x128xf32, #tpu.memory_space<vmem>>) dst(%dma_wait3A_551 : memref<80x128xf32, #tpu.memory_space<vmem_shared>>)
        tpu.yield
      }) : () -> ()
    } else {
    }
    %add3A_226 = arith.constant 80 : i32
    %add3A_227 = arith.addi %arg1, %add3A_226 : i32
    %lt3A_228 = arith.constant 125 : i32
    %lt3A_229 = arith.cmpi slt, %add3A_227, %lt3A_228 : i32
    %convert_element_type3A_230 = arith.extui %lt3A_229 : i1 to i32
    %cond3A_231 = arith.constant 0 : i32
    %cond3A_232 = arith.cmpi ne, %convert_element_type3A_230, %cond3A_231 : i32
    scf.if %cond3A_232 {
      %mul3A_542 = arith.constant 80 : i32
      %mul3A_543 = arith.muli %add3A_227, %mul3A_542 : i32
      "tpu.region"() ({
        %run_scoped3A = tpu.sem_alloc : memref<!tpu.dma_semaphore, #tpu.memory_space<semaphore_mem>>
        %dma_start3A_544 = arith.constant 0 : i32
        %dma_start3A_545 = tpu.memref_slice %arg9[%mul3A_543, %dma_start3A_544] : memref<10000x128xf32, #tpu.memory_space<vmem_shared>> -> memref<80x128xf32, #tpu.memory_space<vmem_shared>>
        %dma_start3A_546 = arith.constant 0 : i32
        %dma_start3A_547 = tpu.memref_slice %arg9[%mul3A_543, %dma_start3A_546] : memref<10000x128xf32, #tpu.memory_space<vmem_shared>> -> memref<80x128xf32, #tpu.memory_space<vmem_shared>>
        tpu.enqueue_dma source(%arg12 : memref<80x128xf32, #tpu.memory_space<vmem>>) target(%dma_start3A_547 : memref<80x128xf32, #tpu.memory_space<vmem_shared>>) target_semaphore(%run_scoped3A : memref<!tpu.dma_semaphore, #tpu.memory_space<semaphore_mem>>)
        %dma_wait3A_548 = arith.constant 0 : i32
        %dma_wait3A_549 = tpu.memref_slice %arg9[%mul3A_543, %dma_wait3A_548] : memref<10000x128xf32, #tpu.memory_space<vmem_shared>> -> memref<80x128xf32, #tpu.memory_space<vmem_shared>>
        %dma_wait3A_550 = arith.constant 0 : i32
        %dma_wait3A_551 = tpu.memref_slice %arg9[%mul3A_543, %dma_wait3A_550] : memref<10000x128xf32, #tpu.memory_space<vmem_shared>> -> memref<80x128xf32, #tpu.memory_space<vmem_shared>>
        tpu.wait_dma2 semaphore(%run_scoped3A : memref<!tpu.dma_semaphore, #tpu.memory_space<semaphore_mem>>) src(%arg12 : memref<80x128xf32, #tpu.memory_space<vmem>>) dst(%dma_wait3A_551 : memref<80x128xf32, #tpu.memory_space<vmem_shared>>)
        tpu.yield
      }) : () -> ()
    } else {
    }
    %add3A_233 = arith.constant 96 : i32
    %add3A_234 = arith.addi %arg1, %add3A_233 : i32
    %lt3A_235 = arith.constant 125 : i32
    %lt3A_236 = arith.cmpi slt, %add3A_234, %lt3A_235 : i32
    %convert_element_type3A_237 = arith.extui %lt3A_236 : i1 to i32
    %cond3A_238 = arith.constant 0 : i32
    %cond3A_239 = arith.cmpi ne, %convert_element_type3A_237, %cond3A_238 : i32
    scf.if %cond3A_239 {
      %mul3A_542 = arith.constant 80 : i32
      %mul3A_543 = arith.muli %add3A_234, %mul3A_542 : i32
      "tpu.region"() ({
        %run_scoped3A = tpu.sem_alloc : memref<!tpu.dma_semaphore, #tpu.memory_space<semaphore_mem>>
        %dma_start3A_544 = arith.constant 0 : i32
        %dma_start3A_545 = tpu.memref_slice %arg9[%mul3A_543, %dma_start3A_544] : memref<10000x128xf32, #tpu.memory_space<vmem_shared>> -> memref<80x128xf32, #tpu.memory_space<vmem_shared>>
        %dma_start3A_546 = arith.constant 0 : i32
        %dma_start3A_547 = tpu.memref_slice %arg9[%mul3A_543, %dma_start3A_546] : memref<10000x128xf32, #tpu.memory_space<vmem_shared>> -> memref<80x128xf32, #tpu.memory_space<vmem_shared>>
        tpu.enqueue_dma source(%arg12 : memref<80x128xf32, #tpu.memory_space<vmem>>) target(%dma_start3A_547 : memref<80x128xf32, #tpu.memory_space<vmem_shared>>) target_semaphore(%run_scoped3A : memref<!tpu.dma_semaphore, #tpu.memory_space<semaphore_mem>>)
        %dma_wait3A_548 = arith.constant 0 : i32
        %dma_wait3A_549 = tpu.memref_slice %arg9[%mul3A_543, %dma_wait3A_548] : memref<10000x128xf32, #tpu.memory_space<vmem_shared>> -> memref<80x128xf32, #tpu.memory_space<vmem_shared>>
        %dma_wait3A_550 = arith.constant 0 : i32
        %dma_wait3A_551 = tpu.memref_slice %arg9[%mul3A_543, %dma_wait3A_550] : memref<10000x128xf32, #tpu.memory_space<vmem_shared>> -> memref<80x128xf32, #tpu.memory_space<vmem_shared>>
        tpu.wait_dma2 semaphore(%run_scoped3A : memref<!tpu.dma_semaphore, #tpu.memory_space<semaphore_mem>>) src(%arg12 : memref<80x128xf32, #tpu.memory_space<vmem>>) dst(%dma_wait3A_551 : memref<80x128xf32, #tpu.memory_space<vmem_shared>>)
        tpu.yield
      }) : () -> ()
    } else {
    }
    %add3A_240 = arith.constant 112 : i32
    %add3A_241 = arith.addi %arg1, %add3A_240 : i32
    %lt3A_242 = arith.constant 125 : i32
    %lt3A_243 = arith.cmpi slt, %add3A_241, %lt3A_242 : i32
    %convert_element_type3A_244 = arith.extui %lt3A_243 : i1 to i32
    %cond3A_245 = arith.constant 0 : i32
    %cond3A_246 = arith.cmpi ne, %convert_element_type3A_244, %cond3A_245 : i32
    scf.if %cond3A_246 {
      %mul3A_542 = arith.constant 80 : i32
      %mul3A_543 = arith.muli %add3A_241, %mul3A_542 : i32
      "tpu.region"() ({
        %run_scoped3A = tpu.sem_alloc : memref<!tpu.dma_semaphore, #tpu.memory_space<semaphore_mem>>
        %dma_start3A_544 = arith.constant 0 : i32
        %dma_start3A_545 = tpu.memref_slice %arg9[%mul3A_543, %dma_start3A_544] : memref<10000x128xf32, #tpu.memory_space<vmem_shared>> -> memref<80x128xf32, #tpu.memory_space<vmem_shared>>
        %dma_start3A_546 = arith.constant 0 : i32
        %dma_start3A_547 = tpu.memref_slice %arg9[%mul3A_543, %dma_start3A_546] : memref<10000x128xf32, #tpu.memory_space<vmem_shared>> -> memref<80x128xf32, #tpu.memory_space<vmem_shared>>
        tpu.enqueue_dma source(%arg12 : memref<80x128xf32, #tpu.memory_space<vmem>>) target(%dma_start3A_547 : memref<80x128xf32, #tpu.memory_space<vmem_shared>>) target_semaphore(%run_scoped3A : memref<!tpu.dma_semaphore, #tpu.memory_space<semaphore_mem>>)
        %dma_wait3A_548 = arith.constant 0 : i32
        %dma_wait3A_549 = tpu.memref_slice %arg9[%mul3A_543, %dma_wait3A_548] : memref<10000x128xf32, #tpu.memory_space<vmem_shared>> -> memref<80x128xf32, #tpu.memory_space<vmem_shared>>
        %dma_wait3A_550 = arith.constant 0 : i32
        %dma_wait3A_551 = tpu.memref_slice %arg9[%mul3A_543, %dma_wait3A_550] : memref<10000x128xf32, #tpu.memory_space<vmem_shared>> -> memref<80x128xf32, #tpu.memory_space<vmem_shared>>
        tpu.wait_dma2 semaphore(%run_scoped3A : memref<!tpu.dma_semaphore, #tpu.memory_space<semaphore_mem>>) src(%arg12 : memref<80x128xf32, #tpu.memory_space<vmem>>) dst(%dma_wait3A_551 : memref<80x128xf32, #tpu.memory_space<vmem_shared>>)
        tpu.yield
      }) : () -> ()
    } else {
    }
    %barrier3A_247 = arith.constant 0 : index
    tpu.barrier barrier_id(%barrier3A_247)
    %dma_wait3A_248 = tpu.memref_slice %arg6[%mul3A_2] : memref<640000xi32, #tpu.memory_space<hbm>> -> memref<10000xi32, #tpu.memory_space<hbm>>
    %dma_wait3A_249 = tpu.memref_slice %arg6[%mul3A_2] : memref<640000xi32, #tpu.memory_space<hbm>> -> memref<10000xi32, #tpu.memory_space<hbm>>
    tpu.wait_dma2 semaphore(%arg15 : memref<!tpu.dma_semaphore, #tpu.memory_space<semaphore_mem>>) src(%dma_wait3A_249 : memref<10000xi32, #tpu.memory_space<hbm>>) dst(%arg10 : memref<10000xi32, #tpu.memory_space<vmem>>)
    %dma_wait3A_250 = tpu.memref_slice %arg6[%mul3A_2] : memref<640000xi32, #tpu.memory_space<hbm>> -> memref<10000xi32, #tpu.memory_space<hbm>>
    %dma_wait3A_251 = tpu.memref_slice %arg6[%mul3A_2] : memref<640000xi32, #tpu.memory_space<hbm>> -> memref<10000xi32, #tpu.memory_space<hbm>>
    tpu.wait_dma2 semaphore(%arg15 : memref<!tpu.dma_semaphore, #tpu.memory_space<semaphore_mem>>) src(%dma_wait3A_251 : memref<10000xi32, #tpu.memory_space<hbm>>) dst(%arg11 : memref<10000xi32, #tpu.memory_space<vmem>>)
    %dma_start3A_252 = arith.constant 0 : i32
    %dma_start3A_253 = tpu.memref_slice %arg11[%dma_start3A_252] : memref<10000xi32, #tpu.memory_space<vmem>> -> memref<80xi32, #tpu.memory_space<vmem>>
    %dma_start3A_254 = arith.constant 0 : i32
    %dma_start3A_255 = arith.constant 0 : i32
    %dma_start3A_256 = tpu.memref_slice %arg3[%dma_start3A_254, %dma_start3A_255] : memref<10000x128xf32, #tpu.memory_space<hbm>> -> memref<10000x128xf32, #tpu.memory_space<hbm>>
    tpu.enqueue_indirect_dma source(%dma_start3A_256 : memref<10000x128xf32, #tpu.memory_space<hbm>>) target(%arg12 : memref<80x128xf32, #tpu.memory_space<vmem>>) offsets(%dma_start3A_253 : memref<80xi32, #tpu.memory_space<vmem>>) semaphore(%arg16 : memref<!tpu.dma_semaphore, #tpu.memory_space<semaphore_mem>>)
    %dma_start3A_257 = arith.constant 80 : i32
    %dma_start3A_258 = tpu.memref_slice %arg11[%dma_start3A_257] : memref<10000xi32, #tpu.memory_space<vmem>> -> memref<80xi32, #tpu.memory_space<vmem>>
    %dma_start3A_259 = arith.constant 0 : i32
    %dma_start3A_260 = arith.constant 0 : i32
    %dma_start3A_261 = tpu.memref_slice %arg3[%dma_start3A_259, %dma_start3A_260] : memref<10000x128xf32, #tpu.memory_space<hbm>> -> memref<10000x128xf32, #tpu.memory_space<hbm>>
    tpu.enqueue_indirect_dma source(%dma_start3A_261 : memref<10000x128xf32, #tpu.memory_space<hbm>>) target(%arg13 : memref<80x128xf32, #tpu.memory_space<vmem>>) offsets(%dma_start3A_258 : memref<80xi32, #tpu.memory_space<vmem>>) semaphore(%arg17 : memref<!tpu.dma_semaphore, #tpu.memory_space<semaphore_mem>>)
    %dma_start3A_262 = arith.constant 160 : i32
    %dma_start3A_263 = tpu.memref_slice %arg11[%dma_start3A_262] : memref<10000xi32, #tpu.memory_space<vmem>> -> memref<80xi32, #tpu.memory_space<vmem>>
    %dma_start3A_264 = arith.constant 0 : i32
    %dma_start3A_265 = arith.constant 0 : i32
    %dma_start3A_266 = tpu.memref_slice %arg3[%dma_start3A_264, %dma_start3A_265] : memref<10000x128xf32, #tpu.memory_space<hbm>> -> memref<10000x128xf32, #tpu.memory_space<hbm>>
    tpu.enqueue_indirect_dma source(%dma_start3A_266 : memref<10000x128xf32, #tpu.memory_space<hbm>>) target(%arg14 : memref<80x128xf32, #tpu.memory_space<vmem>>) offsets(%dma_start3A_263 : memref<80xi32, #tpu.memory_space<vmem>>) semaphore(%arg18 : memref<!tpu.dma_semaphore, #tpu.memory_space<semaphore_mem>>)
    %scan3A_267 = arith.constant 0 : i32
    %scan3A_268 = arith.constant 0 : i32
    %scan3A_269 = arith.constant 41 : i32
    %scan3A_270 = arith.addi %scan3A_268, %scan3A_269 : i32
    %scan3A_271 = arith.constant 1 : i32
    %scan3A_272 = scf.for %scan3A_542 = %scan3A_268 to %scan3A_270 step %scan3A_271 iter_args(%scan3A_543 = %scan3A_267) -> (i32)  : i32 {
      %mul3A_544 = arith.constant 3 : i32
      %mul3A_545 = arith.muli %scan3A_542, %mul3A_544 : i32
      %add3A_546 = arith.constant 0 : i32
      %add3A_547 = arith.addi %mul3A_545, %add3A_546 : i32
      %mul3A_548 = arith.constant 80 : i32
      %mul3A_549 = arith.muli %add3A_547, %mul3A_548 : i32
      %dma_wait3A_550 = tpu.memref_slice %arg11[%mul3A_549] : memref<10000xi32, #tpu.memory_space<vmem>> -> memref<80xi32, #tpu.memory_space<vmem>>
      %dma_wait3A_551 = arith.constant 0 : i32
      %dma_wait3A_552 = arith.constant 0 : i32
      %dma_wait3A_553 = tpu.memref_slice %arg3[%dma_wait3A_551, %dma_wait3A_552] : memref<10000x128xf32, #tpu.memory_space<hbm>> -> memref<10000x128xf32, #tpu.memory_space<hbm>>
      tpu.wait_indirect_dma semaphore(%arg16 : memref<!tpu.dma_semaphore, #tpu.memory_space<semaphore_mem>>) src(%dma_wait3A_553 : memref<10000x128xf32, #tpu.memory_space<hbm>>) dst(%arg12 : memref<80x128xf32, #tpu.memory_space<vmem>>)
      %mul3A_554 = arith.constant 80 : i32
      %mul3A_555 = arith.muli %add3A_547, %mul3A_554 : i32
      "tpu.region"() ({
        %run_scoped3A = tpu.sem_alloc : memref<!tpu.dma_semaphore, #tpu.memory_space<semaphore_mem>>
        %dma_start3A_602 = tpu.memref_slice %arg10[%mul3A_555] : memref<10000xi32, #tpu.memory_space<vmem>> -> memref<80xi32, #tpu.memory_space<vmem>>
        %dma_start3A_603 = arith.constant 0 : i32
        %dma_start3A_604 = arith.constant 0 : i32
        %dma_start3A_605 = tpu.memref_slice %arg9[%dma_start3A_603, %dma_start3A_604] : memref<10000x128xf32, #tpu.memory_space<vmem_shared>> -> memref<10000x128xf32, #tpu.memory_space<vmem_shared>>
        tpu.enqueue_indirect_dma source(%arg12 : memref<80x128xf32, #tpu.memory_space<vmem>>) target(%dma_start3A_605 : memref<10000x128xf32, #tpu.memory_space<vmem_shared>>) offsets(%dma_start3A_602 : memref<80xi32, #tpu.memory_space<vmem>>) semaphore(%run_scoped3A : memref<!tpu.dma_semaphore, #tpu.memory_space<semaphore_mem>>) {add = true}
        %dma_wait3A_606 = tpu.memref_slice %arg10[%mul3A_555] : memref<10000xi32, #tpu.memory_space<vmem>> -> memref<80xi32, #tpu.memory_space<vmem>>
        %dma_wait3A_607 = arith.constant 0 : i32
        %dma_wait3A_608 = arith.constant 0 : i32
        %dma_wait3A_609 = tpu.memref_slice %arg9[%dma_wait3A_607, %dma_wait3A_608] : memref<10000x128xf32, #tpu.memory_space<vmem_shared>> -> memref<10000x128xf32, #tpu.memory_space<vmem_shared>>
        tpu.wait_indirect_dma semaphore(%run_scoped3A : memref<!tpu.dma_semaphore, #tpu.memory_space<semaphore_mem>>) src(%arg12 : memref<80x128xf32, #tpu.memory_space<vmem>>) dst(%dma_wait3A_609 : memref<10000x128xf32, #tpu.memory_space<vmem_shared>>)
        tpu.yield
      }) : () -> ()
      %add3A_556 = arith.constant 3 : i32
      %add3A_557 = arith.addi %add3A_547, %add3A_556 : i32
      %lt3A_558 = arith.constant 125 : i32
      %lt3A_559 = arith.cmpi slt, %add3A_557, %lt3A_558 : i32
      %convert_element_type3A_560 = arith.extui %lt3A_559 : i1 to i32
      %cond3A_561 = arith.constant 0 : i32
      %cond3A_562 = arith.cmpi ne, %convert_element_type3A_560, %cond3A_561 : i32
      scf.if %cond3A_562 {
        %mul3A_602 = arith.constant 80 : i32
        %mul3A_603 = arith.muli %add3A_557, %mul3A_602 : i32
        %dma_start3A_604 = tpu.memref_slice %arg11[%mul3A_603] : memref<10000xi32, #tpu.memory_space<vmem>> -> memref<80xi32, #tpu.memory_space<vmem>>
        %dma_start3A_605 = arith.constant 0 : i32
        %dma_start3A_606 = arith.constant 0 : i32
        %dma_start3A_607 = tpu.memref_slice %arg3[%dma_start3A_605, %dma_start3A_606] : memref<10000x128xf32, #tpu.memory_space<hbm>> -> memref<10000x128xf32, #tpu.memory_space<hbm>>
        tpu.enqueue_indirect_dma source(%dma_start3A_607 : memref<10000x128xf32, #tpu.memory_space<hbm>>) target(%arg12 : memref<80x128xf32, #tpu.memory_space<vmem>>) offsets(%dma_start3A_604 : memref<80xi32, #tpu.memory_space<vmem>>) semaphore(%arg16 : memref<!tpu.dma_semaphore, #tpu.memory_space<semaphore_mem>>)
      } else {
      }
      %mul3A_563 = arith.constant 3 : i32
      %mul3A_564 = arith.muli %scan3A_542, %mul3A_563 : i32
      %add3A_565 = arith.constant 1 : i32
      %add3A_566 = arith.addi %mul3A_564, %add3A_565 : i32
      %mul3A_567 = arith.constant 80 : i32
      %mul3A_568 = arith.muli %add3A_566, %mul3A_567 : i32
      %dma_wait3A_569 = tpu.memref_slice %arg11[%mul3A_568] : memref<10000xi32, #tpu.memory_space<vmem>> -> memref<80xi32, #tpu.memory_space<vmem>>
      %dma_wait3A_570 = arith.constant 0 : i32
      %dma_wait3A_571 = arith.constant 0 : i32
      %dma_wait3A_572 = tpu.memref_slice %arg3[%dma_wait3A_570, %dma_wait3A_571] : memref<10000x128xf32, #tpu.memory_space<hbm>> -> memref<10000x128xf32, #tpu.memory_space<hbm>>
      tpu.wait_indirect_dma semaphore(%arg17 : memref<!tpu.dma_semaphore, #tpu.memory_space<semaphore_mem>>) src(%dma_wait3A_572 : memref<10000x128xf32, #tpu.memory_space<hbm>>) dst(%arg13 : memref<80x128xf32, #tpu.memory_space<vmem>>)
      %mul3A_573 = arith.constant 80 : i32
      %mul3A_574 = arith.muli %add3A_566, %mul3A_573 : i32
      "tpu.region"() ({
        %run_scoped3A = tpu.sem_alloc : memref<!tpu.dma_semaphore, #tpu.memory_space<semaphore_mem>>
        %dma_start3A_602 = tpu.memref_slice %arg10[%mul3A_574] : memref<10000xi32, #tpu.memory_space<vmem>> -> memref<80xi32, #tpu.memory_space<vmem>>
        %dma_start3A_603 = arith.constant 0 : i32
        %dma_start3A_604 = arith.constant 0 : i32
        %dma_start3A_605 = tpu.memref_slice %arg9[%dma_start3A_603, %dma_start3A_604] : memref<10000x128xf32, #tpu.memory_space<vmem_shared>> -> memref<10000x128xf32, #tpu.memory_space<vmem_shared>>
        tpu.enqueue_indirect_dma source(%arg13 : memref<80x128xf32, #tpu.memory_space<vmem>>) target(%dma_start3A_605 : memref<10000x128xf32, #tpu.memory_space<vmem_shared>>) offsets(%dma_start3A_602 : memref<80xi32, #tpu.memory_space<vmem>>) semaphore(%run_scoped3A : memref<!tpu.dma_semaphore, #tpu.memory_space<semaphore_mem>>) {add = true}
        %dma_wait3A_606 = tpu.memref_slice %arg10[%mul3A_574] : memref<10000xi32, #tpu.memory_space<vmem>> -> memref<80xi32, #tpu.memory_space<vmem>>
        %dma_wait3A_607 = arith.constant 0 : i32
        %dma_wait3A_608 = arith.constant 0 : i32
        %dma_wait3A_609 = tpu.memref_slice %arg9[%dma_wait3A_607, %dma_wait3A_608] : memref<10000x128xf32, #tpu.memory_space<vmem_shared>> -> memref<10000x128xf32, #tpu.memory_space<vmem_shared>>
        tpu.wait_indirect_dma semaphore(%run_scoped3A : memref<!tpu.dma_semaphore, #tpu.memory_space<semaphore_mem>>) src(%arg13 : memref<80x128xf32, #tpu.memory_space<vmem>>) dst(%dma_wait3A_609 : memref<10000x128xf32, #tpu.memory_space<vmem_shared>>)
        tpu.yield
      }) : () -> ()
      %add3A_575 = arith.constant 3 : i32
      %add3A_576 = arith.addi %add3A_566, %add3A_575 : i32
      %lt3A_577 = arith.constant 125 : i32
      %lt3A_578 = arith.cmpi slt, %add3A_576, %lt3A_577 : i32
      %convert_element_type3A_579 = arith.extui %lt3A_578 : i1 to i32
      %cond3A_580 = arith.constant 0 : i32
      %cond3A_581 = arith.cmpi ne, %convert_element_type3A_579, %cond3A_580 : i32
      scf.if %cond3A_581 {
        %mul3A_602 = arith.constant 80 : i32
        %mul3A_603 = arith.muli %add3A_576, %mul3A_602 : i32
        %dma_start3A_604 = tpu.memref_slice %arg11[%mul3A_603] : memref<10000xi32, #tpu.memory_space<vmem>> -> memref<80xi32, #tpu.memory_space<vmem>>
        %dma_start3A_605 = arith.constant 0 : i32
        %dma_start3A_606 = arith.constant 0 : i32
        %dma_start3A_607 = tpu.memref_slice %arg3[%dma_start3A_605, %dma_start3A_606] : memref<10000x128xf32, #tpu.memory_space<hbm>> -> memref<10000x128xf32, #tpu.memory_space<hbm>>
        tpu.enqueue_indirect_dma source(%dma_start3A_607 : memref<10000x128xf32, #tpu.memory_space<hbm>>) target(%arg13 : memref<80x128xf32, #tpu.memory_space<vmem>>) offsets(%dma_start3A_604 : memref<80xi32, #tpu.memory_space<vmem>>) semaphore(%arg17 : memref<!tpu.dma_semaphore, #tpu.memory_space<semaphore_mem>>)
      } else {
      }
      %mul3A_582 = arith.constant 3 : i32
      %mul3A_583 = arith.muli %scan3A_542, %mul3A_582 : i32
      %add3A_584 = arith.constant 2 : i32
      %add3A_585 = arith.addi %mul3A_583, %add3A_584 : i32
      %mul3A_586 = arith.constant 80 : i32
      %mul3A_587 = arith.muli %add3A_585, %mul3A_586 : i32
      %dma_wait3A_588 = tpu.memref_slice %arg11[%mul3A_587] : memref<10000xi32, #tpu.memory_space<vmem>> -> memref<80xi32, #tpu.memory_space<vmem>>
      %dma_wait3A_589 = arith.constant 0 : i32
      %dma_wait3A_590 = arith.constant 0 : i32
      %dma_wait3A_591 = tpu.memref_slice %arg3[%dma_wait3A_589, %dma_wait3A_590] : memref<10000x128xf32, #tpu.memory_space<hbm>> -> memref<10000x128xf32, #tpu.memory_space<hbm>>
      tpu.wait_indirect_dma semaphore(%arg18 : memref<!tpu.dma_semaphore, #tpu.memory_space<semaphore_mem>>) src(%dma_wait3A_591 : memref<10000x128xf32, #tpu.memory_space<hbm>>) dst(%arg14 : memref<80x128xf32, #tpu.memory_space<vmem>>)
      %mul3A_592 = arith.constant 80 : i32
      %mul3A_593 = arith.muli %add3A_585, %mul3A_592 : i32
      "tpu.region"() ({
        %run_scoped3A = tpu.sem_alloc : memref<!tpu.dma_semaphore, #tpu.memory_space<semaphore_mem>>
        %dma_start3A_602 = tpu.memref_slice %arg10[%mul3A_593] : memref<10000xi32, #tpu.memory_space<vmem>> -> memref<80xi32, #tpu.memory_space<vmem>>
        %dma_start3A_603 = arith.constant 0 : i32
        %dma_start3A_604 = arith.constant 0 : i32
        %dma_start3A_605 = tpu.memref_slice %arg9[%dma_start3A_603, %dma_start3A_604] : memref<10000x128xf32, #tpu.memory_space<vmem_shared>> -> memref<10000x128xf32, #tpu.memory_space<vmem_shared>>
        tpu.enqueue_indirect_dma source(%arg14 : memref<80x128xf32, #tpu.memory_space<vmem>>) target(%dma_start3A_605 : memref<10000x128xf32, #tpu.memory_space<vmem_shared>>) offsets(%dma_start3A_602 : memref<80xi32, #tpu.memory_space<vmem>>) semaphore(%run_scoped3A : memref<!tpu.dma_semaphore, #tpu.memory_space<semaphore_mem>>) {add = true}
        %dma_wait3A_606 = tpu.memref_slice %arg10[%mul3A_593] : memref<10000xi32, #tpu.memory_space<vmem>> -> memref<80xi32, #tpu.memory_space<vmem>>
        %dma_wait3A_607 = arith.constant 0 : i32
        %dma_wait3A_608 = arith.constant 0 : i32
        %dma_wait3A_609 = tpu.memref_slice %arg9[%dma_wait3A_607, %dma_wait3A_608] : memref<10000x128xf32, #tpu.memory_space<vmem_shared>> -> memref<10000x128xf32, #tpu.memory_space<vmem_shared>>
        tpu.wait_indirect_dma semaphore(%run_scoped3A : memref<!tpu.dma_semaphore, #tpu.memory_space<semaphore_mem>>) src(%arg14 : memref<80x128xf32, #tpu.memory_space<vmem>>) dst(%dma_wait3A_609 : memref<10000x128xf32, #tpu.memory_space<vmem_shared>>)
        tpu.yield
      }) : () -> ()
      %add3A_594 = arith.constant 3 : i32
      %add3A_595 = arith.addi %add3A_585, %add3A_594 : i32
      %lt3A_596 = arith.constant 125 : i32
      %lt3A_597 = arith.cmpi slt, %add3A_595, %lt3A_596 : i32
      %convert_element_type3A_598 = arith.extui %lt3A_597 : i1 to i32
      %cond3A_599 = arith.constant 0 : i32
      %cond3A_600 = arith.cmpi ne, %convert_element_type3A_598, %cond3A_599 : i32
      scf.if %cond3A_600 {
        %mul3A_602 = arith.constant 80 : i32
        %mul3A_603 = arith.muli %add3A_595, %mul3A_602 : i32
        %dma_start3A_604 = tpu.memref_slice %arg11[%mul3A_603] : memref<10000xi32, #tpu.memory_space<vmem>> -> memref<80xi32, #tpu.memory_space<vmem>>
        %dma_start3A_605 = arith.constant 0 : i32
        %dma_start3A_606 = arith.constant 0 : i32
        %dma_start3A_607 = tpu.memref_slice %arg3[%dma_start3A_605, %dma_start3A_606] : memref<10000x128xf32, #tpu.memory_space<hbm>> -> memref<10000x128xf32, #tpu.memory_space<hbm>>
        tpu.enqueue_indirect_dma source(%dma_start3A_607 : memref<10000x128xf32, #tpu.memory_space<hbm>>) target(%arg14 : memref<80x128xf32, #tpu.memory_space<vmem>>) offsets(%dma_start3A_604 : memref<80xi32, #tpu.memory_space<vmem>>) semaphore(%arg18 : memref<!tpu.dma_semaphore, #tpu.memory_space<semaphore_mem>>)
      } else {
      }
      %scan3A_601 = arith.constant 0 : i32
      scf.yield %scan3A_601 : i32
    }
    %scan3A_273 = arith.constant 41 : i32
    %dma_wait3A_274 = arith.constant 9840 : i32
    %dma_wait3A_275 = tpu.memref_slice %arg11[%dma_wait3A_274] : memref<10000xi32, #tpu.memory_space<vmem>> -> memref<80xi32, #tpu.memory_space<vmem>>
    %dma_wait3A_276 = arith.constant 0 : i32
    %dma_wait3A_277 = arith.constant 0 : i32
    %dma_wait3A_278 = tpu.memref_slice %arg3[%dma_wait3A_276, %dma_wait3A_277] : memref<10000x128xf32, #tpu.memory_space<hbm>> -> memref<10000x128xf32, #tpu.memory_space<hbm>>
    tpu.wait_indirect_dma semaphore(%arg16 : memref<!tpu.dma_semaphore, #tpu.memory_space<semaphore_mem>>) src(%dma_wait3A_278 : memref<10000x128xf32, #tpu.memory_space<hbm>>) dst(%arg12 : memref<80x128xf32, #tpu.memory_space<vmem>>)
    "tpu.region"() ({
      %run_scoped3A = tpu.sem_alloc : memref<!tpu.dma_semaphore, #tpu.memory_space<semaphore_mem>>
      %dma_start3A_542 = arith.constant 9840 : i32
      %dma_start3A_543 = tpu.memref_slice %arg10[%dma_start3A_542] : memref<10000xi32, #tpu.memory_space<vmem>> -> memref<80xi32, #tpu.memory_space<vmem>>
      %dma_start3A_544 = arith.constant 0 : i32
      %dma_start3A_545 = arith.constant 0 : i32
      %dma_start3A_546 = tpu.memref_slice %arg9[%dma_start3A_544, %dma_start3A_545] : memref<10000x128xf32, #tpu.memory_space<vmem_shared>> -> memref<10000x128xf32, #tpu.memory_space<vmem_shared>>
      tpu.enqueue_indirect_dma source(%arg12 : memref<80x128xf32, #tpu.memory_space<vmem>>) target(%dma_start3A_546 : memref<10000x128xf32, #tpu.memory_space<vmem_shared>>) offsets(%dma_start3A_543 : memref<80xi32, #tpu.memory_space<vmem>>) semaphore(%run_scoped3A : memref<!tpu.dma_semaphore, #tpu.memory_space<semaphore_mem>>) {add = true}
      %dma_wait3A_547 = arith.constant 9840 : i32
      %dma_wait3A_548 = tpu.memref_slice %arg10[%dma_wait3A_547] : memref<10000xi32, #tpu.memory_space<vmem>> -> memref<80xi32, #tpu.memory_space<vmem>>
      %dma_wait3A_549 = arith.constant 0 : i32
      %dma_wait3A_550 = arith.constant 0 : i32
      %dma_wait3A_551 = tpu.memref_slice %arg9[%dma_wait3A_549, %dma_wait3A_550] : memref<10000x128xf32, #tpu.memory_space<vmem_shared>> -> memref<10000x128xf32, #tpu.memory_space<vmem_shared>>
      tpu.wait_indirect_dma semaphore(%run_scoped3A : memref<!tpu.dma_semaphore, #tpu.memory_space<semaphore_mem>>) src(%arg12 : memref<80x128xf32, #tpu.memory_space<vmem>>) dst(%dma_wait3A_551 : memref<10000x128xf32, #tpu.memory_space<vmem_shared>>)
      tpu.yield
    }) : () -> ()
    %dma_wait3A_279 = arith.constant 9920 : i32
    %dma_wait3A_280 = tpu.memref_slice %arg11[%dma_wait3A_279] : memref<10000xi32, #tpu.memory_space<vmem>> -> memref<80xi32, #tpu.memory_space<vmem>>
    %dma_wait3A_281 = arith.constant 0 : i32
    %dma_wait3A_282 = arith.constant 0 : i32
    %dma_wait3A_283 = tpu.memref_slice %arg3[%dma_wait3A_281, %dma_wait3A_282] : memref<10000x128xf32, #tpu.memory_space<hbm>> -> memref<10000x128xf32, #tpu.memory_space<hbm>>
    tpu.wait_indirect_dma semaphore(%arg17 : memref<!tpu.dma_semaphore, #tpu.memory_space<semaphore_mem>>) src(%dma_wait3A_283 : memref<10000x128xf32, #tpu.memory_space<hbm>>) dst(%arg13 : memref<80x128xf32, #tpu.memory_space<vmem>>)
    "tpu.region"() ({
      %run_scoped3A = tpu.sem_alloc : memref<!tpu.dma_semaphore, #tpu.memory_space<semaphore_mem>>
      %dma_start3A_542 = arith.constant 9920 : i32
      %dma_start3A_543 = tpu.memref_slice %arg10[%dma_start3A_542] : memref<10000xi32, #tpu.memory_space<vmem>> -> memref<80xi32, #tpu.memory_space<vmem>>
      %dma_start3A_544 = arith.constant 0 : i32
      %dma_start3A_545 = arith.constant 0 : i32
      %dma_start3A_546 = tpu.memref_slice %arg9[%dma_start3A_544, %dma_start3A_545] : memref<10000x128xf32, #tpu.memory_space<vmem_shared>> -> memref<10000x128xf32, #tpu.memory_space<vmem_shared>>
      tpu.enqueue_indirect_dma source(%arg13 : memref<80x128xf32, #tpu.memory_space<vmem>>) target(%dma_start3A_546 : memref<10000x128xf32, #tpu.memory_space<vmem_shared>>) offsets(%dma_start3A_543 : memref<80xi32, #tpu.memory_space<vmem>>) semaphore(%run_scoped3A : memref<!tpu.dma_semaphore, #tpu.memory_space<semaphore_mem>>) {add = true}
      %dma_wait3A_547 = arith.constant 9920 : i32
      %dma_wait3A_548 = tpu.memref_slice %arg10[%dma_wait3A_547] : memref<10000xi32, #tpu.memory_space<vmem>> -> memref<80xi32, #tpu.memory_space<vmem>>
      %dma_wait3A_549 = arith.constant 0 : i32
      %dma_wait3A_550 = arith.constant 0 : i32
      %dma_wait3A_551 = tpu.memref_slice %arg9[%dma_wait3A_549, %dma_wait3A_550] : memref<10000x128xf32, #tpu.memory_space<vmem_shared>> -> memref<10000x128xf32, #tpu.memory_space<vmem_shared>>
      tpu.wait_indirect_dma semaphore(%run_scoped3A : memref<!tpu.dma_semaphore, #tpu.memory_space<semaphore_mem>>) src(%arg13 : memref<80x128xf32, #tpu.memory_space<vmem>>) dst(%dma_wait3A_551 : memref<10000x128xf32, #tpu.memory_space<vmem_shared>>)
      tpu.yield
    }) : () -> ()
    %barrier3A_284 = arith.constant 0 : index
    tpu.barrier barrier_id(%barrier3A_284)
    %add3A_285 = arith.constant 0 : i32
    %add3A_286 = arith.addi %arg1, %add3A_285 : i32
    %lt3A_287 = arith.constant 125 : i32
    %lt3A_288 = arith.cmpi slt, %add3A_286, %lt3A_287 : i32
    %convert_element_type3A_289 = arith.extui %lt3A_288 : i1 to i32
    %cond3A_290 = arith.constant 0 : i32
    %cond3A_291 = arith.cmpi ne, %convert_element_type3A_289, %cond3A_290 : i32
    scf.if %cond3A_291 {
      %mul3A_542 = arith.constant 80 : i32
      %mul3A_543 = arith.muli %add3A_286, %mul3A_542 : i32
      "tpu.region"() ({
        %run_scoped3A = tpu.sem_alloc : memref<!tpu.dma_semaphore, #tpu.memory_space<semaphore_mem>>
        %dma_start3A_551 = arith.constant 0 : i32
        %dma_start3A_552 = tpu.memref_slice %arg9[%mul3A_543, %dma_start3A_551] : memref<10000x128xf32, #tpu.memory_space<vmem_shared>> -> memref<80x128xf32, #tpu.memory_space<vmem_shared>>
        %dma_start3A_553 = arith.constant 0 : i32
        %dma_start3A_554 = tpu.memref_slice %arg9[%mul3A_543, %dma_start3A_553] : memref<10000x128xf32, #tpu.memory_space<vmem_shared>> -> memref<80x128xf32, #tpu.memory_space<vmem_shared>>
        tpu.enqueue_dma source(%dma_start3A_554 : memref<80x128xf32, #tpu.memory_space<vmem_shared>>) target(%arg12 : memref<80x128xf32, #tpu.memory_space<vmem>>) target_semaphore(%run_scoped3A : memref<!tpu.dma_semaphore, #tpu.memory_space<semaphore_mem>>)
        %dma_wait3A_555 = arith.constant 0 : i32
        %dma_wait3A_556 = tpu.memref_slice %arg9[%mul3A_543, %dma_wait3A_555] : memref<10000x128xf32, #tpu.memory_space<vmem_shared>> -> memref<80x128xf32, #tpu.memory_space<vmem_shared>>
        %dma_wait3A_557 = arith.constant 0 : i32
        %dma_wait3A_558 = tpu.memref_slice %arg9[%mul3A_543, %dma_wait3A_557] : memref<10000x128xf32, #tpu.memory_space<vmem_shared>> -> memref<80x128xf32, #tpu.memory_space<vmem_shared>>
        tpu.wait_dma2 semaphore(%run_scoped3A : memref<!tpu.dma_semaphore, #tpu.memory_space<semaphore_mem>>) src(%dma_wait3A_558 : memref<80x128xf32, #tpu.memory_space<vmem_shared>>) dst(%arg12 : memref<80x128xf32, #tpu.memory_space<vmem>>)
        tpu.yield
      }) : () -> ()
      %dma_start3A_544 = arith.constant 1 : i32
      %dma_start3A_545 = arith.constant 0 : i32
      %dma_start3A_546 = tpu.memref_slice %arg8[%dma_start3A_544, %arg0, %mul3A_543, %dma_start3A_545] : memref<3x2x10000x128xf32, #tpu.memory_space<hbm>> -> memref<1x1x80x128xf32, #tpu.memory_space<hbm>>
      %dma_start3A_547 = tpu.memref_squeeze %dma_start3A_546 : memref<1x1x80x128xf32, #tpu.memory_space<hbm>> -> memref<80x128xf32, #tpu.memory_space<hbm>>
      %dma_start3A_548 = arith.constant 0 : i32
      %dma_start3A_549 = tpu.memref_slice %arg8[%dma_start3A_544, %arg0, %mul3A_543, %dma_start3A_548] : memref<3x2x10000x128xf32, #tpu.memory_space<hbm>> -> memref<1x1x80x128xf32, #tpu.memory_space<hbm>>
      %dma_start3A_550 = tpu.memref_squeeze %dma_start3A_549 : memref<1x1x80x128xf32, #tpu.memory_space<hbm>> -> memref<80x128xf32, #tpu.memory_space<hbm>>
      tpu.enqueue_dma source(%arg12 : memref<80x128xf32, #tpu.memory_space<vmem>>) target(%dma_start3A_550 : memref<80x128xf32, #tpu.memory_space<hbm>>) target_semaphore(%arg16 : memref<!tpu.dma_semaphore, #tpu.memory_space<semaphore_mem>>)
    } else {
    }
    %add3A_292 = arith.constant 16 : i32
    %add3A_293 = arith.addi %arg1, %add3A_292 : i32
    %lt3A_294 = arith.constant 125 : i32
    %lt3A_295 = arith.cmpi slt, %add3A_293, %lt3A_294 : i32
    %convert_element_type3A_296 = arith.extui %lt3A_295 : i1 to i32
    %cond3A_297 = arith.constant 0 : i32
    %cond3A_298 = arith.cmpi ne, %convert_element_type3A_296, %cond3A_297 : i32
    scf.if %cond3A_298 {
      %mul3A_542 = arith.constant 80 : i32
      %mul3A_543 = arith.muli %add3A_293, %mul3A_542 : i32
      "tpu.region"() ({
        %run_scoped3A = tpu.sem_alloc : memref<!tpu.dma_semaphore, #tpu.memory_space<semaphore_mem>>
        %dma_start3A_551 = arith.constant 0 : i32
        %dma_start3A_552 = tpu.memref_slice %arg9[%mul3A_543, %dma_start3A_551] : memref<10000x128xf32, #tpu.memory_space<vmem_shared>> -> memref<80x128xf32, #tpu.memory_space<vmem_shared>>
        %dma_start3A_553 = arith.constant 0 : i32
        %dma_start3A_554 = tpu.memref_slice %arg9[%mul3A_543, %dma_start3A_553] : memref<10000x128xf32, #tpu.memory_space<vmem_shared>> -> memref<80x128xf32, #tpu.memory_space<vmem_shared>>
        tpu.enqueue_dma source(%dma_start3A_554 : memref<80x128xf32, #tpu.memory_space<vmem_shared>>) target(%arg13 : memref<80x128xf32, #tpu.memory_space<vmem>>) target_semaphore(%run_scoped3A : memref<!tpu.dma_semaphore, #tpu.memory_space<semaphore_mem>>)
        %dma_wait3A_555 = arith.constant 0 : i32
        %dma_wait3A_556 = tpu.memref_slice %arg9[%mul3A_543, %dma_wait3A_555] : memref<10000x128xf32, #tpu.memory_space<vmem_shared>> -> memref<80x128xf32, #tpu.memory_space<vmem_shared>>
        %dma_wait3A_557 = arith.constant 0 : i32
        %dma_wait3A_558 = tpu.memref_slice %arg9[%mul3A_543, %dma_wait3A_557] : memref<10000x128xf32, #tpu.memory_space<vmem_shared>> -> memref<80x128xf32, #tpu.memory_space<vmem_shared>>
        tpu.wait_dma2 semaphore(%run_scoped3A : memref<!tpu.dma_semaphore, #tpu.memory_space<semaphore_mem>>) src(%dma_wait3A_558 : memref<80x128xf32, #tpu.memory_space<vmem_shared>>) dst(%arg13 : memref<80x128xf32, #tpu.memory_space<vmem>>)
        tpu.yield
      }) : () -> ()
      %dma_start3A_544 = arith.constant 1 : i32
      %dma_start3A_545 = arith.constant 0 : i32
      %dma_start3A_546 = tpu.memref_slice %arg8[%dma_start3A_544, %arg0, %mul3A_543, %dma_start3A_545] : memref<3x2x10000x128xf32, #tpu.memory_space<hbm>> -> memref<1x1x80x128xf32, #tpu.memory_space<hbm>>
      %dma_start3A_547 = tpu.memref_squeeze %dma_start3A_546 : memref<1x1x80x128xf32, #tpu.memory_space<hbm>> -> memref<80x128xf32, #tpu.memory_space<hbm>>
      %dma_start3A_548 = arith.constant 0 : i32
      %dma_start3A_549 = tpu.memref_slice %arg8[%dma_start3A_544, %arg0, %mul3A_543, %dma_start3A_548] : memref<3x2x10000x128xf32, #tpu.memory_space<hbm>> -> memref<1x1x80x128xf32, #tpu.memory_space<hbm>>
      %dma_start3A_550 = tpu.memref_squeeze %dma_start3A_549 : memref<1x1x80x128xf32, #tpu.memory_space<hbm>> -> memref<80x128xf32, #tpu.memory_space<hbm>>
      tpu.enqueue_dma source(%arg13 : memref<80x128xf32, #tpu.memory_space<vmem>>) target(%dma_start3A_550 : memref<80x128xf32, #tpu.memory_space<hbm>>) target_semaphore(%arg17 : memref<!tpu.dma_semaphore, #tpu.memory_space<semaphore_mem>>)
    } else {
    }
    %add3A_299 = arith.constant 32 : i32
    %add3A_300 = arith.addi %arg1, %add3A_299 : i32
    %lt3A_301 = arith.constant 125 : i32
    %lt3A_302 = arith.cmpi slt, %add3A_300, %lt3A_301 : i32
    %convert_element_type3A_303 = arith.extui %lt3A_302 : i1 to i32
    %cond3A_304 = arith.constant 0 : i32
    %cond3A_305 = arith.cmpi ne, %convert_element_type3A_303, %cond3A_304 : i32
    scf.if %cond3A_305 {
      %mul3A_542 = arith.constant 80 : i32
      %mul3A_543 = arith.muli %add3A_300, %mul3A_542 : i32
      %dma_wait3A_544 = arith.constant 1 : i32
      %dma_wait3A_545 = arith.constant 0 : i32
      %dma_wait3A_546 = tpu.memref_slice %arg8[%dma_wait3A_544, %arg0, %mul3A_543, %dma_wait3A_545] : memref<3x2x10000x128xf32, #tpu.memory_space<hbm>> -> memref<1x1x80x128xf32, #tpu.memory_space<hbm>>
      %dma_wait3A_547 = tpu.memref_squeeze %dma_wait3A_546 : memref<1x1x80x128xf32, #tpu.memory_space<hbm>> -> memref<80x128xf32, #tpu.memory_space<hbm>>
      %dma_wait3A_548 = arith.constant 0 : i32
      %dma_wait3A_549 = tpu.memref_slice %arg8[%dma_wait3A_544, %arg0, %mul3A_543, %dma_wait3A_548] : memref<3x2x10000x128xf32, #tpu.memory_space<hbm>> -> memref<1x1x80x128xf32, #tpu.memory_space<hbm>>
      %dma_wait3A_550 = tpu.memref_squeeze %dma_wait3A_549 : memref<1x1x80x128xf32, #tpu.memory_space<hbm>> -> memref<80x128xf32, #tpu.memory_space<hbm>>
      tpu.wait_dma2 semaphore(%arg16 : memref<!tpu.dma_semaphore, #tpu.memory_space<semaphore_mem>>) src(%arg12 : memref<80x128xf32, #tpu.memory_space<vmem>>) dst(%dma_wait3A_550 : memref<80x128xf32, #tpu.memory_space<hbm>>)
      "tpu.region"() ({
        %run_scoped3A = tpu.sem_alloc : memref<!tpu.dma_semaphore, #tpu.memory_space<semaphore_mem>>
        %dma_start3A_558 = arith.constant 0 : i32
        %dma_start3A_559 = tpu.memref_slice %arg9[%mul3A_543, %dma_start3A_558] : memref<10000x128xf32, #tpu.memory_space<vmem_shared>> -> memref<80x128xf32, #tpu.memory_space<vmem_shared>>
        %dma_start3A_560 = arith.constant 0 : i32
        %dma_start3A_561 = tpu.memref_slice %arg9[%mul3A_543, %dma_start3A_560] : memref<10000x128xf32, #tpu.memory_space<vmem_shared>> -> memref<80x128xf32, #tpu.memory_space<vmem_shared>>
        tpu.enqueue_dma source(%dma_start3A_561 : memref<80x128xf32, #tpu.memory_space<vmem_shared>>) target(%arg12 : memref<80x128xf32, #tpu.memory_space<vmem>>) target_semaphore(%run_scoped3A : memref<!tpu.dma_semaphore, #tpu.memory_space<semaphore_mem>>)
        %dma_wait3A_562 = arith.constant 0 : i32
        %dma_wait3A_563 = tpu.memref_slice %arg9[%mul3A_543, %dma_wait3A_562] : memref<10000x128xf32, #tpu.memory_space<vmem_shared>> -> memref<80x128xf32, #tpu.memory_space<vmem_shared>>
        %dma_wait3A_564 = arith.constant 0 : i32
        %dma_wait3A_565 = tpu.memref_slice %arg9[%mul3A_543, %dma_wait3A_564] : memref<10000x128xf32, #tpu.memory_space<vmem_shared>> -> memref<80x128xf32, #tpu.memory_space<vmem_shared>>
        tpu.wait_dma2 semaphore(%run_scoped3A : memref<!tpu.dma_semaphore, #tpu.memory_space<semaphore_mem>>) src(%dma_wait3A_565 : memref<80x128xf32, #tpu.memory_space<vmem_shared>>) dst(%arg12 : memref<80x128xf32, #tpu.memory_space<vmem>>)
        tpu.yield
      }) : () -> ()
      %dma_start3A_551 = arith.constant 1 : i32
      %dma_start3A_552 = arith.constant 0 : i32
      %dma_start3A_553 = tpu.memref_slice %arg8[%dma_start3A_551, %arg0, %mul3A_543, %dma_start3A_552] : memref<3x2x10000x128xf32, #tpu.memory_space<hbm>> -> memref<1x1x80x128xf32, #tpu.memory_space<hbm>>
      %dma_start3A_554 = tpu.memref_squeeze %dma_start3A_553 : memref<1x1x80x128xf32, #tpu.memory_space<hbm>> -> memref<80x128xf32, #tpu.memory_space<hbm>>
      %dma_start3A_555 = arith.constant 0 : i32
      %dma_start3A_556 = tpu.memref_slice %arg8[%dma_start3A_551, %arg0, %mul3A_543, %dma_start3A_555] : memref<3x2x10000x128xf32, #tpu.memory_space<hbm>> -> memref<1x1x80x128xf32, #tpu.memory_space<hbm>>
      %dma_start3A_557 = tpu.memref_squeeze %dma_start3A_556 : memref<1x1x80x128xf32, #tpu.memory_space<hbm>> -> memref<80x128xf32, #tpu.memory_space<hbm>>
      tpu.enqueue_dma source(%arg12 : memref<80x128xf32, #tpu.memory_space<vmem>>) target(%dma_start3A_557 : memref<80x128xf32, #tpu.memory_space<hbm>>) target_semaphore(%arg16 : memref<!tpu.dma_semaphore, #tpu.memory_space<semaphore_mem>>)
    } else {
    }
    %add3A_306 = arith.constant 48 : i32
    %add3A_307 = arith.addi %arg1, %add3A_306 : i32
    %lt3A_308 = arith.constant 125 : i32
    %lt3A_309 = arith.cmpi slt, %add3A_307, %lt3A_308 : i32
    %convert_element_type3A_310 = arith.extui %lt3A_309 : i1 to i32
    %cond3A_311 = arith.constant 0 : i32
    %cond3A_312 = arith.cmpi ne, %convert_element_type3A_310, %cond3A_311 : i32
    scf.if %cond3A_312 {
      %mul3A_542 = arith.constant 80 : i32
      %mul3A_543 = arith.muli %add3A_307, %mul3A_542 : i32
      %dma_wait3A_544 = arith.constant 1 : i32
      %dma_wait3A_545 = arith.constant 0 : i32
      %dma_wait3A_546 = tpu.memref_slice %arg8[%dma_wait3A_544, %arg0, %mul3A_543, %dma_wait3A_545] : memref<3x2x10000x128xf32, #tpu.memory_space<hbm>> -> memref<1x1x80x128xf32, #tpu.memory_space<hbm>>
      %dma_wait3A_547 = tpu.memref_squeeze %dma_wait3A_546 : memref<1x1x80x128xf32, #tpu.memory_space<hbm>> -> memref<80x128xf32, #tpu.memory_space<hbm>>
      %dma_wait3A_548 = arith.constant 0 : i32
      %dma_wait3A_549 = tpu.memref_slice %arg8[%dma_wait3A_544, %arg0, %mul3A_543, %dma_wait3A_548] : memref<3x2x10000x128xf32, #tpu.memory_space<hbm>> -> memref<1x1x80x128xf32, #tpu.memory_space<hbm>>
      %dma_wait3A_550 = tpu.memref_squeeze %dma_wait3A_549 : memref<1x1x80x128xf32, #tpu.memory_space<hbm>> -> memref<80x128xf32, #tpu.memory_space<hbm>>
      tpu.wait_dma2 semaphore(%arg17 : memref<!tpu.dma_semaphore, #tpu.memory_space<semaphore_mem>>) src(%arg13 : memref<80x128xf32, #tpu.memory_space<vmem>>) dst(%dma_wait3A_550 : memref<80x128xf32, #tpu.memory_space<hbm>>)
      "tpu.region"() ({
        %run_scoped3A = tpu.sem_alloc : memref<!tpu.dma_semaphore, #tpu.memory_space<semaphore_mem>>
        %dma_start3A_558 = arith.constant 0 : i32
        %dma_start3A_559 = tpu.memref_slice %arg9[%mul3A_543, %dma_start3A_558] : memref<10000x128xf32, #tpu.memory_space<vmem_shared>> -> memref<80x128xf32, #tpu.memory_space<vmem_shared>>
        %dma_start3A_560 = arith.constant 0 : i32
        %dma_start3A_561 = tpu.memref_slice %arg9[%mul3A_543, %dma_start3A_560] : memref<10000x128xf32, #tpu.memory_space<vmem_shared>> -> memref<80x128xf32, #tpu.memory_space<vmem_shared>>
        tpu.enqueue_dma source(%dma_start3A_561 : memref<80x128xf32, #tpu.memory_space<vmem_shared>>) target(%arg13 : memref<80x128xf32, #tpu.memory_space<vmem>>) target_semaphore(%run_scoped3A : memref<!tpu.dma_semaphore, #tpu.memory_space<semaphore_mem>>)
        %dma_wait3A_562 = arith.constant 0 : i32
        %dma_wait3A_563 = tpu.memref_slice %arg9[%mul3A_543, %dma_wait3A_562] : memref<10000x128xf32, #tpu.memory_space<vmem_shared>> -> memref<80x128xf32, #tpu.memory_space<vmem_shared>>
        %dma_wait3A_564 = arith.constant 0 : i32
        %dma_wait3A_565 = tpu.memref_slice %arg9[%mul3A_543, %dma_wait3A_564] : memref<10000x128xf32, #tpu.memory_space<vmem_shared>> -> memref<80x128xf32, #tpu.memory_space<vmem_shared>>
        tpu.wait_dma2 semaphore(%run_scoped3A : memref<!tpu.dma_semaphore, #tpu.memory_space<semaphore_mem>>) src(%dma_wait3A_565 : memref<80x128xf32, #tpu.memory_space<vmem_shared>>) dst(%arg13 : memref<80x128xf32, #tpu.memory_space<vmem>>)
        tpu.yield
      }) : () -> ()
      %dma_start3A_551 = arith.constant 1 : i32
      %dma_start3A_552 = arith.constant 0 : i32
      %dma_start3A_553 = tpu.memref_slice %arg8[%dma_start3A_551, %arg0, %mul3A_543, %dma_start3A_552] : memref<3x2x10000x128xf32, #tpu.memory_space<hbm>> -> memref<1x1x80x128xf32, #tpu.memory_space<hbm>>
      %dma_start3A_554 = tpu.memref_squeeze %dma_start3A_553 : memref<1x1x80x128xf32, #tpu.memory_space<hbm>> -> memref<80x128xf32, #tpu.memory_space<hbm>>
      %dma_start3A_555 = arith.constant 0 : i32
      %dma_start3A_556 = tpu.memref_slice %arg8[%dma_start3A_551, %arg0, %mul3A_543, %dma_start3A_555] : memref<3x2x10000x128xf32, #tpu.memory_space<hbm>> -> memref<1x1x80x128xf32, #tpu.memory_space<hbm>>
      %dma_start3A_557 = tpu.memref_squeeze %dma_start3A_556 : memref<1x1x80x128xf32, #tpu.memory_space<hbm>> -> memref<80x128xf32, #tpu.memory_space<hbm>>
      tpu.enqueue_dma source(%arg13 : memref<80x128xf32, #tpu.memory_space<vmem>>) target(%dma_start3A_557 : memref<80x128xf32, #tpu.memory_space<hbm>>) target_semaphore(%arg17 : memref<!tpu.dma_semaphore, #tpu.memory_space<semaphore_mem>>)
    } else {
    }
    %add3A_313 = arith.constant 64 : i32
    %add3A_314 = arith.addi %arg1, %add3A_313 : i32
    %lt3A_315 = arith.constant 125 : i32
    %lt3A_316 = arith.cmpi slt, %add3A_314, %lt3A_315 : i32
    %convert_element_type3A_317 = arith.extui %lt3A_316 : i1 to i32
    %cond3A_318 = arith.constant 0 : i32
    %cond3A_319 = arith.cmpi ne, %convert_element_type3A_317, %cond3A_318 : i32
    scf.if %cond3A_319 {
      %mul3A_542 = arith.constant 80 : i32
      %mul3A_543 = arith.muli %add3A_314, %mul3A_542 : i32
      %dma_wait3A_544 = arith.constant 1 : i32
      %dma_wait3A_545 = arith.constant 0 : i32
      %dma_wait3A_546 = tpu.memref_slice %arg8[%dma_wait3A_544, %arg0, %mul3A_543, %dma_wait3A_545] : memref<3x2x10000x128xf32, #tpu.memory_space<hbm>> -> memref<1x1x80x128xf32, #tpu.memory_space<hbm>>
      %dma_wait3A_547 = tpu.memref_squeeze %dma_wait3A_546 : memref<1x1x80x128xf32, #tpu.memory_space<hbm>> -> memref<80x128xf32, #tpu.memory_space<hbm>>
      %dma_wait3A_548 = arith.constant 0 : i32
      %dma_wait3A_549 = tpu.memref_slice %arg8[%dma_wait3A_544, %arg0, %mul3A_543, %dma_wait3A_548] : memref<3x2x10000x128xf32, #tpu.memory_space<hbm>> -> memref<1x1x80x128xf32, #tpu.memory_space<hbm>>
      %dma_wait3A_550 = tpu.memref_squeeze %dma_wait3A_549 : memref<1x1x80x128xf32, #tpu.memory_space<hbm>> -> memref<80x128xf32, #tpu.memory_space<hbm>>
      tpu.wait_dma2 semaphore(%arg16 : memref<!tpu.dma_semaphore, #tpu.memory_space<semaphore_mem>>) src(%arg12 : memref<80x128xf32, #tpu.memory_space<vmem>>) dst(%dma_wait3A_550 : memref<80x128xf32, #tpu.memory_space<hbm>>)
      "tpu.region"() ({
        %run_scoped3A = tpu.sem_alloc : memref<!tpu.dma_semaphore, #tpu.memory_space<semaphore_mem>>
        %dma_start3A_558 = arith.constant 0 : i32
        %dma_start3A_559 = tpu.memref_slice %arg9[%mul3A_543, %dma_start3A_558] : memref<10000x128xf32, #tpu.memory_space<vmem_shared>> -> memref<80x128xf32, #tpu.memory_space<vmem_shared>>
        %dma_start3A_560 = arith.constant 0 : i32
        %dma_start3A_561 = tpu.memref_slice %arg9[%mul3A_543, %dma_start3A_560] : memref<10000x128xf32, #tpu.memory_space<vmem_shared>> -> memref<80x128xf32, #tpu.memory_space<vmem_shared>>
        tpu.enqueue_dma source(%dma_start3A_561 : memref<80x128xf32, #tpu.memory_space<vmem_shared>>) target(%arg12 : memref<80x128xf32, #tpu.memory_space<vmem>>) target_semaphore(%run_scoped3A : memref<!tpu.dma_semaphore, #tpu.memory_space<semaphore_mem>>)
        %dma_wait3A_562 = arith.constant 0 : i32
        %dma_wait3A_563 = tpu.memref_slice %arg9[%mul3A_543, %dma_wait3A_562] : memref<10000x128xf32, #tpu.memory_space<vmem_shared>> -> memref<80x128xf32, #tpu.memory_space<vmem_shared>>
        %dma_wait3A_564 = arith.constant 0 : i32
        %dma_wait3A_565 = tpu.memref_slice %arg9[%mul3A_543, %dma_wait3A_564] : memref<10000x128xf32, #tpu.memory_space<vmem_shared>> -> memref<80x128xf32, #tpu.memory_space<vmem_shared>>
        tpu.wait_dma2 semaphore(%run_scoped3A : memref<!tpu.dma_semaphore, #tpu.memory_space<semaphore_mem>>) src(%dma_wait3A_565 : memref<80x128xf32, #tpu.memory_space<vmem_shared>>) dst(%arg12 : memref<80x128xf32, #tpu.memory_space<vmem>>)
        tpu.yield
      }) : () -> ()
      %dma_start3A_551 = arith.constant 1 : i32
      %dma_start3A_552 = arith.constant 0 : i32
      %dma_start3A_553 = tpu.memref_slice %arg8[%dma_start3A_551, %arg0, %mul3A_543, %dma_start3A_552] : memref<3x2x10000x128xf32, #tpu.memory_space<hbm>> -> memref<1x1x80x128xf32, #tpu.memory_space<hbm>>
      %dma_start3A_554 = tpu.memref_squeeze %dma_start3A_553 : memref<1x1x80x128xf32, #tpu.memory_space<hbm>> -> memref<80x128xf32, #tpu.memory_space<hbm>>
      %dma_start3A_555 = arith.constant 0 : i32
      %dma_start3A_556 = tpu.memref_slice %arg8[%dma_start3A_551, %arg0, %mul3A_543, %dma_start3A_555] : memref<3x2x10000x128xf32, #tpu.memory_space<hbm>> -> memref<1x1x80x128xf32, #tpu.memory_space<hbm>>
      %dma_start3A_557 = tpu.memref_squeeze %dma_start3A_556 : memref<1x1x80x128xf32, #tpu.memory_space<hbm>> -> memref<80x128xf32, #tpu.memory_space<hbm>>
      tpu.enqueue_dma source(%arg12 : memref<80x128xf32, #tpu.memory_space<vmem>>) target(%dma_start3A_557 : memref<80x128xf32, #tpu.memory_space<hbm>>) target_semaphore(%arg16 : memref<!tpu.dma_semaphore, #tpu.memory_space<semaphore_mem>>)
    } else {
    }
    %add3A_320 = arith.constant 80 : i32
    %add3A_321 = arith.addi %arg1, %add3A_320 : i32
    %lt3A_322 = arith.constant 125 : i32
    %lt3A_323 = arith.cmpi slt, %add3A_321, %lt3A_322 : i32
    %convert_element_type3A_324 = arith.extui %lt3A_323 : i1 to i32
    %cond3A_325 = arith.constant 0 : i32
    %cond3A_326 = arith.cmpi ne, %convert_element_type3A_324, %cond3A_325 : i32
    scf.if %cond3A_326 {
      %mul3A_542 = arith.constant 80 : i32
      %mul3A_543 = arith.muli %add3A_321, %mul3A_542 : i32
      %dma_wait3A_544 = arith.constant 1 : i32
      %dma_wait3A_545 = arith.constant 0 : i32
      %dma_wait3A_546 = tpu.memref_slice %arg8[%dma_wait3A_544, %arg0, %mul3A_543, %dma_wait3A_545] : memref<3x2x10000x128xf32, #tpu.memory_space<hbm>> -> memref<1x1x80x128xf32, #tpu.memory_space<hbm>>
      %dma_wait3A_547 = tpu.memref_squeeze %dma_wait3A_546 : memref<1x1x80x128xf32, #tpu.memory_space<hbm>> -> memref<80x128xf32, #tpu.memory_space<hbm>>
      %dma_wait3A_548 = arith.constant 0 : i32
      %dma_wait3A_549 = tpu.memref_slice %arg8[%dma_wait3A_544, %arg0, %mul3A_543, %dma_wait3A_548] : memref<3x2x10000x128xf32, #tpu.memory_space<hbm>> -> memref<1x1x80x128xf32, #tpu.memory_space<hbm>>
      %dma_wait3A_550 = tpu.memref_squeeze %dma_wait3A_549 : memref<1x1x80x128xf32, #tpu.memory_space<hbm>> -> memref<80x128xf32, #tpu.memory_space<hbm>>
      tpu.wait_dma2 semaphore(%arg17 : memref<!tpu.dma_semaphore, #tpu.memory_space<semaphore_mem>>) src(%arg13 : memref<80x128xf32, #tpu.memory_space<vmem>>) dst(%dma_wait3A_550 : memref<80x128xf32, #tpu.memory_space<hbm>>)
      "tpu.region"() ({
        %run_scoped3A = tpu.sem_alloc : memref<!tpu.dma_semaphore, #tpu.memory_space<semaphore_mem>>
        %dma_start3A_558 = arith.constant 0 : i32
        %dma_start3A_559 = tpu.memref_slice %arg9[%mul3A_543, %dma_start3A_558] : memref<10000x128xf32, #tpu.memory_space<vmem_shared>> -> memref<80x128xf32, #tpu.memory_space<vmem_shared>>
        %dma_start3A_560 = arith.constant 0 : i32
        %dma_start3A_561 = tpu.memref_slice %arg9[%mul3A_543, %dma_start3A_560] : memref<10000x128xf32, #tpu.memory_space<vmem_shared>> -> memref<80x128xf32, #tpu.memory_space<vmem_shared>>
        tpu.enqueue_dma source(%dma_start3A_561 : memref<80x128xf32, #tpu.memory_space<vmem_shared>>) target(%arg13 : memref<80x128xf32, #tpu.memory_space<vmem>>) target_semaphore(%run_scoped3A : memref<!tpu.dma_semaphore, #tpu.memory_space<semaphore_mem>>)
        %dma_wait3A_562 = arith.constant 0 : i32
        %dma_wait3A_563 = tpu.memref_slice %arg9[%mul3A_543, %dma_wait3A_562] : memref<10000x128xf32, #tpu.memory_space<vmem_shared>> -> memref<80x128xf32, #tpu.memory_space<vmem_shared>>
        %dma_wait3A_564 = arith.constant 0 : i32
        %dma_wait3A_565 = tpu.memref_slice %arg9[%mul3A_543, %dma_wait3A_564] : memref<10000x128xf32, #tpu.memory_space<vmem_shared>> -> memref<80x128xf32, #tpu.memory_space<vmem_shared>>
        tpu.wait_dma2 semaphore(%run_scoped3A : memref<!tpu.dma_semaphore, #tpu.memory_space<semaphore_mem>>) src(%dma_wait3A_565 : memref<80x128xf32, #tpu.memory_space<vmem_shared>>) dst(%arg13 : memref<80x128xf32, #tpu.memory_space<vmem>>)
        tpu.yield
      }) : () -> ()
      %dma_start3A_551 = arith.constant 1 : i32
      %dma_start3A_552 = arith.constant 0 : i32
      %dma_start3A_553 = tpu.memref_slice %arg8[%dma_start3A_551, %arg0, %mul3A_543, %dma_start3A_552] : memref<3x2x10000x128xf32, #tpu.memory_space<hbm>> -> memref<1x1x80x128xf32, #tpu.memory_space<hbm>>
      %dma_start3A_554 = tpu.memref_squeeze %dma_start3A_553 : memref<1x1x80x128xf32, #tpu.memory_space<hbm>> -> memref<80x128xf32, #tpu.memory_space<hbm>>
      %dma_start3A_555 = arith.constant 0 : i32
      %dma_start3A_556 = tpu.memref_slice %arg8[%dma_start3A_551, %arg0, %mul3A_543, %dma_start3A_555] : memref<3x2x10000x128xf32, #tpu.memory_space<hbm>> -> memref<1x1x80x128xf32, #tpu.memory_space<hbm>>
      %dma_start3A_557 = tpu.memref_squeeze %dma_start3A_556 : memref<1x1x80x128xf32, #tpu.memory_space<hbm>> -> memref<80x128xf32, #tpu.memory_space<hbm>>
      tpu.enqueue_dma source(%arg13 : memref<80x128xf32, #tpu.memory_space<vmem>>) target(%dma_start3A_557 : memref<80x128xf32, #tpu.memory_space<hbm>>) target_semaphore(%arg17 : memref<!tpu.dma_semaphore, #tpu.memory_space<semaphore_mem>>)
    } else {
    }
    %add3A_327 = arith.constant 96 : i32
    %add3A_328 = arith.addi %arg1, %add3A_327 : i32
    %lt3A_329 = arith.constant 125 : i32
    %lt3A_330 = arith.cmpi slt, %add3A_328, %lt3A_329 : i32
    %convert_element_type3A_331 = arith.extui %lt3A_330 : i1 to i32
    %cond3A_332 = arith.constant 0 : i32
    %cond3A_333 = arith.cmpi ne, %convert_element_type3A_331, %cond3A_332 : i32
    scf.if %cond3A_333 {
      %mul3A_542 = arith.constant 80 : i32
      %mul3A_543 = arith.muli %add3A_328, %mul3A_542 : i32
      %dma_wait3A_544 = arith.constant 1 : i32
      %dma_wait3A_545 = arith.constant 0 : i32
      %dma_wait3A_546 = tpu.memref_slice %arg8[%dma_wait3A_544, %arg0, %mul3A_543, %dma_wait3A_545] : memref<3x2x10000x128xf32, #tpu.memory_space<hbm>> -> memref<1x1x80x128xf32, #tpu.memory_space<hbm>>
      %dma_wait3A_547 = tpu.memref_squeeze %dma_wait3A_546 : memref<1x1x80x128xf32, #tpu.memory_space<hbm>> -> memref<80x128xf32, #tpu.memory_space<hbm>>
      %dma_wait3A_548 = arith.constant 0 : i32
      %dma_wait3A_549 = tpu.memref_slice %arg8[%dma_wait3A_544, %arg0, %mul3A_543, %dma_wait3A_548] : memref<3x2x10000x128xf32, #tpu.memory_space<hbm>> -> memref<1x1x80x128xf32, #tpu.memory_space<hbm>>
      %dma_wait3A_550 = tpu.memref_squeeze %dma_wait3A_549 : memref<1x1x80x128xf32, #tpu.memory_space<hbm>> -> memref<80x128xf32, #tpu.memory_space<hbm>>
      tpu.wait_dma2 semaphore(%arg16 : memref<!tpu.dma_semaphore, #tpu.memory_space<semaphore_mem>>) src(%arg12 : memref<80x128xf32, #tpu.memory_space<vmem>>) dst(%dma_wait3A_550 : memref<80x128xf32, #tpu.memory_space<hbm>>)
      "tpu.region"() ({
        %run_scoped3A = tpu.sem_alloc : memref<!tpu.dma_semaphore, #tpu.memory_space<semaphore_mem>>
        %dma_start3A_558 = arith.constant 0 : i32
        %dma_start3A_559 = tpu.memref_slice %arg9[%mul3A_543, %dma_start3A_558] : memref<10000x128xf32, #tpu.memory_space<vmem_shared>> -> memref<80x128xf32, #tpu.memory_space<vmem_shared>>
        %dma_start3A_560 = arith.constant 0 : i32
        %dma_start3A_561 = tpu.memref_slice %arg9[%mul3A_543, %dma_start3A_560] : memref<10000x128xf32, #tpu.memory_space<vmem_shared>> -> memref<80x128xf32, #tpu.memory_space<vmem_shared>>
        tpu.enqueue_dma source(%dma_start3A_561 : memref<80x128xf32, #tpu.memory_space<vmem_shared>>) target(%arg12 : memref<80x128xf32, #tpu.memory_space<vmem>>) target_semaphore(%run_scoped3A : memref<!tpu.dma_semaphore, #tpu.memory_space<semaphore_mem>>)
        %dma_wait3A_562 = arith.constant 0 : i32
        %dma_wait3A_563 = tpu.memref_slice %arg9[%mul3A_543, %dma_wait3A_562] : memref<10000x128xf32, #tpu.memory_space<vmem_shared>> -> memref<80x128xf32, #tpu.memory_space<vmem_shared>>
        %dma_wait3A_564 = arith.constant 0 : i32
        %dma_wait3A_565 = tpu.memref_slice %arg9[%mul3A_543, %dma_wait3A_564] : memref<10000x128xf32, #tpu.memory_space<vmem_shared>> -> memref<80x128xf32, #tpu.memory_space<vmem_shared>>
        tpu.wait_dma2 semaphore(%run_scoped3A : memref<!tpu.dma_semaphore, #tpu.memory_space<semaphore_mem>>) src(%dma_wait3A_565 : memref<80x128xf32, #tpu.memory_space<vmem_shared>>) dst(%arg12 : memref<80x128xf32, #tpu.memory_space<vmem>>)
        tpu.yield
      }) : () -> ()
      %dma_start3A_551 = arith.constant 1 : i32
      %dma_start3A_552 = arith.constant 0 : i32
      %dma_start3A_553 = tpu.memref_slice %arg8[%dma_start3A_551, %arg0, %mul3A_543, %dma_start3A_552] : memref<3x2x10000x128xf32, #tpu.memory_space<hbm>> -> memref<1x1x80x128xf32, #tpu.memory_space<hbm>>
      %dma_start3A_554 = tpu.memref_squeeze %dma_start3A_553 : memref<1x1x80x128xf32, #tpu.memory_space<hbm>> -> memref<80x128xf32, #tpu.memory_space<hbm>>
      %dma_start3A_555 = arith.constant 0 : i32
      %dma_start3A_556 = tpu.memref_slice %arg8[%dma_start3A_551, %arg0, %mul3A_543, %dma_start3A_555] : memref<3x2x10000x128xf32, #tpu.memory_space<hbm>> -> memref<1x1x80x128xf32, #tpu.memory_space<hbm>>
      %dma_start3A_557 = tpu.memref_squeeze %dma_start3A_556 : memref<1x1x80x128xf32, #tpu.memory_space<hbm>> -> memref<80x128xf32, #tpu.memory_space<hbm>>
      tpu.enqueue_dma source(%arg12 : memref<80x128xf32, #tpu.memory_space<vmem>>) target(%dma_start3A_557 : memref<80x128xf32, #tpu.memory_space<hbm>>) target_semaphore(%arg16 : memref<!tpu.dma_semaphore, #tpu.memory_space<semaphore_mem>>)
    } else {
    }
    %add3A_334 = arith.constant 112 : i32
    %add3A_335 = arith.addi %arg1, %add3A_334 : i32
    %lt3A_336 = arith.constant 125 : i32
    %lt3A_337 = arith.cmpi slt, %add3A_335, %lt3A_336 : i32
    %convert_element_type3A_338 = arith.extui %lt3A_337 : i1 to i32
    %cond3A_339 = arith.constant 0 : i32
    %cond3A_340 = arith.cmpi ne, %convert_element_type3A_338, %cond3A_339 : i32
    scf.if %cond3A_340 {
      %mul3A_542 = arith.constant 80 : i32
      %mul3A_543 = arith.muli %add3A_335, %mul3A_542 : i32
      %dma_wait3A_544 = arith.constant 1 : i32
      %dma_wait3A_545 = arith.constant 0 : i32
      %dma_wait3A_546 = tpu.memref_slice %arg8[%dma_wait3A_544, %arg0, %mul3A_543, %dma_wait3A_545] : memref<3x2x10000x128xf32, #tpu.memory_space<hbm>> -> memref<1x1x80x128xf32, #tpu.memory_space<hbm>>
      %dma_wait3A_547 = tpu.memref_squeeze %dma_wait3A_546 : memref<1x1x80x128xf32, #tpu.memory_space<hbm>> -> memref<80x128xf32, #tpu.memory_space<hbm>>
      %dma_wait3A_548 = arith.constant 0 : i32
      %dma_wait3A_549 = tpu.memref_slice %arg8[%dma_wait3A_544, %arg0, %mul3A_543, %dma_wait3A_548] : memref<3x2x10000x128xf32, #tpu.memory_space<hbm>> -> memref<1x1x80x128xf32, #tpu.memory_space<hbm>>
      %dma_wait3A_550 = tpu.memref_squeeze %dma_wait3A_549 : memref<1x1x80x128xf32, #tpu.memory_space<hbm>> -> memref<80x128xf32, #tpu.memory_space<hbm>>
      tpu.wait_dma2 semaphore(%arg17 : memref<!tpu.dma_semaphore, #tpu.memory_space<semaphore_mem>>) src(%arg13 : memref<80x128xf32, #tpu.memory_space<vmem>>) dst(%dma_wait3A_550 : memref<80x128xf32, #tpu.memory_space<hbm>>)
      "tpu.region"() ({
        %run_scoped3A = tpu.sem_alloc : memref<!tpu.dma_semaphore, #tpu.memory_space<semaphore_mem>>
        %dma_start3A_558 = arith.constant 0 : i32
        %dma_start3A_559 = tpu.memref_slice %arg9[%mul3A_543, %dma_start3A_558] : memref<10000x128xf32, #tpu.memory_space<vmem_shared>> -> memref<80x128xf32, #tpu.memory_space<vmem_shared>>
        %dma_start3A_560 = arith.constant 0 : i32
        %dma_start3A_561 = tpu.memref_slice %arg9[%mul3A_543, %dma_start3A_560] : memref<10000x128xf32, #tpu.memory_space<vmem_shared>> -> memref<80x128xf32, #tpu.memory_space<vmem_shared>>
        tpu.enqueue_dma source(%dma_start3A_561 : memref<80x128xf32, #tpu.memory_space<vmem_shared>>) target(%arg13 : memref<80x128xf32, #tpu.memory_space<vmem>>) target_semaphore(%run_scoped3A : memref<!tpu.dma_semaphore, #tpu.memory_space<semaphore_mem>>)
        %dma_wait3A_562 = arith.constant 0 : i32
        %dma_wait3A_563 = tpu.memref_slice %arg9[%mul3A_543, %dma_wait3A_562] : memref<10000x128xf32, #tpu.memory_space<vmem_shared>> -> memref<80x128xf32, #tpu.memory_space<vmem_shared>>
        %dma_wait3A_564 = arith.constant 0 : i32
        %dma_wait3A_565 = tpu.memref_slice %arg9[%mul3A_543, %dma_wait3A_564] : memref<10000x128xf32, #tpu.memory_space<vmem_shared>> -> memref<80x128xf32, #tpu.memory_space<vmem_shared>>
        tpu.wait_dma2 semaphore(%run_scoped3A : memref<!tpu.dma_semaphore, #tpu.memory_space<semaphore_mem>>) src(%dma_wait3A_565 : memref<80x128xf32, #tpu.memory_space<vmem_shared>>) dst(%arg13 : memref<80x128xf32, #tpu.memory_space<vmem>>)
        tpu.yield
      }) : () -> ()
      %dma_start3A_551 = arith.constant 1 : i32
      %dma_start3A_552 = arith.constant 0 : i32
      %dma_start3A_553 = tpu.memref_slice %arg8[%dma_start3A_551, %arg0, %mul3A_543, %dma_start3A_552] : memref<3x2x10000x128xf32, #tpu.memory_space<hbm>> -> memref<1x1x80x128xf32, #tpu.memory_space<hbm>>
      %dma_start3A_554 = tpu.memref_squeeze %dma_start3A_553 : memref<1x1x80x128xf32, #tpu.memory_space<hbm>> -> memref<80x128xf32, #tpu.memory_space<hbm>>
      %dma_start3A_555 = arith.constant 0 : i32
      %dma_start3A_556 = tpu.memref_slice %arg8[%dma_start3A_551, %arg0, %mul3A_543, %dma_start3A_555] : memref<3x2x10000x128xf32, #tpu.memory_space<hbm>> -> memref<1x1x80x128xf32, #tpu.memory_space<hbm>>
      %dma_start3A_557 = tpu.memref_squeeze %dma_start3A_556 : memref<1x1x80x128xf32, #tpu.memory_space<hbm>> -> memref<80x128xf32, #tpu.memory_space<hbm>>
      tpu.enqueue_dma source(%arg13 : memref<80x128xf32, #tpu.memory_space<vmem>>) target(%dma_start3A_557 : memref<80x128xf32, #tpu.memory_space<hbm>>) target_semaphore(%arg17 : memref<!tpu.dma_semaphore, #tpu.memory_space<semaphore_mem>>)
    } else {
    }
    %dma_wait3A_341 = arith.constant 1 : i32
    %dma_wait3A_342 = arith.constant 0 : i32
    %dma_wait3A_343 = arith.constant 0 : i32
    %dma_wait3A_344 = tpu.memref_slice %arg8[%dma_wait3A_341, %arg0, %dma_wait3A_342, %dma_wait3A_343] : memref<3x2x10000x128xf32, #tpu.memory_space<hbm>> -> memref<1x1x80x128xf32, #tpu.memory_space<hbm>>
    %dma_wait3A_345 = tpu.memref_squeeze %dma_wait3A_344 : memref<1x1x80x128xf32, #tpu.memory_space<hbm>> -> memref<80x128xf32, #tpu.memory_space<hbm>>
    %dma_wait3A_346 = arith.constant 0 : i32
    %dma_wait3A_347 = arith.constant 0 : i32
    %dma_wait3A_348 = tpu.memref_slice %arg8[%dma_wait3A_341, %arg0, %dma_wait3A_346, %dma_wait3A_347] : memref<3x2x10000x128xf32, #tpu.memory_space<hbm>> -> memref<1x1x80x128xf32, #tpu.memory_space<hbm>>
    %dma_wait3A_349 = tpu.memref_squeeze %dma_wait3A_348 : memref<1x1x80x128xf32, #tpu.memory_space<hbm>> -> memref<80x128xf32, #tpu.memory_space<hbm>>
    tpu.wait_dma2 semaphore(%arg16 : memref<!tpu.dma_semaphore, #tpu.memory_space<semaphore_mem>>) src(%arg12 : memref<80x128xf32, #tpu.memory_space<vmem>>) dst(%dma_wait3A_349 : memref<80x128xf32, #tpu.memory_space<hbm>>)
    %dma_wait3A_350 = arith.constant 1 : i32
    %dma_wait3A_351 = arith.constant 0 : i32
    %dma_wait3A_352 = arith.constant 0 : i32
    %dma_wait3A_353 = tpu.memref_slice %arg8[%dma_wait3A_350, %arg0, %dma_wait3A_351, %dma_wait3A_352] : memref<3x2x10000x128xf32, #tpu.memory_space<hbm>> -> memref<1x1x80x128xf32, #tpu.memory_space<hbm>>
    %dma_wait3A_354 = tpu.memref_squeeze %dma_wait3A_353 : memref<1x1x80x128xf32, #tpu.memory_space<hbm>> -> memref<80x128xf32, #tpu.memory_space<hbm>>
    %dma_wait3A_355 = arith.constant 0 : i32
    %dma_wait3A_356 = arith.constant 0 : i32
    %dma_wait3A_357 = tpu.memref_slice %arg8[%dma_wait3A_350, %arg0, %dma_wait3A_355, %dma_wait3A_356] : memref<3x2x10000x128xf32, #tpu.memory_space<hbm>> -> memref<1x1x80x128xf32, #tpu.memory_space<hbm>>
    %dma_wait3A_358 = tpu.memref_squeeze %dma_wait3A_357 : memref<1x1x80x128xf32, #tpu.memory_space<hbm>> -> memref<80x128xf32, #tpu.memory_space<hbm>>
    tpu.wait_dma2 semaphore(%arg17 : memref<!tpu.dma_semaphore, #tpu.memory_space<semaphore_mem>>) src(%arg13 : memref<80x128xf32, #tpu.memory_space<vmem>>) dst(%dma_wait3A_358 : memref<80x128xf32, #tpu.memory_space<hbm>>)
    %barrier3A_359 = arith.constant 0 : index
    tpu.barrier barrier_id(%barrier3A_359)
    %dma_start3A_360 = tpu.memref_slice %arg7[%mul3A_2] : memref<640000xi32, #tpu.memory_space<hbm>> -> memref<10000xi32, #tpu.memory_space<hbm>>
    %dma_start3A_361 = tpu.memref_slice %arg7[%mul3A_2] : memref<640000xi32, #tpu.memory_space<hbm>> -> memref<10000xi32, #tpu.memory_space<hbm>>
    tpu.enqueue_dma source(%dma_start3A_361 : memref<10000xi32, #tpu.memory_space<hbm>>) target(%arg10 : memref<10000xi32, #tpu.memory_space<vmem>>) target_semaphore(%arg15 : memref<!tpu.dma_semaphore, #tpu.memory_space<semaphore_mem>>)
    %add3A_362 = arith.constant 320000 : i32
    %add3A_363 = arith.addi %add3A_362, %mul3A_2 : i32
    %dma_start3A_364 = tpu.memref_slice %arg7[%add3A_363] : memref<640000xi32, #tpu.memory_space<hbm>> -> memref<10000xi32, #tpu.memory_space<hbm>>
    %dma_start3A_365 = tpu.memref_slice %arg7[%add3A_363] : memref<640000xi32, #tpu.memory_space<hbm>> -> memref<10000xi32, #tpu.memory_space<hbm>>
    tpu.enqueue_dma source(%dma_start3A_365 : memref<10000xi32, #tpu.memory_space<hbm>>) target(%arg11 : memref<10000xi32, #tpu.memory_space<vmem>>) target_semaphore(%arg15 : memref<!tpu.dma_semaphore, #tpu.memory_space<semaphore_mem>>)
    %scan3A_366 = arith.constant 0 : i32
    %scan3A_367 = arith.constant 0 : i32
    %scan3A_368 = arith.constant 640 : i32
    %scan3A_369 = arith.addi %scan3A_367, %scan3A_368 : i32
    %scan3A_370 = arith.constant 1 : i32
    %scan3A_371 = scf.for %scan3A_542 = %scan3A_367 to %scan3A_369 step %scan3A_370 iter_args(%scan3A_543 = %scan3A_366) -> (i32)  : i32 {
      %broadcast_in_dim3A = arith.constant 0.000000e+00 : f32
      %broadcast_in_dim3A_544 = vector.broadcast %broadcast_in_dim3A : f32 to vector<16xf32>
      %jit3A = arith.constant 8 : i32
      %div3A = arith.divsi %scan3A_542, %jit3A : i32
      %sign3A = arith.constant 0 : i32
      %sign3A_545 = arith.cmpi sgt, %scan3A_542, %sign3A : i32
      %sign3A_546 = arith.extui %sign3A_545 : i1 to i32
      %sign3A_547 = arith.constant 0 : i32
      %sign3A_548 = arith.cmpi slt, %scan3A_542, %sign3A_547 : i32
      %sign3A_549 = arith.extui %sign3A_548 : i1 to i32
      %sign3A_550 = arith.subi %sign3A_546, %sign3A_549 : i32
      %sign3A_551 = arith.constant 0 : i32
      %sign3A_552 = arith.cmpi sgt, %jit3A, %sign3A_551 : i32
      %sign3A_553 = arith.extui %sign3A_552 : i1 to i32
      %sign3A_554 = arith.constant 0 : i32
      %sign3A_555 = arith.cmpi slt, %jit3A, %sign3A_554 : i32
      %sign3A_556 = arith.extui %sign3A_555 : i1 to i32
      %sign3A_557 = arith.subi %sign3A_553, %sign3A_556 : i32
      %ne3A = arith.cmpi ne, %sign3A_550, %sign3A_557 : i32
      %rem3A = arith.remsi %scan3A_542, %jit3A : i32
      %ne3A_558 = arith.constant 0 : i32
      %ne3A_559 = arith.cmpi ne, %rem3A, %ne3A_558 : i32
      %and3A = arith.andi %ne3A, %ne3A_559 : i1
      %sub3A = arith.constant 1 : i32
      %sub3A_560 = arith.subi %div3A, %sub3A : i32
      %select_n3A = arith.select %and3A, %sub3A_560, %div3A : i32
      %jit3A_561 = arith.constant 8 : i32
      %eq3A = arith.constant 0 : i32
      %eq3A_562 = arith.cmpi eq, %jit3A_561, %eq3A : i32
      %jit3A_563 = arith.constant 1 : i32
      %select_n3A_564 = arith.select %eq3A_562, %jit3A_563, %jit3A_561 : i32
      %rem3A_565 = arith.remsi %scan3A_542, %select_n3A_564 : i32
      %ne3A_566 = arith.constant 0 : i32
      %ne3A_567 = arith.cmpi ne, %rem3A_565, %ne3A_566 : i32
      %lt3A_568 = arith.constant 0 : i32
      %lt3A_569 = arith.cmpi slt, %rem3A_565, %lt3A_568 : i32
      %lt3A_570 = arith.constant 0 : i32
      %lt3A_571 = arith.cmpi slt, %select_n3A_564, %lt3A_570 : i32
      %ne3A_572 = arith.xori %lt3A_569, %lt3A_571 : i1
      %and3A_573 = arith.andi %ne3A_572, %ne3A_567 : i1
      %add3A_574 = arith.addi %rem3A_565, %select_n3A_564 : i32
      %select_n3A_575 = arith.select %and3A_573, %add3A_574, %rem3A_565 : i32
      %mul3A_576 = arith.constant 16 : i32
      %mul3A_577 = arith.muli %select_n3A_575, %mul3A_576 : i32
      %swap3A = arith.index_cast %select_n3A : i32 to index
      %swap3A_578 = arith.index_cast %mul3A_577 : i32 to index
      %swap3A_579 = tpu.vector_load %arg12[%swap3A, %swap3A_578] {strides = array<i32>} : memref<80x128xf32, #tpu.memory_space<vmem>>, vector<1x16xf32>,
      %swap3A_580 = vector.shape_cast %swap3A_579 : vector<1x16xf32> to vector<16xf32>
      %swap3A_581 = vector.shape_cast %broadcast_in_dim3A_544 : vector<16xf32> to vector<1x16xf32>
      tpu.vector_store %arg12[%swap3A, %swap3A_578], %swap3A_581 {strides = array<i32>} : memref<80x128xf32, #tpu.memory_space<vmem>>, vector<1x16xf32>,
      %scan3A_582 = arith.constant 0 : i32
      scf.yield %scan3A_582 : i32
    }
    %scan3A_372 = arith.constant 640 : i32
    %add3A_373 = arith.constant 0 : i32
    %add3A_374 = arith.addi %arg1, %add3A_373 : i32
    %lt3A_375 = arith.constant 125 : i32
    %lt3A_376 = arith.cmpi slt, %add3A_374, %lt3A_375 : i32
    %convert_element_type3A_377 = arith.extui %lt3A_376 : i1 to i32
    %cond3A_378 = arith.constant 0 : i32
    %cond3A_379 = arith.cmpi ne, %convert_element_type3A_377, %cond3A_378 : i32
    scf.if %cond3A_379 {
      %mul3A_542 = arith.constant 80 : i32
      %mul3A_543 = arith.muli %add3A_374, %mul3A_542 : i32
      "tpu.region"() ({
        %run_scoped3A = tpu.sem_alloc : memref<!tpu.dma_semaphore, #tpu.memory_space<semaphore_mem>>
        %dma_start3A_544 = arith.constant 0 : i32
        %dma_start3A_545 = tpu.memref_slice %arg9[%mul3A_543, %dma_start3A_544] : memref<10000x128xf32, #tpu.memory_space<vmem_shared>> -> memref<80x128xf32, #tpu.memory_space<vmem_shared>>
        %dma_start3A_546 = arith.constant 0 : i32
        %dma_start3A_547 = tpu.memref_slice %arg9[%mul3A_543, %dma_start3A_546] : memref<10000x128xf32, #tpu.memory_space<vmem_shared>> -> memref<80x128xf32, #tpu.memory_space<vmem_shared>>
        tpu.enqueue_dma source(%arg12 : memref<80x128xf32, #tpu.memory_space<vmem>>) target(%dma_start3A_547 : memref<80x128xf32, #tpu.memory_space<vmem_shared>>) target_semaphore(%run_scoped3A : memref<!tpu.dma_semaphore, #tpu.memory_space<semaphore_mem>>)
        %dma_wait3A_548 = arith.constant 0 : i32
        %dma_wait3A_549 = tpu.memref_slice %arg9[%mul3A_543, %dma_wait3A_548] : memref<10000x128xf32, #tpu.memory_space<vmem_shared>> -> memref<80x128xf32, #tpu.memory_space<vmem_shared>>
        %dma_wait3A_550 = arith.constant 0 : i32
        %dma_wait3A_551 = tpu.memref_slice %arg9[%mul3A_543, %dma_wait3A_550] : memref<10000x128xf32, #tpu.memory_space<vmem_shared>> -> memref<80x128xf32, #tpu.memory_space<vmem_shared>>
        tpu.wait_dma2 semaphore(%run_scoped3A : memref<!tpu.dma_semaphore, #tpu.memory_space<semaphore_mem>>) src(%arg12 : memref<80x128xf32, #tpu.memory_space<vmem>>) dst(%dma_wait3A_551 : memref<80x128xf32, #tpu.memory_space<vmem_shared>>)
        tpu.yield
      }) : () -> ()
    } else {
    }
    %add3A_380 = arith.constant 16 : i32
    %add3A_381 = arith.addi %arg1, %add3A_380 : i32
    %lt3A_382 = arith.constant 125 : i32
    %lt3A_383 = arith.cmpi slt, %add3A_381, %lt3A_382 : i32
    %convert_element_type3A_384 = arith.extui %lt3A_383 : i1 to i32
    %cond3A_385 = arith.constant 0 : i32
    %cond3A_386 = arith.cmpi ne, %convert_element_type3A_384, %cond3A_385 : i32
    scf.if %cond3A_386 {
      %mul3A_542 = arith.constant 80 : i32
      %mul3A_543 = arith.muli %add3A_381, %mul3A_542 : i32
      "tpu.region"() ({
        %run_scoped3A = tpu.sem_alloc : memref<!tpu.dma_semaphore, #tpu.memory_space<semaphore_mem>>
        %dma_start3A_544 = arith.constant 0 : i32
        %dma_start3A_545 = tpu.memref_slice %arg9[%mul3A_543, %dma_start3A_544] : memref<10000x128xf32, #tpu.memory_space<vmem_shared>> -> memref<80x128xf32, #tpu.memory_space<vmem_shared>>
        %dma_start3A_546 = arith.constant 0 : i32
        %dma_start3A_547 = tpu.memref_slice %arg9[%mul3A_543, %dma_start3A_546] : memref<10000x128xf32, #tpu.memory_space<vmem_shared>> -> memref<80x128xf32, #tpu.memory_space<vmem_shared>>
        tpu.enqueue_dma source(%arg12 : memref<80x128xf32, #tpu.memory_space<vmem>>) target(%dma_start3A_547 : memref<80x128xf32, #tpu.memory_space<vmem_shared>>) target_semaphore(%run_scoped3A : memref<!tpu.dma_semaphore, #tpu.memory_space<semaphore_mem>>)
        %dma_wait3A_548 = arith.constant 0 : i32
        %dma_wait3A_549 = tpu.memref_slice %arg9[%mul3A_543, %dma_wait3A_548] : memref<10000x128xf32, #tpu.memory_space<vmem_shared>> -> memref<80x128xf32, #tpu.memory_space<vmem_shared>>
        %dma_wait3A_550 = arith.constant 0 : i32
        %dma_wait3A_551 = tpu.memref_slice %arg9[%mul3A_543, %dma_wait3A_550] : memref<10000x128xf32, #tpu.memory_space<vmem_shared>> -> memref<80x128xf32, #tpu.memory_space<vmem_shared>>
        tpu.wait_dma2 semaphore(%run_scoped3A : memref<!tpu.dma_semaphore, #tpu.memory_space<semaphore_mem>>) src(%arg12 : memref<80x128xf32, #tpu.memory_space<vmem>>) dst(%dma_wait3A_551 : memref<80x128xf32, #tpu.memory_space<vmem_shared>>)
        tpu.yield
      }) : () -> ()
    } else {
    }
    %add3A_387 = arith.constant 32 : i32
    %add3A_388 = arith.addi %arg1, %add3A_387 : i32
    %lt3A_389 = arith.constant 125 : i32
    %lt3A_390 = arith.cmpi slt, %add3A_388, %lt3A_389 : i32
    %convert_element_type3A_391 = arith.extui %lt3A_390 : i1 to i32
    %cond3A_392 = arith.constant 0 : i32
    %cond3A_393 = arith.cmpi ne, %convert_element_type3A_391, %cond3A_392 : i32
    scf.if %cond3A_393 {
      %mul3A_542 = arith.constant 80 : i32
      %mul3A_543 = arith.muli %add3A_388, %mul3A_542 : i32
      "tpu.region"() ({
        %run_scoped3A = tpu.sem_alloc : memref<!tpu.dma_semaphore, #tpu.memory_space<semaphore_mem>>
        %dma_start3A_544 = arith.constant 0 : i32
        %dma_start3A_545 = tpu.memref_slice %arg9[%mul3A_543, %dma_start3A_544] : memref<10000x128xf32, #tpu.memory_space<vmem_shared>> -> memref<80x128xf32, #tpu.memory_space<vmem_shared>>
        %dma_start3A_546 = arith.constant 0 : i32
        %dma_start3A_547 = tpu.memref_slice %arg9[%mul3A_543, %dma_start3A_546] : memref<10000x128xf32, #tpu.memory_space<vmem_shared>> -> memref<80x128xf32, #tpu.memory_space<vmem_shared>>
        tpu.enqueue_dma source(%arg12 : memref<80x128xf32, #tpu.memory_space<vmem>>) target(%dma_start3A_547 : memref<80x128xf32, #tpu.memory_space<vmem_shared>>) target_semaphore(%run_scoped3A : memref<!tpu.dma_semaphore, #tpu.memory_space<semaphore_mem>>)
        %dma_wait3A_548 = arith.constant 0 : i32
        %dma_wait3A_549 = tpu.memref_slice %arg9[%mul3A_543, %dma_wait3A_548] : memref<10000x128xf32, #tpu.memory_space<vmem_shared>> -> memref<80x128xf32, #tpu.memory_space<vmem_shared>>
        %dma_wait3A_550 = arith.constant 0 : i32
        %dma_wait3A_551 = tpu.memref_slice %arg9[%mul3A_543, %dma_wait3A_550] : memref<10000x128xf32, #tpu.memory_space<vmem_shared>> -> memref<80x128xf32, #tpu.memory_space<vmem_shared>>
        tpu.wait_dma2 semaphore(%run_scoped3A : memref<!tpu.dma_semaphore, #tpu.memory_space<semaphore_mem>>) src(%arg12 : memref<80x128xf32, #tpu.memory_space<vmem>>) dst(%dma_wait3A_551 : memref<80x128xf32, #tpu.memory_space<vmem_shared>>)
        tpu.yield
      }) : () -> ()
    } else {
    }
    %add3A_394 = arith.constant 48 : i32
    %add3A_395 = arith.addi %arg1, %add3A_394 : i32
    %lt3A_396 = arith.constant 125 : i32
    %lt3A_397 = arith.cmpi slt, %add3A_395, %lt3A_396 : i32
    %convert_element_type3A_398 = arith.extui %lt3A_397 : i1 to i32
    %cond3A_399 = arith.constant 0 : i32
    %cond3A_400 = arith.cmpi ne, %convert_element_type3A_398, %cond3A_399 : i32
    scf.if %cond3A_400 {
      %mul3A_542 = arith.constant 80 : i32
      %mul3A_543 = arith.muli %add3A_395, %mul3A_542 : i32
      "tpu.region"() ({
        %run_scoped3A = tpu.sem_alloc : memref<!tpu.dma_semaphore, #tpu.memory_space<semaphore_mem>>
        %dma_start3A_544 = arith.constant 0 : i32
        %dma_start3A_545 = tpu.memref_slice %arg9[%mul3A_543, %dma_start3A_544] : memref<10000x128xf32, #tpu.memory_space<vmem_shared>> -> memref<80x128xf32, #tpu.memory_space<vmem_shared>>
        %dma_start3A_546 = arith.constant 0 : i32
        %dma_start3A_547 = tpu.memref_slice %arg9[%mul3A_543, %dma_start3A_546] : memref<10000x128xf32, #tpu.memory_space<vmem_shared>> -> memref<80x128xf32, #tpu.memory_space<vmem_shared>>
        tpu.enqueue_dma source(%arg12 : memref<80x128xf32, #tpu.memory_space<vmem>>) target(%dma_start3A_547 : memref<80x128xf32, #tpu.memory_space<vmem_shared>>) target_semaphore(%run_scoped3A : memref<!tpu.dma_semaphore, #tpu.memory_space<semaphore_mem>>)
        %dma_wait3A_548 = arith.constant 0 : i32
        %dma_wait3A_549 = tpu.memref_slice %arg9[%mul3A_543, %dma_wait3A_548] : memref<10000x128xf32, #tpu.memory_space<vmem_shared>> -> memref<80x128xf32, #tpu.memory_space<vmem_shared>>
        %dma_wait3A_550 = arith.constant 0 : i32
        %dma_wait3A_551 = tpu.memref_slice %arg9[%mul3A_543, %dma_wait3A_550] : memref<10000x128xf32, #tpu.memory_space<vmem_shared>> -> memref<80x128xf32, #tpu.memory_space<vmem_shared>>
        tpu.wait_dma2 semaphore(%run_scoped3A : memref<!tpu.dma_semaphore, #tpu.memory_space<semaphore_mem>>) src(%arg12 : memref<80x128xf32, #tpu.memory_space<vmem>>) dst(%dma_wait3A_551 : memref<80x128xf32, #tpu.memory_space<vmem_shared>>)
        tpu.yield
      }) : () -> ()
    } else {
    }
    %add3A_401 = arith.constant 64 : i32
    %add3A_402 = arith.addi %arg1, %add3A_401 : i32
    %lt3A_403 = arith.constant 125 : i32
    %lt3A_404 = arith.cmpi slt, %add3A_402, %lt3A_403 : i32
    %convert_element_type3A_405 = arith.extui %lt3A_404 : i1 to i32
    %cond3A_406 = arith.constant 0 : i32
    %cond3A_407 = arith.cmpi ne, %convert_element_type3A_405, %cond3A_406 : i32
    scf.if %cond3A_407 {
      %mul3A_542 = arith.constant 80 : i32
      %mul3A_543 = arith.muli %add3A_402, %mul3A_542 : i32
      "tpu.region"() ({
        %run_scoped3A = tpu.sem_alloc : memref<!tpu.dma_semaphore, #tpu.memory_space<semaphore_mem>>
        %dma_start3A_544 = arith.constant 0 : i32
        %dma_start3A_545 = tpu.memref_slice %arg9[%mul3A_543, %dma_start3A_544] : memref<10000x128xf32, #tpu.memory_space<vmem_shared>> -> memref<80x128xf32, #tpu.memory_space<vmem_shared>>
        %dma_start3A_546 = arith.constant 0 : i32
        %dma_start3A_547 = tpu.memref_slice %arg9[%mul3A_543, %dma_start3A_546] : memref<10000x128xf32, #tpu.memory_space<vmem_shared>> -> memref<80x128xf32, #tpu.memory_space<vmem_shared>>
        tpu.enqueue_dma source(%arg12 : memref<80x128xf32, #tpu.memory_space<vmem>>) target(%dma_start3A_547 : memref<80x128xf32, #tpu.memory_space<vmem_shared>>) target_semaphore(%run_scoped3A : memref<!tpu.dma_semaphore, #tpu.memory_space<semaphore_mem>>)
        %dma_wait3A_548 = arith.constant 0 : i32
        %dma_wait3A_549 = tpu.memref_slice %arg9[%mul3A_543, %dma_wait3A_548] : memref<10000x128xf32, #tpu.memory_space<vmem_shared>> -> memref<80x128xf32, #tpu.memory_space<vmem_shared>>
        %dma_wait3A_550 = arith.constant 0 : i32
        %dma_wait3A_551 = tpu.memref_slice %arg9[%mul3A_543, %dma_wait3A_550] : memref<10000x128xf32, #tpu.memory_space<vmem_shared>> -> memref<80x128xf32, #tpu.memory_space<vmem_shared>>
        tpu.wait_dma2 semaphore(%run_scoped3A : memref<!tpu.dma_semaphore, #tpu.memory_space<semaphore_mem>>) src(%arg12 : memref<80x128xf32, #tpu.memory_space<vmem>>) dst(%dma_wait3A_551 : memref<80x128xf32, #tpu.memory_space<vmem_shared>>)
        tpu.yield
      }) : () -> ()
    } else {
    }
    %add3A_408 = arith.constant 80 : i32
    %add3A_409 = arith.addi %arg1, %add3A_408 : i32
    %lt3A_410 = arith.constant 125 : i32
    %lt3A_411 = arith.cmpi slt, %add3A_409, %lt3A_410 : i32
    %convert_element_type3A_412 = arith.extui %lt3A_411 : i1 to i32
    %cond3A_413 = arith.constant 0 : i32
    %cond3A_414 = arith.cmpi ne, %convert_element_type3A_412, %cond3A_413 : i32
    scf.if %cond3A_414 {
      %mul3A_542 = arith.constant 80 : i32
      %mul3A_543 = arith.muli %add3A_409, %mul3A_542 : i32
      "tpu.region"() ({
        %run_scoped3A = tpu.sem_alloc : memref<!tpu.dma_semaphore, #tpu.memory_space<semaphore_mem>>
        %dma_start3A_544 = arith.constant 0 : i32
        %dma_start3A_545 = tpu.memref_slice %arg9[%mul3A_543, %dma_start3A_544] : memref<10000x128xf32, #tpu.memory_space<vmem_shared>> -> memref<80x128xf32, #tpu.memory_space<vmem_shared>>
        %dma_start3A_546 = arith.constant 0 : i32
        %dma_start3A_547 = tpu.memref_slice %arg9[%mul3A_543, %dma_start3A_546] : memref<10000x128xf32, #tpu.memory_space<vmem_shared>> -> memref<80x128xf32, #tpu.memory_space<vmem_shared>>
        tpu.enqueue_dma source(%arg12 : memref<80x128xf32, #tpu.memory_space<vmem>>) target(%dma_start3A_547 : memref<80x128xf32, #tpu.memory_space<vmem_shared>>) target_semaphore(%run_scoped3A : memref<!tpu.dma_semaphore, #tpu.memory_space<semaphore_mem>>)
        %dma_wait3A_548 = arith.constant 0 : i32
        %dma_wait3A_549 = tpu.memref_slice %arg9[%mul3A_543, %dma_wait3A_548] : memref<10000x128xf32, #tpu.memory_space<vmem_shared>> -> memref<80x128xf32, #tpu.memory_space<vmem_shared>>
        %dma_wait3A_550 = arith.constant 0 : i32
        %dma_wait3A_551 = tpu.memref_slice %arg9[%mul3A_543, %dma_wait3A_550] : memref<10000x128xf32, #tpu.memory_space<vmem_shared>> -> memref<80x128xf32, #tpu.memory_space<vmem_shared>>
        tpu.wait_dma2 semaphore(%run_scoped3A : memref<!tpu.dma_semaphore, #tpu.memory_space<semaphore_mem>>) src(%arg12 : memref<80x128xf32, #tpu.memory_space<vmem>>) dst(%dma_wait3A_551 : memref<80x128xf32, #tpu.memory_space<vmem_shared>>)
        tpu.yield
      }) : () -> ()
    } else {
    }
    %add3A_415 = arith.constant 96 : i32
    %add3A_416 = arith.addi %arg1, %add3A_415 : i32
    %lt3A_417 = arith.constant 125 : i32
    %lt3A_418 = arith.cmpi slt, %add3A_416, %lt3A_417 : i32
    %convert_element_type3A_419 = arith.extui %lt3A_418 : i1 to i32
    %cond3A_420 = arith.constant 0 : i32
    %cond3A_421 = arith.cmpi ne, %convert_element_type3A_419, %cond3A_420 : i32
    scf.if %cond3A_421 {
      %mul3A_542 = arith.constant 80 : i32
      %mul3A_543 = arith.muli %add3A_416, %mul3A_542 : i32
      "tpu.region"() ({
        %run_scoped3A = tpu.sem_alloc : memref<!tpu.dma_semaphore, #tpu.memory_space<semaphore_mem>>
        %dma_start3A_544 = arith.constant 0 : i32
        %dma_start3A_545 = tpu.memref_slice %arg9[%mul3A_543, %dma_start3A_544] : memref<10000x128xf32, #tpu.memory_space<vmem_shared>> -> memref<80x128xf32, #tpu.memory_space<vmem_shared>>
        %dma_start3A_546 = arith.constant 0 : i32
        %dma_start3A_547 = tpu.memref_slice %arg9[%mul3A_543, %dma_start3A_546] : memref<10000x128xf32, #tpu.memory_space<vmem_shared>> -> memref<80x128xf32, #tpu.memory_space<vmem_shared>>
        tpu.enqueue_dma source(%arg12 : memref<80x128xf32, #tpu.memory_space<vmem>>) target(%dma_start3A_547 : memref<80x128xf32, #tpu.memory_space<vmem_shared>>) target_semaphore(%run_scoped3A : memref<!tpu.dma_semaphore, #tpu.memory_space<semaphore_mem>>)
        %dma_wait3A_548 = arith.constant 0 : i32
        %dma_wait3A_549 = tpu.memref_slice %arg9[%mul3A_543, %dma_wait3A_548] : memref<10000x128xf32, #tpu.memory_space<vmem_shared>> -> memref<80x128xf32, #tpu.memory_space<vmem_shared>>
        %dma_wait3A_550 = arith.constant 0 : i32
        %dma_wait3A_551 = tpu.memref_slice %arg9[%mul3A_543, %dma_wait3A_550] : memref<10000x128xf32, #tpu.memory_space<vmem_shared>> -> memref<80x128xf32, #tpu.memory_space<vmem_shared>>
        tpu.wait_dma2 semaphore(%run_scoped3A : memref<!tpu.dma_semaphore, #tpu.memory_space<semaphore_mem>>) src(%arg12 : memref<80x128xf32, #tpu.memory_space<vmem>>) dst(%dma_wait3A_551 : memref<80x128xf32, #tpu.memory_space<vmem_shared>>)
        tpu.yield
      }) : () -> ()
    } else {
    }
    %add3A_422 = arith.constant 112 : i32
    %add3A_423 = arith.addi %arg1, %add3A_422 : i32
    %lt3A_424 = arith.constant 125 : i32
    %lt3A_425 = arith.cmpi slt, %add3A_423, %lt3A_424 : i32
    %convert_element_type3A_426 = arith.extui %lt3A_425 : i1 to i32
    %cond3A_427 = arith.constant 0 : i32
    %cond3A_428 = arith.cmpi ne, %convert_element_type3A_426, %cond3A_427 : i32
    scf.if %cond3A_428 {
      %mul3A_542 = arith.constant 80 : i32
      %mul3A_543 = arith.muli %add3A_423, %mul3A_542 : i32
      "tpu.region"() ({
        %run_scoped3A = tpu.sem_alloc : memref<!tpu.dma_semaphore, #tpu.memory_space<semaphore_mem>>
        %dma_start3A_544 = arith.constant 0 : i32
        %dma_start3A_545 = tpu.memref_slice %arg9[%mul3A_543, %dma_start3A_544] : memref<10000x128xf32, #tpu.memory_space<vmem_shared>> -> memref<80x128xf32, #tpu.memory_space<vmem_shared>>
        %dma_start3A_546 = arith.constant 0 : i32
        %dma_start3A_547 = tpu.memref_slice %arg9[%mul3A_543, %dma_start3A_546] : memref<10000x128xf32, #tpu.memory_space<vmem_shared>> -> memref<80x128xf32, #tpu.memory_space<vmem_shared>>
        tpu.enqueue_dma source(%arg12 : memref<80x128xf32, #tpu.memory_space<vmem>>) target(%dma_start3A_547 : memref<80x128xf32, #tpu.memory_space<vmem_shared>>) target_semaphore(%run_scoped3A : memref<!tpu.dma_semaphore, #tpu.memory_space<semaphore_mem>>)
        %dma_wait3A_548 = arith.constant 0 : i32
        %dma_wait3A_549 = tpu.memref_slice %arg9[%mul3A_543, %dma_wait3A_548] : memref<10000x128xf32, #tpu.memory_space<vmem_shared>> -> memref<80x128xf32, #tpu.memory_space<vmem_shared>>
        %dma_wait3A_550 = arith.constant 0 : i32
        %dma_wait3A_551 = tpu.memref_slice %arg9[%mul3A_543, %dma_wait3A_550] : memref<10000x128xf32, #tpu.memory_space<vmem_shared>> -> memref<80x128xf32, #tpu.memory_space<vmem_shared>>
        tpu.wait_dma2 semaphore(%run_scoped3A : memref<!tpu.dma_semaphore, #tpu.memory_space<semaphore_mem>>) src(%arg12 : memref<80x128xf32, #tpu.memory_space<vmem>>) dst(%dma_wait3A_551 : memref<80x128xf32, #tpu.memory_space<vmem_shared>>)
        tpu.yield
      }) : () -> ()
    } else {
    }
    %barrier3A_429 = arith.constant 0 : index
    tpu.barrier barrier_id(%barrier3A_429)
    %dma_wait3A_430 = tpu.memref_slice %arg7[%mul3A_2] : memref<640000xi32, #tpu.memory_space<hbm>> -> memref<10000xi32, #tpu.memory_space<hbm>>
    %dma_wait3A_431 = tpu.memref_slice %arg7[%mul3A_2] : memref<640000xi32, #tpu.memory_space<hbm>> -> memref<10000xi32, #tpu.memory_space<hbm>>
    tpu.wait_dma2 semaphore(%arg15 : memref<!tpu.dma_semaphore, #tpu.memory_space<semaphore_mem>>) src(%dma_wait3A_431 : memref<10000xi32, #tpu.memory_space<hbm>>) dst(%arg10 : memref<10000xi32, #tpu.memory_space<vmem>>)
    %dma_wait3A_432 = tpu.memref_slice %arg7[%mul3A_2] : memref<640000xi32, #tpu.memory_space<hbm>> -> memref<10000xi32, #tpu.memory_space<hbm>>
    %dma_wait3A_433 = tpu.memref_slice %arg7[%mul3A_2] : memref<640000xi32, #tpu.memory_space<hbm>> -> memref<10000xi32, #tpu.memory_space<hbm>>
    tpu.wait_dma2 semaphore(%arg15 : memref<!tpu.dma_semaphore, #tpu.memory_space<semaphore_mem>>) src(%dma_wait3A_433 : memref<10000xi32, #tpu.memory_space<hbm>>) dst(%arg11 : memref<10000xi32, #tpu.memory_space<vmem>>)
    %dma_start3A_434 = arith.constant 0 : i32
    %dma_start3A_435 = tpu.memref_slice %arg11[%dma_start3A_434] : memref<10000xi32, #tpu.memory_space<vmem>> -> memref<80xi32, #tpu.memory_space<vmem>>
    %dma_start3A_436 = arith.constant 0 : i32
    %dma_start3A_437 = arith.constant 0 : i32
    %dma_start3A_438 = tpu.memref_slice %arg4[%dma_start3A_436, %dma_start3A_437] : memref<10000x128xf32, #tpu.memory_space<hbm>> -> memref<10000x128xf32, #tpu.memory_space<hbm>>
    tpu.enqueue_indirect_dma source(%dma_start3A_438 : memref<10000x128xf32, #tpu.memory_space<hbm>>) target(%arg12 : memref<80x128xf32, #tpu.memory_space<vmem>>) offsets(%dma_start3A_435 : memref<80xi32, #tpu.memory_space<vmem>>) semaphore(%arg16 : memref<!tpu.dma_semaphore, #tpu.memory_space<semaphore_mem>>)
    %dma_start3A_439 = arith.constant 80 : i32
    %dma_start3A_440 = tpu.memref_slice %arg11[%dma_start3A_439] : memref<10000xi32, #tpu.memory_space<vmem>> -> memref<80xi32, #tpu.memory_space<vmem>>
    %dma_start3A_441 = arith.constant 0 : i32
    %dma_start3A_442 = arith.constant 0 : i32
    %dma_start3A_443 = tpu.memref_slice %arg4[%dma_start3A_441, %dma_start3A_442] : memref<10000x128xf32, #tpu.memory_space<hbm>> -> memref<10000x128xf32, #tpu.memory_space<hbm>>
    tpu.enqueue_indirect_dma source(%dma_start3A_443 : memref<10000x128xf32, #tpu.memory_space<hbm>>) target(%arg13 : memref<80x128xf32, #tpu.memory_space<vmem>>) offsets(%dma_start3A_440 : memref<80xi32, #tpu.memory_space<vmem>>) semaphore(%arg17 : memref<!tpu.dma_semaphore, #tpu.memory_space<semaphore_mem>>)
    %dma_start3A_444 = arith.constant 160 : i32
    %dma_start3A_445 = tpu.memref_slice %arg11[%dma_start3A_444] : memref<10000xi32, #tpu.memory_space<vmem>> -> memref<80xi32, #tpu.memory_space<vmem>>
    %dma_start3A_446 = arith.constant 0 : i32
    %dma_start3A_447 = arith.constant 0 : i32
    %dma_start3A_448 = tpu.memref_slice %arg4[%dma_start3A_446, %dma_start3A_447] : memref<10000x128xf32, #tpu.memory_space<hbm>> -> memref<10000x128xf32, #tpu.memory_space<hbm>>
    tpu.enqueue_indirect_dma source(%dma_start3A_448 : memref<10000x128xf32, #tpu.memory_space<hbm>>) target(%arg14 : memref<80x128xf32, #tpu.memory_space<vmem>>) offsets(%dma_start3A_445 : memref<80xi32, #tpu.memory_space<vmem>>) semaphore(%arg18 : memref<!tpu.dma_semaphore, #tpu.memory_space<semaphore_mem>>)
    %scan3A_449 = arith.constant 0 : i32
    %scan3A_450 = arith.constant 0 : i32
    %scan3A_451 = arith.constant 41 : i32
    %scan3A_452 = arith.addi %scan3A_450, %scan3A_451 : i32
    %scan3A_453 = arith.constant 1 : i32
    %scan3A_454 = scf.for %scan3A_542 = %scan3A_450 to %scan3A_452 step %scan3A_453 iter_args(%scan3A_543 = %scan3A_449) -> (i32)  : i32 {
      %mul3A_544 = arith.constant 3 : i32
      %mul3A_545 = arith.muli %scan3A_542, %mul3A_544 : i32
      %add3A_546 = arith.constant 0 : i32
      %add3A_547 = arith.addi %mul3A_545, %add3A_546 : i32
      %mul3A_548 = arith.constant 80 : i32
      %mul3A_549 = arith.muli %add3A_547, %mul3A_548 : i32
      %dma_wait3A_550 = tpu.memref_slice %arg11[%mul3A_549] : memref<10000xi32, #tpu.memory_space<vmem>> -> memref<80xi32, #tpu.memory_space<vmem>>
      %dma_wait3A_551 = arith.constant 0 : i32
      %dma_wait3A_552 = arith.constant 0 : i32
      %dma_wait3A_553 = tpu.memref_slice %arg4[%dma_wait3A_551, %dma_wait3A_552] : memref<10000x128xf32, #tpu.memory_space<hbm>> -> memref<10000x128xf32, #tpu.memory_space<hbm>>
      tpu.wait_indirect_dma semaphore(%arg16 : memref<!tpu.dma_semaphore, #tpu.memory_space<semaphore_mem>>) src(%dma_wait3A_553 : memref<10000x128xf32, #tpu.memory_space<hbm>>) dst(%arg12 : memref<80x128xf32, #tpu.memory_space<vmem>>)
      %mul3A_554 = arith.constant 80 : i32
      %mul3A_555 = arith.muli %add3A_547, %mul3A_554 : i32
      "tpu.region"() ({
        %run_scoped3A = tpu.sem_alloc : memref<!tpu.dma_semaphore, #tpu.memory_space<semaphore_mem>>
        %dma_start3A_602 = tpu.memref_slice %arg10[%mul3A_555] : memref<10000xi32, #tpu.memory_space<vmem>> -> memref<80xi32, #tpu.memory_space<vmem>>
        %dma_start3A_603 = arith.constant 0 : i32
        %dma_start3A_604 = arith.constant 0 : i32
        %dma_start3A_605 = tpu.memref_slice %arg9[%dma_start3A_603, %dma_start3A_604] : memref<10000x128xf32, #tpu.memory_space<vmem_shared>> -> memref<10000x128xf32, #tpu.memory_space<vmem_shared>>
        tpu.enqueue_indirect_dma source(%arg12 : memref<80x128xf32, #tpu.memory_space<vmem>>) target(%dma_start3A_605 : memref<10000x128xf32, #tpu.memory_space<vmem_shared>>) offsets(%dma_start3A_602 : memref<80xi32, #tpu.memory_space<vmem>>) semaphore(%run_scoped3A : memref<!tpu.dma_semaphore, #tpu.memory_space<semaphore_mem>>) {add = true}
        %dma_wait3A_606 = tpu.memref_slice %arg10[%mul3A_555] : memref<10000xi32, #tpu.memory_space<vmem>> -> memref<80xi32, #tpu.memory_space<vmem>>
        %dma_wait3A_607 = arith.constant 0 : i32
        %dma_wait3A_608 = arith.constant 0 : i32
        %dma_wait3A_609 = tpu.memref_slice %arg9[%dma_wait3A_607, %dma_wait3A_608] : memref<10000x128xf32, #tpu.memory_space<vmem_shared>> -> memref<10000x128xf32, #tpu.memory_space<vmem_shared>>
        tpu.wait_indirect_dma semaphore(%run_scoped3A : memref<!tpu.dma_semaphore, #tpu.memory_space<semaphore_mem>>) src(%arg12 : memref<80x128xf32, #tpu.memory_space<vmem>>) dst(%dma_wait3A_609 : memref<10000x128xf32, #tpu.memory_space<vmem_shared>>)
        tpu.yield
      }) : () -> ()
      %add3A_556 = arith.constant 3 : i32
      %add3A_557 = arith.addi %add3A_547, %add3A_556 : i32
      %lt3A_558 = arith.constant 125 : i32
      %lt3A_559 = arith.cmpi slt, %add3A_557, %lt3A_558 : i32
      %convert_element_type3A_560 = arith.extui %lt3A_559 : i1 to i32
      %cond3A_561 = arith.constant 0 : i32
      %cond3A_562 = arith.cmpi ne, %convert_element_type3A_560, %cond3A_561 : i32
      scf.if %cond3A_562 {
        %mul3A_602 = arith.constant 80 : i32
        %mul3A_603 = arith.muli %add3A_557, %mul3A_602 : i32
        %dma_start3A_604 = tpu.memref_slice %arg11[%mul3A_603] : memref<10000xi32, #tpu.memory_space<vmem>> -> memref<80xi32, #tpu.memory_space<vmem>>
        %dma_start3A_605 = arith.constant 0 : i32
        %dma_start3A_606 = arith.constant 0 : i32
        %dma_start3A_607 = tpu.memref_slice %arg4[%dma_start3A_605, %dma_start3A_606] : memref<10000x128xf32, #tpu.memory_space<hbm>> -> memref<10000x128xf32, #tpu.memory_space<hbm>>
        tpu.enqueue_indirect_dma source(%dma_start3A_607 : memref<10000x128xf32, #tpu.memory_space<hbm>>) target(%arg12 : memref<80x128xf32, #tpu.memory_space<vmem>>) offsets(%dma_start3A_604 : memref<80xi32, #tpu.memory_space<vmem>>) semaphore(%arg16 : memref<!tpu.dma_semaphore, #tpu.memory_space<semaphore_mem>>)
      } else {
      }
      %mul3A_563 = arith.constant 3 : i32
      %mul3A_564 = arith.muli %scan3A_542, %mul3A_563 : i32
      %add3A_565 = arith.constant 1 : i32
      %add3A_566 = arith.addi %mul3A_564, %add3A_565 : i32
      %mul3A_567 = arith.constant 80 : i32
      %mul3A_568 = arith.muli %add3A_566, %mul3A_567 : i32
      %dma_wait3A_569 = tpu.memref_slice %arg11[%mul3A_568] : memref<10000xi32, #tpu.memory_space<vmem>> -> memref<80xi32, #tpu.memory_space<vmem>>
      %dma_wait3A_570 = arith.constant 0 : i32
      %dma_wait3A_571 = arith.constant 0 : i32
      %dma_wait3A_572 = tpu.memref_slice %arg4[%dma_wait3A_570, %dma_wait3A_571] : memref<10000x128xf32, #tpu.memory_space<hbm>> -> memref<10000x128xf32, #tpu.memory_space<hbm>>
      tpu.wait_indirect_dma semaphore(%arg17 : memref<!tpu.dma_semaphore, #tpu.memory_space<semaphore_mem>>) src(%dma_wait3A_572 : memref<10000x128xf32, #tpu.memory_space<hbm>>) dst(%arg13 : memref<80x128xf32, #tpu.memory_space<vmem>>)
      %mul3A_573 = arith.constant 80 : i32
      %mul3A_574 = arith.muli %add3A_566, %mul3A_573 : i32
      "tpu.region"() ({
        %run_scoped3A = tpu.sem_alloc : memref<!tpu.dma_semaphore, #tpu.memory_space<semaphore_mem>>
        %dma_start3A_602 = tpu.memref_slice %arg10[%mul3A_574] : memref<10000xi32, #tpu.memory_space<vmem>> -> memref<80xi32, #tpu.memory_space<vmem>>
        %dma_start3A_603 = arith.constant 0 : i32
        %dma_start3A_604 = arith.constant 0 : i32
        %dma_start3A_605 = tpu.memref_slice %arg9[%dma_start3A_603, %dma_start3A_604] : memref<10000x128xf32, #tpu.memory_space<vmem_shared>> -> memref<10000x128xf32, #tpu.memory_space<vmem_shared>>
        tpu.enqueue_indirect_dma source(%arg13 : memref<80x128xf32, #tpu.memory_space<vmem>>) target(%dma_start3A_605 : memref<10000x128xf32, #tpu.memory_space<vmem_shared>>) offsets(%dma_start3A_602 : memref<80xi32, #tpu.memory_space<vmem>>) semaphore(%run_scoped3A : memref<!tpu.dma_semaphore, #tpu.memory_space<semaphore_mem>>) {add = true}
        %dma_wait3A_606 = tpu.memref_slice %arg10[%mul3A_574] : memref<10000xi32, #tpu.memory_space<vmem>> -> memref<80xi32, #tpu.memory_space<vmem>>
        %dma_wait3A_607 = arith.constant 0 : i32
        %dma_wait3A_608 = arith.constant 0 : i32
        %dma_wait3A_609 = tpu.memref_slice %arg9[%dma_wait3A_607, %dma_wait3A_608] : memref<10000x128xf32, #tpu.memory_space<vmem_shared>> -> memref<10000x128xf32, #tpu.memory_space<vmem_shared>>
        tpu.wait_indirect_dma semaphore(%run_scoped3A : memref<!tpu.dma_semaphore, #tpu.memory_space<semaphore_mem>>) src(%arg13 : memref<80x128xf32, #tpu.memory_space<vmem>>) dst(%dma_wait3A_609 : memref<10000x128xf32, #tpu.memory_space<vmem_shared>>)
        tpu.yield
      }) : () -> ()
      %add3A_575 = arith.constant 3 : i32
      %add3A_576 = arith.addi %add3A_566, %add3A_575 : i32
      %lt3A_577 = arith.constant 125 : i32
      %lt3A_578 = arith.cmpi slt, %add3A_576, %lt3A_577 : i32
      %convert_element_type3A_579 = arith.extui %lt3A_578 : i1 to i32
      %cond3A_580 = arith.constant 0 : i32
      %cond3A_581 = arith.cmpi ne, %convert_element_type3A_579, %cond3A_580 : i32
      scf.if %cond3A_581 {
        %mul3A_602 = arith.constant 80 : i32
        %mul3A_603 = arith.muli %add3A_576, %mul3A_602 : i32
        %dma_start3A_604 = tpu.memref_slice %arg11[%mul3A_603] : memref<10000xi32, #tpu.memory_space<vmem>> -> memref<80xi32, #tpu.memory_space<vmem>>
        %dma_start3A_605 = arith.constant 0 : i32
        %dma_start3A_606 = arith.constant 0 : i32
        %dma_start3A_607 = tpu.memref_slice %arg4[%dma_start3A_605, %dma_start3A_606] : memref<10000x128xf32, #tpu.memory_space<hbm>> -> memref<10000x128xf32, #tpu.memory_space<hbm>>
        tpu.enqueue_indirect_dma source(%dma_start3A_607 : memref<10000x128xf32, #tpu.memory_space<hbm>>) target(%arg13 : memref<80x128xf32, #tpu.memory_space<vmem>>) offsets(%dma_start3A_604 : memref<80xi32, #tpu.memory_space<vmem>>) semaphore(%arg17 : memref<!tpu.dma_semaphore, #tpu.memory_space<semaphore_mem>>)
      } else {
      }
      %mul3A_582 = arith.constant 3 : i32
      %mul3A_583 = arith.muli %scan3A_542, %mul3A_582 : i32
      %add3A_584 = arith.constant 2 : i32
      %add3A_585 = arith.addi %mul3A_583, %add3A_584 : i32
      %mul3A_586 = arith.constant 80 : i32
      %mul3A_587 = arith.muli %add3A_585, %mul3A_586 : i32
      %dma_wait3A_588 = tpu.memref_slice %arg11[%mul3A_587] : memref<10000xi32, #tpu.memory_space<vmem>> -> memref<80xi32, #tpu.memory_space<vmem>>
      %dma_wait3A_589 = arith.constant 0 : i32
      %dma_wait3A_590 = arith.constant 0 : i32
      %dma_wait3A_591 = tpu.memref_slice %arg4[%dma_wait3A_589, %dma_wait3A_590] : memref<10000x128xf32, #tpu.memory_space<hbm>> -> memref<10000x128xf32, #tpu.memory_space<hbm>>
      tpu.wait_indirect_dma semaphore(%arg18 : memref<!tpu.dma_semaphore, #tpu.memory_space<semaphore_mem>>) src(%dma_wait3A_591 : memref<10000x128xf32, #tpu.memory_space<hbm>>) dst(%arg14 : memref<80x128xf32, #tpu.memory_space<vmem>>)
      %mul3A_592 = arith.constant 80 : i32
      %mul3A_593 = arith.muli %add3A_585, %mul3A_592 : i32
      "tpu.region"() ({
        %run_scoped3A = tpu.sem_alloc : memref<!tpu.dma_semaphore, #tpu.memory_space<semaphore_mem>>
        %dma_start3A_602 = tpu.memref_slice %arg10[%mul3A_593] : memref<10000xi32, #tpu.memory_space<vmem>> -> memref<80xi32, #tpu.memory_space<vmem>>
        %dma_start3A_603 = arith.constant 0 : i32
        %dma_start3A_604 = arith.constant 0 : i32
        %dma_start3A_605 = tpu.memref_slice %arg9[%dma_start3A_603, %dma_start3A_604] : memref<10000x128xf32, #tpu.memory_space<vmem_shared>> -> memref<10000x128xf32, #tpu.memory_space<vmem_shared>>
        tpu.enqueue_indirect_dma source(%arg14 : memref<80x128xf32, #tpu.memory_space<vmem>>) target(%dma_start3A_605 : memref<10000x128xf32, #tpu.memory_space<vmem_shared>>) offsets(%dma_start3A_602 : memref<80xi32, #tpu.memory_space<vmem>>) semaphore(%run_scoped3A : memref<!tpu.dma_semaphore, #tpu.memory_space<semaphore_mem>>) {add = true}
        %dma_wait3A_606 = tpu.memref_slice %arg10[%mul3A_593] : memref<10000xi32, #tpu.memory_space<vmem>> -> memref<80xi32, #tpu.memory_space<vmem>>
        %dma_wait3A_607 = arith.constant 0 : i32
        %dma_wait3A_608 = arith.constant 0 : i32
        %dma_wait3A_609 = tpu.memref_slice %arg9[%dma_wait3A_607, %dma_wait3A_608] : memref<10000x128xf32, #tpu.memory_space<vmem_shared>> -> memref<10000x128xf32, #tpu.memory_space<vmem_shared>>
        tpu.wait_indirect_dma semaphore(%run_scoped3A : memref<!tpu.dma_semaphore, #tpu.memory_space<semaphore_mem>>) src(%arg14 : memref<80x128xf32, #tpu.memory_space<vmem>>) dst(%dma_wait3A_609 : memref<10000x128xf32, #tpu.memory_space<vmem_shared>>)
        tpu.yield
      }) : () -> ()
      %add3A_594 = arith.constant 3 : i32
      %add3A_595 = arith.addi %add3A_585, %add3A_594 : i32
      %lt3A_596 = arith.constant 125 : i32
      %lt3A_597 = arith.cmpi slt, %add3A_595, %lt3A_596 : i32
      %convert_element_type3A_598 = arith.extui %lt3A_597 : i1 to i32
      %cond3A_599 = arith.constant 0 : i32
      %cond3A_600 = arith.cmpi ne, %convert_element_type3A_598, %cond3A_599 : i32
      scf.if %cond3A_600 {
        %mul3A_602 = arith.constant 80 : i32
        %mul3A_603 = arith.muli %add3A_595, %mul3A_602 : i32
        %dma_start3A_604 = tpu.memref_slice %arg11[%mul3A_603] : memref<10000xi32, #tpu.memory_space<vmem>> -> memref<80xi32, #tpu.memory_space<vmem>>
        %dma_start3A_605 = arith.constant 0 : i32
        %dma_start3A_606 = arith.constant 0 : i32
        %dma_start3A_607 = tpu.memref_slice %arg4[%dma_start3A_605, %dma_start3A_606] : memref<10000x128xf32, #tpu.memory_space<hbm>> -> memref<10000x128xf32, #tpu.memory_space<hbm>>
        tpu.enqueue_indirect_dma source(%dma_start3A_607 : memref<10000x128xf32, #tpu.memory_space<hbm>>) target(%arg14 : memref<80x128xf32, #tpu.memory_space<vmem>>) offsets(%dma_start3A_604 : memref<80xi32, #tpu.memory_space<vmem>>) semaphore(%arg18 : memref<!tpu.dma_semaphore, #tpu.memory_space<semaphore_mem>>)
      } else {
      }
      %scan3A_601 = arith.constant 0 : i32
      scf.yield %scan3A_601 : i32
    }
    %scan3A_455 = arith.constant 41 : i32
    %dma_wait3A_456 = arith.constant 9840 : i32
    %dma_wait3A_457 = tpu.memref_slice %arg11[%dma_wait3A_456] : memref<10000xi32, #tpu.memory_space<vmem>> -> memref<80xi32, #tpu.memory_space<vmem>>
    %dma_wait3A_458 = arith.constant 0 : i32
    %dma_wait3A_459 = arith.constant 0 : i32
    %dma_wait3A_460 = tpu.memref_slice %arg4[%dma_wait3A_458, %dma_wait3A_459] : memref<10000x128xf32, #tpu.memory_space<hbm>> -> memref<10000x128xf32, #tpu.memory_space<hbm>>
    tpu.wait_indirect_dma semaphore(%arg16 : memref<!tpu.dma_semaphore, #tpu.memory_space<semaphore_mem>>) src(%dma_wait3A_460 : memref<10000x128xf32, #tpu.memory_space<hbm>>) dst(%arg12 : memref<80x128xf32, #tpu.memory_space<vmem>>)
    "tpu.region"() ({
      %run_scoped3A = tpu.sem_alloc : memref<!tpu.dma_semaphore, #tpu.memory_space<semaphore_mem>>
      %dma_start3A_542 = arith.constant 9840 : i32
      %dma_start3A_543 = tpu.memref_slice %arg10[%dma_start3A_542] : memref<10000xi32, #tpu.memory_space<vmem>> -> memref<80xi32, #tpu.memory_space<vmem>>
      %dma_start3A_544 = arith.constant 0 : i32
      %dma_start3A_545 = arith.constant 0 : i32
      %dma_start3A_546 = tpu.memref_slice %arg9[%dma_start3A_544, %dma_start3A_545] : memref<10000x128xf32, #tpu.memory_space<vmem_shared>> -> memref<10000x128xf32, #tpu.memory_space<vmem_shared>>
      tpu.enqueue_indirect_dma source(%arg12 : memref<80x128xf32, #tpu.memory_space<vmem>>) target(%dma_start3A_546 : memref<10000x128xf32, #tpu.memory_space<vmem_shared>>) offsets(%dma_start3A_543 : memref<80xi32, #tpu.memory_space<vmem>>) semaphore(%run_scoped3A : memref<!tpu.dma_semaphore, #tpu.memory_space<semaphore_mem>>) {add = true}
      %dma_wait3A_547 = arith.constant 9840 : i32
      %dma_wait3A_548 = tpu.memref_slice %arg10[%dma_wait3A_547] : memref<10000xi32, #tpu.memory_space<vmem>> -> memref<80xi32, #tpu.memory_space<vmem>>
      %dma_wait3A_549 = arith.constant 0 : i32
      %dma_wait3A_550 = arith.constant 0 : i32
      %dma_wait3A_551 = tpu.memref_slice %arg9[%dma_wait3A_549, %dma_wait3A_550] : memref<10000x128xf32, #tpu.memory_space<vmem_shared>> -> memref<10000x128xf32, #tpu.memory_space<vmem_shared>>
      tpu.wait_indirect_dma semaphore(%run_scoped3A : memref<!tpu.dma_semaphore, #tpu.memory_space<semaphore_mem>>) src(%arg12 : memref<80x128xf32, #tpu.memory_space<vmem>>) dst(%dma_wait3A_551 : memref<10000x128xf32, #tpu.memory_space<vmem_shared>>)
      tpu.yield
    }) : () -> ()
    %dma_wait3A_461 = arith.constant 9920 : i32
    %dma_wait3A_462 = tpu.memref_slice %arg11[%dma_wait3A_461] : memref<10000xi32, #tpu.memory_space<vmem>> -> memref<80xi32, #tpu.memory_space<vmem>>
    %dma_wait3A_463 = arith.constant 0 : i32
    %dma_wait3A_464 = arith.constant 0 : i32
    %dma_wait3A_465 = tpu.memref_slice %arg4[%dma_wait3A_463, %dma_wait3A_464] : memref<10000x128xf32, #tpu.memory_space<hbm>> -> memref<10000x128xf32, #tpu.memory_space<hbm>>
    tpu.wait_indirect_dma semaphore(%arg17 : memref<!tpu.dma_semaphore, #tpu.memory_space<semaphore_mem>>) src(%dma_wait3A_465 : memref<10000x128xf32, #tpu.memory_space<hbm>>) dst(%arg13 : memref<80x128xf32, #tpu.memory_space<vmem>>)
    "tpu.region"() ({
      %run_scoped3A = tpu.sem_alloc : memref<!tpu.dma_semaphore, #tpu.memory_space<semaphore_mem>>
      %dma_start3A_542 = arith.constant 9920 : i32
      %dma_start3A_543 = tpu.memref_slice %arg10[%dma_start3A_542] : memref<10000xi32, #tpu.memory_space<vmem>> -> memref<80xi32, #tpu.memory_space<vmem>>
      %dma_start3A_544 = arith.constant 0 : i32
      %dma_start3A_545 = arith.constant 0 : i32
      %dma_start3A_546 = tpu.memref_slice %arg9[%dma_start3A_544, %dma_start3A_545] : memref<10000x128xf32, #tpu.memory_space<vmem_shared>> -> memref<10000x128xf32, #tpu.memory_space<vmem_shared>>
      tpu.enqueue_indirect_dma source(%arg13 : memref<80x128xf32, #tpu.memory_space<vmem>>) target(%dma_start3A_546 : memref<10000x128xf32, #tpu.memory_space<vmem_shared>>) offsets(%dma_start3A_543 : memref<80xi32, #tpu.memory_space<vmem>>) semaphore(%run_scoped3A : memref<!tpu.dma_semaphore, #tpu.memory_space<semaphore_mem>>) {add = true}
      %dma_wait3A_547 = arith.constant 9920 : i32
      %dma_wait3A_548 = tpu.memref_slice %arg10[%dma_wait3A_547] : memref<10000xi32, #tpu.memory_space<vmem>> -> memref<80xi32, #tpu.memory_space<vmem>>
      %dma_wait3A_549 = arith.constant 0 : i32
      %dma_wait3A_550 = arith.constant 0 : i32
      %dma_wait3A_551 = tpu.memref_slice %arg9[%dma_wait3A_549, %dma_wait3A_550] : memref<10000x128xf32, #tpu.memory_space<vmem_shared>> -> memref<10000x128xf32, #tpu.memory_space<vmem_shared>>
      tpu.wait_indirect_dma semaphore(%run_scoped3A : memref<!tpu.dma_semaphore, #tpu.memory_space<semaphore_mem>>) src(%arg13 : memref<80x128xf32, #tpu.memory_space<vmem>>) dst(%dma_wait3A_551 : memref<10000x128xf32, #tpu.memory_space<vmem_shared>>)
      tpu.yield
    }) : () -> ()
    %barrier3A_466 = arith.constant 0 : index
    tpu.barrier barrier_id(%barrier3A_466)
    %add3A_467 = arith.constant 0 : i32
    %add3A_468 = arith.addi %arg1, %add3A_467 : i32
    %lt3A_469 = arith.constant 125 : i32
    %lt3A_470 = arith.cmpi slt, %add3A_468, %lt3A_469 : i32
    %convert_element_type3A_471 = arith.extui %lt3A_470 : i1 to i32
    %cond3A_472 = arith.constant 0 : i32
    %cond3A_473 = arith.cmpi ne, %convert_element_type3A_471, %cond3A_472 : i32
    scf.if %cond3A_473 {
      %mul3A_542 = arith.constant 80 : i32
      %mul3A_543 = arith.muli %add3A_468, %mul3A_542 : i32
      "tpu.region"() ({
        %run_scoped3A = tpu.sem_alloc : memref<!tpu.dma_semaphore, #tpu.memory_space<semaphore_mem>>
        %dma_start3A_551 = arith.constant 0 : i32
        %dma_start3A_552 = tpu.memref_slice %arg9[%mul3A_543, %dma_start3A_551] : memref<10000x128xf32, #tpu.memory_space<vmem_shared>> -> memref<80x128xf32, #tpu.memory_space<vmem_shared>>
        %dma_start3A_553 = arith.constant 0 : i32
        %dma_start3A_554 = tpu.memref_slice %arg9[%mul3A_543, %dma_start3A_553] : memref<10000x128xf32, #tpu.memory_space<vmem_shared>> -> memref<80x128xf32, #tpu.memory_space<vmem_shared>>
        tpu.enqueue_dma source(%dma_start3A_554 : memref<80x128xf32, #tpu.memory_space<vmem_shared>>) target(%arg12 : memref<80x128xf32, #tpu.memory_space<vmem>>) target_semaphore(%run_scoped3A : memref<!tpu.dma_semaphore, #tpu.memory_space<semaphore_mem>>)
        %dma_wait3A_555 = arith.constant 0 : i32
        %dma_wait3A_556 = tpu.memref_slice %arg9[%mul3A_543, %dma_wait3A_555] : memref<10000x128xf32, #tpu.memory_space<vmem_shared>> -> memref<80x128xf32, #tpu.memory_space<vmem_shared>>
        %dma_wait3A_557 = arith.constant 0 : i32
        %dma_wait3A_558 = tpu.memref_slice %arg9[%mul3A_543, %dma_wait3A_557] : memref<10000x128xf32, #tpu.memory_space<vmem_shared>> -> memref<80x128xf32, #tpu.memory_space<vmem_shared>>
        tpu.wait_dma2 semaphore(%run_scoped3A : memref<!tpu.dma_semaphore, #tpu.memory_space<semaphore_mem>>) src(%dma_wait3A_558 : memref<80x128xf32, #tpu.memory_space<vmem_shared>>) dst(%arg12 : memref<80x128xf32, #tpu.memory_space<vmem>>)
        tpu.yield
      }) : () -> ()
      %dma_start3A_544 = arith.constant 2 : i32
      %dma_start3A_545 = arith.constant 0 : i32
      %dma_start3A_546 = tpu.memref_slice %arg8[%dma_start3A_544, %arg0, %mul3A_543, %dma_start3A_545] : memref<3x2x10000x128xf32, #tpu.memory_space<hbm>> -> memref<1x1x80x128xf32, #tpu.memory_space<hbm>>
      %dma_start3A_547 = tpu.memref_squeeze %dma_start3A_546 : memref<1x1x80x128xf32, #tpu.memory_space<hbm>> -> memref<80x128xf32, #tpu.memory_space<hbm>>
      %dma_start3A_548 = arith.constant 0 : i32
      %dma_start3A_549 = tpu.memref_slice %arg8[%dma_start3A_544, %arg0, %mul3A_543, %dma_start3A_548] : memref<3x2x10000x128xf32, #tpu.memory_space<hbm>> -> memref<1x1x80x128xf32, #tpu.memory_space<hbm>>
      %dma_start3A_550 = tpu.memref_squeeze %dma_start3A_549 : memref<1x1x80x128xf32, #tpu.memory_space<hbm>> -> memref<80x128xf32, #tpu.memory_space<hbm>>
      tpu.enqueue_dma source(%arg12 : memref<80x128xf32, #tpu.memory_space<vmem>>) target(%dma_start3A_550 : memref<80x128xf32, #tpu.memory_space<hbm>>) target_semaphore(%arg16 : memref<!tpu.dma_semaphore, #tpu.memory_space<semaphore_mem>>)
    } else {
    }
    %add3A_474 = arith.constant 16 : i32
    %add3A_475 = arith.addi %arg1, %add3A_474 : i32
    %lt3A_476 = arith.constant 125 : i32
    %lt3A_477 = arith.cmpi slt, %add3A_475, %lt3A_476 : i32
    %convert_element_type3A_478 = arith.extui %lt3A_477 : i1 to i32
    %cond3A_479 = arith.constant 0 : i32
    %cond3A_480 = arith.cmpi ne, %convert_element_type3A_478, %cond3A_479 : i32
    scf.if %cond3A_480 {
      %mul3A_542 = arith.constant 80 : i32
      %mul3A_543 = arith.muli %add3A_475, %mul3A_542 : i32
      "tpu.region"() ({
        %run_scoped3A = tpu.sem_alloc : memref<!tpu.dma_semaphore, #tpu.memory_space<semaphore_mem>>
        %dma_start3A_551 = arith.constant 0 : i32
        %dma_start3A_552 = tpu.memref_slice %arg9[%mul3A_543, %dma_start3A_551] : memref<10000x128xf32, #tpu.memory_space<vmem_shared>> -> memref<80x128xf32, #tpu.memory_space<vmem_shared>>
        %dma_start3A_553 = arith.constant 0 : i32
        %dma_start3A_554 = tpu.memref_slice %arg9[%mul3A_543, %dma_start3A_553] : memref<10000x128xf32, #tpu.memory_space<vmem_shared>> -> memref<80x128xf32, #tpu.memory_space<vmem_shared>>
        tpu.enqueue_dma source(%dma_start3A_554 : memref<80x128xf32, #tpu.memory_space<vmem_shared>>) target(%arg13 : memref<80x128xf32, #tpu.memory_space<vmem>>) target_semaphore(%run_scoped3A : memref<!tpu.dma_semaphore, #tpu.memory_space<semaphore_mem>>)
        %dma_wait3A_555 = arith.constant 0 : i32
        %dma_wait3A_556 = tpu.memref_slice %arg9[%mul3A_543, %dma_wait3A_555] : memref<10000x128xf32, #tpu.memory_space<vmem_shared>> -> memref<80x128xf32, #tpu.memory_space<vmem_shared>>
        %dma_wait3A_557 = arith.constant 0 : i32
        %dma_wait3A_558 = tpu.memref_slice %arg9[%mul3A_543, %dma_wait3A_557] : memref<10000x128xf32, #tpu.memory_space<vmem_shared>> -> memref<80x128xf32, #tpu.memory_space<vmem_shared>>
        tpu.wait_dma2 semaphore(%run_scoped3A : memref<!tpu.dma_semaphore, #tpu.memory_space<semaphore_mem>>) src(%dma_wait3A_558 : memref<80x128xf32, #tpu.memory_space<vmem_shared>>) dst(%arg13 : memref<80x128xf32, #tpu.memory_space<vmem>>)
        tpu.yield
      }) : () -> ()
      %dma_start3A_544 = arith.constant 2 : i32
      %dma_start3A_545 = arith.constant 0 : i32
      %dma_start3A_546 = tpu.memref_slice %arg8[%dma_start3A_544, %arg0, %mul3A_543, %dma_start3A_545] : memref<3x2x10000x128xf32, #tpu.memory_space<hbm>> -> memref<1x1x80x128xf32, #tpu.memory_space<hbm>>
      %dma_start3A_547 = tpu.memref_squeeze %dma_start3A_546 : memref<1x1x80x128xf32, #tpu.memory_space<hbm>> -> memref<80x128xf32, #tpu.memory_space<hbm>>
      %dma_start3A_548 = arith.constant 0 : i32
      %dma_start3A_549 = tpu.memref_slice %arg8[%dma_start3A_544, %arg0, %mul3A_543, %dma_start3A_548] : memref<3x2x10000x128xf32, #tpu.memory_space<hbm>> -> memref<1x1x80x128xf32, #tpu.memory_space<hbm>>
      %dma_start3A_550 = tpu.memref_squeeze %dma_start3A_549 : memref<1x1x80x128xf32, #tpu.memory_space<hbm>> -> memref<80x128xf32, #tpu.memory_space<hbm>>
      tpu.enqueue_dma source(%arg13 : memref<80x128xf32, #tpu.memory_space<vmem>>) target(%dma_start3A_550 : memref<80x128xf32, #tpu.memory_space<hbm>>) target_semaphore(%arg17 : memref<!tpu.dma_semaphore, #tpu.memory_space<semaphore_mem>>)
    } else {
    }
    %add3A_481 = arith.constant 32 : i32
    %add3A_482 = arith.addi %arg1, %add3A_481 : i32
    %lt3A_483 = arith.constant 125 : i32
    %lt3A_484 = arith.cmpi slt, %add3A_482, %lt3A_483 : i32
    %convert_element_type3A_485 = arith.extui %lt3A_484 : i1 to i32
    %cond3A_486 = arith.constant 0 : i32
    %cond3A_487 = arith.cmpi ne, %convert_element_type3A_485, %cond3A_486 : i32
    scf.if %cond3A_487 {
      %mul3A_542 = arith.constant 80 : i32
      %mul3A_543 = arith.muli %add3A_482, %mul3A_542 : i32
      %dma_wait3A_544 = arith.constant 2 : i32
      %dma_wait3A_545 = arith.constant 0 : i32
      %dma_wait3A_546 = tpu.memref_slice %arg8[%dma_wait3A_544, %arg0, %mul3A_543, %dma_wait3A_545] : memref<3x2x10000x128xf32, #tpu.memory_space<hbm>> -> memref<1x1x80x128xf32, #tpu.memory_space<hbm>>
      %dma_wait3A_547 = tpu.memref_squeeze %dma_wait3A_546 : memref<1x1x80x128xf32, #tpu.memory_space<hbm>> -> memref<80x128xf32, #tpu.memory_space<hbm>>
      %dma_wait3A_548 = arith.constant 0 : i32
      %dma_wait3A_549 = tpu.memref_slice %arg8[%dma_wait3A_544, %arg0, %mul3A_543, %dma_wait3A_548] : memref<3x2x10000x128xf32, #tpu.memory_space<hbm>> -> memref<1x1x80x128xf32, #tpu.memory_space<hbm>>
      %dma_wait3A_550 = tpu.memref_squeeze %dma_wait3A_549 : memref<1x1x80x128xf32, #tpu.memory_space<hbm>> -> memref<80x128xf32, #tpu.memory_space<hbm>>
      tpu.wait_dma2 semaphore(%arg16 : memref<!tpu.dma_semaphore, #tpu.memory_space<semaphore_mem>>) src(%arg12 : memref<80x128xf32, #tpu.memory_space<vmem>>) dst(%dma_wait3A_550 : memref<80x128xf32, #tpu.memory_space<hbm>>)
      "tpu.region"() ({
        %run_scoped3A = tpu.sem_alloc : memref<!tpu.dma_semaphore, #tpu.memory_space<semaphore_mem>>
        %dma_start3A_558 = arith.constant 0 : i32
        %dma_start3A_559 = tpu.memref_slice %arg9[%mul3A_543, %dma_start3A_558] : memref<10000x128xf32, #tpu.memory_space<vmem_shared>> -> memref<80x128xf32, #tpu.memory_space<vmem_shared>>
        %dma_start3A_560 = arith.constant 0 : i32
        %dma_start3A_561 = tpu.memref_slice %arg9[%mul3A_543, %dma_start3A_560] : memref<10000x128xf32, #tpu.memory_space<vmem_shared>> -> memref<80x128xf32, #tpu.memory_space<vmem_shared>>
        tpu.enqueue_dma source(%dma_start3A_561 : memref<80x128xf32, #tpu.memory_space<vmem_shared>>) target(%arg12 : memref<80x128xf32, #tpu.memory_space<vmem>>) target_semaphore(%run_scoped3A : memref<!tpu.dma_semaphore, #tpu.memory_space<semaphore_mem>>)
        %dma_wait3A_562 = arith.constant 0 : i32
        %dma_wait3A_563 = tpu.memref_slice %arg9[%mul3A_543, %dma_wait3A_562] : memref<10000x128xf32, #tpu.memory_space<vmem_shared>> -> memref<80x128xf32, #tpu.memory_space<vmem_shared>>
        %dma_wait3A_564 = arith.constant 0 : i32
        %dma_wait3A_565 = tpu.memref_slice %arg9[%mul3A_543, %dma_wait3A_564] : memref<10000x128xf32, #tpu.memory_space<vmem_shared>> -> memref<80x128xf32, #tpu.memory_space<vmem_shared>>
        tpu.wait_dma2 semaphore(%run_scoped3A : memref<!tpu.dma_semaphore, #tpu.memory_space<semaphore_mem>>) src(%dma_wait3A_565 : memref<80x128xf32, #tpu.memory_space<vmem_shared>>) dst(%arg12 : memref<80x128xf32, #tpu.memory_space<vmem>>)
        tpu.yield
      }) : () -> ()
      %dma_start3A_551 = arith.constant 2 : i32
      %dma_start3A_552 = arith.constant 0 : i32
      %dma_start3A_553 = tpu.memref_slice %arg8[%dma_start3A_551, %arg0, %mul3A_543, %dma_start3A_552] : memref<3x2x10000x128xf32, #tpu.memory_space<hbm>> -> memref<1x1x80x128xf32, #tpu.memory_space<hbm>>
      %dma_start3A_554 = tpu.memref_squeeze %dma_start3A_553 : memref<1x1x80x128xf32, #tpu.memory_space<hbm>> -> memref<80x128xf32, #tpu.memory_space<hbm>>
      %dma_start3A_555 = arith.constant 0 : i32
      %dma_start3A_556 = tpu.memref_slice %arg8[%dma_start3A_551, %arg0, %mul3A_543, %dma_start3A_555] : memref<3x2x10000x128xf32, #tpu.memory_space<hbm>> -> memref<1x1x80x128xf32, #tpu.memory_space<hbm>>
      %dma_start3A_557 = tpu.memref_squeeze %dma_start3A_556 : memref<1x1x80x128xf32, #tpu.memory_space<hbm>> -> memref<80x128xf32, #tpu.memory_space<hbm>>
      tpu.enqueue_dma source(%arg12 : memref<80x128xf32, #tpu.memory_space<vmem>>) target(%dma_start3A_557 : memref<80x128xf32, #tpu.memory_space<hbm>>) target_semaphore(%arg16 : memref<!tpu.dma_semaphore, #tpu.memory_space<semaphore_mem>>)
    } else {
    }
    %add3A_488 = arith.constant 48 : i32
    %add3A_489 = arith.addi %arg1, %add3A_488 : i32
    %lt3A_490 = arith.constant 125 : i32
    %lt3A_491 = arith.cmpi slt, %add3A_489, %lt3A_490 : i32
    %convert_element_type3A_492 = arith.extui %lt3A_491 : i1 to i32
    %cond3A_493 = arith.constant 0 : i32
    %cond3A_494 = arith.cmpi ne, %convert_element_type3A_492, %cond3A_493 : i32
    scf.if %cond3A_494 {
      %mul3A_542 = arith.constant 80 : i32
      %mul3A_543 = arith.muli %add3A_489, %mul3A_542 : i32
      %dma_wait3A_544 = arith.constant 2 : i32
      %dma_wait3A_545 = arith.constant 0 : i32
      %dma_wait3A_546 = tpu.memref_slice %arg8[%dma_wait3A_544, %arg0, %mul3A_543, %dma_wait3A_545] : memref<3x2x10000x128xf32, #tpu.memory_space<hbm>> -> memref<1x1x80x128xf32, #tpu.memory_space<hbm>>
      %dma_wait3A_547 = tpu.memref_squeeze %dma_wait3A_546 : memref<1x1x80x128xf32, #tpu.memory_space<hbm>> -> memref<80x128xf32, #tpu.memory_space<hbm>>
      %dma_wait3A_548 = arith.constant 0 : i32
      %dma_wait3A_549 = tpu.memref_slice %arg8[%dma_wait3A_544, %arg0, %mul3A_543, %dma_wait3A_548] : memref<3x2x10000x128xf32, #tpu.memory_space<hbm>> -> memref<1x1x80x128xf32, #tpu.memory_space<hbm>>
      %dma_wait3A_550 = tpu.memref_squeeze %dma_wait3A_549 : memref<1x1x80x128xf32, #tpu.memory_space<hbm>> -> memref<80x128xf32, #tpu.memory_space<hbm>>
      tpu.wait_dma2 semaphore(%arg17 : memref<!tpu.dma_semaphore, #tpu.memory_space<semaphore_mem>>) src(%arg13 : memref<80x128xf32, #tpu.memory_space<vmem>>) dst(%dma_wait3A_550 : memref<80x128xf32, #tpu.memory_space<hbm>>)
      "tpu.region"() ({
        %run_scoped3A = tpu.sem_alloc : memref<!tpu.dma_semaphore, #tpu.memory_space<semaphore_mem>>
        %dma_start3A_558 = arith.constant 0 : i32
        %dma_start3A_559 = tpu.memref_slice %arg9[%mul3A_543, %dma_start3A_558] : memref<10000x128xf32, #tpu.memory_space<vmem_shared>> -> memref<80x128xf32, #tpu.memory_space<vmem_shared>>
        %dma_start3A_560 = arith.constant 0 : i32
        %dma_start3A_561 = tpu.memref_slice %arg9[%mul3A_543, %dma_start3A_560] : memref<10000x128xf32, #tpu.memory_space<vmem_shared>> -> memref<80x128xf32, #tpu.memory_space<vmem_shared>>
        tpu.enqueue_dma source(%dma_start3A_561 : memref<80x128xf32, #tpu.memory_space<vmem_shared>>) target(%arg13 : memref<80x128xf32, #tpu.memory_space<vmem>>) target_semaphore(%run_scoped3A : memref<!tpu.dma_semaphore, #tpu.memory_space<semaphore_mem>>)
        %dma_wait3A_562 = arith.constant 0 : i32
        %dma_wait3A_563 = tpu.memref_slice %arg9[%mul3A_543, %dma_wait3A_562] : memref<10000x128xf32, #tpu.memory_space<vmem_shared>> -> memref<80x128xf32, #tpu.memory_space<vmem_shared>>
        %dma_wait3A_564 = arith.constant 0 : i32
        %dma_wait3A_565 = tpu.memref_slice %arg9[%mul3A_543, %dma_wait3A_564] : memref<10000x128xf32, #tpu.memory_space<vmem_shared>> -> memref<80x128xf32, #tpu.memory_space<vmem_shared>>
        tpu.wait_dma2 semaphore(%run_scoped3A : memref<!tpu.dma_semaphore, #tpu.memory_space<semaphore_mem>>) src(%dma_wait3A_565 : memref<80x128xf32, #tpu.memory_space<vmem_shared>>) dst(%arg13 : memref<80x128xf32, #tpu.memory_space<vmem>>)
        tpu.yield
      }) : () -> ()
      %dma_start3A_551 = arith.constant 2 : i32
      %dma_start3A_552 = arith.constant 0 : i32
      %dma_start3A_553 = tpu.memref_slice %arg8[%dma_start3A_551, %arg0, %mul3A_543, %dma_start3A_552] : memref<3x2x10000x128xf32, #tpu.memory_space<hbm>> -> memref<1x1x80x128xf32, #tpu.memory_space<hbm>>
      %dma_start3A_554 = tpu.memref_squeeze %dma_start3A_553 : memref<1x1x80x128xf32, #tpu.memory_space<hbm>> -> memref<80x128xf32, #tpu.memory_space<hbm>>
      %dma_start3A_555 = arith.constant 0 : i32
      %dma_start3A_556 = tpu.memref_slice %arg8[%dma_start3A_551, %arg0, %mul3A_543, %dma_start3A_555] : memref<3x2x10000x128xf32, #tpu.memory_space<hbm>> -> memref<1x1x80x128xf32, #tpu.memory_space<hbm>>
      %dma_start3A_557 = tpu.memref_squeeze %dma_start3A_556 : memref<1x1x80x128xf32, #tpu.memory_space<hbm>> -> memref<80x128xf32, #tpu.memory_space<hbm>>
      tpu.enqueue_dma source(%arg13 : memref<80x128xf32, #tpu.memory_space<vmem>>) target(%dma_start3A_557 : memref<80x128xf32, #tpu.memory_space<hbm>>) target_semaphore(%arg17 : memref<!tpu.dma_semaphore, #tpu.memory_space<semaphore_mem>>)
    } else {
    }
    %add3A_495 = arith.constant 64 : i32
    %add3A_496 = arith.addi %arg1, %add3A_495 : i32
    %lt3A_497 = arith.constant 125 : i32
    %lt3A_498 = arith.cmpi slt, %add3A_496, %lt3A_497 : i32
    %convert_element_type3A_499 = arith.extui %lt3A_498 : i1 to i32
    %cond3A_500 = arith.constant 0 : i32
    %cond3A_501 = arith.cmpi ne, %convert_element_type3A_499, %cond3A_500 : i32
    scf.if %cond3A_501 {
      %mul3A_542 = arith.constant 80 : i32
      %mul3A_543 = arith.muli %add3A_496, %mul3A_542 : i32
      %dma_wait3A_544 = arith.constant 2 : i32
      %dma_wait3A_545 = arith.constant 0 : i32
      %dma_wait3A_546 = tpu.memref_slice %arg8[%dma_wait3A_544, %arg0, %mul3A_543, %dma_wait3A_545] : memref<3x2x10000x128xf32, #tpu.memory_space<hbm>> -> memref<1x1x80x128xf32, #tpu.memory_space<hbm>>
      %dma_wait3A_547 = tpu.memref_squeeze %dma_wait3A_546 : memref<1x1x80x128xf32, #tpu.memory_space<hbm>> -> memref<80x128xf32, #tpu.memory_space<hbm>>
      %dma_wait3A_548 = arith.constant 0 : i32
      %dma_wait3A_549 = tpu.memref_slice %arg8[%dma_wait3A_544, %arg0, %mul3A_543, %dma_wait3A_548] : memref<3x2x10000x128xf32, #tpu.memory_space<hbm>> -> memref<1x1x80x128xf32, #tpu.memory_space<hbm>>
      %dma_wait3A_550 = tpu.memref_squeeze %dma_wait3A_549 : memref<1x1x80x128xf32, #tpu.memory_space<hbm>> -> memref<80x128xf32, #tpu.memory_space<hbm>>
      tpu.wait_dma2 semaphore(%arg16 : memref<!tpu.dma_semaphore, #tpu.memory_space<semaphore_mem>>) src(%arg12 : memref<80x128xf32, #tpu.memory_space<vmem>>) dst(%dma_wait3A_550 : memref<80x128xf32, #tpu.memory_space<hbm>>)
      "tpu.region"() ({
        %run_scoped3A = tpu.sem_alloc : memref<!tpu.dma_semaphore, #tpu.memory_space<semaphore_mem>>
        %dma_start3A_558 = arith.constant 0 : i32
        %dma_start3A_559 = tpu.memref_slice %arg9[%mul3A_543, %dma_start3A_558] : memref<10000x128xf32, #tpu.memory_space<vmem_shared>> -> memref<80x128xf32, #tpu.memory_space<vmem_shared>>
        %dma_start3A_560 = arith.constant 0 : i32
        %dma_start3A_561 = tpu.memref_slice %arg9[%mul3A_543, %dma_start3A_560] : memref<10000x128xf32, #tpu.memory_space<vmem_shared>> -> memref<80x128xf32, #tpu.memory_space<vmem_shared>>
        tpu.enqueue_dma source(%dma_start3A_561 : memref<80x128xf32, #tpu.memory_space<vmem_shared>>) target(%arg12 : memref<80x128xf32, #tpu.memory_space<vmem>>) target_semaphore(%run_scoped3A : memref<!tpu.dma_semaphore, #tpu.memory_space<semaphore_mem>>)
        %dma_wait3A_562 = arith.constant 0 : i32
        %dma_wait3A_563 = tpu.memref_slice %arg9[%mul3A_543, %dma_wait3A_562] : memref<10000x128xf32, #tpu.memory_space<vmem_shared>> -> memref<80x128xf32, #tpu.memory_space<vmem_shared>>
        %dma_wait3A_564 = arith.constant 0 : i32
        %dma_wait3A_565 = tpu.memref_slice %arg9[%mul3A_543, %dma_wait3A_564] : memref<10000x128xf32, #tpu.memory_space<vmem_shared>> -> memref<80x128xf32, #tpu.memory_space<vmem_shared>>
        tpu.wait_dma2 semaphore(%run_scoped3A : memref<!tpu.dma_semaphore, #tpu.memory_space<semaphore_mem>>) src(%dma_wait3A_565 : memref<80x128xf32, #tpu.memory_space<vmem_shared>>) dst(%arg12 : memref<80x128xf32, #tpu.memory_space<vmem>>)
        tpu.yield
      }) : () -> ()
      %dma_start3A_551 = arith.constant 2 : i32
      %dma_start3A_552 = arith.constant 0 : i32
      %dma_start3A_553 = tpu.memref_slice %arg8[%dma_start3A_551, %arg0, %mul3A_543, %dma_start3A_552] : memref<3x2x10000x128xf32, #tpu.memory_space<hbm>> -> memref<1x1x80x128xf32, #tpu.memory_space<hbm>>
      %dma_start3A_554 = tpu.memref_squeeze %dma_start3A_553 : memref<1x1x80x128xf32, #tpu.memory_space<hbm>> -> memref<80x128xf32, #tpu.memory_space<hbm>>
      %dma_start3A_555 = arith.constant 0 : i32
      %dma_start3A_556 = tpu.memref_slice %arg8[%dma_start3A_551, %arg0, %mul3A_543, %dma_start3A_555] : memref<3x2x10000x128xf32, #tpu.memory_space<hbm>> -> memref<1x1x80x128xf32, #tpu.memory_space<hbm>>
      %dma_start3A_557 = tpu.memref_squeeze %dma_start3A_556 : memref<1x1x80x128xf32, #tpu.memory_space<hbm>> -> memref<80x128xf32, #tpu.memory_space<hbm>>
      tpu.enqueue_dma source(%arg12 : memref<80x128xf32, #tpu.memory_space<vmem>>) target(%dma_start3A_557 : memref<80x128xf32, #tpu.memory_space<hbm>>) target_semaphore(%arg16 : memref<!tpu.dma_semaphore, #tpu.memory_space<semaphore_mem>>)
    } else {
    }
    %add3A_502 = arith.constant 80 : i32
    %add3A_503 = arith.addi %arg1, %add3A_502 : i32
    %lt3A_504 = arith.constant 125 : i32
    %lt3A_505 = arith.cmpi slt, %add3A_503, %lt3A_504 : i32
    %convert_element_type3A_506 = arith.extui %lt3A_505 : i1 to i32
    %cond3A_507 = arith.constant 0 : i32
    %cond3A_508 = arith.cmpi ne, %convert_element_type3A_506, %cond3A_507 : i32
    scf.if %cond3A_508 {
      %mul3A_542 = arith.constant 80 : i32
      %mul3A_543 = arith.muli %add3A_503, %mul3A_542 : i32
      %dma_wait3A_544 = arith.constant 2 : i32
      %dma_wait3A_545 = arith.constant 0 : i32
      %dma_wait3A_546 = tpu.memref_slice %arg8[%dma_wait3A_544, %arg0, %mul3A_543, %dma_wait3A_545] : memref<3x2x10000x128xf32, #tpu.memory_space<hbm>> -> memref<1x1x80x128xf32, #tpu.memory_space<hbm>>
      %dma_wait3A_547 = tpu.memref_squeeze %dma_wait3A_546 : memref<1x1x80x128xf32, #tpu.memory_space<hbm>> -> memref<80x128xf32, #tpu.memory_space<hbm>>
      %dma_wait3A_548 = arith.constant 0 : i32
      %dma_wait3A_549 = tpu.memref_slice %arg8[%dma_wait3A_544, %arg0, %mul3A_543, %dma_wait3A_548] : memref<3x2x10000x128xf32, #tpu.memory_space<hbm>> -> memref<1x1x80x128xf32, #tpu.memory_space<hbm>>
      %dma_wait3A_550 = tpu.memref_squeeze %dma_wait3A_549 : memref<1x1x80x128xf32, #tpu.memory_space<hbm>> -> memref<80x128xf32, #tpu.memory_space<hbm>>
      tpu.wait_dma2 semaphore(%arg17 : memref<!tpu.dma_semaphore, #tpu.memory_space<semaphore_mem>>) src(%arg13 : memref<80x128xf32, #tpu.memory_space<vmem>>) dst(%dma_wait3A_550 : memref<80x128xf32, #tpu.memory_space<hbm>>)
      "tpu.region"() ({
        %run_scoped3A = tpu.sem_alloc : memref<!tpu.dma_semaphore, #tpu.memory_space<semaphore_mem>>
        %dma_start3A_558 = arith.constant 0 : i32
        %dma_start3A_559 = tpu.memref_slice %arg9[%mul3A_543, %dma_start3A_558] : memref<10000x128xf32, #tpu.memory_space<vmem_shared>> -> memref<80x128xf32, #tpu.memory_space<vmem_shared>>
        %dma_start3A_560 = arith.constant 0 : i32
        %dma_start3A_561 = tpu.memref_slice %arg9[%mul3A_543, %dma_start3A_560] : memref<10000x128xf32, #tpu.memory_space<vmem_shared>> -> memref<80x128xf32, #tpu.memory_space<vmem_shared>>
        tpu.enqueue_dma source(%dma_start3A_561 : memref<80x128xf32, #tpu.memory_space<vmem_shared>>) target(%arg13 : memref<80x128xf32, #tpu.memory_space<vmem>>) target_semaphore(%run_scoped3A : memref<!tpu.dma_semaphore, #tpu.memory_space<semaphore_mem>>)
        %dma_wait3A_562 = arith.constant 0 : i32
        %dma_wait3A_563 = tpu.memref_slice %arg9[%mul3A_543, %dma_wait3A_562] : memref<10000x128xf32, #tpu.memory_space<vmem_shared>> -> memref<80x128xf32, #tpu.memory_space<vmem_shared>>
        %dma_wait3A_564 = arith.constant 0 : i32
        %dma_wait3A_565 = tpu.memref_slice %arg9[%mul3A_543, %dma_wait3A_564] : memref<10000x128xf32, #tpu.memory_space<vmem_shared>> -> memref<80x128xf32, #tpu.memory_space<vmem_shared>>
        tpu.wait_dma2 semaphore(%run_scoped3A : memref<!tpu.dma_semaphore, #tpu.memory_space<semaphore_mem>>) src(%dma_wait3A_565 : memref<80x128xf32, #tpu.memory_space<vmem_shared>>) dst(%arg13 : memref<80x128xf32, #tpu.memory_space<vmem>>)
        tpu.yield
      }) : () -> ()
      %dma_start3A_551 = arith.constant 2 : i32
      %dma_start3A_552 = arith.constant 0 : i32
      %dma_start3A_553 = tpu.memref_slice %arg8[%dma_start3A_551, %arg0, %mul3A_543, %dma_start3A_552] : memref<3x2x10000x128xf32, #tpu.memory_space<hbm>> -> memref<1x1x80x128xf32, #tpu.memory_space<hbm>>
      %dma_start3A_554 = tpu.memref_squeeze %dma_start3A_553 : memref<1x1x80x128xf32, #tpu.memory_space<hbm>> -> memref<80x128xf32, #tpu.memory_space<hbm>>
      %dma_start3A_555 = arith.constant 0 : i32
      %dma_start3A_556 = tpu.memref_slice %arg8[%dma_start3A_551, %arg0, %mul3A_543, %dma_start3A_555] : memref<3x2x10000x128xf32, #tpu.memory_space<hbm>> -> memref<1x1x80x128xf32, #tpu.memory_space<hbm>>
      %dma_start3A_557 = tpu.memref_squeeze %dma_start3A_556 : memref<1x1x80x128xf32, #tpu.memory_space<hbm>> -> memref<80x128xf32, #tpu.memory_space<hbm>>
      tpu.enqueue_dma source(%arg13 : memref<80x128xf32, #tpu.memory_space<vmem>>) target(%dma_start3A_557 : memref<80x128xf32, #tpu.memory_space<hbm>>) target_semaphore(%arg17 : memref<!tpu.dma_semaphore, #tpu.memory_space<semaphore_mem>>)
    } else {
    }
    %add3A_509 = arith.constant 96 : i32
    %add3A_510 = arith.addi %arg1, %add3A_509 : i32
    %lt3A_511 = arith.constant 125 : i32
    %lt3A_512 = arith.cmpi slt, %add3A_510, %lt3A_511 : i32
    %convert_element_type3A_513 = arith.extui %lt3A_512 : i1 to i32
    %cond3A_514 = arith.constant 0 : i32
    %cond3A_515 = arith.cmpi ne, %convert_element_type3A_513, %cond3A_514 : i32
    scf.if %cond3A_515 {
      %mul3A_542 = arith.constant 80 : i32
      %mul3A_543 = arith.muli %add3A_510, %mul3A_542 : i32
      %dma_wait3A_544 = arith.constant 2 : i32
      %dma_wait3A_545 = arith.constant 0 : i32
      %dma_wait3A_546 = tpu.memref_slice %arg8[%dma_wait3A_544, %arg0, %mul3A_543, %dma_wait3A_545] : memref<3x2x10000x128xf32, #tpu.memory_space<hbm>> -> memref<1x1x80x128xf32, #tpu.memory_space<hbm>>
      %dma_wait3A_547 = tpu.memref_squeeze %dma_wait3A_546 : memref<1x1x80x128xf32, #tpu.memory_space<hbm>> -> memref<80x128xf32, #tpu.memory_space<hbm>>
      %dma_wait3A_548 = arith.constant 0 : i32
      %dma_wait3A_549 = tpu.memref_slice %arg8[%dma_wait3A_544, %arg0, %mul3A_543, %dma_wait3A_548] : memref<3x2x10000x128xf32, #tpu.memory_space<hbm>> -> memref<1x1x80x128xf32, #tpu.memory_space<hbm>>
      %dma_wait3A_550 = tpu.memref_squeeze %dma_wait3A_549 : memref<1x1x80x128xf32, #tpu.memory_space<hbm>> -> memref<80x128xf32, #tpu.memory_space<hbm>>
      tpu.wait_dma2 semaphore(%arg16 : memref<!tpu.dma_semaphore, #tpu.memory_space<semaphore_mem>>) src(%arg12 : memref<80x128xf32, #tpu.memory_space<vmem>>) dst(%dma_wait3A_550 : memref<80x128xf32, #tpu.memory_space<hbm>>)
      "tpu.region"() ({
        %run_scoped3A = tpu.sem_alloc : memref<!tpu.dma_semaphore, #tpu.memory_space<semaphore_mem>>
        %dma_start3A_558 = arith.constant 0 : i32
        %dma_start3A_559 = tpu.memref_slice %arg9[%mul3A_543, %dma_start3A_558] : memref<10000x128xf32, #tpu.memory_space<vmem_shared>> -> memref<80x128xf32, #tpu.memory_space<vmem_shared>>
        %dma_start3A_560 = arith.constant 0 : i32
        %dma_start3A_561 = tpu.memref_slice %arg9[%mul3A_543, %dma_start3A_560] : memref<10000x128xf32, #tpu.memory_space<vmem_shared>> -> memref<80x128xf32, #tpu.memory_space<vmem_shared>>
        tpu.enqueue_dma source(%dma_start3A_561 : memref<80x128xf32, #tpu.memory_space<vmem_shared>>) target(%arg12 : memref<80x128xf32, #tpu.memory_space<vmem>>) target_semaphore(%run_scoped3A : memref<!tpu.dma_semaphore, #tpu.memory_space<semaphore_mem>>)
        %dma_wait3A_562 = arith.constant 0 : i32
        %dma_wait3A_563 = tpu.memref_slice %arg9[%mul3A_543, %dma_wait3A_562] : memref<10000x128xf32, #tpu.memory_space<vmem_shared>> -> memref<80x128xf32, #tpu.memory_space<vmem_shared>>
        %dma_wait3A_564 = arith.constant 0 : i32
        %dma_wait3A_565 = tpu.memref_slice %arg9[%mul3A_543, %dma_wait3A_564] : memref<10000x128xf32, #tpu.memory_space<vmem_shared>> -> memref<80x128xf32, #tpu.memory_space<vmem_shared>>
        tpu.wait_dma2 semaphore(%run_scoped3A : memref<!tpu.dma_semaphore, #tpu.memory_space<semaphore_mem>>) src(%dma_wait3A_565 : memref<80x128xf32, #tpu.memory_space<vmem_shared>>) dst(%arg12 : memref<80x128xf32, #tpu.memory_space<vmem>>)
        tpu.yield
      }) : () -> ()
      %dma_start3A_551 = arith.constant 2 : i32
      %dma_start3A_552 = arith.constant 0 : i32
      %dma_start3A_553 = tpu.memref_slice %arg8[%dma_start3A_551, %arg0, %mul3A_543, %dma_start3A_552] : memref<3x2x10000x128xf32, #tpu.memory_space<hbm>> -> memref<1x1x80x128xf32, #tpu.memory_space<hbm>>
      %dma_start3A_554 = tpu.memref_squeeze %dma_start3A_553 : memref<1x1x80x128xf32, #tpu.memory_space<hbm>> -> memref<80x128xf32, #tpu.memory_space<hbm>>
      %dma_start3A_555 = arith.constant 0 : i32
      %dma_start3A_556 = tpu.memref_slice %arg8[%dma_start3A_551, %arg0, %mul3A_543, %dma_start3A_555] : memref<3x2x10000x128xf32, #tpu.memory_space<hbm>> -> memref<1x1x80x128xf32, #tpu.memory_space<hbm>>
      %dma_start3A_557 = tpu.memref_squeeze %dma_start3A_556 : memref<1x1x80x128xf32, #tpu.memory_space<hbm>> -> memref<80x128xf32, #tpu.memory_space<hbm>>
      tpu.enqueue_dma source(%arg12 : memref<80x128xf32, #tpu.memory_space<vmem>>) target(%dma_start3A_557 : memref<80x128xf32, #tpu.memory_space<hbm>>) target_semaphore(%arg16 : memref<!tpu.dma_semaphore, #tpu.memory_space<semaphore_mem>>)
    } else {
    }
    %add3A_516 = arith.constant 112 : i32
    %add3A_517 = arith.addi %arg1, %add3A_516 : i32
    %lt3A_518 = arith.constant 125 : i32
    %lt3A_519 = arith.cmpi slt, %add3A_517, %lt3A_518 : i32
    %convert_element_type3A_520 = arith.extui %lt3A_519 : i1 to i32
    %cond3A_521 = arith.constant 0 : i32
    %cond3A_522 = arith.cmpi ne, %convert_element_type3A_520, %cond3A_521 : i32
    scf.if %cond3A_522 {
      %mul3A_542 = arith.constant 80 : i32
      %mul3A_543 = arith.muli %add3A_517, %mul3A_542 : i32
      %dma_wait3A_544 = arith.constant 2 : i32
      %dma_wait3A_545 = arith.constant 0 : i32
      %dma_wait3A_546 = tpu.memref_slice %arg8[%dma_wait3A_544, %arg0, %mul3A_543, %dma_wait3A_545] : memref<3x2x10000x128xf32, #tpu.memory_space<hbm>> -> memref<1x1x80x128xf32, #tpu.memory_space<hbm>>
      %dma_wait3A_547 = tpu.memref_squeeze %dma_wait3A_546 : memref<1x1x80x128xf32, #tpu.memory_space<hbm>> -> memref<80x128xf32, #tpu.memory_space<hbm>>
      %dma_wait3A_548 = arith.constant 0 : i32
      %dma_wait3A_549 = tpu.memref_slice %arg8[%dma_wait3A_544, %arg0, %mul3A_543, %dma_wait3A_548] : memref<3x2x10000x128xf32, #tpu.memory_space<hbm>> -> memref<1x1x80x128xf32, #tpu.memory_space<hbm>>
      %dma_wait3A_550 = tpu.memref_squeeze %dma_wait3A_549 : memref<1x1x80x128xf32, #tpu.memory_space<hbm>> -> memref<80x128xf32, #tpu.memory_space<hbm>>
      tpu.wait_dma2 semaphore(%arg17 : memref<!tpu.dma_semaphore, #tpu.memory_space<semaphore_mem>>) src(%arg13 : memref<80x128xf32, #tpu.memory_space<vmem>>) dst(%dma_wait3A_550 : memref<80x128xf32, #tpu.memory_space<hbm>>)
      "tpu.region"() ({
        %run_scoped3A = tpu.sem_alloc : memref<!tpu.dma_semaphore, #tpu.memory_space<semaphore_mem>>
        %dma_start3A_558 = arith.constant 0 : i32
        %dma_start3A_559 = tpu.memref_slice %arg9[%mul3A_543, %dma_start3A_558] : memref<10000x128xf32, #tpu.memory_space<vmem_shared>> -> memref<80x128xf32, #tpu.memory_space<vmem_shared>>
        %dma_start3A_560 = arith.constant 0 : i32
        %dma_start3A_561 = tpu.memref_slice %arg9[%mul3A_543, %dma_start3A_560] : memref<10000x128xf32, #tpu.memory_space<vmem_shared>> -> memref<80x128xf32, #tpu.memory_space<vmem_shared>>
        tpu.enqueue_dma source(%dma_start3A_561 : memref<80x128xf32, #tpu.memory_space<vmem_shared>>) target(%arg13 : memref<80x128xf32, #tpu.memory_space<vmem>>) target_semaphore(%run_scoped3A : memref<!tpu.dma_semaphore, #tpu.memory_space<semaphore_mem>>)
        %dma_wait3A_562 = arith.constant 0 : i32
        %dma_wait3A_563 = tpu.memref_slice %arg9[%mul3A_543, %dma_wait3A_562] : memref<10000x128xf32, #tpu.memory_space<vmem_shared>> -> memref<80x128xf32, #tpu.memory_space<vmem_shared>>
        %dma_wait3A_564 = arith.constant 0 : i32
        %dma_wait3A_565 = tpu.memref_slice %arg9[%mul3A_543, %dma_wait3A_564] : memref<10000x128xf32, #tpu.memory_space<vmem_shared>> -> memref<80x128xf32, #tpu.memory_space<vmem_shared>>
        tpu.wait_dma2 semaphore(%run_scoped3A : memref<!tpu.dma_semaphore, #tpu.memory_space<semaphore_mem>>) src(%dma_wait3A_565 : memref<80x128xf32, #tpu.memory_space<vmem_shared>>) dst(%arg13 : memref<80x128xf32, #tpu.memory_space<vmem>>)
        tpu.yield
      }) : () -> ()
      %dma_start3A_551 = arith.constant 2 : i32
      %dma_start3A_552 = arith.constant 0 : i32
      %dma_start3A_553 = tpu.memref_slice %arg8[%dma_start3A_551, %arg0, %mul3A_543, %dma_start3A_552] : memref<3x2x10000x128xf32, #tpu.memory_space<hbm>> -> memref<1x1x80x128xf32, #tpu.memory_space<hbm>>
      %dma_start3A_554 = tpu.memref_squeeze %dma_start3A_553 : memref<1x1x80x128xf32, #tpu.memory_space<hbm>> -> memref<80x128xf32, #tpu.memory_space<hbm>>
      %dma_start3A_555 = arith.constant 0 : i32
      %dma_start3A_556 = tpu.memref_slice %arg8[%dma_start3A_551, %arg0, %mul3A_543, %dma_start3A_555] : memref<3x2x10000x128xf32, #tpu.memory_space<hbm>> -> memref<1x1x80x128xf32, #tpu.memory_space<hbm>>
      %dma_start3A_557 = tpu.memref_squeeze %dma_start3A_556 : memref<1x1x80x128xf32, #tpu.memory_space<hbm>> -> memref<80x128xf32, #tpu.memory_space<hbm>>
      tpu.enqueue_dma source(%arg13 : memref<80x128xf32, #tpu.memory_space<vmem>>) target(%dma_start3A_557 : memref<80x128xf32, #tpu.memory_space<hbm>>) target_semaphore(%arg17 : memref<!tpu.dma_semaphore, #tpu.memory_space<semaphore_mem>>)
    } else {
    }
    %dma_wait3A_523 = arith.constant 2 : i32
    %dma_wait3A_524 = arith.constant 0 : i32
    %dma_wait3A_525 = arith.constant 0 : i32
    %dma_wait3A_526 = tpu.memref_slice %arg8[%dma_wait3A_523, %arg0, %dma_wait3A_524, %dma_wait3A_525] : memref<3x2x10000x128xf32, #tpu.memory_space<hbm>> -> memref<1x1x80x128xf32, #tpu.memory_space<hbm>>
    %dma_wait3A_527 = tpu.memref_squeeze %dma_wait3A_526 : memref<1x1x80x128xf32, #tpu.memory_space<hbm>> -> memref<80x128xf32, #tpu.memory_space<hbm>>
    %dma_wait3A_528 = arith.constant 0 : i32
    %dma_wait3A_529 = arith.constant 0 : i32
    %dma_wait3A_530 = tpu.memref_slice %arg8[%dma_wait3A_523, %arg0, %dma_wait3A_528, %dma_wait3A_529] : memref<3x2x10000x128xf32, #tpu.memory_space<hbm>> -> memref<1x1x80x128xf32, #tpu.memory_space<hbm>>
    %dma_wait3A_531 = tpu.memref_squeeze %dma_wait3A_530 : memref<1x1x80x128xf32, #tpu.memory_space<hbm>> -> memref<80x128xf32, #tpu.memory_space<hbm>>
    tpu.wait_dma2 semaphore(%arg16 : memref<!tpu.dma_semaphore, #tpu.memory_space<semaphore_mem>>) src(%arg12 : memref<80x128xf32, #tpu.memory_space<vmem>>) dst(%dma_wait3A_531 : memref<80x128xf32, #tpu.memory_space<hbm>>)
    %dma_wait3A_532 = arith.constant 2 : i32
    %dma_wait3A_533 = arith.constant 0 : i32
    %dma_wait3A_534 = arith.constant 0 : i32
    %dma_wait3A_535 = tpu.memref_slice %arg8[%dma_wait3A_532, %arg0, %dma_wait3A_533, %dma_wait3A_534] : memref<3x2x10000x128xf32, #tpu.memory_space<hbm>> -> memref<1x1x80x128xf32, #tpu.memory_space<hbm>>
    %dma_wait3A_536 = tpu.memref_squeeze %dma_wait3A_535 : memref<1x1x80x128xf32, #tpu.memory_space<hbm>> -> memref<80x128xf32, #tpu.memory_space<hbm>>
    %dma_wait3A_537 = arith.constant 0 : i32
    %dma_wait3A_538 = arith.constant 0 : i32
    %dma_wait3A_539 = tpu.memref_slice %arg8[%dma_wait3A_532, %arg0, %dma_wait3A_537, %dma_wait3A_538] : memref<3x2x10000x128xf32, #tpu.memory_space<hbm>> -> memref<1x1x80x128xf32, #tpu.memory_space<hbm>>
    %dma_wait3A_540 = tpu.memref_squeeze %dma_wait3A_539 : memref<1x1x80x128xf32, #tpu.memory_space<hbm>> -> memref<80x128xf32, #tpu.memory_space<hbm>>
    tpu.wait_dma2 semaphore(%arg17 : memref<!tpu.dma_semaphore, #tpu.memory_space<semaphore_mem>>) src(%arg13 : memref<80x128xf32, #tpu.memory_space<vmem>>) dst(%dma_wait3A_540 : memref<80x128xf32, #tpu.memory_space<hbm>>)
    %barrier3A_541 = arith.constant 0 : index
    tpu.barrier barrier_id(%barrier3A_541)
    return
  }
}

#map = affine_map<(d0, d1) -> (0)>
module attributes {stable_mosaic.version = 14 : i64} {
  func.func @_deg_kernel(%arg0: i32, %arg1: i32, %arg2: memref<640000xi32, #tpu.memory_space<hbm>>, %arg3: memref<640000xi32, #tpu.memory_space<hbm>>, %arg4: memref<640000xi32, #tpu.memory_space<hbm>>, %arg5: memref<60000xf32, #tpu.memory_space<hbm>>, %arg6: memref<10000xf32, #tpu.memory_space<vmem_shared>>, %arg7: memref<10000xf32, #tpu.memory_space<vmem_shared>>, %arg8: memref<10000xf32, #tpu.memory_space<vmem_shared>>, %arg9: memref<10000xi32, #tpu.memory_space<vmem>>, %arg10: memref<10000xi32, #tpu.memory_space<vmem>>, %arg11: memref<10000xi32, #tpu.memory_space<vmem>>, %arg12: memref<10000xf32, #tpu.memory_space<vmem>>, %arg13: memref<400xf32, #tpu.memory_space<vmem>>, %arg14: memref<!tpu.dma_semaphore, #tpu.memory_space<semaphore_mem>>, %arg15: memref<!tpu.dma_semaphore, #tpu.memory_space<semaphore_mem>>, %arg16: memref<!tpu.dma_semaphore, #tpu.memory_space<semaphore_mem>>) attributes {dimension_semantics = [#tpu.dimension_semantics<core_parallel>, #tpu.dimension_semantics<subcore_parallel>], iteration_bounds = array<i64: 2, 16>, scalar_prefetch = 0 : i64, scratch_operands = 11 : i64, tpu.core_type = #tpu.core_type<sc_vector_subcore>, window_params = [{transform_indices = #map}, {transform_indices = #map}, {transform_indices = #map}, {transform_indices = #map}]} {
    %scan3A = arith.constant 0 : i32
    %scan3A_0 = arith.constant 0 : i32
    %scan3A_1 = arith.constant 625 : i32
    %scan3A_2 = arith.addi %scan3A_0, %scan3A_1 : i32
    %scan3A_3 = arith.constant 1 : i32
    %scan3A_4 = scf.for %scan3A_249 = %scan3A_0 to %scan3A_2 step %scan3A_3 iter_args(%scan3A_250 = %scan3A) -> (i32)  : i32 {
      %broadcast_in_dim3A_251 = arith.constant 1.000000e+00 : f32
      %broadcast_in_dim3A_252 = vector.broadcast %broadcast_in_dim3A_251 : f32 to vector<16xf32>
      %mul3A_253 = arith.constant 16 : i32
      %mul3A_254 = arith.muli %scan3A_249, %mul3A_253 : i32
      %swap3A_255 = arith.index_cast %mul3A_254 : i32 to index
      %swap3A_256 = tpu.vector_load %arg12[%swap3A_255] {strides = array<i32>} : memref<10000xf32, #tpu.memory_space<vmem>>, vector<16xf32>,
      %swap3A_257 = vector.shape_cast %swap3A_256 : vector<16xf32> to vector<16xf32>
      %swap3A_258 = vector.shape_cast %broadcast_in_dim3A_252 : vector<16xf32> to vector<16xf32>
      tpu.vector_store %arg12[%swap3A_255], %swap3A_258 {strides = array<i32>} : memref<10000xf32, #tpu.memory_space<vmem>>, vector<16xf32>,
      %scan3A_259 = arith.constant 0 : i32
      scf.yield %scan3A_259 : i32
    }
    %scan3A_5 = arith.constant 625 : i32
    %broadcast_in_dim3A = arith.constant 0.000000e+00 : f32
    %broadcast_in_dim3A_6 = vector.broadcast %broadcast_in_dim3A : f32 to vector<16xf32>
    %swap3A = arith.constant 0 : index
    %swap3A_7 = tpu.vector_load %arg13[%swap3A] {strides = array<i32>} : memref<400xf32, #tpu.memory_space<vmem>>, vector<16xf32>,
    %swap3A_8 = vector.shape_cast %swap3A_7 : vector<16xf32> to vector<16xf32>
    %swap3A_9 = vector.shape_cast %broadcast_in_dim3A_6 : vector<16xf32> to vector<16xf32>
    tpu.vector_store %arg13[%swap3A], %swap3A_9 {strides = array<i32>} : memref<400xf32, #tpu.memory_space<vmem>>, vector<16xf32>,
    %broadcast_in_dim3A_10 = arith.constant 0.000000e+00 : f32
    %broadcast_in_dim3A_11 = vector.broadcast %broadcast_in_dim3A_10 : f32 to vector<16xf32>
    %swap3A_12 = arith.constant 16 : index
    %swap3A_13 = tpu.vector_load %arg13[%swap3A_12] {strides = array<i32>} : memref<400xf32, #tpu.memory_space<vmem>>, vector<16xf32>,
    %swap3A_14 = vector.shape_cast %swap3A_13 : vector<16xf32> to vector<16xf32>
    %swap3A_15 = vector.shape_cast %broadcast_in_dim3A_11 : vector<16xf32> to vector<16xf32>
    tpu.vector_store %arg13[%swap3A_12], %swap3A_15 {strides = array<i32>} : memref<400xf32, #tpu.memory_space<vmem>>, vector<16xf32>,
    %broadcast_in_dim3A_16 = arith.constant 0.000000e+00 : f32
    %broadcast_in_dim3A_17 = vector.broadcast %broadcast_in_dim3A_16 : f32 to vector<16xf32>
    %swap3A_18 = arith.constant 32 : index
    %swap3A_19 = tpu.vector_load %arg13[%swap3A_18] {strides = array<i32>} : memref<400xf32, #tpu.memory_space<vmem>>, vector<16xf32>,
    %swap3A_20 = vector.shape_cast %swap3A_19 : vector<16xf32> to vector<16xf32>
    %swap3A_21 = vector.shape_cast %broadcast_in_dim3A_17 : vector<16xf32> to vector<16xf32>
    tpu.vector_store %arg13[%swap3A_18], %swap3A_21 {strides = array<i32>} : memref<400xf32, #tpu.memory_space<vmem>>, vector<16xf32>,
    %broadcast_in_dim3A_22 = arith.constant 0.000000e+00 : f32
    %broadcast_in_dim3A_23 = vector.broadcast %broadcast_in_dim3A_22 : f32 to vector<16xf32>
    %swap3A_24 = arith.constant 48 : index
    %swap3A_25 = tpu.vector_load %arg13[%swap3A_24] {strides = array<i32>} : memref<400xf32, #tpu.memory_space<vmem>>, vector<16xf32>,
    %swap3A_26 = vector.shape_cast %swap3A_25 : vector<16xf32> to vector<16xf32>
    %swap3A_27 = vector.shape_cast %broadcast_in_dim3A_23 : vector<16xf32> to vector<16xf32>
    tpu.vector_store %arg13[%swap3A_24], %swap3A_27 {strides = array<i32>} : memref<400xf32, #tpu.memory_space<vmem>>, vector<16xf32>,
    %broadcast_in_dim3A_28 = arith.constant 0.000000e+00 : f32
    %broadcast_in_dim3A_29 = vector.broadcast %broadcast_in_dim3A_28 : f32 to vector<16xf32>
    %swap3A_30 = arith.constant 64 : index
    %swap3A_31 = tpu.vector_load %arg13[%swap3A_30] {strides = array<i32>} : memref<400xf32, #tpu.memory_space<vmem>>, vector<16xf32>,
    %swap3A_32 = vector.shape_cast %swap3A_31 : vector<16xf32> to vector<16xf32>
    %swap3A_33 = vector.shape_cast %broadcast_in_dim3A_29 : vector<16xf32> to vector<16xf32>
    tpu.vector_store %arg13[%swap3A_30], %swap3A_33 {strides = array<i32>} : memref<400xf32, #tpu.memory_space<vmem>>, vector<16xf32>,
    %broadcast_in_dim3A_34 = arith.constant 0.000000e+00 : f32
    %broadcast_in_dim3A_35 = vector.broadcast %broadcast_in_dim3A_34 : f32 to vector<16xf32>
    %swap3A_36 = arith.constant 80 : index
    %swap3A_37 = tpu.vector_load %arg13[%swap3A_36] {strides = array<i32>} : memref<400xf32, #tpu.memory_space<vmem>>, vector<16xf32>,
    %swap3A_38 = vector.shape_cast %swap3A_37 : vector<16xf32> to vector<16xf32>
    %swap3A_39 = vector.shape_cast %broadcast_in_dim3A_35 : vector<16xf32> to vector<16xf32>
    tpu.vector_store %arg13[%swap3A_36], %swap3A_39 {strides = array<i32>} : memref<400xf32, #tpu.memory_space<vmem>>, vector<16xf32>,
    %broadcast_in_dim3A_40 = arith.constant 0.000000e+00 : f32
    %broadcast_in_dim3A_41 = vector.broadcast %broadcast_in_dim3A_40 : f32 to vector<16xf32>
    %swap3A_42 = arith.constant 96 : index
    %swap3A_43 = tpu.vector_load %arg13[%swap3A_42] {strides = array<i32>} : memref<400xf32, #tpu.memory_space<vmem>>, vector<16xf32>,
    %swap3A_44 = vector.shape_cast %swap3A_43 : vector<16xf32> to vector<16xf32>
    %swap3A_45 = vector.shape_cast %broadcast_in_dim3A_41 : vector<16xf32> to vector<16xf32>
    tpu.vector_store %arg13[%swap3A_42], %swap3A_45 {strides = array<i32>} : memref<400xf32, #tpu.memory_space<vmem>>, vector<16xf32>,
    %broadcast_in_dim3A_46 = arith.constant 0.000000e+00 : f32
    %broadcast_in_dim3A_47 = vector.broadcast %broadcast_in_dim3A_46 : f32 to vector<16xf32>
    %swap3A_48 = arith.constant 112 : index
    %swap3A_49 = tpu.vector_load %arg13[%swap3A_48] {strides = array<i32>} : memref<400xf32, #tpu.memory_space<vmem>>, vector<16xf32>,
    %swap3A_50 = vector.shape_cast %swap3A_49 : vector<16xf32> to vector<16xf32>
    %swap3A_51 = vector.shape_cast %broadcast_in_dim3A_47 : vector<16xf32> to vector<16xf32>
    tpu.vector_store %arg13[%swap3A_48], %swap3A_51 {strides = array<i32>} : memref<400xf32, #tpu.memory_space<vmem>>, vector<16xf32>,
    %broadcast_in_dim3A_52 = arith.constant 0.000000e+00 : f32
    %broadcast_in_dim3A_53 = vector.broadcast %broadcast_in_dim3A_52 : f32 to vector<16xf32>
    %swap3A_54 = arith.constant 128 : index
    %swap3A_55 = tpu.vector_load %arg13[%swap3A_54] {strides = array<i32>} : memref<400xf32, #tpu.memory_space<vmem>>, vector<16xf32>,
    %swap3A_56 = vector.shape_cast %swap3A_55 : vector<16xf32> to vector<16xf32>
    %swap3A_57 = vector.shape_cast %broadcast_in_dim3A_53 : vector<16xf32> to vector<16xf32>
    tpu.vector_store %arg13[%swap3A_54], %swap3A_57 {strides = array<i32>} : memref<400xf32, #tpu.memory_space<vmem>>, vector<16xf32>,
    %broadcast_in_dim3A_58 = arith.constant 0.000000e+00 : f32
    %broadcast_in_dim3A_59 = vector.broadcast %broadcast_in_dim3A_58 : f32 to vector<16xf32>
    %swap3A_60 = arith.constant 144 : index
    %swap3A_61 = tpu.vector_load %arg13[%swap3A_60] {strides = array<i32>} : memref<400xf32, #tpu.memory_space<vmem>>, vector<16xf32>,
    %swap3A_62 = vector.shape_cast %swap3A_61 : vector<16xf32> to vector<16xf32>
    %swap3A_63 = vector.shape_cast %broadcast_in_dim3A_59 : vector<16xf32> to vector<16xf32>
    tpu.vector_store %arg13[%swap3A_60], %swap3A_63 {strides = array<i32>} : memref<400xf32, #tpu.memory_space<vmem>>, vector<16xf32>,
    %broadcast_in_dim3A_64 = arith.constant 0.000000e+00 : f32
    %broadcast_in_dim3A_65 = vector.broadcast %broadcast_in_dim3A_64 : f32 to vector<16xf32>
    %swap3A_66 = arith.constant 160 : index
    %swap3A_67 = tpu.vector_load %arg13[%swap3A_66] {strides = array<i32>} : memref<400xf32, #tpu.memory_space<vmem>>, vector<16xf32>,
    %swap3A_68 = vector.shape_cast %swap3A_67 : vector<16xf32> to vector<16xf32>
    %swap3A_69 = vector.shape_cast %broadcast_in_dim3A_65 : vector<16xf32> to vector<16xf32>
    tpu.vector_store %arg13[%swap3A_66], %swap3A_69 {strides = array<i32>} : memref<400xf32, #tpu.memory_space<vmem>>, vector<16xf32>,
    %broadcast_in_dim3A_70 = arith.constant 0.000000e+00 : f32
    %broadcast_in_dim3A_71 = vector.broadcast %broadcast_in_dim3A_70 : f32 to vector<16xf32>
    %swap3A_72 = arith.constant 176 : index
    %swap3A_73 = tpu.vector_load %arg13[%swap3A_72] {strides = array<i32>} : memref<400xf32, #tpu.memory_space<vmem>>, vector<16xf32>,
    %swap3A_74 = vector.shape_cast %swap3A_73 : vector<16xf32> to vector<16xf32>
    %swap3A_75 = vector.shape_cast %broadcast_in_dim3A_71 : vector<16xf32> to vector<16xf32>
    tpu.vector_store %arg13[%swap3A_72], %swap3A_75 {strides = array<i32>} : memref<400xf32, #tpu.memory_space<vmem>>, vector<16xf32>,
    %broadcast_in_dim3A_76 = arith.constant 0.000000e+00 : f32
    %broadcast_in_dim3A_77 = vector.broadcast %broadcast_in_dim3A_76 : f32 to vector<16xf32>
    %swap3A_78 = arith.constant 192 : index
    %swap3A_79 = tpu.vector_load %arg13[%swap3A_78] {strides = array<i32>} : memref<400xf32, #tpu.memory_space<vmem>>, vector<16xf32>,
    %swap3A_80 = vector.shape_cast %swap3A_79 : vector<16xf32> to vector<16xf32>
    %swap3A_81 = vector.shape_cast %broadcast_in_dim3A_77 : vector<16xf32> to vector<16xf32>
    tpu.vector_store %arg13[%swap3A_78], %swap3A_81 {strides = array<i32>} : memref<400xf32, #tpu.memory_space<vmem>>, vector<16xf32>,
    %broadcast_in_dim3A_82 = arith.constant 0.000000e+00 : f32
    %broadcast_in_dim3A_83 = vector.broadcast %broadcast_in_dim3A_82 : f32 to vector<16xf32>
    %swap3A_84 = arith.constant 208 : index
    %swap3A_85 = tpu.vector_load %arg13[%swap3A_84] {strides = array<i32>} : memref<400xf32, #tpu.memory_space<vmem>>, vector<16xf32>,
    %swap3A_86 = vector.shape_cast %swap3A_85 : vector<16xf32> to vector<16xf32>
    %swap3A_87 = vector.shape_cast %broadcast_in_dim3A_83 : vector<16xf32> to vector<16xf32>
    tpu.vector_store %arg13[%swap3A_84], %swap3A_87 {strides = array<i32>} : memref<400xf32, #tpu.memory_space<vmem>>, vector<16xf32>,
    %broadcast_in_dim3A_88 = arith.constant 0.000000e+00 : f32
    %broadcast_in_dim3A_89 = vector.broadcast %broadcast_in_dim3A_88 : f32 to vector<16xf32>
    %swap3A_90 = arith.constant 224 : index
    %swap3A_91 = tpu.vector_load %arg13[%swap3A_90] {strides = array<i32>} : memref<400xf32, #tpu.memory_space<vmem>>, vector<16xf32>,
    %swap3A_92 = vector.shape_cast %swap3A_91 : vector<16xf32> to vector<16xf32>
    %swap3A_93 = vector.shape_cast %broadcast_in_dim3A_89 : vector<16xf32> to vector<16xf32>
    tpu.vector_store %arg13[%swap3A_90], %swap3A_93 {strides = array<i32>} : memref<400xf32, #tpu.memory_space<vmem>>, vector<16xf32>,
    %broadcast_in_dim3A_94 = arith.constant 0.000000e+00 : f32
    %broadcast_in_dim3A_95 = vector.broadcast %broadcast_in_dim3A_94 : f32 to vector<16xf32>
    %swap3A_96 = arith.constant 240 : index
    %swap3A_97 = tpu.vector_load %arg13[%swap3A_96] {strides = array<i32>} : memref<400xf32, #tpu.memory_space<vmem>>, vector<16xf32>,
    %swap3A_98 = vector.shape_cast %swap3A_97 : vector<16xf32> to vector<16xf32>
    %swap3A_99 = vector.shape_cast %broadcast_in_dim3A_95 : vector<16xf32> to vector<16xf32>
    tpu.vector_store %arg13[%swap3A_96], %swap3A_99 {strides = array<i32>} : memref<400xf32, #tpu.memory_space<vmem>>, vector<16xf32>,
    %broadcast_in_dim3A_100 = arith.constant 0.000000e+00 : f32
    %broadcast_in_dim3A_101 = vector.broadcast %broadcast_in_dim3A_100 : f32 to vector<16xf32>
    %swap3A_102 = arith.constant 256 : index
    %swap3A_103 = tpu.vector_load %arg13[%swap3A_102] {strides = array<i32>} : memref<400xf32, #tpu.memory_space<vmem>>, vector<16xf32>,
    %swap3A_104 = vector.shape_cast %swap3A_103 : vector<16xf32> to vector<16xf32>
    %swap3A_105 = vector.shape_cast %broadcast_in_dim3A_101 : vector<16xf32> to vector<16xf32>
    tpu.vector_store %arg13[%swap3A_102], %swap3A_105 {strides = array<i32>} : memref<400xf32, #tpu.memory_space<vmem>>, vector<16xf32>,
    %broadcast_in_dim3A_106 = arith.constant 0.000000e+00 : f32
    %broadcast_in_dim3A_107 = vector.broadcast %broadcast_in_dim3A_106 : f32 to vector<16xf32>
    %swap3A_108 = arith.constant 272 : index
    %swap3A_109 = tpu.vector_load %arg13[%swap3A_108] {strides = array<i32>} : memref<400xf32, #tpu.memory_space<vmem>>, vector<16xf32>,
    %swap3A_110 = vector.shape_cast %swap3A_109 : vector<16xf32> to vector<16xf32>
    %swap3A_111 = vector.shape_cast %broadcast_in_dim3A_107 : vector<16xf32> to vector<16xf32>
    tpu.vector_store %arg13[%swap3A_108], %swap3A_111 {strides = array<i32>} : memref<400xf32, #tpu.memory_space<vmem>>, vector<16xf32>,
    %broadcast_in_dim3A_112 = arith.constant 0.000000e+00 : f32
    %broadcast_in_dim3A_113 = vector.broadcast %broadcast_in_dim3A_112 : f32 to vector<16xf32>
    %swap3A_114 = arith.constant 288 : index
    %swap3A_115 = tpu.vector_load %arg13[%swap3A_114] {strides = array<i32>} : memref<400xf32, #tpu.memory_space<vmem>>, vector<16xf32>,
    %swap3A_116 = vector.shape_cast %swap3A_115 : vector<16xf32> to vector<16xf32>
    %swap3A_117 = vector.shape_cast %broadcast_in_dim3A_113 : vector<16xf32> to vector<16xf32>
    tpu.vector_store %arg13[%swap3A_114], %swap3A_117 {strides = array<i32>} : memref<400xf32, #tpu.memory_space<vmem>>, vector<16xf32>,
    %broadcast_in_dim3A_118 = arith.constant 0.000000e+00 : f32
    %broadcast_in_dim3A_119 = vector.broadcast %broadcast_in_dim3A_118 : f32 to vector<16xf32>
    %swap3A_120 = arith.constant 304 : index
    %swap3A_121 = tpu.vector_load %arg13[%swap3A_120] {strides = array<i32>} : memref<400xf32, #tpu.memory_space<vmem>>, vector<16xf32>,
    %swap3A_122 = vector.shape_cast %swap3A_121 : vector<16xf32> to vector<16xf32>
    %swap3A_123 = vector.shape_cast %broadcast_in_dim3A_119 : vector<16xf32> to vector<16xf32>
    tpu.vector_store %arg13[%swap3A_120], %swap3A_123 {strides = array<i32>} : memref<400xf32, #tpu.memory_space<vmem>>, vector<16xf32>,
    %broadcast_in_dim3A_124 = arith.constant 0.000000e+00 : f32
    %broadcast_in_dim3A_125 = vector.broadcast %broadcast_in_dim3A_124 : f32 to vector<16xf32>
    %swap3A_126 = arith.constant 320 : index
    %swap3A_127 = tpu.vector_load %arg13[%swap3A_126] {strides = array<i32>} : memref<400xf32, #tpu.memory_space<vmem>>, vector<16xf32>,
    %swap3A_128 = vector.shape_cast %swap3A_127 : vector<16xf32> to vector<16xf32>
    %swap3A_129 = vector.shape_cast %broadcast_in_dim3A_125 : vector<16xf32> to vector<16xf32>
    tpu.vector_store %arg13[%swap3A_126], %swap3A_129 {strides = array<i32>} : memref<400xf32, #tpu.memory_space<vmem>>, vector<16xf32>,
    %broadcast_in_dim3A_130 = arith.constant 0.000000e+00 : f32
    %broadcast_in_dim3A_131 = vector.broadcast %broadcast_in_dim3A_130 : f32 to vector<16xf32>
    %swap3A_132 = arith.constant 336 : index
    %swap3A_133 = tpu.vector_load %arg13[%swap3A_132] {strides = array<i32>} : memref<400xf32, #tpu.memory_space<vmem>>, vector<16xf32>,
    %swap3A_134 = vector.shape_cast %swap3A_133 : vector<16xf32> to vector<16xf32>
    %swap3A_135 = vector.shape_cast %broadcast_in_dim3A_131 : vector<16xf32> to vector<16xf32>
    tpu.vector_store %arg13[%swap3A_132], %swap3A_135 {strides = array<i32>} : memref<400xf32, #tpu.memory_space<vmem>>, vector<16xf32>,
    %broadcast_in_dim3A_136 = arith.constant 0.000000e+00 : f32
    %broadcast_in_dim3A_137 = vector.broadcast %broadcast_in_dim3A_136 : f32 to vector<16xf32>
    %swap3A_138 = arith.constant 352 : index
    %swap3A_139 = tpu.vector_load %arg13[%swap3A_138] {strides = array<i32>} : memref<400xf32, #tpu.memory_space<vmem>>, vector<16xf32>,
    %swap3A_140 = vector.shape_cast %swap3A_139 : vector<16xf32> to vector<16xf32>
    %swap3A_141 = vector.shape_cast %broadcast_in_dim3A_137 : vector<16xf32> to vector<16xf32>
    tpu.vector_store %arg13[%swap3A_138], %swap3A_141 {strides = array<i32>} : memref<400xf32, #tpu.memory_space<vmem>>, vector<16xf32>,
    %broadcast_in_dim3A_142 = arith.constant 0.000000e+00 : f32
    %broadcast_in_dim3A_143 = vector.broadcast %broadcast_in_dim3A_142 : f32 to vector<16xf32>
    %swap3A_144 = arith.constant 368 : index
    %swap3A_145 = tpu.vector_load %arg13[%swap3A_144] {strides = array<i32>} : memref<400xf32, #tpu.memory_space<vmem>>, vector<16xf32>,
    %swap3A_146 = vector.shape_cast %swap3A_145 : vector<16xf32> to vector<16xf32>
    %swap3A_147 = vector.shape_cast %broadcast_in_dim3A_143 : vector<16xf32> to vector<16xf32>
    tpu.vector_store %arg13[%swap3A_144], %swap3A_147 {strides = array<i32>} : memref<400xf32, #tpu.memory_space<vmem>>, vector<16xf32>,
    %broadcast_in_dim3A_148 = arith.constant 0.000000e+00 : f32
    %broadcast_in_dim3A_149 = vector.broadcast %broadcast_in_dim3A_148 : f32 to vector<16xf32>
    %swap3A_150 = arith.constant 384 : index
    %swap3A_151 = tpu.vector_load %arg13[%swap3A_150] {strides = array<i32>} : memref<400xf32, #tpu.memory_space<vmem>>, vector<16xf32>,
    %swap3A_152 = vector.shape_cast %swap3A_151 : vector<16xf32> to vector<16xf32>
    %swap3A_153 = vector.shape_cast %broadcast_in_dim3A_149 : vector<16xf32> to vector<16xf32>
    tpu.vector_store %arg13[%swap3A_150], %swap3A_153 {strides = array<i32>} : memref<400xf32, #tpu.memory_space<vmem>>, vector<16xf32>,
    %add3A = arith.constant 0 : i32
    %add3A_154 = arith.addi %arg1, %add3A : i32
    %lt3A = arith.constant 25 : i32
    %lt3A_155 = arith.cmpi slt, %add3A_154, %lt3A : i32
    %convert_element_type3A = arith.extui %lt3A_155 : i1 to i32
    %cond3A = arith.constant 0 : i32
    %cond3A_156 = arith.cmpi ne, %convert_element_type3A, %cond3A : i32
    scf.if %cond3A_156 {
      %mul3A_249 = arith.constant 400 : i32
      %mul3A_250 = arith.muli %add3A_154, %mul3A_249 : i32
      "tpu.region"() ({
        %run_scoped3A = tpu.sem_alloc : memref<!tpu.dma_semaphore, #tpu.memory_space<semaphore_mem>>
        %dma_start3A_251 = tpu.memref_slice %arg6[%mul3A_250] : memref<10000xf32, #tpu.memory_space<vmem_shared>> -> memref<400xf32, #tpu.memory_space<vmem_shared>>
        %dma_start3A_252 = tpu.memref_slice %arg6[%mul3A_250] : memref<10000xf32, #tpu.memory_space<vmem_shared>> -> memref<400xf32, #tpu.memory_space<vmem_shared>>
        tpu.enqueue_dma source(%arg13 : memref<400xf32, #tpu.memory_space<vmem>>) target(%dma_start3A_252 : memref<400xf32, #tpu.memory_space<vmem_shared>>) target_semaphore(%run_scoped3A : memref<!tpu.dma_semaphore, #tpu.memory_space<semaphore_mem>>)
        %dma_wait3A_253 = tpu.memref_slice %arg6[%mul3A_250] : memref<10000xf32, #tpu.memory_space<vmem_shared>> -> memref<400xf32, #tpu.memory_space<vmem_shared>>
        %dma_wait3A_254 = tpu.memref_slice %arg6[%mul3A_250] : memref<10000xf32, #tpu.memory_space<vmem_shared>> -> memref<400xf32, #tpu.memory_space<vmem_shared>>
        tpu.wait_dma2 semaphore(%run_scoped3A : memref<!tpu.dma_semaphore, #tpu.memory_space<semaphore_mem>>) src(%arg13 : memref<400xf32, #tpu.memory_space<vmem>>) dst(%dma_wait3A_254 : memref<400xf32, #tpu.memory_space<vmem_shared>>)
        tpu.yield
      }) : () -> ()
    } else {
    }
    %add3A_157 = arith.constant 16 : i32
    %add3A_158 = arith.addi %arg1, %add3A_157 : i32
    %lt3A_159 = arith.constant 25 : i32
    %lt3A_160 = arith.cmpi slt, %add3A_158, %lt3A_159 : i32
    %convert_element_type3A_161 = arith.extui %lt3A_160 : i1 to i32
    %cond3A_162 = arith.constant 0 : i32
    %cond3A_163 = arith.cmpi ne, %convert_element_type3A_161, %cond3A_162 : i32
    scf.if %cond3A_163 {
      %mul3A_249 = arith.constant 400 : i32
      %mul3A_250 = arith.muli %add3A_158, %mul3A_249 : i32
      "tpu.region"() ({
        %run_scoped3A = tpu.sem_alloc : memref<!tpu.dma_semaphore, #tpu.memory_space<semaphore_mem>>
        %dma_start3A_251 = tpu.memref_slice %arg6[%mul3A_250] : memref<10000xf32, #tpu.memory_space<vmem_shared>> -> memref<400xf32, #tpu.memory_space<vmem_shared>>
        %dma_start3A_252 = tpu.memref_slice %arg6[%mul3A_250] : memref<10000xf32, #tpu.memory_space<vmem_shared>> -> memref<400xf32, #tpu.memory_space<vmem_shared>>
        tpu.enqueue_dma source(%arg13 : memref<400xf32, #tpu.memory_space<vmem>>) target(%dma_start3A_252 : memref<400xf32, #tpu.memory_space<vmem_shared>>) target_semaphore(%run_scoped3A : memref<!tpu.dma_semaphore, #tpu.memory_space<semaphore_mem>>)
        %dma_wait3A_253 = tpu.memref_slice %arg6[%mul3A_250] : memref<10000xf32, #tpu.memory_space<vmem_shared>> -> memref<400xf32, #tpu.memory_space<vmem_shared>>
        %dma_wait3A_254 = tpu.memref_slice %arg6[%mul3A_250] : memref<10000xf32, #tpu.memory_space<vmem_shared>> -> memref<400xf32, #tpu.memory_space<vmem_shared>>
        tpu.wait_dma2 semaphore(%run_scoped3A : memref<!tpu.dma_semaphore, #tpu.memory_space<semaphore_mem>>) src(%arg13 : memref<400xf32, #tpu.memory_space<vmem>>) dst(%dma_wait3A_254 : memref<400xf32, #tpu.memory_space<vmem_shared>>)
        tpu.yield
      }) : () -> ()
    } else {
    }
    %add3A_164 = arith.constant 0 : i32
    %add3A_165 = arith.addi %arg1, %add3A_164 : i32
    %lt3A_166 = arith.constant 25 : i32
    %lt3A_167 = arith.cmpi slt, %add3A_165, %lt3A_166 : i32
    %convert_element_type3A_168 = arith.extui %lt3A_167 : i1 to i32
    %cond3A_169 = arith.constant 0 : i32
    %cond3A_170 = arith.cmpi ne, %convert_element_type3A_168, %cond3A_169 : i32
    scf.if %cond3A_170 {
      %mul3A_249 = arith.constant 400 : i32
      %mul3A_250 = arith.muli %add3A_165, %mul3A_249 : i32
      "tpu.region"() ({
        %run_scoped3A = tpu.sem_alloc : memref<!tpu.dma_semaphore, #tpu.memory_space<semaphore_mem>>
        %dma_start3A_251 = tpu.memref_slice %arg7[%mul3A_250] : memref<10000xf32, #tpu.memory_space<vmem_shared>> -> memref<400xf32, #tpu.memory_space<vmem_shared>>
        %dma_start3A_252 = tpu.memref_slice %arg7[%mul3A_250] : memref<10000xf32, #tpu.memory_space<vmem_shared>> -> memref<400xf32, #tpu.memory_space<vmem_shared>>
        tpu.enqueue_dma source(%arg13 : memref<400xf32, #tpu.memory_space<vmem>>) target(%dma_start3A_252 : memref<400xf32, #tpu.memory_space<vmem_shared>>) target_semaphore(%run_scoped3A : memref<!tpu.dma_semaphore, #tpu.memory_space<semaphore_mem>>)
        %dma_wait3A_253 = tpu.memref_slice %arg7[%mul3A_250] : memref<10000xf32, #tpu.memory_space<vmem_shared>> -> memref<400xf32, #tpu.memory_space<vmem_shared>>
        %dma_wait3A_254 = tpu.memref_slice %arg7[%mul3A_250] : memref<10000xf32, #tpu.memory_space<vmem_shared>> -> memref<400xf32, #tpu.memory_space<vmem_shared>>
        tpu.wait_dma2 semaphore(%run_scoped3A : memref<!tpu.dma_semaphore, #tpu.memory_space<semaphore_mem>>) src(%arg13 : memref<400xf32, #tpu.memory_space<vmem>>) dst(%dma_wait3A_254 : memref<400xf32, #tpu.memory_space<vmem_shared>>)
        tpu.yield
      }) : () -> ()
    } else {
    }
    %add3A_171 = arith.constant 16 : i32
    %add3A_172 = arith.addi %arg1, %add3A_171 : i32
    %lt3A_173 = arith.constant 25 : i32
    %lt3A_174 = arith.cmpi slt, %add3A_172, %lt3A_173 : i32
    %convert_element_type3A_175 = arith.extui %lt3A_174 : i1 to i32
    %cond3A_176 = arith.constant 0 : i32
    %cond3A_177 = arith.cmpi ne, %convert_element_type3A_175, %cond3A_176 : i32
    scf.if %cond3A_177 {
      %mul3A_249 = arith.constant 400 : i32
      %mul3A_250 = arith.muli %add3A_172, %mul3A_249 : i32
      "tpu.region"() ({
        %run_scoped3A = tpu.sem_alloc : memref<!tpu.dma_semaphore, #tpu.memory_space<semaphore_mem>>
        %dma_start3A_251 = tpu.memref_slice %arg7[%mul3A_250] : memref<10000xf32, #tpu.memory_space<vmem_shared>> -> memref<400xf32, #tpu.memory_space<vmem_shared>>
        %dma_start3A_252 = tpu.memref_slice %arg7[%mul3A_250] : memref<10000xf32, #tpu.memory_space<vmem_shared>> -> memref<400xf32, #tpu.memory_space<vmem_shared>>
        tpu.enqueue_dma source(%arg13 : memref<400xf32, #tpu.memory_space<vmem>>) target(%dma_start3A_252 : memref<400xf32, #tpu.memory_space<vmem_shared>>) target_semaphore(%run_scoped3A : memref<!tpu.dma_semaphore, #tpu.memory_space<semaphore_mem>>)
        %dma_wait3A_253 = tpu.memref_slice %arg7[%mul3A_250] : memref<10000xf32, #tpu.memory_space<vmem_shared>> -> memref<400xf32, #tpu.memory_space<vmem_shared>>
        %dma_wait3A_254 = tpu.memref_slice %arg7[%mul3A_250] : memref<10000xf32, #tpu.memory_space<vmem_shared>> -> memref<400xf32, #tpu.memory_space<vmem_shared>>
        tpu.wait_dma2 semaphore(%run_scoped3A : memref<!tpu.dma_semaphore, #tpu.memory_space<semaphore_mem>>) src(%arg13 : memref<400xf32, #tpu.memory_space<vmem>>) dst(%dma_wait3A_254 : memref<400xf32, #tpu.memory_space<vmem_shared>>)
        tpu.yield
      }) : () -> ()
    } else {
    }
    %add3A_178 = arith.constant 0 : i32
    %add3A_179 = arith.addi %arg1, %add3A_178 : i32
    %lt3A_180 = arith.constant 25 : i32
    %lt3A_181 = arith.cmpi slt, %add3A_179, %lt3A_180 : i32
    %convert_element_type3A_182 = arith.extui %lt3A_181 : i1 to i32
    %cond3A_183 = arith.constant 0 : i32
    %cond3A_184 = arith.cmpi ne, %convert_element_type3A_182, %cond3A_183 : i32
    scf.if %cond3A_184 {
      %mul3A_249 = arith.constant 400 : i32
      %mul3A_250 = arith.muli %add3A_179, %mul3A_249 : i32
      "tpu.region"() ({
        %run_scoped3A = tpu.sem_alloc : memref<!tpu.dma_semaphore, #tpu.memory_space<semaphore_mem>>
        %dma_start3A_251 = tpu.memref_slice %arg8[%mul3A_250] : memref<10000xf32, #tpu.memory_space<vmem_shared>> -> memref<400xf32, #tpu.memory_space<vmem_shared>>
        %dma_start3A_252 = tpu.memref_slice %arg8[%mul3A_250] : memref<10000xf32, #tpu.memory_space<vmem_shared>> -> memref<400xf32, #tpu.memory_space<vmem_shared>>
        tpu.enqueue_dma source(%arg13 : memref<400xf32, #tpu.memory_space<vmem>>) target(%dma_start3A_252 : memref<400xf32, #tpu.memory_space<vmem_shared>>) target_semaphore(%run_scoped3A : memref<!tpu.dma_semaphore, #tpu.memory_space<semaphore_mem>>)
        %dma_wait3A_253 = tpu.memref_slice %arg8[%mul3A_250] : memref<10000xf32, #tpu.memory_space<vmem_shared>> -> memref<400xf32, #tpu.memory_space<vmem_shared>>
        %dma_wait3A_254 = tpu.memref_slice %arg8[%mul3A_250] : memref<10000xf32, #tpu.memory_space<vmem_shared>> -> memref<400xf32, #tpu.memory_space<vmem_shared>>
        tpu.wait_dma2 semaphore(%run_scoped3A : memref<!tpu.dma_semaphore, #tpu.memory_space<semaphore_mem>>) src(%arg13 : memref<400xf32, #tpu.memory_space<vmem>>) dst(%dma_wait3A_254 : memref<400xf32, #tpu.memory_space<vmem_shared>>)
        tpu.yield
      }) : () -> ()
    } else {
    }
    %add3A_185 = arith.constant 16 : i32
    %add3A_186 = arith.addi %arg1, %add3A_185 : i32
    %lt3A_187 = arith.constant 25 : i32
    %lt3A_188 = arith.cmpi slt, %add3A_186, %lt3A_187 : i32
    %convert_element_type3A_189 = arith.extui %lt3A_188 : i1 to i32
    %cond3A_190 = arith.constant 0 : i32
    %cond3A_191 = arith.cmpi ne, %convert_element_type3A_189, %cond3A_190 : i32
    scf.if %cond3A_191 {
      %mul3A_249 = arith.constant 400 : i32
      %mul3A_250 = arith.muli %add3A_186, %mul3A_249 : i32
      "tpu.region"() ({
        %run_scoped3A = tpu.sem_alloc : memref<!tpu.dma_semaphore, #tpu.memory_space<semaphore_mem>>
        %dma_start3A_251 = tpu.memref_slice %arg8[%mul3A_250] : memref<10000xf32, #tpu.memory_space<vmem_shared>> -> memref<400xf32, #tpu.memory_space<vmem_shared>>
        %dma_start3A_252 = tpu.memref_slice %arg8[%mul3A_250] : memref<10000xf32, #tpu.memory_space<vmem_shared>> -> memref<400xf32, #tpu.memory_space<vmem_shared>>
        tpu.enqueue_dma source(%arg13 : memref<400xf32, #tpu.memory_space<vmem>>) target(%dma_start3A_252 : memref<400xf32, #tpu.memory_space<vmem_shared>>) target_semaphore(%run_scoped3A : memref<!tpu.dma_semaphore, #tpu.memory_space<semaphore_mem>>)
        %dma_wait3A_253 = tpu.memref_slice %arg8[%mul3A_250] : memref<10000xf32, #tpu.memory_space<vmem_shared>> -> memref<400xf32, #tpu.memory_space<vmem_shared>>
        %dma_wait3A_254 = tpu.memref_slice %arg8[%mul3A_250] : memref<10000xf32, #tpu.memory_space<vmem_shared>> -> memref<400xf32, #tpu.memory_space<vmem_shared>>
        tpu.wait_dma2 semaphore(%run_scoped3A : memref<!tpu.dma_semaphore, #tpu.memory_space<semaphore_mem>>) src(%arg13 : memref<400xf32, #tpu.memory_space<vmem>>) dst(%dma_wait3A_254 : memref<400xf32, #tpu.memory_space<vmem_shared>>)
        tpu.yield
      }) : () -> ()
    } else {
    }
    %barrier3A = arith.constant 0 : index
    tpu.barrier barrier_id(%barrier3A)
    %mul3A = arith.constant 2 : i32
    %mul3A_192 = arith.muli %arg1, %mul3A : i32
    %add3A_193 = arith.addi %mul3A_192, %arg0 : i32
    %mul3A_194 = arith.constant 10000 : i32
    %mul3A_195 = arith.muli %add3A_193, %mul3A_194 : i32
    %dma_start3A = tpu.memref_slice %arg2[%mul3A_195] : memref<640000xi32, #tpu.memory_space<hbm>> -> memref<10000xi32, #tpu.memory_space<hbm>>
    %dma_start3A_196 = tpu.memref_slice %arg2[%mul3A_195] : memref<640000xi32, #tpu.memory_space<hbm>> -> memref<10000xi32, #tpu.memory_space<hbm>>
    tpu.enqueue_dma source(%dma_start3A_196 : memref<10000xi32, #tpu.memory_space<hbm>>) target(%arg9 : memref<10000xi32, #tpu.memory_space<vmem>>) target_semaphore(%arg14 : memref<!tpu.dma_semaphore, #tpu.memory_space<semaphore_mem>>)
    %dma_start3A_197 = tpu.memref_slice %arg3[%mul3A_195] : memref<640000xi32, #tpu.memory_space<hbm>> -> memref<10000xi32, #tpu.memory_space<hbm>>
    %dma_start3A_198 = tpu.memref_slice %arg3[%mul3A_195] : memref<640000xi32, #tpu.memory_space<hbm>> -> memref<10000xi32, #tpu.memory_space<hbm>>
    tpu.enqueue_dma source(%dma_start3A_198 : memref<10000xi32, #tpu.memory_space<hbm>>) target(%arg10 : memref<10000xi32, #tpu.memory_space<vmem>>) target_semaphore(%arg15 : memref<!tpu.dma_semaphore, #tpu.memory_space<semaphore_mem>>)
    %dma_start3A_199 = tpu.memref_slice %arg4[%mul3A_195] : memref<640000xi32, #tpu.memory_space<hbm>> -> memref<10000xi32, #tpu.memory_space<hbm>>
    %dma_start3A_200 = tpu.memref_slice %arg4[%mul3A_195] : memref<640000xi32, #tpu.memory_space<hbm>> -> memref<10000xi32, #tpu.memory_space<hbm>>
    tpu.enqueue_dma source(%dma_start3A_200 : memref<10000xi32, #tpu.memory_space<hbm>>) target(%arg11 : memref<10000xi32, #tpu.memory_space<vmem>>) target_semaphore(%arg16 : memref<!tpu.dma_semaphore, #tpu.memory_space<semaphore_mem>>)
    %dma_wait3A = tpu.memref_slice %arg2[%mul3A_195] : memref<640000xi32, #tpu.memory_space<hbm>> -> memref<10000xi32, #tpu.memory_space<hbm>>
    %dma_wait3A_201 = tpu.memref_slice %arg2[%mul3A_195] : memref<640000xi32, #tpu.memory_space<hbm>> -> memref<10000xi32, #tpu.memory_space<hbm>>
    tpu.wait_dma2 semaphore(%arg14 : memref<!tpu.dma_semaphore, #tpu.memory_space<semaphore_mem>>) src(%dma_wait3A_201 : memref<10000xi32, #tpu.memory_space<hbm>>) dst(%arg9 : memref<10000xi32, #tpu.memory_space<vmem>>)
    "tpu.region"() ({
      %run_scoped3A = tpu.sem_alloc : memref<!tpu.dma_semaphore, #tpu.memory_space<semaphore_mem>>
      %dma_start3A_249 = arith.constant 0 : i32
      %dma_start3A_250 = tpu.memref_slice %arg6[%dma_start3A_249] : memref<10000xf32, #tpu.memory_space<vmem_shared>> -> memref<10000xf32, #tpu.memory_space<vmem_shared>>
      tpu.enqueue_indirect_dma source(%arg12 : memref<10000xf32, #tpu.memory_space<vmem>>) target(%dma_start3A_250 : memref<10000xf32, #tpu.memory_space<vmem_shared>>) offsets(%arg9 : memref<10000xi32, #tpu.memory_space<vmem>>) semaphore(%run_scoped3A : memref<!tpu.dma_semaphore, #tpu.memory_space<semaphore_mem>>) {add = true}
      %dma_wait3A_251 = arith.constant 0 : i32
      %dma_wait3A_252 = tpu.memref_slice %arg6[%dma_wait3A_251] : memref<10000xf32, #tpu.memory_space<vmem_shared>> -> memref<10000xf32, #tpu.memory_space<vmem_shared>>
      tpu.wait_indirect_dma semaphore(%run_scoped3A : memref<!tpu.dma_semaphore, #tpu.memory_space<semaphore_mem>>) src(%arg12 : memref<10000xf32, #tpu.memory_space<vmem>>) dst(%dma_wait3A_252 : memref<10000xf32, #tpu.memory_space<vmem_shared>>)
      tpu.yield
    }) : () -> ()
    %dma_wait3A_202 = tpu.memref_slice %arg3[%mul3A_195] : memref<640000xi32, #tpu.memory_space<hbm>> -> memref<10000xi32, #tpu.memory_space<hbm>>
    %dma_wait3A_203 = tpu.memref_slice %arg3[%mul3A_195] : memref<640000xi32, #tpu.memory_space<hbm>> -> memref<10000xi32, #tpu.memory_space<hbm>>
    tpu.wait_dma2 semaphore(%arg15 : memref<!tpu.dma_semaphore, #tpu.memory_space<semaphore_mem>>) src(%dma_wait3A_203 : memref<10000xi32, #tpu.memory_space<hbm>>) dst(%arg10 : memref<10000xi32, #tpu.memory_space<vmem>>)
    "tpu.region"() ({
      %run_scoped3A = tpu.sem_alloc : memref<!tpu.dma_semaphore, #tpu.memory_space<semaphore_mem>>
      %dma_start3A_249 = arith.constant 0 : i32
      %dma_start3A_250 = tpu.memref_slice %arg7[%dma_start3A_249] : memref<10000xf32, #tpu.memory_space<vmem_shared>> -> memref<10000xf32, #tpu.memory_space<vmem_shared>>
      tpu.enqueue_indirect_dma source(%arg12 : memref<10000xf32, #tpu.memory_space<vmem>>) target(%dma_start3A_250 : memref<10000xf32, #tpu.memory_space<vmem_shared>>) offsets(%arg10 : memref<10000xi32, #tpu.memory_space<vmem>>) semaphore(%run_scoped3A : memref<!tpu.dma_semaphore, #tpu.memory_space<semaphore_mem>>) {add = true}
      %dma_wait3A_251 = arith.constant 0 : i32
      %dma_wait3A_252 = tpu.memref_slice %arg7[%dma_wait3A_251] : memref<10000xf32, #tpu.memory_space<vmem_shared>> -> memref<10000xf32, #tpu.memory_space<vmem_shared>>
      tpu.wait_indirect_dma semaphore(%run_scoped3A : memref<!tpu.dma_semaphore, #tpu.memory_space<semaphore_mem>>) src(%arg12 : memref<10000xf32, #tpu.memory_space<vmem>>) dst(%dma_wait3A_252 : memref<10000xf32, #tpu.memory_space<vmem_shared>>)
      tpu.yield
    }) : () -> ()
    %dma_wait3A_204 = tpu.memref_slice %arg4[%mul3A_195] : memref<640000xi32, #tpu.memory_space<hbm>> -> memref<10000xi32, #tpu.memory_space<hbm>>
    %dma_wait3A_205 = tpu.memref_slice %arg4[%mul3A_195] : memref<640000xi32, #tpu.memory_space<hbm>> -> memref<10000xi32, #tpu.memory_space<hbm>>
    tpu.wait_dma2 semaphore(%arg16 : memref<!tpu.dma_semaphore, #tpu.memory_space<semaphore_mem>>) src(%dma_wait3A_205 : memref<10000xi32, #tpu.memory_space<hbm>>) dst(%arg11 : memref<10000xi32, #tpu.memory_space<vmem>>)
    "tpu.region"() ({
      %run_scoped3A = tpu.sem_alloc : memref<!tpu.dma_semaphore, #tpu.memory_space<semaphore_mem>>
      %dma_start3A_249 = arith.constant 0 : i32
      %dma_start3A_250 = tpu.memref_slice %arg8[%dma_start3A_249] : memref<10000xf32, #tpu.memory_space<vmem_shared>> -> memref<10000xf32, #tpu.memory_space<vmem_shared>>
      tpu.enqueue_indirect_dma source(%arg12 : memref<10000xf32, #tpu.memory_space<vmem>>) target(%dma_start3A_250 : memref<10000xf32, #tpu.memory_space<vmem_shared>>) offsets(%arg11 : memref<10000xi32, #tpu.memory_space<vmem>>) semaphore(%run_scoped3A : memref<!tpu.dma_semaphore, #tpu.memory_space<semaphore_mem>>) {add = true}
      %dma_wait3A_251 = arith.constant 0 : i32
      %dma_wait3A_252 = tpu.memref_slice %arg8[%dma_wait3A_251] : memref<10000xf32, #tpu.memory_space<vmem_shared>> -> memref<10000xf32, #tpu.memory_space<vmem_shared>>
      tpu.wait_indirect_dma semaphore(%run_scoped3A : memref<!tpu.dma_semaphore, #tpu.memory_space<semaphore_mem>>) src(%arg12 : memref<10000xf32, #tpu.memory_space<vmem>>) dst(%dma_wait3A_252 : memref<10000xf32, #tpu.memory_space<vmem_shared>>)
      tpu.yield
    }) : () -> ()
    %barrier3A_206 = arith.constant 0 : index
    tpu.barrier barrier_id(%barrier3A_206)
    %add3A_207 = arith.constant 0 : i32
    %add3A_208 = arith.addi %arg1, %add3A_207 : i32
    %lt3A_209 = arith.constant 25 : i32
    %lt3A_210 = arith.cmpi slt, %add3A_208, %lt3A_209 : i32
    %convert_element_type3A_211 = arith.extui %lt3A_210 : i1 to i32
    %cond3A_212 = arith.constant 0 : i32
    %cond3A_213 = arith.cmpi ne, %convert_element_type3A_211, %cond3A_212 : i32
    scf.if %cond3A_213 {
      %mul3A_249 = arith.constant 400 : i32
      %mul3A_250 = arith.muli %add3A_208, %mul3A_249 : i32
      "tpu.region"() ({
        %run_scoped3A = tpu.sem_alloc : memref<!tpu.dma_semaphore, #tpu.memory_space<semaphore_mem>>
        %dma_start3A_260 = tpu.memref_slice %arg6[%mul3A_250] : memref<10000xf32, #tpu.memory_space<vmem_shared>> -> memref<400xf32, #tpu.memory_space<vmem_shared>>
        %dma_start3A_261 = tpu.memref_slice %arg6[%mul3A_250] : memref<10000xf32, #tpu.memory_space<vmem_shared>> -> memref<400xf32, #tpu.memory_space<vmem_shared>>
        tpu.enqueue_dma source(%dma_start3A_261 : memref<400xf32, #tpu.memory_space<vmem_shared>>) target(%arg13 : memref<400xf32, #tpu.memory_space<vmem>>) target_semaphore(%run_scoped3A : memref<!tpu.dma_semaphore, #tpu.memory_space<semaphore_mem>>)
        %dma_wait3A_262 = tpu.memref_slice %arg6[%mul3A_250] : memref<10000xf32, #tpu.memory_space<vmem_shared>> -> memref<400xf32, #tpu.memory_space<vmem_shared>>
        %dma_wait3A_263 = tpu.memref_slice %arg6[%mul3A_250] : memref<10000xf32, #tpu.memory_space<vmem_shared>> -> memref<400xf32, #tpu.memory_space<vmem_shared>>
        tpu.wait_dma2 semaphore(%run_scoped3A : memref<!tpu.dma_semaphore, #tpu.memory_space<semaphore_mem>>) src(%dma_wait3A_263 : memref<400xf32, #tpu.memory_space<vmem_shared>>) dst(%arg13 : memref<400xf32, #tpu.memory_space<vmem>>)
        tpu.yield
      }) : () -> ()
      %mul3A_251 = arith.constant 3 : i32
      %mul3A_252 = arith.muli %arg0, %mul3A_251 : i32
      %add3A_253 = arith.constant 0 : i32
      %add3A_254 = arith.addi %mul3A_252, %add3A_253 : i32
      %mul3A_255 = arith.constant 10000 : i32
      %mul3A_256 = arith.muli %add3A_254, %mul3A_255 : i32
      %mul3A_257 = arith.constant 400 : i32
      %mul3A_258 = arith.muli %add3A_208, %mul3A_257 : i32
      %add3A_259 = arith.addi %mul3A_256, %mul3A_258 : i32
      "tpu.region"() ({
        %run_scoped3A = tpu.sem_alloc : memref<!tpu.dma_semaphore, #tpu.memory_space<semaphore_mem>>
        %dma_start3A_260 = tpu.memref_slice %arg5[%add3A_259] : memref<60000xf32, #tpu.memory_space<hbm>> -> memref<400xf32, #tpu.memory_space<hbm>>
        %dma_start3A_261 = tpu.memref_slice %arg5[%add3A_259] : memref<60000xf32, #tpu.memory_space<hbm>> -> memref<400xf32, #tpu.memory_space<hbm>>
        tpu.enqueue_dma source(%arg13 : memref<400xf32, #tpu.memory_space<vmem>>) target(%dma_start3A_261 : memref<400xf32, #tpu.memory_space<hbm>>) target_semaphore(%run_scoped3A : memref<!tpu.dma_semaphore, #tpu.memory_space<semaphore_mem>>)
        %dma_wait3A_262 = tpu.memref_slice %arg5[%add3A_259] : memref<60000xf32, #tpu.memory_space<hbm>> -> memref<400xf32, #tpu.memory_space<hbm>>
        %dma_wait3A_263 = tpu.memref_slice %arg5[%add3A_259] : memref<60000xf32, #tpu.memory_space<hbm>> -> memref<400xf32, #tpu.memory_space<hbm>>
        tpu.wait_dma2 semaphore(%run_scoped3A : memref<!tpu.dma_semaphore, #tpu.memory_space<semaphore_mem>>) src(%arg13 : memref<400xf32, #tpu.memory_space<vmem>>) dst(%dma_wait3A_263 : memref<400xf32, #tpu.memory_space<hbm>>)
        tpu.yield
      }) : () -> ()
    } else {
    }
    %add3A_214 = arith.constant 16 : i32
    %add3A_215 = arith.addi %arg1, %add3A_214 : i32
    %lt3A_216 = arith.constant 25 : i32
    %lt3A_217 = arith.cmpi slt, %add3A_215, %lt3A_216 : i32
    %convert_element_type3A_218 = arith.extui %lt3A_217 : i1 to i32
    %cond3A_219 = arith.constant 0 : i32
    %cond3A_220 = arith.cmpi ne, %convert_element_type3A_218, %cond3A_219 : i32
    scf.if %cond3A_220 {
      %mul3A_249 = arith.constant 400 : i32
      %mul3A_250 = arith.muli %add3A_215, %mul3A_249 : i32
      "tpu.region"() ({
        %run_scoped3A = tpu.sem_alloc : memref<!tpu.dma_semaphore, #tpu.memory_space<semaphore_mem>>
        %dma_start3A_260 = tpu.memref_slice %arg6[%mul3A_250] : memref<10000xf32, #tpu.memory_space<vmem_shared>> -> memref<400xf32, #tpu.memory_space<vmem_shared>>
        %dma_start3A_261 = tpu.memref_slice %arg6[%mul3A_250] : memref<10000xf32, #tpu.memory_space<vmem_shared>> -> memref<400xf32, #tpu.memory_space<vmem_shared>>
        tpu.enqueue_dma source(%dma_start3A_261 : memref<400xf32, #tpu.memory_space<vmem_shared>>) target(%arg13 : memref<400xf32, #tpu.memory_space<vmem>>) target_semaphore(%run_scoped3A : memref<!tpu.dma_semaphore, #tpu.memory_space<semaphore_mem>>)
        %dma_wait3A_262 = tpu.memref_slice %arg6[%mul3A_250] : memref<10000xf32, #tpu.memory_space<vmem_shared>> -> memref<400xf32, #tpu.memory_space<vmem_shared>>
        %dma_wait3A_263 = tpu.memref_slice %arg6[%mul3A_250] : memref<10000xf32, #tpu.memory_space<vmem_shared>> -> memref<400xf32, #tpu.memory_space<vmem_shared>>
        tpu.wait_dma2 semaphore(%run_scoped3A : memref<!tpu.dma_semaphore, #tpu.memory_space<semaphore_mem>>) src(%dma_wait3A_263 : memref<400xf32, #tpu.memory_space<vmem_shared>>) dst(%arg13 : memref<400xf32, #tpu.memory_space<vmem>>)
        tpu.yield
      }) : () -> ()
      %mul3A_251 = arith.constant 3 : i32
      %mul3A_252 = arith.muli %arg0, %mul3A_251 : i32
      %add3A_253 = arith.constant 0 : i32
      %add3A_254 = arith.addi %mul3A_252, %add3A_253 : i32
      %mul3A_255 = arith.constant 10000 : i32
      %mul3A_256 = arith.muli %add3A_254, %mul3A_255 : i32
      %mul3A_257 = arith.constant 400 : i32
      %mul3A_258 = arith.muli %add3A_215, %mul3A_257 : i32
      %add3A_259 = arith.addi %mul3A_256, %mul3A_258 : i32
      "tpu.region"() ({
        %run_scoped3A = tpu.sem_alloc : memref<!tpu.dma_semaphore, #tpu.memory_space<semaphore_mem>>
        %dma_start3A_260 = tpu.memref_slice %arg5[%add3A_259] : memref<60000xf32, #tpu.memory_space<hbm>> -> memref<400xf32, #tpu.memory_space<hbm>>
        %dma_start3A_261 = tpu.memref_slice %arg5[%add3A_259] : memref<60000xf32, #tpu.memory_space<hbm>> -> memref<400xf32, #tpu.memory_space<hbm>>
        tpu.enqueue_dma source(%arg13 : memref<400xf32, #tpu.memory_space<vmem>>) target(%dma_start3A_261 : memref<400xf32, #tpu.memory_space<hbm>>) target_semaphore(%run_scoped3A : memref<!tpu.dma_semaphore, #tpu.memory_space<semaphore_mem>>)
        %dma_wait3A_262 = tpu.memref_slice %arg5[%add3A_259] : memref<60000xf32, #tpu.memory_space<hbm>> -> memref<400xf32, #tpu.memory_space<hbm>>
        %dma_wait3A_263 = tpu.memref_slice %arg5[%add3A_259] : memref<60000xf32, #tpu.memory_space<hbm>> -> memref<400xf32, #tpu.memory_space<hbm>>
        tpu.wait_dma2 semaphore(%run_scoped3A : memref<!tpu.dma_semaphore, #tpu.memory_space<semaphore_mem>>) src(%arg13 : memref<400xf32, #tpu.memory_space<vmem>>) dst(%dma_wait3A_263 : memref<400xf32, #tpu.memory_space<hbm>>)
        tpu.yield
      }) : () -> ()
    } else {
    }
    %add3A_221 = arith.constant 0 : i32
    %add3A_222 = arith.addi %arg1, %add3A_221 : i32
    %lt3A_223 = arith.constant 25 : i32
    %lt3A_224 = arith.cmpi slt, %add3A_222, %lt3A_223 : i32
    %convert_element_type3A_225 = arith.extui %lt3A_224 : i1 to i32
    %cond3A_226 = arith.constant 0 : i32
    %cond3A_227 = arith.cmpi ne, %convert_element_type3A_225, %cond3A_226 : i32
    scf.if %cond3A_227 {
      %mul3A_249 = arith.constant 400 : i32
      %mul3A_250 = arith.muli %add3A_222, %mul3A_249 : i32
      "tpu.region"() ({
        %run_scoped3A = tpu.sem_alloc : memref<!tpu.dma_semaphore, #tpu.memory_space<semaphore_mem>>
        %dma_start3A_260 = tpu.memref_slice %arg7[%mul3A_250] : memref<10000xf32, #tpu.memory_space<vmem_shared>> -> memref<400xf32, #tpu.memory_space<vmem_shared>>
        %dma_start3A_261 = tpu.memref_slice %arg7[%mul3A_250] : memref<10000xf32, #tpu.memory_space<vmem_shared>> -> memref<400xf32, #tpu.memory_space<vmem_shared>>
        tpu.enqueue_dma source(%dma_start3A_261 : memref<400xf32, #tpu.memory_space<vmem_shared>>) target(%arg13 : memref<400xf32, #tpu.memory_space<vmem>>) target_semaphore(%run_scoped3A : memref<!tpu.dma_semaphore, #tpu.memory_space<semaphore_mem>>)
        %dma_wait3A_262 = tpu.memref_slice %arg7[%mul3A_250] : memref<10000xf32, #tpu.memory_space<vmem_shared>> -> memref<400xf32, #tpu.memory_space<vmem_shared>>
        %dma_wait3A_263 = tpu.memref_slice %arg7[%mul3A_250] : memref<10000xf32, #tpu.memory_space<vmem_shared>> -> memref<400xf32, #tpu.memory_space<vmem_shared>>
        tpu.wait_dma2 semaphore(%run_scoped3A : memref<!tpu.dma_semaphore, #tpu.memory_space<semaphore_mem>>) src(%dma_wait3A_263 : memref<400xf32, #tpu.memory_space<vmem_shared>>) dst(%arg13 : memref<400xf32, #tpu.memory_space<vmem>>)
        tpu.yield
      }) : () -> ()
      %mul3A_251 = arith.constant 3 : i32
      %mul3A_252 = arith.muli %arg0, %mul3A_251 : i32
      %add3A_253 = arith.constant 1 : i32
      %add3A_254 = arith.addi %mul3A_252, %add3A_253 : i32
      %mul3A_255 = arith.constant 10000 : i32
      %mul3A_256 = arith.muli %add3A_254, %mul3A_255 : i32
      %mul3A_257 = arith.constant 400 : i32
      %mul3A_258 = arith.muli %add3A_222, %mul3A_257 : i32
      %add3A_259 = arith.addi %mul3A_256, %mul3A_258 : i32
      "tpu.region"() ({
        %run_scoped3A = tpu.sem_alloc : memref<!tpu.dma_semaphore, #tpu.memory_space<semaphore_mem>>
        %dma_start3A_260 = tpu.memref_slice %arg5[%add3A_259] : memref<60000xf32, #tpu.memory_space<hbm>> -> memref<400xf32, #tpu.memory_space<hbm>>
        %dma_start3A_261 = tpu.memref_slice %arg5[%add3A_259] : memref<60000xf32, #tpu.memory_space<hbm>> -> memref<400xf32, #tpu.memory_space<hbm>>
        tpu.enqueue_dma source(%arg13 : memref<400xf32, #tpu.memory_space<vmem>>) target(%dma_start3A_261 : memref<400xf32, #tpu.memory_space<hbm>>) target_semaphore(%run_scoped3A : memref<!tpu.dma_semaphore, #tpu.memory_space<semaphore_mem>>)
        %dma_wait3A_262 = tpu.memref_slice %arg5[%add3A_259] : memref<60000xf32, #tpu.memory_space<hbm>> -> memref<400xf32, #tpu.memory_space<hbm>>
        %dma_wait3A_263 = tpu.memref_slice %arg5[%add3A_259] : memref<60000xf32, #tpu.memory_space<hbm>> -> memref<400xf32, #tpu.memory_space<hbm>>
        tpu.wait_dma2 semaphore(%run_scoped3A : memref<!tpu.dma_semaphore, #tpu.memory_space<semaphore_mem>>) src(%arg13 : memref<400xf32, #tpu.memory_space<vmem>>) dst(%dma_wait3A_263 : memref<400xf32, #tpu.memory_space<hbm>>)
        tpu.yield
      }) : () -> ()
    } else {
    }
    %add3A_228 = arith.constant 16 : i32
    %add3A_229 = arith.addi %arg1, %add3A_228 : i32
    %lt3A_230 = arith.constant 25 : i32
    %lt3A_231 = arith.cmpi slt, %add3A_229, %lt3A_230 : i32
    %convert_element_type3A_232 = arith.extui %lt3A_231 : i1 to i32
    %cond3A_233 = arith.constant 0 : i32
    %cond3A_234 = arith.cmpi ne, %convert_element_type3A_232, %cond3A_233 : i32
    scf.if %cond3A_234 {
      %mul3A_249 = arith.constant 400 : i32
      %mul3A_250 = arith.muli %add3A_229, %mul3A_249 : i32
      "tpu.region"() ({
        %run_scoped3A = tpu.sem_alloc : memref<!tpu.dma_semaphore, #tpu.memory_space<semaphore_mem>>
        %dma_start3A_260 = tpu.memref_slice %arg7[%mul3A_250] : memref<10000xf32, #tpu.memory_space<vmem_shared>> -> memref<400xf32, #tpu.memory_space<vmem_shared>>
        %dma_start3A_261 = tpu.memref_slice %arg7[%mul3A_250] : memref<10000xf32, #tpu.memory_space<vmem_shared>> -> memref<400xf32, #tpu.memory_space<vmem_shared>>
        tpu.enqueue_dma source(%dma_start3A_261 : memref<400xf32, #tpu.memory_space<vmem_shared>>) target(%arg13 : memref<400xf32, #tpu.memory_space<vmem>>) target_semaphore(%run_scoped3A : memref<!tpu.dma_semaphore, #tpu.memory_space<semaphore_mem>>)
        %dma_wait3A_262 = tpu.memref_slice %arg7[%mul3A_250] : memref<10000xf32, #tpu.memory_space<vmem_shared>> -> memref<400xf32, #tpu.memory_space<vmem_shared>>
        %dma_wait3A_263 = tpu.memref_slice %arg7[%mul3A_250] : memref<10000xf32, #tpu.memory_space<vmem_shared>> -> memref<400xf32, #tpu.memory_space<vmem_shared>>
        tpu.wait_dma2 semaphore(%run_scoped3A : memref<!tpu.dma_semaphore, #tpu.memory_space<semaphore_mem>>) src(%dma_wait3A_263 : memref<400xf32, #tpu.memory_space<vmem_shared>>) dst(%arg13 : memref<400xf32, #tpu.memory_space<vmem>>)
        tpu.yield
      }) : () -> ()
      %mul3A_251 = arith.constant 3 : i32
      %mul3A_252 = arith.muli %arg0, %mul3A_251 : i32
      %add3A_253 = arith.constant 1 : i32
      %add3A_254 = arith.addi %mul3A_252, %add3A_253 : i32
      %mul3A_255 = arith.constant 10000 : i32
      %mul3A_256 = arith.muli %add3A_254, %mul3A_255 : i32
      %mul3A_257 = arith.constant 400 : i32
      %mul3A_258 = arith.muli %add3A_229, %mul3A_257 : i32
      %add3A_259 = arith.addi %mul3A_256, %mul3A_258 : i32
      "tpu.region"() ({
        %run_scoped3A = tpu.sem_alloc : memref<!tpu.dma_semaphore, #tpu.memory_space<semaphore_mem>>
        %dma_start3A_260 = tpu.memref_slice %arg5[%add3A_259] : memref<60000xf32, #tpu.memory_space<hbm>> -> memref<400xf32, #tpu.memory_space<hbm>>
        %dma_start3A_261 = tpu.memref_slice %arg5[%add3A_259] : memref<60000xf32, #tpu.memory_space<hbm>> -> memref<400xf32, #tpu.memory_space<hbm>>
        tpu.enqueue_dma source(%arg13 : memref<400xf32, #tpu.memory_space<vmem>>) target(%dma_start3A_261 : memref<400xf32, #tpu.memory_space<hbm>>) target_semaphore(%run_scoped3A : memref<!tpu.dma_semaphore, #tpu.memory_space<semaphore_mem>>)
        %dma_wait3A_262 = tpu.memref_slice %arg5[%add3A_259] : memref<60000xf32, #tpu.memory_space<hbm>> -> memref<400xf32, #tpu.memory_space<hbm>>
        %dma_wait3A_263 = tpu.memref_slice %arg5[%add3A_259] : memref<60000xf32, #tpu.memory_space<hbm>> -> memref<400xf32, #tpu.memory_space<hbm>>
        tpu.wait_dma2 semaphore(%run_scoped3A : memref<!tpu.dma_semaphore, #tpu.memory_space<semaphore_mem>>) src(%arg13 : memref<400xf32, #tpu.memory_space<vmem>>) dst(%dma_wait3A_263 : memref<400xf32, #tpu.memory_space<hbm>>)
        tpu.yield
      }) : () -> ()
    } else {
    }
    %add3A_235 = arith.constant 0 : i32
    %add3A_236 = arith.addi %arg1, %add3A_235 : i32
    %lt3A_237 = arith.constant 25 : i32
    %lt3A_238 = arith.cmpi slt, %add3A_236, %lt3A_237 : i32
    %convert_element_type3A_239 = arith.extui %lt3A_238 : i1 to i32
    %cond3A_240 = arith.constant 0 : i32
    %cond3A_241 = arith.cmpi ne, %convert_element_type3A_239, %cond3A_240 : i32
    scf.if %cond3A_241 {
      %mul3A_249 = arith.constant 400 : i32
      %mul3A_250 = arith.muli %add3A_236, %mul3A_249 : i32
      "tpu.region"() ({
        %run_scoped3A = tpu.sem_alloc : memref<!tpu.dma_semaphore, #tpu.memory_space<semaphore_mem>>
        %dma_start3A_260 = tpu.memref_slice %arg8[%mul3A_250] : memref<10000xf32, #tpu.memory_space<vmem_shared>> -> memref<400xf32, #tpu.memory_space<vmem_shared>>
        %dma_start3A_261 = tpu.memref_slice %arg8[%mul3A_250] : memref<10000xf32, #tpu.memory_space<vmem_shared>> -> memref<400xf32, #tpu.memory_space<vmem_shared>>
        tpu.enqueue_dma source(%dma_start3A_261 : memref<400xf32, #tpu.memory_space<vmem_shared>>) target(%arg13 : memref<400xf32, #tpu.memory_space<vmem>>) target_semaphore(%run_scoped3A : memref<!tpu.dma_semaphore, #tpu.memory_space<semaphore_mem>>)
        %dma_wait3A_262 = tpu.memref_slice %arg8[%mul3A_250] : memref<10000xf32, #tpu.memory_space<vmem_shared>> -> memref<400xf32, #tpu.memory_space<vmem_shared>>
        %dma_wait3A_263 = tpu.memref_slice %arg8[%mul3A_250] : memref<10000xf32, #tpu.memory_space<vmem_shared>> -> memref<400xf32, #tpu.memory_space<vmem_shared>>
        tpu.wait_dma2 semaphore(%run_scoped3A : memref<!tpu.dma_semaphore, #tpu.memory_space<semaphore_mem>>) src(%dma_wait3A_263 : memref<400xf32, #tpu.memory_space<vmem_shared>>) dst(%arg13 : memref<400xf32, #tpu.memory_space<vmem>>)
        tpu.yield
      }) : () -> ()
      %mul3A_251 = arith.constant 3 : i32
      %mul3A_252 = arith.muli %arg0, %mul3A_251 : i32
      %add3A_253 = arith.constant 2 : i32
      %add3A_254 = arith.addi %mul3A_252, %add3A_253 : i32
      %mul3A_255 = arith.constant 10000 : i32
      %mul3A_256 = arith.muli %add3A_254, %mul3A_255 : i32
      %mul3A_257 = arith.constant 400 : i32
      %mul3A_258 = arith.muli %add3A_236, %mul3A_257 : i32
      %add3A_259 = arith.addi %mul3A_256, %mul3A_258 : i32
      "tpu.region"() ({
        %run_scoped3A = tpu.sem_alloc : memref<!tpu.dma_semaphore, #tpu.memory_space<semaphore_mem>>
        %dma_start3A_260 = tpu.memref_slice %arg5[%add3A_259] : memref<60000xf32, #tpu.memory_space<hbm>> -> memref<400xf32, #tpu.memory_space<hbm>>
        %dma_start3A_261 = tpu.memref_slice %arg5[%add3A_259] : memref<60000xf32, #tpu.memory_space<hbm>> -> memref<400xf32, #tpu.memory_space<hbm>>
        tpu.enqueue_dma source(%arg13 : memref<400xf32, #tpu.memory_space<vmem>>) target(%dma_start3A_261 : memref<400xf32, #tpu.memory_space<hbm>>) target_semaphore(%run_scoped3A : memref<!tpu.dma_semaphore, #tpu.memory_space<semaphore_mem>>)
        %dma_wait3A_262 = tpu.memref_slice %arg5[%add3A_259] : memref<60000xf32, #tpu.memory_space<hbm>> -> memref<400xf32, #tpu.memory_space<hbm>>
        %dma_wait3A_263 = tpu.memref_slice %arg5[%add3A_259] : memref<60000xf32, #tpu.memory_space<hbm>> -> memref<400xf32, #tpu.memory_space<hbm>>
        tpu.wait_dma2 semaphore(%run_scoped3A : memref<!tpu.dma_semaphore, #tpu.memory_space<semaphore_mem>>) src(%arg13 : memref<400xf32, #tpu.memory_space<vmem>>) dst(%dma_wait3A_263 : memref<400xf32, #tpu.memory_space<hbm>>)
        tpu.yield
      }) : () -> ()
    } else {
    }
    %add3A_242 = arith.constant 16 : i32
    %add3A_243 = arith.addi %arg1, %add3A_242 : i32
    %lt3A_244 = arith.constant 25 : i32
    %lt3A_245 = arith.cmpi slt, %add3A_243, %lt3A_244 : i32
    %convert_element_type3A_246 = arith.extui %lt3A_245 : i1 to i32
    %cond3A_247 = arith.constant 0 : i32
    %cond3A_248 = arith.cmpi ne, %convert_element_type3A_246, %cond3A_247 : i32
    scf.if %cond3A_248 {
      %mul3A_249 = arith.constant 400 : i32
      %mul3A_250 = arith.muli %add3A_243, %mul3A_249 : i32
      "tpu.region"() ({
        %run_scoped3A = tpu.sem_alloc : memref<!tpu.dma_semaphore, #tpu.memory_space<semaphore_mem>>
        %dma_start3A_260 = tpu.memref_slice %arg8[%mul3A_250] : memref<10000xf32, #tpu.memory_space<vmem_shared>> -> memref<400xf32, #tpu.memory_space<vmem_shared>>
        %dma_start3A_261 = tpu.memref_slice %arg8[%mul3A_250] : memref<10000xf32, #tpu.memory_space<vmem_shared>> -> memref<400xf32, #tpu.memory_space<vmem_shared>>
        tpu.enqueue_dma source(%dma_start3A_261 : memref<400xf32, #tpu.memory_space<vmem_shared>>) target(%arg13 : memref<400xf32, #tpu.memory_space<vmem>>) target_semaphore(%run_scoped3A : memref<!tpu.dma_semaphore, #tpu.memory_space<semaphore_mem>>)
        %dma_wait3A_262 = tpu.memref_slice %arg8[%mul3A_250] : memref<10000xf32, #tpu.memory_space<vmem_shared>> -> memref<400xf32, #tpu.memory_space<vmem_shared>>
        %dma_wait3A_263 = tpu.memref_slice %arg8[%mul3A_250] : memref<10000xf32, #tpu.memory_space<vmem_shared>> -> memref<400xf32, #tpu.memory_space<vmem_shared>>
        tpu.wait_dma2 semaphore(%run_scoped3A : memref<!tpu.dma_semaphore, #tpu.memory_space<semaphore_mem>>) src(%dma_wait3A_263 : memref<400xf32, #tpu.memory_space<vmem_shared>>) dst(%arg13 : memref<400xf32, #tpu.memory_space<vmem>>)
        tpu.yield
      }) : () -> ()
      %mul3A_251 = arith.constant 3 : i32
      %mul3A_252 = arith.muli %arg0, %mul3A_251 : i32
      %add3A_253 = arith.constant 2 : i32
      %add3A_254 = arith.addi %mul3A_252, %add3A_253 : i32
      %mul3A_255 = arith.constant 10000 : i32
      %mul3A_256 = arith.muli %add3A_254, %mul3A_255 : i32
      %mul3A_257 = arith.constant 400 : i32
      %mul3A_258 = arith.muli %add3A_243, %mul3A_257 : i32
      %add3A_259 = arith.addi %mul3A_256, %mul3A_258 : i32
      "tpu.region"() ({
        %run_scoped3A = tpu.sem_alloc : memref<!tpu.dma_semaphore, #tpu.memory_space<semaphore_mem>>
        %dma_start3A_260 = tpu.memref_slice %arg5[%add3A_259] : memref<60000xf32, #tpu.memory_space<hbm>> -> memref<400xf32, #tpu.memory_space<hbm>>
        %dma_start3A_261 = tpu.memref_slice %arg5[%add3A_259] : memref<60000xf32, #tpu.memory_space<hbm>> -> memref<400xf32, #tpu.memory_space<hbm>>
        tpu.enqueue_dma source(%arg13 : memref<400xf32, #tpu.memory_space<vmem>>) target(%dma_start3A_261 : memref<400xf32, #tpu.memory_space<hbm>>) target_semaphore(%run_scoped3A : memref<!tpu.dma_semaphore, #tpu.memory_space<semaphore_mem>>)
        %dma_wait3A_262 = tpu.memref_slice %arg5[%add3A_259] : memref<60000xf32, #tpu.memory_space<hbm>> -> memref<400xf32, #tpu.memory_space<hbm>>
        %dma_wait3A_263 = tpu.memref_slice %arg5[%add3A_259] : memref<60000xf32, #tpu.memory_space<hbm>> -> memref<400xf32, #tpu.memory_space<hbm>>
        tpu.wait_dma2 semaphore(%run_scoped3A : memref<!tpu.dma_semaphore, #tpu.memory_space<semaphore_mem>>) src(%arg13 : memref<400xf32, #tpu.memory_space<vmem>>) dst(%dma_wait3A_263 : memref<400xf32, #tpu.memory_space<hbm>>)
        tpu.yield
      }) : () -> ()
    } else {
    }
    return
  }
}

module attributes {stable_mosaic.version = 14 : i64} {
  func.func @_tc_pre_body(%arg0: i32, %arg1: memref<1x2x3x2000xf32, #tpu.memory_space<vmem>>, %arg2: memref<2000x128xf32, #tpu.memory_space<vmem>>, %arg3: memref<128x128xf32, #tpu.memory_space<vmem>>, %arg4: memref<128x128xf32, #tpu.memory_space<vmem>>, %arg5: memref<128x128xf32, #tpu.memory_space<vmem>>, %arg6: memref<2000x128xf32, #tpu.memory_space<vmem>>, %arg7: memref<2000x128xf32, #tpu.memory_space<vmem>>, %arg8: memref<2000x128xf32, #tpu.memory_space<vmem>>) attributes {dimension_semantics = [#tpu.dimension_semantics<arbitrary>], iteration_bounds = array<i64: 5>, scalar_prefetch = 0 : i64, scratch_operands = 0 : i64, tpu.core_type = #tpu.core_type<tc>, window_params = [{transform_indices = @transform_0, window_bounds = array<i64: 1, 2, 3, 2000>}, {transform_indices = @transform_1, window_bounds = array<i64: 2000, 128>}, {pipeline_mode = #tpu.pipeline_mode<synchronous>, transform_indices = @transform_2, window_bounds = array<i64: 128, 128>}, {pipeline_mode = #tpu.pipeline_mode<synchronous>, transform_indices = @transform_3, window_bounds = array<i64: 128, 128>}, {pipeline_mode = #tpu.pipeline_mode<synchronous>, transform_indices = @transform_4, window_bounds = array<i64: 128, 128>}, {transform_indices = @transform_5, window_bounds = array<i64: 2000, 128>}, {transform_indices = @transform_6, window_bounds = array<i64: 2000, 128>}, {transform_indices = @transform_7, window_bounds = array<i64: 2000, 128>}]} {
    %get3A = arith.constant 0 : index
    %get3A_0 = arith.constant 0 : index
    %get3A_1 = vector.load %arg2[%get3A, %get3A_0] : memref<2000x128xf32, #tpu.memory_space<vmem>>, vector<2000x128xf32>
    %get3A_2 = arith.constant 0 : index
    %get3A_3 = arith.constant 0 : index
    %get3A_4 = arith.constant 0 : index
    %get3A_5 = arith.constant 0 : index
    %get3A_6 = vector.load %arg1[%get3A_2, %get3A_3, %get3A_4, %get3A_5] : memref<1x2x3x2000xf32, #tpu.memory_space<vmem>>, vector<1x1x3x2000xf32>
    %get3A_7 = vector.shape_cast %get3A_6 : vector<1x1x3x2000xf32> to vector<3x2000xf32>
    %get3A_8 = arith.constant 0 : index
    %get3A_9 = arith.constant 1 : index
    %get3A_10 = arith.constant 0 : index
    %get3A_11 = arith.constant 0 : index
    %get3A_12 = vector.load %arg1[%get3A_8, %get3A_9, %get3A_10, %get3A_11] : memref<1x2x3x2000xf32, #tpu.memory_space<vmem>>, vector<1x1x3x2000xf32>
    %get3A_13 = vector.shape_cast %get3A_12 : vector<1x1x3x2000xf32> to vector<3x2000xf32>
    %add3A = arith.addf %get3A_7, %get3A_13 : vector<3x2000xf32>
    %jit3A = arith.constant 9.99999996E-13 : f32
    %max3A = vector.broadcast %jit3A : f32 to vector<3x2000xf32>
    %max3A_14 = arith.maximumf %max3A, %add3A : vector<3x2000xf32>
    %pow3A = arith.constant -5.000000e-01 : f32
    %pow3A_15 = vector.broadcast %pow3A : f32 to vector<3x2000xf32>
    %pow3A_16 = math.powf %max3A_14, %pow3A_15 : vector<3x2000xf32>
    %slice3A = vector.extract_strided_slice %pow3A_16 {offsets = [0, 0], sizes = [1, 2000], strides = [1, 1]} : vector<3x2000xf32> to vector<1x2000xf32>
    %squeeze3A = vector.shape_cast %slice3A : vector<1x2000xf32> to vector<2000xf32>
    %broadcast_in_dim3A = vector.shape_cast %squeeze3A : vector<2000xf32> to vector<2000x1xf32>
    %mul3A = vector.broadcast %broadcast_in_dim3A : vector<2000x1xf32> to vector<2000x128xf32>
    %mul3A_17 = arith.mulf %get3A_1, %mul3A : vector<2000x128xf32>
    %get3A_18 = arith.constant 0 : index
    %get3A_19 = arith.constant 0 : index
    %get3A_20 = vector.load %arg3[%get3A_18, %get3A_19] : memref<128x128xf32, #tpu.memory_space<vmem>>, vector<128x128xf32>
    %dot_general3A = arith.constant dense<0.000000e+00> : vector<2000x128xf32>
    %dot_general3A_21 = tpu.matmul %mul3A_17, %get3A_20, %dot_general3A {dimension_numbers = #tpu.dot_dimension_numbers<[1], [0], [0], [1], [0, 0, 1, 1], [], []>, transpose_lhs_hint = false} : vector<2000x128xf32>, vector<128x128xf32>, vector<2000x128xf32> -> vector<2000x128xf32>
    %swap3A = arith.constant 0 : index
    %swap3A_22 = arith.constant 0 : index
    %swap3A_23 = vector.load %arg6[%swap3A, %swap3A_22] : memref<2000x128xf32, #tpu.memory_space<vmem>>, vector<2000x128xf32>
    tpu.vector_store %arg6[%swap3A, %swap3A_22], %dot_general3A_21 {strides = array<i32>} : memref<2000x128xf32, #tpu.memory_space<vmem>>, vector<2000x128xf32>,
    %slice3A_24 = vector.extract_strided_slice %pow3A_16 {offsets = [1, 0], sizes = [1, 2000], strides = [1, 1]} : vector<3x2000xf32> to vector<1x2000xf32>
    %squeeze3A_25 = vector.shape_cast %slice3A_24 : vector<1x2000xf32> to vector<2000xf32>
    %broadcast_in_dim3A_26 = vector.shape_cast %squeeze3A_25 : vector<2000xf32> to vector<2000x1xf32>
    %mul3A_27 = vector.broadcast %broadcast_in_dim3A_26 : vector<2000x1xf32> to vector<2000x128xf32>
    %mul3A_28 = arith.mulf %get3A_1, %mul3A_27 : vector<2000x128xf32>
    %get3A_29 = arith.constant 0 : index
    %get3A_30 = arith.constant 0 : index
    %get3A_31 = vector.load %arg4[%get3A_29, %get3A_30] : memref<128x128xf32, #tpu.memory_space<vmem>>, vector<128x128xf32>
    %dot_general3A_32 = arith.constant dense<0.000000e+00> : vector<2000x128xf32>
    %dot_general3A_33 = tpu.matmul %mul3A_28, %get3A_31, %dot_general3A_32 {dimension_numbers = #tpu.dot_dimension_numbers<[1], [0], [0], [1], [0, 0, 1, 1], [], []>, transpose_lhs_hint = false} : vector<2000x128xf32>, vector<128x128xf32>, vector<2000x128xf32> -> vector<2000x128xf32>
    %swap3A_34 = arith.constant 0 : index
    %swap3A_35 = arith.constant 0 : index
    %swap3A_36 = vector.load %arg7[%swap3A_34, %swap3A_35] : memref<2000x128xf32, #tpu.memory_space<vmem>>, vector<2000x128xf32>
    tpu.vector_store %arg7[%swap3A_34, %swap3A_35], %dot_general3A_33 {strides = array<i32>} : memref<2000x128xf32, #tpu.memory_space<vmem>>, vector<2000x128xf32>,
    %slice3A_37 = vector.extract_strided_slice %pow3A_16 {offsets = [2, 0], sizes = [1, 2000], strides = [1, 1]} : vector<3x2000xf32> to vector<1x2000xf32>
    %squeeze3A_38 = vector.shape_cast %slice3A_37 : vector<1x2000xf32> to vector<2000xf32>
    %broadcast_in_dim3A_39 = vector.shape_cast %squeeze3A_38 : vector<2000xf32> to vector<2000x1xf32>
    %mul3A_40 = vector.broadcast %broadcast_in_dim3A_39 : vector<2000x1xf32> to vector<2000x128xf32>
    %mul3A_41 = arith.mulf %get3A_1, %mul3A_40 : vector<2000x128xf32>
    %get3A_42 = arith.constant 0 : index
    %get3A_43 = arith.constant 0 : index
    %get3A_44 = vector.load %arg5[%get3A_42, %get3A_43] : memref<128x128xf32, #tpu.memory_space<vmem>>, vector<128x128xf32>
    %dot_general3A_45 = arith.constant dense<0.000000e+00> : vector<2000x128xf32>
    %dot_general3A_46 = tpu.matmul %mul3A_41, %get3A_44, %dot_general3A_45 {dimension_numbers = #tpu.dot_dimension_numbers<[1], [0], [0], [1], [0, 0, 1, 1], [], []>, transpose_lhs_hint = false} : vector<2000x128xf32>, vector<128x128xf32>, vector<2000x128xf32> -> vector<2000x128xf32>
    %swap3A_47 = arith.constant 0 : index
    %swap3A_48 = arith.constant 0 : index
    %swap3A_49 = vector.load %arg8[%swap3A_47, %swap3A_48] : memref<2000x128xf32, #tpu.memory_space<vmem>>, vector<2000x128xf32>
    tpu.vector_store %arg8[%swap3A_47, %swap3A_48], %dot_general3A_46 {strides = array<i32>} : memref<2000x128xf32, #tpu.memory_space<vmem>>, vector<2000x128xf32>,
    return
  }
  func.func @transform_0(%arg0: i32) -> (i32, i32, i32, i32) {
    %c0_i32 = arith.constant 0 : i32
    %c0_i32_0 = arith.constant 0 : i32
    %c0_i32_1 = arith.constant 0 : i32
    %c0_i32_2 = arith.constant 0 : i32
    return %arg0, %c0_i32, %c0_i32_0, %c0_i32_1 : i32, i32, i32, i32
  }
  func.func @transform_1(%arg0: i32) -> (i32, i32) {
    %c0_i32 = arith.constant 0 : i32
    %c0_i32_0 = arith.constant 0 : i32
    return %arg0, %c0_i32 : i32, i32
  }
  func.func @transform_2(%arg0: i32) -> (i32, i32) {
    %c0_i32 = arith.constant 0 : i32
    %c0_i32_0 = arith.constant 0 : i32
    %c0_i32_1 = arith.constant 0 : i32
    return %c0_i32, %c0_i32_0 : i32, i32
  }
  func.func @transform_3(%arg0: i32) -> (i32, i32) {
    %c0_i32 = arith.constant 0 : i32
    %c0_i32_0 = arith.constant 0 : i32
    %c0_i32_1 = arith.constant 0 : i32
    return %c0_i32, %c0_i32_0 : i32, i32
  }
  func.func @transform_4(%arg0: i32) -> (i32, i32) {
    %c0_i32 = arith.constant 0 : i32
    %c0_i32_0 = arith.constant 0 : i32
    %c0_i32_1 = arith.constant 0 : i32
    return %c0_i32, %c0_i32_0 : i32, i32
  }
  func.func @transform_5(%arg0: i32) -> (i32, i32) {
    %c0_i32 = arith.constant 0 : i32
    %c0_i32_0 = arith.constant 0 : i32
    return %arg0, %c0_i32 : i32, i32
  }
  func.func @transform_6(%arg0: i32) -> (i32, i32) {
    %c0_i32 = arith.constant 0 : i32
    %c0_i32_0 = arith.constant 0 : i32
    return %arg0, %c0_i32 : i32, i32
  }
  func.func @transform_7(%arg0: i32) -> (i32, i32) {
    %c0_i32 = arith.constant 0 : i32
    %c0_i32_0 = arith.constant 0 : i32
    return %arg0, %c0_i32 : i32, i32
  }
}

module attributes {stable_mosaic.version = 14 : i64} {
  func.func @_tc_post_body(%arg0: i32, %arg1: memref<1x2x3x2000xf32, #tpu.memory_space<vmem>>, %arg2: memref<3x2x2000x128xf32, #tpu.memory_space<vmem>>, %arg3: memref<2000x128xf32, #tpu.memory_space<vmem>>, %arg4: memref<128x128xf32, #tpu.memory_space<vmem>>, %arg5: memref<1x128xf32, #tpu.memory_space<vmem>>, %arg6: memref<2000x128xf32, #tpu.memory_space<vmem>>) attributes {dimension_semantics = [#tpu.dimension_semantics<arbitrary>], iteration_bounds = array<i64: 5>, scalar_prefetch = 0 : i64, scratch_operands = 0 : i64, tpu.core_type = #tpu.core_type<tc>, window_params = [{transform_indices = @transform_0, window_bounds = array<i64: 1, 2, 3, 2000>}, {transform_indices = @transform_1, window_bounds = array<i64: 3, 2, 2000, 128>}, {transform_indices = @transform_2, window_bounds = array<i64: 2000, 128>}, {pipeline_mode = #tpu.pipeline_mode<synchronous>, transform_indices = @transform_3, window_bounds = array<i64: 128, 128>}, {pipeline_mode = #tpu.pipeline_mode<synchronous>, transform_indices = @transform_4, window_bounds = array<i64: 1, 128>}, {transform_indices = @transform_5, window_bounds = array<i64: 2000, 128>}]} {
    %get3A = arith.constant 0 : index
    %get3A_0 = arith.constant 0 : index
    %get3A_1 = arith.constant 0 : index
    %get3A_2 = arith.constant 0 : index
    %get3A_3 = vector.load %arg1[%get3A, %get3A_0, %get3A_1, %get3A_2] : memref<1x2x3x2000xf32, #tpu.memory_space<vmem>>, vector<1x1x3x2000xf32>
    %get3A_4 = vector.shape_cast %get3A_3 : vector<1x1x3x2000xf32> to vector<3x2000xf32>
    %get3A_5 = arith.constant 0 : index
    %get3A_6 = arith.constant 1 : index
    %get3A_7 = arith.constant 0 : index
    %get3A_8 = arith.constant 0 : index
    %get3A_9 = vector.load %arg1[%get3A_5, %get3A_6, %get3A_7, %get3A_8] : memref<1x2x3x2000xf32, #tpu.memory_space<vmem>>, vector<1x1x3x2000xf32>
    %get3A_10 = vector.shape_cast %get3A_9 : vector<1x1x3x2000xf32> to vector<3x2000xf32>
    %add3A = arith.addf %get3A_4, %get3A_10 : vector<3x2000xf32>
    %jit3A = arith.constant 9.99999996E-13 : f32
    %max3A = vector.broadcast %jit3A : f32 to vector<3x2000xf32>
    %max3A_11 = arith.maximumf %max3A, %add3A : vector<3x2000xf32>
    %pow3A = arith.constant -5.000000e-01 : f32
    %pow3A_12 = vector.broadcast %pow3A : f32 to vector<3x2000xf32>
    %pow3A_13 = math.powf %max3A_11, %pow3A_12 : vector<3x2000xf32>
    %get3A_14 = arith.constant 0 : index
    %get3A_15 = arith.constant 0 : index
    %get3A_16 = vector.load %arg3[%get3A_14, %get3A_15] : memref<2000x128xf32, #tpu.memory_space<vmem>>, vector<2000x128xf32>
    %get3A_17 = arith.constant 0 : index
    %get3A_18 = arith.constant 0 : index
    %get3A_19 = vector.load %arg4[%get3A_17, %get3A_18] : memref<128x128xf32, #tpu.memory_space<vmem>>, vector<128x128xf32>
    %dot_general3A = arith.constant dense<0.000000e+00> : vector<2000x128xf32>
    %dot_general3A_20 = tpu.matmul %get3A_16, %get3A_19, %dot_general3A {dimension_numbers = #tpu.dot_dimension_numbers<[1], [0], [0], [1], [0, 0, 1, 1], [], []>, transpose_lhs_hint = false} : vector<2000x128xf32>, vector<128x128xf32>, vector<2000x128xf32> -> vector<2000x128xf32>
    %get3A_21 = arith.constant 0 : index
    %get3A_22 = arith.constant 0 : index
    %get3A_23 = vector.load %arg5[%get3A_21, %get3A_22] : memref<1x128xf32, #tpu.memory_space<vmem>>, vector<1x128xf32>
    %add3A_24 = vector.broadcast %get3A_23 : vector<1x128xf32> to vector<2000x128xf32>
    %add3A_25 = arith.addf %dot_general3A_20, %add3A_24 : vector<2000x128xf32>
    %slice3A = vector.extract_strided_slice %pow3A_13 {offsets = [0, 0], sizes = [1, 2000], strides = [1, 1]} : vector<3x2000xf32> to vector<1x2000xf32>
    %squeeze3A = vector.shape_cast %slice3A : vector<1x2000xf32> to vector<2000xf32>
    %broadcast_in_dim3A = vector.shape_cast %squeeze3A : vector<2000xf32> to vector<2000x1xf32>
    %get3A_26 = arith.constant 0 : index
    %get3A_27 = arith.constant 0 : index
    %get3A_28 = arith.constant 0 : index
    %get3A_29 = arith.constant 0 : index
    %get3A_30 = vector.load %arg2[%get3A_26, %get3A_27, %get3A_28, %get3A_29] : memref<3x2x2000x128xf32, #tpu.memory_space<vmem>>, vector<1x1x2000x128xf32>
    %get3A_31 = vector.shape_cast %get3A_30 : vector<1x1x2000x128xf32> to vector<2000x128xf32>
    %get3A_32 = arith.constant 0 : index
    %get3A_33 = arith.constant 1 : index
    %get3A_34 = arith.constant 0 : index
    %get3A_35 = arith.constant 0 : index
    %get3A_36 = vector.load %arg2[%get3A_32, %get3A_33, %get3A_34, %get3A_35] : memref<3x2x2000x128xf32, #tpu.memory_space<vmem>>, vector<1x1x2000x128xf32>
    %get3A_37 = vector.shape_cast %get3A_36 : vector<1x1x2000x128xf32> to vector<2000x128xf32>
    %add3A_38 = arith.addf %get3A_31, %get3A_37 : vector<2000x128xf32>
    %mul3A = vector.broadcast %broadcast_in_dim3A : vector<2000x1xf32> to vector<2000x128xf32>
    %mul3A_39 = arith.mulf %mul3A, %add3A_38 : vector<2000x128xf32>
    %add3A_40 = arith.addf %add3A_25, %mul3A_39 : vector<2000x128xf32>
    %slice3A_41 = vector.extract_strided_slice %pow3A_13 {offsets = [1, 0], sizes = [1, 2000], strides = [1, 1]} : vector<3x2000xf32> to vector<1x2000xf32>
    %squeeze3A_42 = vector.shape_cast %slice3A_41 : vector<1x2000xf32> to vector<2000xf32>
    %broadcast_in_dim3A_43 = vector.shape_cast %squeeze3A_42 : vector<2000xf32> to vector<2000x1xf32>
    %get3A_44 = arith.constant 1 : index
    %get3A_45 = arith.constant 0 : index
    %get3A_46 = arith.constant 0 : index
    %get3A_47 = arith.constant 0 : index
    %get3A_48 = vector.load %arg2[%get3A_44, %get3A_45, %get3A_46, %get3A_47] : memref<3x2x2000x128xf32, #tpu.memory_space<vmem>>, vector<1x1x2000x128xf32>
    %get3A_49 = vector.shape_cast %get3A_48 : vector<1x1x2000x128xf32> to vector<2000x128xf32>
    %get3A_50 = arith.constant 1 : index
    %get3A_51 = arith.constant 1 : index
    %get3A_52 = arith.constant 0 : index
    %get3A_53 = arith.constant 0 : index
    %get3A_54 = vector.load %arg2[%get3A_50, %get3A_51, %get3A_52, %get3A_53] : memref<3x2x2000x128xf32, #tpu.memory_space<vmem>>, vector<1x1x2000x128xf32>
    %get3A_55 = vector.shape_cast %get3A_54 : vector<1x1x2000x128xf32> to vector<2000x128xf32>
    %add3A_56 = arith.addf %get3A_49, %get3A_55 : vector<2000x128xf32>
    %mul3A_57 = vector.broadcast %broadcast_in_dim3A_43 : vector<2000x1xf32> to vector<2000x128xf32>
    %mul3A_58 = arith.mulf %mul3A_57, %add3A_56 : vector<2000x128xf32>
    %add3A_59 = arith.addf %add3A_40, %mul3A_58 : vector<2000x128xf32>
    %slice3A_60 = vector.extract_strided_slice %pow3A_13 {offsets = [2, 0], sizes = [1, 2000], strides = [1, 1]} : vector<3x2000xf32> to vector<1x2000xf32>
    %squeeze3A_61 = vector.shape_cast %slice3A_60 : vector<1x2000xf32> to vector<2000xf32>
    %broadcast_in_dim3A_62 = vector.shape_cast %squeeze3A_61 : vector<2000xf32> to vector<2000x1xf32>
    %get3A_63 = arith.constant 2 : index
    %get3A_64 = arith.constant 0 : index
    %get3A_65 = arith.constant 0 : index
    %get3A_66 = arith.constant 0 : index
    %get3A_67 = vector.load %arg2[%get3A_63, %get3A_64, %get3A_65, %get3A_66] : memref<3x2x2000x128xf32, #tpu.memory_space<vmem>>, vector<1x1x2000x128xf32>
    %get3A_68 = vector.shape_cast %get3A_67 : vector<1x1x2000x128xf32> to vector<2000x128xf32>
    %get3A_69 = arith.constant 2 : index
    %get3A_70 = arith.constant 1 : index
    %get3A_71 = arith.constant 0 : index
    %get3A_72 = arith.constant 0 : index
    %get3A_73 = vector.load %arg2[%get3A_69, %get3A_70, %get3A_71, %get3A_72] : memref<3x2x2000x128xf32, #tpu.memory_space<vmem>>, vector<1x1x2000x128xf32>
    %get3A_74 = vector.shape_cast %get3A_73 : vector<1x1x2000x128xf32> to vector<2000x128xf32>
    %add3A_75 = arith.addf %get3A_68, %get3A_74 : vector<2000x128xf32>
    %mul3A_76 = vector.broadcast %broadcast_in_dim3A_62 : vector<2000x1xf32> to vector<2000x128xf32>
    %mul3A_77 = arith.mulf %mul3A_76, %add3A_75 : vector<2000x128xf32>
    %add3A_78 = arith.addf %add3A_59, %mul3A_77 : vector<2000x128xf32>
    %swap3A = arith.constant 0 : index
    %swap3A_79 = arith.constant 0 : index
    %swap3A_80 = vector.load %arg6[%swap3A, %swap3A_79] : memref<2000x128xf32, #tpu.memory_space<vmem>>, vector<2000x128xf32>
    tpu.vector_store %arg6[%swap3A, %swap3A_79], %add3A_78 {strides = array<i32>} : memref<2000x128xf32, #tpu.memory_space<vmem>>, vector<2000x128xf32>,
    return
  }
  func.func @transform_0(%arg0: i32) -> (i32, i32, i32, i32) {
    %c0_i32 = arith.constant 0 : i32
    %c0_i32_0 = arith.constant 0 : i32
    %c0_i32_1 = arith.constant 0 : i32
    %c0_i32_2 = arith.constant 0 : i32
    return %arg0, %c0_i32, %c0_i32_0, %c0_i32_1 : i32, i32, i32, i32
  }
  func.func @transform_1(%arg0: i32) -> (i32, i32, i32, i32) {
    %c0_i32 = arith.constant 0 : i32
    %c0_i32_0 = arith.constant 0 : i32
    %c0_i32_1 = arith.constant 0 : i32
    %c0_i32_2 = arith.constant 0 : i32
    return %c0_i32, %c0_i32_0, %arg0, %c0_i32_1 : i32, i32, i32, i32
  }
  func.func @transform_2(%arg0: i32) -> (i32, i32) {
    %c0_i32 = arith.constant 0 : i32
    %c0_i32_0 = arith.constant 0 : i32
    return %arg0, %c0_i32 : i32, i32
  }
  func.func @transform_3(%arg0: i32) -> (i32, i32) {
    %c0_i32 = arith.constant 0 : i32
    %c0_i32_0 = arith.constant 0 : i32
    %c0_i32_1 = arith.constant 0 : i32
    return %c0_i32, %c0_i32_0 : i32, i32
  }
  func.func @transform_4(%arg0: i32) -> (i32, i32) {
    %c0_i32 = arith.constant 0 : i32
    %c0_i32_0 = arith.constant 0 : i32
    %c0_i32_1 = arith.constant 0 : i32
    return %c0_i32, %c0_i32_0 : i32, i32
  }
  func.func @transform_5(%arg0: i32) -> (i32, i32) {
    %c0_i32 = arith.constant 0 : i32
    %c0_i32_0 = arith.constant 0 : i32
    return %arg0, %c0_i32 : i32, i32
  }
}

</mosaic_0001>

<sc_bundles>
// kernel: kernel.6.cloned.1.call-start
scs
__scs_entry_jumppad:
0x0: {  	(pc) =	sbr.rel $0x88, $3  }
0x1: {  	(tag) =	ssettag $0x0;
	lr =	simm.s32 $0x1  }
0x2: {  	[smem:$0x3F98] =	sst lr;
	_ =	strace $0xD0000000  }
0x3: {  	_ = 	snop  }
0x4: {  	_ = 	snop  }
0x5: {  	_ = 	snop  }
0x6: {  	_ = 	snop  }
0x7: {  	_ = 	snop  }
__scs_overlays_trampoline_lowered:
0x8: {  	[smem:$0x3FA7] =	sst s0  }
0x9: {  	[smem:$0x3FA8] =	sst s1  }
0xa: {  	[smem:$0x3FA9] =	sst s2  }
0xb: {  	[smem:$0x3FAA] =	sst s3  }
0xc: {  	[smem:$0x3FAB] =	sst s4  }
0xd: {  	[smem:$0x3FAC] =	sst s5  }
0xe: {  	[smem:$0x3FAD] =	sst s6  }
0xf: {  	[smem:$0x3FAE] =	sst s7  }
0x10: {  	[smem:$0x3FAF] =	sst s8  }
0x11: {  	[smem:$0x3FB0] =	sst s9;
	s0 =	simm.s32 @!p0 $0x0  }
0x12: {  	s1 =	sld [smem:$0x3F96];
	s0 =	simm.s32 @p0 $0x1  }
0x13: {  	[smem:$0x3FB1] =	sst s0;
	s0 =	simm.s32 @!p1 $0x0  }
0x14: {  	s2 =	sld [smem:$0x3F95];
	s0 =	simm.s32 @p1 $0x1  }
0x15: {  	[smem:$0x3FB2] =	sst s0;
	s0 =	simm.s32 @!p2 $0x0  }
0x16: {  	s3 =	sld [smem:$0x3FDB];
	s0 =	simm.s32 @p2 $0x1  }
0x17: {  	s4 =	simm.s32 $0x1BF5;
	[smem:$0x3FB4] =	sst s0  }
0x18: {  	s0 =	sld [smem:$0x3F97];
	_ =	swait.ge [sflag:s4], $0x0  }
0x19: {  	s7 =	sld [smem:$0x3F98]  }
0x1a: {  	s8 =	sadd.s32 $0xFFFFE003, lr  }
0x1b: {  	s9 =	sadd.s32 $0xFFFFFEF7, lr;
	s5 =	simm.s32 $0xFFFFFFFF;
	p2 =	slt.u32 s8, $0xFFFFF086  }
0x1c: {  	p1 =	slt.u32 s9, $0xF7A;
	s5 =	simm.s32 @!p2 $0x0  }
0x1d: {  	s5 =	simm.s32 @p1 $0x1;
	p0 =	seq.s32 s7, s2  }
0x1e: {  	s7 =	smul.u32 @!p0 $0xF7A, s2;
	p2 =	seq.s32 @!p0 s5, $0x0  }
0x1f: {  	s9 =	smul.u32 $0xF7A, s1;
	s8 =	simm.s32 @!p0 $0x1BF5;
	p2 =	por !p2, p0  }
0x20: {  	[sflag:s8] =	ssyncset.s32 @!p0 $0xFFFFF086;
	s6 =	sadd.s32 @!p0 s3, s7;
	s7 =	simm.s32 @!p0 $0x108  }
0x21: {  	s3 =	sadd.s32 s3, s9;
	s6 =	sadd.s32 @!p0 $0x88, s6;
	s7 =	simm.s32 @p2 $0x1082  }
0x22: {  	[simem:s7], [sflag:s8] =	dma.local @!p0 [hbm:s6], $0xF7A  }
0x23: {  	s9 =	sor.u32 $0xD0000000, s2;
	s6 =	simm.s32 $0x108;
	_ =	swait.ge @!p0 [sflag:s8], $0x0  }
0x24: {  	s3 =	sadd.s32 $0x88, s3;
	s6 =	simm.s32 @!p1 $0x1082;
	[sflag:s4] =	ssyncset.s32 $0xFFFFF086  }
0x25: {  	[simem:s6], [sflag:s4] =	dma.local [hbm:s3], $0xF7A  }
0x26: {  	[smem:$0x3F98] =	sst s1;
	(tag) =	ssettag s2;
	_ =	strace s9  }
0x27: {  	s1 =	sld [smem:$0x3FA8]  }
0x28: {  	s2 =	sld [smem:$0x3FA9]  }
0x29: {  	s4 =	sld [smem:$0x3FAB]  }
0x2a: {  	p0 =	seq.s32 s5, $0x0;
	s5 =	sld [smem:$0x3FAC]  }
0x2b: {  	s6 =	sld [smem:$0x3FAD]  }
0x2c: {  	s7 =	sld [smem:$0x3FAE]  }
0x2d: {  	s3 =	simm.s32 $0x108;
	s8 =	sld [smem:$0x3FAF]  }
0x2e: {  	s3 =	simm.s32 @!p0 $0x1082;
	s9 =	sld [smem:$0x3FB0]  }
0x2f: {  	lr =	sadd.s32 s0, s3;
	s0 =	sld [smem:$0x3FA7]  }
0x30: {  	s3 =	sld [smem:$0x3FAA]  }
0x31: {  	[smem:$0x3FB3] =	sst s10  }
0x32: {  	s10 =	sld [smem:$0x3FB1];
	_ =	sdelay $0x3  }
0x33: {  	p0 =	seq.s32 s10, $0x1;
	s10 =	sld [smem:$0x3FB3];
	_ =	sdelay $0x3  }
0x34: {  	[smem:$0x3FB3] =	sst s10  }
0x35: {  	s10 =	sld [smem:$0x3FB2];
	_ =	sdelay $0x3  }
0x36: {  	p1 =	seq.s32 s10, $0x1;
	s10 =	sld [smem:$0x3FB3];
	_ =	sdelay $0x3  }
0x37: {  	[smem:$0x3FB3] =	sst s10  }
0x38: {  	s10 =	sld [smem:$0x3FB4]  }
0x39: {  	_ = 	snop;
	(pc) =	sbr.ind lr, $3  }
0x3a: {  	_ = 	snop  }
0x3b: {  	_ = 	snop  }
0x3c: {  	p2 =	seq.s32 s10, $0x1;
	s10 =	sld [smem:$0x3FB3]  }
0x3d: {  	_ =	shalt  }
0x3e: {  	_ =	shalt  }
0x3f: {  	_ =	shalt  }
0x40: {  	_ =	shalt  }
0x41: {  	_ =	shalt  }
0x42: {  	_ =	shalt  }
0x43: {  	_ =	shalt  }
0x44: {  	_ =	shalt  }
0x45: {  	_ =	shalt  }
0x46: {  	_ =	shalt  }
0x47: {  	_ =	shalt  }
0x48: {  	_ =	shalt  }
0x49: {  	_ =	shalt  }
0x4a: {  	_ =	shalt  }
0x4b: {  	_ =	shalt  }
0x4c: {  	_ =	shalt  }
0x4d: {  	_ =	shalt  }
0x4e: {  	_ =	shalt  }
0x4f: {  	_ =	shalt  }
0x50: {  	_ =	shalt  }
0x51: {  	_ =	shalt  }
0x52: {  	_ =	shalt  }
0x53: {  	_ =	shalt  }
0x54: {  	_ =	shalt  }
0x55: {  	_ =	shalt  }
0x56: {  	_ =	shalt  }
0x57: {  	_ =	shalt  }
0x58: {  	_ =	shalt  }
0x59: {  	_ =	shalt  }
0x5a: {  	_ =	shalt  }
0x5b: {  	_ =	shalt  }
0x5c: {  	_ =	shalt  }
0x5d: {  	_ =	shalt  }
0x5e: {  	_ =	shalt  }
0x5f: {  	_ =	shalt  }
0x60: {  	_ =	shalt  }
0x61: {  	_ =	shalt  }
0x62: {  	_ =	shalt  }
0x63: {  	_ =	shalt  }
0x64: {  	_ =	shalt  }
0x65: {  	_ =	shalt  }
0x66: {  	_ =	shalt  }
0x67: {  	_ =	shalt  }
0x68: {  	_ =	shalt  }
0x69: {  	_ =	shalt  }
0x6a: {  	_ =	shalt  }
0x6b: {  	_ =	shalt  }
0x6c: {  	_ =	shalt  }
0x6d: {  	_ =	shalt  }
0x6e: {  	_ =	shalt  }
0x6f: {  	_ =	shalt  }
0x70: {  	_ =	shalt  }
0x71: {  	_ =	shalt  }
0x72: {  	_ =	shalt  }
0x73: {  	_ =	shalt  }
0x74: {  	_ =	shalt  }
0x75: {  	_ =	shalt  }
0x76: {  	_ =	shalt  }
0x77: {  	_ =	shalt  }
0x78: {  	_ =	shalt  }
0x79: {  	_ =	shalt  }
0x7a: {  	_ =	shalt  }
0x7b: {  	_ =	shalt  }
0x7c: {  	_ =	shalt  }
0x7d: {  	_ =	shalt  }
0x7e: {  	_ =	shalt  }
0x7f: {  	_ =	shalt  }
0x80: {  	_ =	shalt  }
0x81: {  	_ =	shalt  }
0x82: {  	_ =	shalt  }
0x83: {  	_ =	shalt  }
0x84: {  	_ =	shalt  }
0x85: {  	_ =	shalt  }
0x86: {  	_ =	shalt  }
0x87: {  	_ =	shalt  }
.Lfunc_end0:
.L_simem_size_0:
called_computation_lowered:
.L_overlay_start_0:
0x88: {  	s2 =	sld [smem:$0x3FD9]  }
0x89: {  	s3 =	sld [smem:$0x3FFE];
	_ =	sdelay $0x1  }
0x8a: {  	s1 =	srdreg.scid  }
0x8b: {  	s0 =	sand.u32 $0x1, s1  }
0x8c: {  	s17 =	sshll.u32 s0, $0xA;
	s2 =	sadd.s32 s3, s2  }
0x8d: {  	s2 =	sadd.s32 s2, s17  }
0x8e: {  	[smem:$0x3FBF] =	sst s2  }
0x8f: {  	_ = 	snop  }
0x90: {  	s2 =	sld [smem:$0x3FD0];
	(tm) =	ssettm $0x1  }
0x91: {  	s18 =	sld [smem:$0x3FFB];
	_ =	sdelay $0x3  }
0x92: {  	_ =	strace s18  }
0x93: {  	s3 =	sld [smem:$0x3FFC];
	_ =	sdelay $0x3  }
0x94: {  	_ =	strace s3  }
0x95: {  	s3 =	sld [smem:$0x3FFD];
	_ =	sdelay $0x3  }
0x96: {  	_ =	strace s3  }
0x97: {  	_ =	strace $0x8FFFFFFF  }
0x98: {  	s19 =	sld [smem:$0x3FDB];
	_ =	sdelay $0x1  }
0x99: {  	s4 =	simm.s32 $_scs_section_size  }
0x9a: {  	s5 =	simm.s32 $_size__tile_overlayer_lowered;
	s6 =	simm.s32 $_tile_overlayer_lowered  }
0x9b: {  	s22 =	simm.s32 $0x1BFF;
	s21 =	sshll.u32 s6, $0x1;
	s3 =	sadd.s32 s4, s19  }
0x9c: {  	s7 =	simm.s32 $0x0;
	s20 =	sshll.u32 s5, $0x1;
	s5 =	sadd.s32 s21, s3  }
0x9d: {  	[timem:s7], [sflag:s22] =	dma.local [hbm:s5], s20  }
0x9e: {  	_ =	swait.ge [sflag:s22], s20  }
0x9f: {  	s4 =	ssub.s32 $0x0, s20;
	[sflag:s22] =	ssyncset.done $0x0  }
0xa0: {  	[sflag:s22] =	ssyncadd.s32 s4;
	_ =	sdelay $0x1  }
0xa1: {  	s23 =	simm.s32 $0x1B8B  }
0xa2: {  	_ =	swait.ge [sflag:s23], $0x1  }
0xa3: {  	[sflag:s23] =	ssyncset.done $0x0  }
0xa4: {  	s25 =	simm.s32 $0x1B8E;
	s24 =	sld [smem:$0x3FFE];
	[sflag:s23] =	ssyncadd.s32 $0xFFFFFFFF  }
0xa5: {  	s26 =	simm.s32 $execute0_lowered;
	[smem:$0x3FD2] =	sst s25  }
0xa6: {  	s5 =	sshll.u32 s26, $0x1;
	_ =	strace $0x80000046;
	[dreg:$0x1] =	wrdreg $0xFFFFFFFF  }
0xa7: {  	s28 =	simm.s32 $_size_execute0_lowered;
	s3 =	sadd.s32 s3, s5;
	[dreg:$0x0] =	wrdreg $0x0  }
0xa8: {  	s5 =	sshll.u32 s28, $0x1;
	[dreg:$0x2] =	wrdreg s3  }
0xa9: {  	[dreg:$0x3] =	wrdreg s5  }
0xaa: {  	[dreg:$0x4] =	wrdreg $0xC0  }
0xab: {  	_ =	task [dreg:s7], $0x5FFFF  }
0xac: {  	[dreg:$0x1] =	wrdreg $0xFFFFFFFF  }
0xad: {  	[dreg:$0x0] =	wrdreg $0x60  }
0xae: {  	[dreg:$0x2] =	wrdreg s24  }
0xaf: {  	[dreg:$0x3] =	wrdreg s2  }
0xb0: {  	[dreg:$0x4] =	wrdreg $0x0  }
0xb1: {  	[dreg:$0x5] =	wrdreg $0x2780  }
0xb2: {  	[dreg:$0x6] =	wrdreg $0x4F00  }
0xb3: {  	[dreg:$0x7] =	wrdreg $0x9  }
0xb4: {  	_ =	task.clear_ibuf [dreg:s7], $0x8FFFF;
	_ =	strace $0x90000046  }
0xb5: {  	s29 =	simm.s32 $0x9;
	_ =	strace $0x80000048  }
0xb6: {  	_ =	swait.ge [sflag:s29], $0x1  }
0xb7: {  	[sflag:s29] =	ssyncadd.s32 $0xFFFFFFFF  }
0xb8: {  	_ =	strace $0x90000048  }
0xb9: {  	_ =	sfence  }
0xba: {  	s30 =	sld [smem:$0x0];
	_ =	sdelay $0x2  }
0xbb: {  	s31 =	sshll.u32 s1, $0xD;
	s1 =	sshrl.u32 s1, $0x2  }
0xbc: {  	s3 =	sand.u32 $0x4000, s31;
	s1 =	sadd.s32 s1, s30  }
0xbd: {  	s0 =	sor.u32 s3, s0;
	s1 =	sshll.u32 s1, $0x11  }
0xbe: {  	s0 =	sor.u32 s1, s0  }
0xbf: {  	s0 =	sadd.s32 $0x8F2B, s0  }
0xc0: {  	[sflag:s0] =	ssyncadd.remote.s32 $0x1  }
0xc1: {  	_ =	sfence.sel $0xFFFF  }
0xc2: {  	[dreg:$0x0] =	wrdreg $0xFFFFFFFF;
	(pc) =	sbr.abs _section_cstart, $3  }
0xc3: {  	[dreg:$0x1] =	wrdreg $0xFFFFFFFF  }
0xc4: {  	_ =	task.clear_ibuf [dreg:s7], $0x2FFFF;
	_ =	strace $0x9FFFFFFF  }
0xc5: {  	(tm) =	ssettm $0x7FFFFFFF  }
tec
execute0_lowered:
.L_overlay_start_1:
0x0: {  	(tag) =	ssettag $0x1  }
0x1: {  	s0 =	rddreg [dreg:$0x0]  }
0x2: {  	s1 =	rddreg [dreg:$0x1]  }
0x3: {  	s13 =	rddreg [dreg:$0x2];
	s2 =	srdreg.scid  }
0x4: {  	s10 =	stileid.u32;
	s25 =	rddreg [dreg:$0x3]  }
0x5: {  	s26 =	rddreg [dreg:$0x4];
	s5 =	simm.s32 $0x0;
	s29 =	simm.s32 $0xA568  }
0x6: {  	s30 =	simm.s32 $0x4;
	s31 =	simm.s32 $0x768;
	s2 =	sand.u32 $0x1, s2  }
0x7: {  	s3 =	sshll.u32 s10, $0x1;
	s4 =	smul.u32 $0x640, s10;
	s6 =	sor.u32 $0x10, s10  }
0x8: {  	[smem:$0x7FF] =	sst s5;
	p0 =	sgt.u32 s10, $0x8;
	s8 =	smul.u32 $0x640, s6  }
0x9: {  	s3 =	sor.u32 s2, s3;
	s7 =	ssub.s32 $0x2, s2;
	s2 =	smul.u32 $0x7530, s2  }
0xa: {  	_ =	strace $0x80000047;
	s3 =	smul.u32 $0x4E2, s3;
	s4 =	sshrl.u32 s4, $0x2  }
0xb: {  	s14 =	sshrl.u32 s7, $0x1;
	s15 =	sadd.s32 s4, s13;
	s8 =	sshrl.u32 s8, $0x2  }
0xc: {  	s0 =	sadd.s32 s3, s0;
	s3 =	ssub.s32 s7, s14;
	[dreg:$0x6] =	wrdreg s15  }
0xd: {  	s7 =	sadd.s32 s4, s25;
	s9 =	sadd.s32 s8, s13;
	s11 =	sadd.s32 s8, s25  }
0xe: {  	s14 =	sadd.s32 s4, s26;
	s4 =	smul.u32 $0x190, s6;
	[dreg:$0x7] =	wrdreg s9  }
0xf: {  	s20 =	sadd.s32 $0x2710, s2;
	s9 =	smul.u32 $0x190, s10;
	[dreg:$0x8] =	wrdreg s11  }
0x10: {  	s11 =	sadd.s32 s8, s26;
	s16 =	sadd.s32 $0x2600, s0;
	s17 =	sadd.s32 $0x16000, s0  }
0x11: {  	s0 =	sadd.s32 $0x29A00, s0;
	s28 =	smax.u32 s3, $0x1;
	[dreg:$0x9] =	wrdreg s16  }
0x12: {  	s3 =	simm.s32 $0x2710;
	s8 =	simm.s32 $0x3;
	[dreg:$0xa] =	wrdreg s17  }
0x13: {  	[dreg:$0xb] =	wrdreg s0;
	s19 =	sadd.s32 s2, s4;
	s22 =	sadd.s32 s4, s20  }
0x14: {  	s11 =	smov.u32 @p0 s14;
	s15 =	sadd.s32 s9, s13;
	s18 =	sadd.s32 s9, s2  }
0x15: {  	s6 =	sshrl.u32 s19, $0x3;
	s12 =	sadd.s32 s9, s20;
	s2 =	sadd.s32 $0x4E20, s2  }
0x16: {  	s0 =	sshrl.u32 s18, $0x3;
	s17 =	sadd.s32 s1, s6;
	s21 =	sshrl.u32 s12, $0x3  }
0x17: {  	s23 =	sadd.s32 s9, s2;
	s2 =	sadd.s32 s4, s2;
	s6 =	simm.s32 $0x2  }
0x18: {  	s16 =	sadd.s32 s1, s0;
	s18 =	sadd.s32 s1, s21;
	s0 =	sshrl.u32 s22, $0x3  }
0x19: {  	s24 =	sshrl.u32 s23, $0x3;
	s2 =	sshrl.u32 s2, $0x3;
	s22 =	sadd.s32 s9, s25  }
0x1a: {  	s23 =	sadd.s32 s9, s26;
	s25 =	sadd.s32 s4, s25;
	s26 =	sadd.s32 s4, s26  }
0x1b: {  	s9 =	simm.s32 $0x0;
	s19 =	sadd.s32 s1, s0;
	s20 =	sadd.s32 s1, s24  }
0x1c: {  	s21 =	sadd.s32 s1, s2;
	s24 =	sadd.s32 s4, s13;
	s2 =	simm.s32 $0x2EE8  }
0x1d: {  	v0 =	vimm.f32 $1.000000000e+00;
	v1 =	vimm.f32 $0.0e+00;
	s0 =	simm.s32 $0x5668;
	s1 =	simm.s32 $0x1;
	s4 =	simm.s32 $0x7DE8  }
.LBB2_1:
0x1e: {  	s12 =	simm.s32 $0x40;
	s13 =	simm.s32 $0x0  }
.LBB2_2:
0x1f: {  	p1 =	sne.s32 s12, $0x9C00;
	[tilespmem:s13+$0x7DE8] =	vst v0;
	s13 =	smov.u32 s12;
	s12 =	sadd.s32 $0x40, s12  }
.Ltmp0:
0x20: {  	(pc) =	sbr.rel @p1 .LBB2_2-.Ltmp0, $2  }
0x21: {  	_ =	sdelay $0x2  }
0x22: {  	s13 =	sshra.s32 s13, $0x2  }
0x23: {  	[tilespmem:s13+$0x7DE8] =	vst v0  }
0x24: {  	[tilespmem:$0xA568] =	vst v1  }
0x25: {  	[tilespmem:$0xA578] =	vst v1  }
0x26: {  	[tilespmem:$0xA588] =	vst v1  }
0x27: {  	[tilespmem:$0xA598] =	vst v1  }
0x28: {  	[tilespmem:$0xA5A8] =	vst v1  }
0x29: {  	[tilespmem:$0xA5B8] =	vst v1  }
0x2a: {  	[tilespmem:$0xA5C8] =	vst v1  }
0x2b: {  	[tilespmem:$0xA5D8] =	vst v1  }
0x2c: {  	[tilespmem:$0xA5E8] =	vst v1  }
0x2d: {  	[tilespmem:$0xA5F8] =	vst v1  }
0x2e: {  	[tilespmem:$0xA608] =	vst v1  }
0x2f: {  	[tilespmem:$0xA618] =	vst v1  }
0x30: {  	[tilespmem:$0xA628] =	vst v1  }
0x31: {  	[tilespmem:$0xA638] =	vst v1  }
0x32: {  	[tilespmem:$0xA648] =	vst v1  }
0x33: {  	[tilespmem:$0xA658] =	vst v1  }
0x34: {  	[tilespmem:$0xA668] =	vst v1  }
0x35: {  	[tilespmem:$0xA678] =	vst v1  }
0x36: {  	[tilespmem:$0xA688] =	vst v1  }
0x37: {  	[tilespmem:$0xA698] =	vst v1  }
0x38: {  	[tilespmem:$0xA6A8] =	vst v1  }
0x39: {  	[tilespmem:$0xA6B8] =	vst v1  }
0x3a: {  	[tilespmem:$0xA6C8] =	vst v1  }
0x3b: {  	[tilespmem:$0xA6D8] =	vst v1  }
0x3c: {  	s10 =	rddreg [dreg:$0x6];
	[tilespmem:$0xA6E8] =	vst v1  }
0x3d: {  	[spmem:s10] =	stream.linear.scatter [tilespmem:s29], [sflag:$0x4], $0x190, $0x38;
	[tilespmem:$0xA768] =	vst v63  }
0x3e: {  	_ =	swait.ge [sflag:s30], $0x190  }
0x3f: {  	s13 =	simm.s32 @!p0 $0xA568;
	[sflag:s30] =	ssyncset.done $0x0  }
0x40: {  	s12 =	simm.s32 @!p0 $0x4;
	s10 =	rddreg [dreg:$0x7];
	[sflag:s30] =	ssyncadd.s32 $0xFFFFFE70  }
0x41: {  	[spmem:s10] =	stream.linear.scatter @!p0 [tilespmem:s13], [sflag:$0x4], $0x190, $0x38;
	[tilespmem:$0xA768] =	vst v63  }
0x42: {  	_ =	swait.ge @!p0 [sflag:s12], $0x190  }
0x43: {  	[sflag:s12] =	ssyncset.done @!p0 $0x0  }
0x44: {  	[sflag:s12] =	ssyncadd.s32 @!p0 $0xFFFFFE70  }
0x45: {  	[spmem:s7] =	stream.linear.scatter @!p0 [tilespmem:s13], [sflag:$0x4], $0x190, $0x38;
	[tilespmem:$0xA768] =	vst v63  }
0x46: {  	_ =	swait.ge @!p0 [sflag:s12], $0x190  }
0x47: {  	[sflag:s12] =	ssyncset.done @!p0 $0x0  }
0x48: {  	s10 =	rddreg [dreg:$0x8];
	[sflag:s12] =	ssyncadd.s32 @!p0 $0xFFFFFE70  }
0x49: {  	[spmem:s10] =	stream.linear.scatter @!p0 [tilespmem:s13], [sflag:$0x4], $0x190, $0x38;
	[tilespmem:$0xA768] =	vst v63  }
0x4a: {  	_ =	swait.ge @!p0 [sflag:s12], $0x190  }
0x4b: {  	s10 =	smov.u32 s14;
	[sflag:s12] =	ssyncset.done @!p0 $0x0  }
0x4c: {  	s10 =	smov.u32 @p0 s7;
	[sflag:s12] =	ssyncadd.s32 @!p0 $0xFFFFFE70  }
0x4d: {  	[spmem:s10] =	stream.linear.scatter [tilespmem:s29], [sflag:$0x4], $0x190, $0x38;
	[tilespmem:$0xA768] =	vst v63  }
0x4e: {  	_ =	swait.ge [sflag:s30], $0x190  }
0x4f: {  	[sflag:s30] =	ssyncset.done $0x0  }
0x50: {  	[sflag:s30] =	ssyncadd.s32 $0xFFFFFE70  }
0x51: {  	[spmem:s11] =	stream.linear.scatter [tilespmem:s29], [sflag:$0x4], $0x190, $0x38;
	[tilespmem:$0xA768] =	vst v63  }
0x52: {  	_ =	swait.ge [sflag:s30], $0x190  }
0x53: {  	[sflag:s30] =	ssyncset.done $0x0  }
0x54: {  	[sflag:s30] =	ssyncadd.s32 $0xFFFFFE70  }
0x55: {  	[bflag:$0x0] =	sbarrier.arrive $0xFFFF  }
0x56: {  	s10 =	rddreg [dreg:$0x9]  }
0x57: {  	[tilespmem:s31], [sflag:$0x1] =	stream.linear.gather [hbm4b:s10+s5], $0x2710, $0x38;
	[tilespmem:$0xA768] =	vst v63  }
0x58: {  	s10 =	rddreg [dreg:$0xa]  }
0x59: {  	[tilespmem:s2], [sflag:$0x2] =	stream.linear.gather [hbm4b:s10+s5], $0x2710, $0x38;
	[tilespmem:$0xA768] =	vst v63  }
0x5a: {  	s10 =	rddreg [dreg:$0xb]  }
0x5b: {  	[tilespmem:s0], [sflag:$0x3] =	stream.linear.gather [hbm4b:s10+s5], $0x2710, $0x38;
	[tilespmem:$0xA768] =	vst v63  }
0x5c: {  	_ =	swait.ge [sflag:s1], $0x2710  }
0x5d: {  	[sflag:s1] =	ssyncset.done $0x0  }
0x5e: {  	[sflag:s1] =	ssyncadd.s32 $0xFFFFD8F0  }
0x5f: {  	s10 =	rddreg [dreg:$0x2]  }
0x60: {  	[spmem:s10] =	stream.indirect.scatter.add.f32 [tilespmem:s4], [sflag:$0x4], $0x1, s31, s3, $0xb8;
	[tilespmem:$0xA768] =	vst v63  }
0x61: {  	_ =	swait.ge [sflag:s30], $0x2710  }
0x62: {  	[sflag:s30] =	ssyncset.done $0x0  }
0x63: {  	[sflag:s30] =	ssyncadd.s32 $0xFFFFD8F0  }
0x64: {  	_ =	swait.ge [sflag:s6], $0x2710  }
0x65: {  	[sflag:s6] =	ssyncset.done $0x0  }
0x66: {  	[sflag:s6] =	ssyncadd.s32 $0xFFFFD8F0  }
0x67: {  	s10 =	rddreg [dreg:$0x3]  }
0x68: {  	[spmem:s10] =	stream.indirect.scatter.add.f32 [tilespmem:s4], [sflag:$0x4], $0x1, s2, s3, $0xb8;
	[tilespmem:$0xA768] =	vst v63  }
0x69: {  	_ =	swait.ge [sflag:s30], $0x2710  }
0x6a: {  	[sflag:s30] =	ssyncset.done $0x0  }
0x6b: {  	[sflag:s30] =	ssyncadd.s32 $0xFFFFD8F0  }
0x6c: {  	_ =	swait.ge [sflag:s8], $0x2710  }
0x6d: {  	[sflag:s8] =	ssyncset.done $0x0  }
0x6e: {  	[sflag:s8] =	ssyncadd.s32 $0xFFFFD8F0  }
0x6f: {  	s10 =	rddreg [dreg:$0x4]  }
0x70: {  	[spmem:s10] =	stream.indirect.scatter.add.f32 [tilespmem:s4], [sflag:$0x4], $0x1, s0, s3, $0xb8;
	[tilespmem:$0xA768] =	vst v63  }
0x71: {  	_ =	swait.ge [sflag:s30], $0x2710  }
0x72: {  	[sflag:s30] =	ssyncset.done $0x0  }
0x73: {  	[sflag:s30] =	ssyncadd.s32 $0xFFFFD8F0  }
0x74: {  	[bflag:$0x0] =	sbarrier.arrive $0xFFFF  }
0x75: {  	[tilespmem:s29], [sflag:$0x4] =	stream.linear.gather [spmem:s15], $0x190, $0x38;
	[tilespmem:$0xA768] =	vst v63  }
0x76: {  	_ =	swait.ge [sflag:s30], $0x190  }
0x77: {  	[sflag:s30] =	ssyncset.done $0x0  }
0x78: {  	[sflag:s30] =	ssyncadd.s32 $0xFFFFFE70  }
0x79: {  	[hbm4b:s16+s5] =	stream.linear.scatter [tilespmem:s29], [sflag:$0x4], $0x190, $0x38;
	[tilespmem:$0xA768] =	vst v63  }
0x7a: {  	_ =	swait.ge [sflag:s30], $0x190  }
0x7b: {  	[sflag:s30] =	ssyncset.done $0x0  }
0x7c: {  	[sflag:s30] =	ssyncadd.s32 $0xFFFFFE70  }
0x7d: {  	[tilespmem:s13], [sflag:$0x4] =	stream.linear.gather @!p0 [spmem:s24], $0x190, $0x38;
	[tilespmem:$0xA768] =	vst v63  }
0x7e: {  	_ =	swait.ge @!p0 [sflag:s12], $0x190  }
0x7f: {  	[sflag:s12] =	ssyncset.done @!p0 $0x0  }
0x80: {  	s10 =	simm.s32 @!p0 $0x0;
	[sflag:s12] =	ssyncadd.s32 @!p0 $0xFFFFFE70  }
0x81: {  	[hbm4b:s17+s10] =	stream.linear.scatter @!p0 [tilespmem:s13], [sflag:$0x4], $0x190, $0x38;
	[tilespmem:$0xA768] =	vst v63  }
0x82: {  	_ =	swait.ge @!p0 [sflag:s12], $0x190  }
0x83: {  	[sflag:s12] =	ssyncset.done @!p0 $0x0  }
0x84: {  	[sflag:s12] =	ssyncadd.s32 @!p0 $0xFFFFFE70  }
0x85: {  	[tilespmem:s29], [sflag:$0x4] =	stream.linear.gather [spmem:s22], $0x190, $0x38;
	[tilespmem:$0xA768] =	vst v63  }
0x86: {  	_ =	swait.ge [sflag:s30], $0x190  }
0x87: {  	[sflag:s30] =	ssyncset.done $0x0  }
0x88: {  	[sflag:s30] =	ssyncadd.s32 $0xFFFFFE70  }
0x89: {  	[hbm4b:s18+s5] =	stream.linear.scatter [tilespmem:s29], [sflag:$0x4], $0x190, $0x38;
	[tilespmem:$0xA768] =	vst v63  }
0x8a: {  	_ =	swait.ge [sflag:s30], $0x190  }
0x8b: {  	[sflag:s30] =	ssyncset.done $0x0  }
0x8c: {  	[sflag:s30] =	ssyncadd.s32 $0xFFFFFE70  }
0x8d: {  	[tilespmem:s13], [sflag:$0x4] =	stream.linear.gather @!p0 [spmem:s25], $0x190, $0x38;
	[tilespmem:$0xA768] =	vst v63  }
0x8e: {  	_ =	swait.ge @!p0 [sflag:s12], $0x190  }
0x8f: {  	[sflag:s12] =	ssyncset.done @!p0 $0x0  }
0x90: {  	[sflag:s12] =	ssyncadd.s32 @!p0 $0xFFFFFE70  }
0x91: {  	[hbm4b:s19+s10] =	stream.linear.scatter @!p0 [tilespmem:s13], [sflag:$0x4], $0x190, $0x38;
	[tilespmem:$0xA768] =	vst v63  }
0x92: {  	_ =	swait.ge @!p0 [sflag:s12], $0x190  }
0x93: {  	[sflag:s12] =	ssyncset.done @!p0 $0x0  }
0x94: {  	[sflag:s12] =	ssyncadd.s32 @!p0 $0xFFFFFE70  }
0x95: {  	[tilespmem:s29], [sflag:$0x4] =	stream.linear.gather [spmem:s23], $0x190, $0x38;
	[tilespmem:$0xA768] =	vst v63  }
0x96: {  	_ =	swait.ge [sflag:s30], $0x190  }
0x97: {  	[sflag:s30] =	ssyncset.done $0x0  }
0x98: {  	[sflag:s30] =	ssyncadd.s32 $0xFFFFFE70  }
0x99: {  	[hbm4b:s20+s5] =	stream.linear.scatter [tilespmem:s29], [sflag:$0x4], $0x190, $0x38;
	[tilespmem:$0xA768] =	vst v63  }
0x9a: {  	_ =	swait.ge [sflag:s30], $0x190  }
0x9b: {  	[sflag:s30] =	ssyncset.done $0x0  }
0x9c: {  	[sflag:s30] =	ssyncadd.s32 $0xFFFFFE70  }
0x9d: {  	[tilespmem:s13], [sflag:$0x4] =	stream.linear.gather @!p0 [spmem:s26], $0x190, $0x38;
	[tilespmem:$0xA768] =	vst v63  }
0x9e: {  	s9 =	sadd.s32 $0x1, s9;
	_ =	swait.ge @!p0 [sflag:s12], $0x190  }
0x9f: {  	p1 =	sne.s32 s9, s28;
	[sflag:s12] =	ssyncset.done @!p0 $0x0  }
.Ltmp1:
0xa0: {  	[sflag:s12] =	ssyncadd.s32 @!p0 $0xFFFFFE70;
	(pc) =	sbr.rel @p1 .LBB2_1-.Ltmp1, $4  }
0xa1: {  	[hbm4b:s21+s10] =	stream.linear.scatter @!p0 [tilespmem:s13], [sflag:$0x4], $0x190, $0x38;
	[tilespmem:$0xA768] =	vst v63  }
0xa2: {  	_ =	swait.ge @!p0 [sflag:s12], $0x190  }
0xa3: {  	[sflag:s12] =	ssyncset.done @!p0 $0x0  }
0xa4: {  	[sflag:s12] =	ssyncadd.s32 @!p0 $0xFFFFFE70  }
0xa5: {  	_ =	sfence.sel $0x180000  }
0xa6: {  	[bflag:$0x0] =	sbarrier.arrive $0xFFFF  }
0xa7: {  	_ =	strace $0x90000047  }
0xa8: {  	s0 =	stileid.u32;
	[bflag:$0x2] =	sbarrier.arrive $0xFFFF  }
0xa9: {  	p0 =	sne.s32 s0, $0x0;
	s0 =	rddreg [dreg:$0x5]  }
0xaa: {  	s0 =	sadd.s32 @!p0 $0x100000, s0  }
0xab: {  	[sflag:s0] =	ssyncadd.tile.s32 @!p0 $0x1;
	_ =	shalt  }
.Lfunc_end2:
_tile_overlayer_lowered:
.L_overlay_start_2:
0xac: {  	(tag) =	ssettag $0x2  }
0xad: {  	s0 =	rddreg [dreg:$0x0];
	s2 =	stileid.u32  }
0xae: {  	s1 =	rddreg [dreg:$0x1];
	p0 =	sne.s32 s2, $0x0  }
0xaf: {  	s3 =	rddreg [dreg:$0x2];
	[bflag:$0x3] =	sbarrier.arrive $0xFFFF;
	s2 =	simm.s32 @!p0 $0x1C04  }
0xb0: {  	[timem:s3], [sflag:s2] =	dma.local @!p0 [hbm:s0], s1  }
0xb1: {  	s0 =	simm.s32 @!p0 $0x4  }
0xb2: {  	_ =	swait.ge @!p0 [sflag:s0], s1  }
0xb3: {  	s1 =	ssub.s32 @!p0 $0x0, s1;
	[sflag:s0] =	ssyncset.done @!p0 $0x0  }
0xb4: {  	[sflag:s0] =	ssyncadd.s32 @!p0 s1  }
0xb5: {  	[bflag:$0x3] =	sbarrier.arrive $0xFFFF  }
0xb6: {  	_ =	shalt  }

// kernel: kernel.9.cloned.1.call-start
scs
__scs_entry_jumppad:
0x0: {  	(pc) =	sbr.rel $0x88, $3  }
0x1: {  	(tag) =	ssettag $0x0;
	lr =	simm.s32 $0x1  }
0x2: {  	[smem:$0x3F98] =	sst lr;
	_ =	strace $0xD0000000  }
0x3: {  	_ = 	snop  }
0x4: {  	_ = 	snop  }
0x5: {  	_ = 	snop  }
0x6: {  	_ = 	snop  }
0x7: {  	_ = 	snop  }
__scs_overlays_trampoline_lowered:
0x8: {  	[smem:$0x3FA7] =	sst s0  }
0x9: {  	[smem:$0x3FA8] =	sst s1  }
0xa: {  	[smem:$0x3FA9] =	sst s2  }
0xb: {  	[smem:$0x3FAA] =	sst s3  }
0xc: {  	[smem:$0x3FAB] =	sst s4  }
0xd: {  	[smem:$0x3FAC] =	sst s5  }
0xe: {  	[smem:$0x3FAD] =	sst s6  }
0xf: {  	[smem:$0x3FAE] =	sst s7  }
0x10: {  	[smem:$0x3FAF] =	sst s8  }
0x11: {  	[smem:$0x3FB0] =	sst s9;
	s0 =	simm.s32 @!p0 $0x0  }
0x12: {  	s1 =	sld [smem:$0x3F96];
	s0 =	simm.s32 @p0 $0x1  }
0x13: {  	[smem:$0x3FB1] =	sst s0;
	s0 =	simm.s32 @!p1 $0x0  }
0x14: {  	s2 =	sld [smem:$0x3F95];
	s0 =	simm.s32 @p1 $0x1  }
0x15: {  	[smem:$0x3FB2] =	sst s0;
	s0 =	simm.s32 @!p2 $0x0  }
0x16: {  	s3 =	sld [smem:$0x3FDB];
	s0 =	simm.s32 @p2 $0x1  }
0x17: {  	s4 =	simm.s32 $0x1BF5;
	[smem:$0x3FB4] =	sst s0  }
0x18: {  	s0 =	sld [smem:$0x3F97];
	_ =	swait.ge [sflag:s4], $0x0  }
0x19: {  	s7 =	sld [smem:$0x3F98]  }
0x1a: {  	s8 =	sadd.s32 $0xFFFFE003, lr  }
0x1b: {  	s9 =	sadd.s32 $0xFFFFFEF7, lr;
	s5 =	simm.s32 $0xFFFFFFFF;
	p2 =	slt.u32 s8, $0xFFFFF086  }
0x1c: {  	p1 =	slt.u32 s9, $0xF7A;
	s5 =	simm.s32 @!p2 $0x0  }
0x1d: {  	s5 =	simm.s32 @p1 $0x1;
	p0 =	seq.s32 s7, s2  }
0x1e: {  	s7 =	smul.u32 @!p0 $0xF7A, s2;
	p2 =	seq.s32 @!p0 s5, $0x0  }
0x1f: {  	s9 =	smul.u32 $0xF7A, s1;
	s8 =	simm.s32 @!p0 $0x1BF5;
	p2 =	por !p2, p0  }
0x20: {  	[sflag:s8] =	ssyncset.s32 @!p0 $0xFFFFF086;
	s6 =	sadd.s32 @!p0 s3, s7;
	s7 =	simm.s32 @!p0 $0x108  }
0x21: {  	s3 =	sadd.s32 s3, s9;
	s6 =	sadd.s32 @!p0 $0x88, s6;
	s7 =	simm.s32 @p2 $0x1082  }
0x22: {  	[simem:s7], [sflag:s8] =	dma.local @!p0 [hbm:s6], $0xF7A  }
0x23: {  	s9 =	sor.u32 $0xD0000000, s2;
	s6 =	simm.s32 $0x108;
	_ =	swait.ge @!p0 [sflag:s8], $0x0  }
0x24: {  	s3 =	sadd.s32 $0x88, s3;
	s6 =	simm.s32 @!p1 $0x1082;
	[sflag:s4] =	ssyncset.s32 $0xFFFFF086  }
0x25: {  	[simem:s6], [sflag:s4] =	dma.local [hbm:s3], $0xF7A  }
0x26: {  	[smem:$0x3F98] =	sst s1;
	(tag) =	ssettag s2;
	_ =	strace s9  }
0x27: {  	s1 =	sld [smem:$0x3FA8]  }
0x28: {  	s2 =	sld [smem:$0x3FA9]  }
0x29: {  	s4 =	sld [smem:$0x3FAB]  }
0x2a: {  	p0 =	seq.s32 s5, $0x0;
	s5 =	sld [smem:$0x3FAC]  }
0x2b: {  	s6 =	sld [smem:$0x3FAD]  }
0x2c: {  	s7 =	sld [smem:$0x3FAE]  }
0x2d: {  	s3 =	simm.s32 $0x108;
	s8 =	sld [smem:$0x3FAF]  }
0x2e: {  	s3 =	simm.s32 @!p0 $0x1082;
	s9 =	sld [smem:$0x3FB0]  }
0x2f: {  	lr =	sadd.s32 s0, s3;
	s0 =	sld [smem:$0x3FA7]  }
0x30: {  	s3 =	sld [smem:$0x3FAA]  }
0x31: {  	[smem:$0x3FB3] =	sst s10  }
0x32: {  	s10 =	sld [smem:$0x3FB1];
	_ =	sdelay $0x3  }
0x33: {  	p0 =	seq.s32 s10, $0x1;
	s10 =	sld [smem:$0x3FB3];
	_ =	sdelay $0x3  }
0x34: {  	[smem:$0x3FB3] =	sst s10  }
0x35: {  	s10 =	sld [smem:$0x3FB2];
	_ =	sdelay $0x3  }
0x36: {  	p1 =	seq.s32 s10, $0x1;
	s10 =	sld [smem:$0x3FB3];
	_ =	sdelay $0x3  }
0x37: {  	[smem:$0x3FB3] =	sst s10  }
0x38: {  	s10 =	sld [smem:$0x3FB4]  }
0x39: {  	_ = 	snop;
	(pc) =	sbr.ind lr, $3  }
0x3a: {  	_ = 	snop  }
0x3b: {  	_ = 	snop  }
0x3c: {  	p2 =	seq.s32 s10, $0x1;
	s10 =	sld [smem:$0x3FB3]  }
0x3d: {  	_ =	shalt  }
0x3e: {  	_ =	shalt  }
0x3f: {  	_ =	shalt  }
0x40: {  	_ =	shalt  }
0x41: {  	_ =	shalt  }
0x42: {  	_ =	shalt  }
0x43: {  	_ =	shalt  }
0x44: {  	_ =	shalt  }
0x45: {  	_ =	shalt  }
0x46: {  	_ =	shalt  }
0x47: {  	_ =	shalt  }
0x48: {  	_ =	shalt  }
0x49: {  	_ =	shalt  }
0x4a: {  	_ =	shalt  }
0x4b: {  	_ =	shalt  }
0x4c: {  	_ =	shalt  }
0x4d: {  	_ =	shalt  }
0x4e: {  	_ =	shalt  }
0x4f: {  	_ =	shalt  }
0x50: {  	_ =	shalt  }
0x51: {  	_ =	shalt  }
0x52: {  	_ =	shalt  }
0x53: {  	_ =	shalt  }
0x54: {  	_ =	shalt  }
0x55: {  	_ =	shalt  }
0x56: {  	_ =	shalt  }
0x57: {  	_ =	shalt  }
0x58: {  	_ =	shalt  }
0x59: {  	_ =	shalt  }
0x5a: {  	_ =	shalt  }
0x5b: {  	_ =	shalt  }
0x5c: {  	_ =	shalt  }
0x5d: {  	_ =	shalt  }
0x5e: {  	_ =	shalt  }
0x5f: {  	_ =	shalt  }
0x60: {  	_ =	shalt  }
0x61: {  	_ =	shalt  }
0x62: {  	_ =	shalt  }
0x63: {  	_ =	shalt  }
0x64: {  	_ =	shalt  }
0x65: {  	_ =	shalt  }
0x66: {  	_ =	shalt  }
0x67: {  	_ =	shalt  }
0x68: {  	_ =	shalt  }
0x69: {  	_ =	shalt  }
0x6a: {  	_ =	shalt  }
0x6b: {  	_ =	shalt  }
0x6c: {  	_ =	shalt  }
0x6d: {  	_ =	shalt  }
0x6e: {  	_ =	shalt  }
0x6f: {  	_ =	shalt  }
0x70: {  	_ =	shalt  }
0x71: {  	_ =	shalt  }
0x72: {  	_ =	shalt  }
0x73: {  	_ =	shalt  }
0x74: {  	_ =	shalt  }
0x75: {  	_ =	shalt  }
0x76: {  	_ =	shalt  }
0x77: {  	_ =	shalt  }
0x78: {  	_ =	shalt  }
0x79: {  	_ =	shalt  }
0x7a: {  	_ =	shalt  }
0x7b: {  	_ =	shalt  }
0x7c: {  	_ =	shalt  }
0x7d: {  	_ =	shalt  }
0x7e: {  	_ =	shalt  }
0x7f: {  	_ =	shalt  }
0x80: {  	_ =	shalt  }
0x81: {  	_ =	shalt  }
0x82: {  	_ =	shalt  }
0x83: {  	_ =	shalt  }
0x84: {  	_ =	shalt  }
0x85: {  	_ =	shalt  }
0x86: {  	_ =	shalt  }
0x87: {  	_ =	shalt  }
.Lfunc_end0:
.L_simem_size_0:
called_computation.1_lowered:
.L_overlay_start_0:
0x88: {  	s2 =	sld [smem:$0x3FD9]  }
0x89: {  	s3 =	sld [smem:$0x3FFE];
	_ =	sdelay $0x1  }
0x8a: {  	s1 =	srdreg.scid  }
0x8b: {  	s0 =	sand.u32 $0x1, s1  }
0x8c: {  	s17 =	sshll.u32 s0, $0xA;
	s2 =	sadd.s32 s3, s2  }
0x8d: {  	s2 =	sadd.s32 s2, s17  }
0x8e: {  	[smem:$0x3FBF] =	sst s2  }
0x8f: {  	_ = 	snop  }
0x90: {  	s2 =	sld [smem:$0x3FD0];
	(tm) =	ssettm $0x1  }
0x91: {  	s18 =	sld [smem:$0x3FFB];
	_ =	sdelay $0x3  }
0x92: {  	_ =	strace s18  }
0x93: {  	s3 =	sld [smem:$0x3FFC];
	_ =	sdelay $0x3  }
0x94: {  	_ =	strace s3  }
0x95: {  	s3 =	sld [smem:$0x3FFD];
	_ =	sdelay $0x3  }
0x96: {  	_ =	strace s3  }
0x97: {  	_ =	strace $0x8FFFFFFF  }
0x98: {  	s19 =	sld [smem:$0x3FDB];
	_ =	sdelay $0x1  }
0x99: {  	s4 =	simm.s32 $_scs_section_size  }
0x9a: {  	s5 =	simm.s32 $_size__tile_overlayer_lowered;
	s6 =	simm.s32 $_tile_overlayer_lowered  }
0x9b: {  	s22 =	simm.s32 $0x1BFF;
	s21 =	sshll.u32 s6, $0x1;
	s3 =	sadd.s32 s4, s19  }
0x9c: {  	s7 =	simm.s32 $0x0;
	s20 =	sshll.u32 s5, $0x1;
	s5 =	sadd.s32 s21, s3  }
0x9d: {  	[timem:s7], [sflag:s22] =	dma.local [hbm:s5], s20  }
0x9e: {  	_ =	swait.ge [sflag:s22], s20  }
0x9f: {  	s4 =	ssub.s32 $0x0, s20;
	[sflag:s22] =	ssyncset.done $0x0  }
0xa0: {  	[sflag:s22] =	ssyncadd.s32 s4;
	_ =	sdelay $0x1  }
0xa1: {  	s23 =	simm.s32 $0x1B8B  }
0xa2: {  	_ =	swait.ge [sflag:s23], $0x1  }
0xa3: {  	[sflag:s23] =	ssyncset.done $0x0  }
0xa4: {  	s25 =	simm.s32 $0x1B8E;
	s24 =	sld [smem:$0x3FFE];
	[sflag:s23] =	ssyncadd.s32 $0xFFFFFFFF  }
0xa5: {  	s26 =	simm.s32 $execute0_lowered;
	[smem:$0x3FD2] =	sst s25  }
0xa6: {  	s5 =	sshll.u32 s26, $0x1;
	_ =	strace $0x80000049;
	[dreg:$0x1] =	wrdreg $0xFFFFFFFF  }
0xa7: {  	s28 =	simm.s32 $_size_execute0_lowered;
	s3 =	sadd.s32 s3, s5;
	[dreg:$0x0] =	wrdreg $0x0  }
0xa8: {  	s5 =	sshll.u32 s28, $0x1;
	[dreg:$0x2] =	wrdreg s3  }
0xa9: {  	[dreg:$0x3] =	wrdreg s5  }
0xaa: {  	[dreg:$0x4] =	wrdreg $0xC0  }
0xab: {  	_ =	task [dreg:s7], $0x5FFFF  }
0xac: {  	[dreg:$0x1] =	wrdreg $0xFFFFFFFF  }
0xad: {  	[dreg:$0x0] =	wrdreg $0x60  }
0xae: {  	[dreg:$0x2] =	wrdreg s2  }
0xaf: {  	[dreg:$0x3] =	wrdreg s24  }
0xb0: {  	[dreg:$0x4] =	wrdreg $0x0  }
0xb1: {  	[dreg:$0x5] =	wrdreg $0x9  }
0xb2: {  	_ =	task.clear_ibuf [dreg:s7], $0x6FFFF;
	_ =	strace $0x90000049  }
0xb3: {  	s29 =	simm.s32 $0x9;
	_ =	strace $0x8000004B  }
0xb4: {  	_ =	swait.ge [sflag:s29], $0x1  }
0xb5: {  	[sflag:s29] =	ssyncadd.s32 $0xFFFFFFFF  }
0xb6: {  	_ =	strace $0x9000004B  }
0xb7: {  	_ =	sfence  }
0xb8: {  	s30 =	sld [smem:$0x0];
	_ =	sdelay $0x2  }
0xb9: {  	s31 =	sshll.u32 s1, $0xD;
	s1 =	sshrl.u32 s1, $0x2  }
0xba: {  	s3 =	sand.u32 $0x4000, s31;
	s1 =	sadd.s32 s1, s30  }
0xbb: {  	s0 =	sor.u32 s3, s0;
	s1 =	sshll.u32 s1, $0x11  }
0xbc: {  	s0 =	sor.u32 s1, s0  }
0xbd: {  	s0 =	sadd.s32 $0x8F2B, s0  }
0xbe: {  	[sflag:s0] =	ssyncadd.remote.s32 $0x1  }
0xbf: {  	_ =	sfence.sel $0xFFFF  }
0xc0: {  	[dreg:$0x0] =	wrdreg $0xFFFFFFFF;
	(pc) =	sbr.abs _section_cstart, $3  }
0xc1: {  	[dreg:$0x1] =	wrdreg $0xFFFFFFFF  }
0xc2: {  	_ =	task.clear_ibuf [dreg:s7], $0x2FFFF;
	_ =	strace $0x9FFFFFFF  }
0xc3: {  	(tm) =	ssettm $0x7FFFFFFF  }
tec
execute0_lowered:
.L_overlay_start_1:
0x0: {  	(tag) =	ssettag $0x1  }
0x1: {  	s0 =	srdreg.scid;
	s30 =	stileid.u32  }
0x2: {  	s1 =	rddreg [dreg:$0x0];
	s0 =	sand.u32 $0x1, s0;
	s10 =	smul.u32 $0x2800, s30  }
0x3: {  	s3 =	rddreg [dreg:$0x1];
	s9 =	sor.u32 $0x10, s30;
	s7 =	smul.u32 $0x138800, s0  }
0x4: {  	s2 =	simm.s32 $0x0;
	s12 =	sor.u32 $0x20, s30;
	s13 =	smul.u32 $0x2800, s9  }
0x5: {  	s4 =	sshll.u32 s30, $0x1;
	s14 =	sor.u32 $0x30, s30;
	s15 =	smul.u32 $0x2800, s12  }
0x6: {  	[smem:$0x7FF] =	sst s2;
	s26 =	sor.u32 $0x40, s30;
	s17 =	smul.u32 $0x2800, s14  }
0x7: {  	s5 =	sadd.s32 $0x2600, s3;
	s25 =	sor.u32 $0x50, s30;
	s19 =	smul.u32 $0x2800, s26  }
0x8: {  	s6 =	sadd.s32 $0x16000, s3;
	s23 =	sor.u32 $0x60, s30;
	s20 =	smul.u32 $0x2800, s25  }
0x9: {  	s8 =	sadd.s32 $0x29A00, s3;
	s24 =	sor.u32 $0x70, s30;
	s21 =	smul.u32 $0x2800, s23  }
0xa: {  	s4 =	sor.u32 s0, s4;
	s0 =	ssub.s32 $0x2, s0;
	s22 =	smul.u32 $0x2800, s24  }
0xb: {  	s11 =	sadd.s32 $0x8B800, s3;
	s9 =	smul.u32 $0xA000, s9;
	s16 =	sshrl.u32 s0, $0x1  }
0xc: {  	p0 =	sgt.u32 s30, $0xC;
	s4 =	smul.u32 $0x2710, s4;
	s0 =	ssub.s32 s0, s16  }
0xd: {  	s10 =	sadd.s32 s10, s7;
	s13 =	sadd.s32 s7, s13;
	s15 =	sadd.s32 s7, s15  }
0xe: {  	s17 =	sadd.s32 s7, s17;
	s19 =	sadd.s32 s7, s19;
	s20 =	sadd.s32 s7, s20  }
0xf: {  	s21 =	sadd.s32 s7, s21;
	s7 =	sadd.s32 s7, s22;
	[smem:$0x7FA] =	sst s0  }
0x10: {  	s4 =	sshrl.u32 s4, $0x3;
	s10 =	sshrl.u32 s10, $0x3;
	s13 =	sshrl.u32 s13, $0x3  }
0x11: {  	s16 =	sshrl.u32 s15, $0x3;
	s18 =	sshrl.u32 s17, $0x3;
	s22 =	sshrl.u32 s19, $0x3  }
0x12: {  	s17 =	sshrl.u32 s21, $0x3;
	s7 =	sshrl.u32 s7, $0x3;
	s0 =	sadd.s32 s5, s4  }
0x13: {  	s31 =	sadd.s32 s11, s10;
	s15 =	sadd.s32 s11, s16;
	s19 =	sadd.s32 $0x9C40, s4  }
0x14: {  	[dreg:$0x4] =	wrdreg s0;
	s0 =	sadd.s32 s11, s13;
	s5 =	sadd.s32 s5, s19  }
0x15: {  	s13 =	sshrl.u32 s20, $0x3;
	s20 =	sadd.s32 s6, s4;
	[dreg:$0xd] =	wrdreg s5  }
0x16: {  	s16 =	sadd.s32 s11, s18;
	s6 =	sadd.s32 s6, s19;
	[dreg:$0xe] =	wrdreg s20  }
0x17: {  	s18 =	sadd.s32 s11, s22;
	s4 =	sadd.s32 s8, s4;
	[dreg:$0xf] =	wrdreg s6  }
0x18: {  	s22 =	smul.u32 $0xA000, s30;
	s21 =	sadd.s32 s8, s19;
	[dreg:$0x10] =	wrdreg s4  }
0x19: {  	s10 =	sadd.s32 s11, s13;
	s13 =	sadd.s32 s11, s17;
	s17 =	rddreg [dreg:$0x2]  }
0x1a: {  	s30 =	simm.s32 $0x1AF80;
	s8 =	sshrl.u32 s9, $0x2;
	[dreg:$0x11] =	wrdreg s21  }
0x1b: {  	s9 =	smul.u32 $0xA000, s25;
	_ =	strace $0x8000004A;
	[dreg:$0x5] =	wrdreg s31  }
0x1c: {  	s19 =	sadd.s32 $0x3D400, s3;
	s5 =	smul.u32 $0xA000, s12;
	[dreg:$0x6] =	wrdreg s0  }
0x1d: {  	s11 =	sadd.s32 s11, s7;
	s6 =	smul.u32 $0xA000, s14;
	[dreg:$0x7] =	wrdreg s15  }
0x1e: {  	s20 =	sadd.s32 $0x64600, s3;
	s7 =	smul.u32 $0xA000, s26;
	[dreg:$0x8] =	wrdreg s16  }
0x1f: {  	s4 =	sshrl.u32 s22, $0x2;
	s14 =	smul.u32 $0xA000, s23;
	[dreg:$0x9] =	wrdreg s18  }
0x20: {  	s26 =	smul.u32 $0xA000, s24;
	s21 =	sadd.s32 s4, s17;
	[dreg:$0xa] =	wrdreg s10  }
0x21: {  	s22 =	sadd.s32 s8, s17;
	s8 =	sadd.s32 $0x4E200, s31;
	[dreg:$0xb] =	wrdreg s13  }
0x22: {  	[dreg:$0xc] =	wrdreg s11;
	s12 =	sshrl.u32 s5, $0x2;
	s6 =	sshrl.u32 s6, $0x2  }
0x23: {  	s4 =	sshrl.u32 s7, $0x2;
	s5 =	sshrl.u32 s14, $0x2;
	s7 =	sld [smem:$0x7FA]  }
0x24: {  	[dreg:$0x13] =	wrdreg s8;
	s14 =	sadd.s32 $0x4E200, s16;
	s8 =	sadd.s32 $0x9C400, s31  }
0x25: {  	s31 =	simm.s32 $0x1D780;
	s25 =	sadd.s32 s4, s17;
	[dreg:$0x16] =	wrdreg s14  }
0x26: {  	s4 =	sshrl.u32 s9, $0x2;
	s9 =	sadd.s32 $0x4E200, s0;
	[dreg:$0x1b] =	wrdreg s8  }
0x27: {  	s23 =	sadd.s32 s12, s17;
	s12 =	sadd.s32 $0x4E200, s15;
	[dreg:$0x14] =	wrdreg s9  }
0x28: {  	s28 =	sadd.s32 s5, s17;
	s5 =	sadd.s32 $0x4E200, s10;
	[dreg:$0x15] =	wrdreg s12  }
0x29: {  	s24 =	sadd.s32 s6, s17;
	s0 =	sadd.s32 $0x9C400, s0;
	[dreg:$0x18] =	wrdreg s5  }
0x2a: {  	s6 =	sshrl.u32 s26, $0x2;
	s14 =	sadd.s32 $0x9C400, s18;
	[dreg:$0x1c] =	wrdreg s0  }
0x2b: {  	s26 =	sadd.s32 s4, s17;
	s4 =	sadd.s32 $0x4E200, s18;
	[dreg:$0x1f] =	wrdreg s14  }
0x2c: {  	s29 =	sadd.s32 s6, s17;
	s6 =	sadd.s32 $0x4E200, s13;
	[dreg:$0x17] =	wrdreg s4  }
0x2d: {  	s8 =	simm.s32 $0x0;
	s9 =	sadd.s32 $0x9C400, s15;
	[dreg:$0x19] =	wrdreg s6  }
0x2e: {  	s12 =	sadd.s32 $0x9C400, s16;
	s15 =	sadd.s32 $0x9C400, s10;
	[dreg:$0x1d] =	wrdreg s9  }
0x2f: {  	s16 =	sadd.s32 $0x9C400, s13;
	s18 =	sadd.s32 $0x9C400, s11;
	[dreg:$0x1e] =	wrdreg s12  }
0x30: {  	s14 =	simm.s32 $0x16000;
	s13 =	simm.s32 $0x2;
	[smem:$0x7FB] =	sst s15  }
0x31: {  	s5 =	simm.s32 $0x15EA0;
	s3 =	smax.u32 s7, $0x1;
	[smem:$0x7FC] =	sst s16  }
0x32: {  	s7 =	sadd.s32 $0x4E200, s11;
	[smem:$0x7FD] =	sst s18;
	s15 =	simm.s32 $0x18780  }
0x33: {  	s6 =	simm.s32 $0x5;
	s16 =	simm.s32 $0x1;
	s9 =	simm.s32 $0x3  }
0x34: {  	s4 =	simm.s32 $0x4;
	s12 =	simm.s32 $0x15EF0;
	[dreg:$0x12] =	wrdreg s3  }
0x35: {  	v0 =	vimm.f32 $0.0e+00;
	s18 =	simm.s32 $0x15F40;
	[dreg:$0x1a] =	wrdreg s7;
	s7 =	simm.s32 $0x50  }
.LBB2_1:
0x36: {  	s0 =	rddreg [dreg:$0x4];
	s3 =	simm.s32 $0x13880;
	s10 =	sand.u32 $0xFE00, s2  }
0x37: {  	[tilespmem:s3], [sflag:$0x1] =	stream.linear.gather [hbm4b:s0+s2], $0x2710, $0x38;
	[tilespmem:$0x1FF80] =	vst v63  }
0x38: {  	s11 =	sand.u32 $0x70, s2;
	s3 =	rddreg [dreg:$0xd];
	s0 =	sshrl.u32 s10, $0x2  }
0x39: {  	[tilespmem:s14], [sflag:$0x1] =	stream.linear.gather [hbm4b:s3+s2], $0x2710, $0x38;
	[tilespmem:$0x1FF80] =	vst v63  }
0x3a: {  	s10 =	simm.s32 $0x40;
	s3 =	sor.u32 s11, s0;
	s0 =	simm.s32 $0x0  }
.LBB2_2:
0x3b: {  	p1 =	sne.s32 s10, $0x9FC0  }
0x3c: {  	[tilespmem:s3+$0x18780] =	vst v0;
	s0 =	sadd.s32 $0x10, s0;
	s3 =	smov.u32 s10;
	s10 =	sadd.s32 $0x40, s10  }
.Ltmp0:
0x3d: {  	(pc) =	sbr.rel @p1 .LBB2_2-.Ltmp0, $4  }
0x3e: {  	_ = 	snop  }
0x3f: {  	s3 =	sand.u32 $0xFE00, s3  }
0x40: {  	s11 =	sand.u32 $0x70, s0;
	s3 =	sshrl.u32 s3, $0x2  }
0x41: {  	s3 =	sor.u32 s11, s3  }
0x42: {  	[tilespmem:s3+$0x18780] =	vst v0  }
0x43: {  	[spmem:s21] =	stream.linear.scatter [tilespmem:s15], [sflag:$0x5], $0x2800, $0x38;
	[tilespmem:$0x1FF80] =	vst v63  }
0x44: {  	_ =	swait.ge [sflag:s6], $0x2800  }
0x45: {  	[sflag:s6] =	ssyncset.done $0x0  }
0x46: {  	[sflag:s6] =	ssyncadd.s32 $0xFFFFD800  }
0x47: {  	[spmem:s22] =	stream.linear.scatter [tilespmem:s15], [sflag:$0x5], $0x2800, $0x38;
	[tilespmem:$0x1FF80] =	vst v63  }
0x48: {  	_ =	swait.ge [sflag:s6], $0x2800  }
0x49: {  	[sflag:s6] =	ssyncset.done $0x0  }
0x4a: {  	[sflag:s6] =	ssyncadd.s32 $0xFFFFD800  }
0x4b: {  	[spmem:s23] =	stream.linear.scatter [tilespmem:s15], [sflag:$0x5], $0x2800, $0x38;
	[tilespmem:$0x1FF80] =	vst v63  }
0x4c: {  	_ =	swait.ge [sflag:s6], $0x2800  }
0x4d: {  	[sflag:s6] =	ssyncset.done $0x0  }
0x4e: {  	[sflag:s6] =	ssyncadd.s32 $0xFFFFD800  }
0x4f: {  	[spmem:s24] =	stream.linear.scatter [tilespmem:s15], [sflag:$0x5], $0x2800, $0x38;
	[tilespmem:$0x1FF80] =	vst v63  }
0x50: {  	_ =	swait.ge [sflag:s6], $0x2800  }
0x51: {  	[sflag:s6] =	ssyncset.done $0x0  }
0x52: {  	[sflag:s6] =	ssyncadd.s32 $0xFFFFD800  }
0x53: {  	[spmem:s25] =	stream.linear.scatter [tilespmem:s15], [sflag:$0x5], $0x2800, $0x38;
	[tilespmem:$0x1FF80] =	vst v63  }
0x54: {  	_ =	swait.ge [sflag:s6], $0x2800  }
0x55: {  	[sflag:s6] =	ssyncset.done $0x0  }
0x56: {  	[sflag:s6] =	ssyncadd.s32 $0xFFFFD800  }
0x57: {  	[spmem:s26] =	stream.linear.scatter [tilespmem:s15], [sflag:$0x5], $0x2800, $0x38;
	[tilespmem:$0x1FF80] =	vst v63  }
0x58: {  	_ =	swait.ge [sflag:s6], $0x2800  }
0x59: {  	[sflag:s6] =	ssyncset.done $0x0  }
0x5a: {  	[sflag:s6] =	ssyncadd.s32 $0xFFFFD800  }
0x5b: {  	[spmem:s28] =	stream.linear.scatter [tilespmem:s15], [sflag:$0x5], $0x2800, $0x38;
	[tilespmem:$0x1FF80] =	vst v63  }
0x5c: {  	_ =	swait.ge [sflag:s6], $0x2800  }
0x5d: {  	[sflag:s6] =	ssyncset.done $0x0  }
0x5e: {  	s0 =	simm.s32 @!p0 $0x18780;
	[sflag:s6] =	ssyncadd.s32 $0xFFFFD800  }
0x5f: {  	[spmem:s29] =	stream.linear.scatter @!p0 [tilespmem:s0], [sflag:$0x5], $0x2800, $0x38;
	[tilespmem:$0x1FF80] =	vst v63  }
0x60: {  	s0 =	simm.s32 @!p0 $0x5  }
0x61: {  	_ =	swait.ge @!p0 [sflag:s0], $0x2800  }
0x62: {  	[sflag:s0] =	ssyncset.done @!p0 $0x0  }
0x63: {  	[sflag:s0] =	ssyncadd.s32 @!p0 $0xFFFFD800  }
0x64: {  	[bflag:$0x0] =	sbarrier.arrive $0xFFFF  }
0x65: {  	_ =	swait.ge [sflag:s16], $0x2710  }
0x66: {  	[sflag:s16] =	ssyncset.done $0x0  }
0x67: {  	[sflag:s16] =	ssyncadd.s32 $0xFFFFD8F0  }
0x68: {  	_ =	swait.ge [sflag:s16], $0x2710  }
0x69: {  	[sflag:s16] =	ssyncset.done $0x0  }
0x6a: {  	[sflag:s16] =	ssyncadd.s32 $0xFFFFD8F0  }
0x6b: {  	[tilespmem:s15], [sflag:$0x2] =	stream.indirect.gather [hbm4b:s1+s7], $0x80, s14, s7, $0xb8;
	[tilespmem:$0x1FF80] =	vst v63  }
0x6c: {  	s11 =	simm.s32 $0x16050  }
0x6d: {  	[tilespmem:s30], [sflag:$0x3] =	stream.indirect.gather [hbm4b:s1+s7], $0x80, s11, s7, $0xb8;
	[tilespmem:$0x1FF80] =	vst v63  }
0x6e: {  	s3 =	simm.s32 $0x160A0  }
0x6f: {  	[tilespmem:s31], [sflag:$0x4] =	stream.indirect.gather [hbm4b:s1+s7], $0x80, s3, s7, $0xb8;
	[tilespmem:$0x1FF80] =	vst v63  }
0x70: {  	_ =	swait.ge [sflag:s13], $0x2800  }
0x71: {  	[sflag:s13] =	ssyncset.done $0x0  }
0x72: {  	s10 =	simm.s32 $0x13880;
	[sflag:s13] =	ssyncadd.s32 $0xFFFFD800  }
0x73: {  	[spmem:s17] =	stream.indirect.scatter.add.f32 [tilespmem:s15], [sflag:$0x5], $0x80, s10, s7, $0xb8;
	[tilespmem:$0x1FF80] =	vst v63  }
0x74: {  	_ =	swait.ge [sflag:s6], $0x2800  }
0x75: {  	[sflag:s6] =	ssyncset.done $0x0  }
0x76: {  	s11 =	simm.s32 $0x160F0;
	[sflag:s6] =	ssyncadd.s32 $0xFFFFD800  }
0x77: {  	[tilespmem:s15], [sflag:$0x2] =	stream.indirect.gather [hbm4b:s1+s7], $0x80, s11, s7, $0xb8;
	[tilespmem:$0x1FF80] =	vst v63  }
0x78: {  	_ =	swait.ge [sflag:s9], $0x2800  }
0x79: {  	[sflag:s9] =	ssyncset.done $0x0  }
0x7a: {  	s3 =	simm.s32 $0x138D0;
	[sflag:s9] =	ssyncadd.s32 $0xFFFFD800  }
0x7b: {  	[spmem:s17] =	stream.indirect.scatter.add.f32 [tilespmem:s30], [sflag:$0x5], $0x80, s3, s7, $0xb8;
	[tilespmem:$0x1FF80] =	vst v63  }
0x7c: {  	_ =	swait.ge [sflag:s6], $0x2800  }
0x7d: {  	[sflag:s6] =	ssyncset.done $0x0  }
0x7e: {  	s10 =	simm.s32 $0x16140;
	[sflag:s6] =	ssyncadd.s32 $0xFFFFD800  }
0x7f: {  	[tilespmem:s30], [sflag:$0x3] =	stream.indirect.gather [hbm4b:s1+s7], $0x80, s10, s7, $0xb8;
	[tilespmem:$0x1FF80] =	vst v63  }
0x80: {  	_ =	swait.ge [sflag:s4], $0x2800  }
0x81: {  	[sflag:s4] =	ssyncset.done $0x0  }
0x82: {  	s11 =	simm.s32 $0x13920;
	[sflag:s4] =	ssyncadd.s32 $0xFFFFD800  }
0x83: {  	[spmem:s17] =	stream.indirect.scatter.add.f32 [tilespmem:s31], [sflag:$0x5], $0x80, s11, s7, $0xb8;
	[tilespmem:$0x1FF80] =	vst v63  }
0x84: {  	_ =	swait.ge [sflag:s6], $0x2800  }
0x85: {  	[sflag:s6] =	ssyncset.done $0x0  }
0x86: {  	s0 =	simm.s32 $0x16190;
	s10 =	simm.s32 $0x3C0;
	[sflag:s6] =	ssyncadd.s32 $0xFFFFD800  }
.LBB2_4:
0x87: {  	[tilespmem:s31], [sflag:$0x4] =	stream.indirect.gather [hbm4b:s1+s7], $0x80, s0, s7, $0xb8;
	[tilespmem:$0x1FF80] =	vst v63  }
0x88: {  	s0 =	smov.u32 s10  }
0x89: {  	p1 =	sne.s32 s10, $0x9240;
	s10 =	sadd.s32 $0x3C0, s10;
	_ =	swait.ge [sflag:s13], $0x2800  }
0x8a: {  	s0 =	sshra.s32 s0, $0x2;
	[sflag:s13] =	ssyncset.done $0x0  }
0x8b: {  	s3 =	sadd.s32 $0x13880, s0;
	[sflag:s13] =	ssyncadd.s32 $0xFFFFD800  }
0x8c: {  	[spmem:s17] =	stream.indirect.scatter.add.f32 [tilespmem:s15], [sflag:$0x5], $0x80, s3, s7, $0xb8;
	[tilespmem:$0x1FF80] =	vst v63  }
0x8d: {  	_ =	swait.ge [sflag:s6], $0x2800  }
0x8e: {  	[sflag:s6] =	ssyncset.done $0x0  }
0x8f: {  	s3 =	sadd.s32 $0x160F0, s0;
	[sflag:s6] =	ssyncadd.s32 $0xFFFFD800  }
0x90: {  	[tilespmem:s15], [sflag:$0x2] =	stream.indirect.gather [hbm4b:s1+s7], $0x80, s3, s7, $0xb8;
	[tilespmem:$0x1FF80] =	vst v63  }
0x91: {  	_ =	swait.ge [sflag:s9], $0x2800  }
0x92: {  	[sflag:s9] =	ssyncset.done $0x0  }
0x93: {  	s3 =	sadd.s32 $0x138D0, s0;
	[sflag:s9] =	ssyncadd.s32 $0xFFFFD800  }
0x94: {  	[spmem:s17] =	stream.indirect.scatter.add.f32 [tilespmem:s30], [sflag:$0x5], $0x80, s3, s7, $0xb8;
	[tilespmem:$0x1FF80] =	vst v63  }
0x95: {  	_ =	swait.ge [sflag:s6], $0x2800  }
0x96: {  	[sflag:s6] =	ssyncset.done $0x0  }
0x97: {  	s3 =	sadd.s32 $0x16140, s0;
	[sflag:s6] =	ssyncadd.s32 $0xFFFFD800  }
0x98: {  	[tilespmem:s30], [sflag:$0x3] =	stream.indirect.gather [hbm4b:s1+s7], $0x80, s3, s7, $0xb8;
	[tilespmem:$0x1FF80] =	vst v63  }
0x99: {  	_ =	swait.ge [sflag:s4], $0x2800  }
0x9a: {  	[sflag:s4] =	ssyncset.done $0x0  }
.Ltmp1:
0x9b: {  	s3 =	sadd.s32 $0x13920, s0;
	[sflag:s4] =	ssyncadd.s32 $0xFFFFD800;
	(pc) =	sbr.rel @p1 .LBB2_4-.Ltmp1, $4  }
0x9c: {  	[spmem:s17] =	stream.indirect.scatter.add.f32 [tilespmem:s31], [sflag:$0x5], $0x80, s3, s7, $0xb8;
	[tilespmem:$0x1FF80] =	vst v63  }
0x9d: {  	_ =	swait.ge [sflag:s6], $0x2800  }
0x9e: {  	[sflag:s6] =	ssyncset.done $0x0  }
0x9f: {  	s0 =	sadd.s32 $0x16190, s0;
	[sflag:s6] =	ssyncadd.s32 $0xFFFFD800  }
0xa0: {  	[tilespmem:s31], [sflag:$0x4] =	stream.indirect.gather [hbm4b:s1+s7], $0x80, s0, s7, $0xb8;
	[tilespmem:$0x1FF80] =	vst v63  }
0xa1: {  	_ =	swait.ge [sflag:s13], $0x2800  }
0xa2: {  	[sflag:s13] =	ssyncset.done $0x0  }
0xa3: {  	s10 =	simm.s32 $0x15E00;
	[sflag:s13] =	ssyncadd.s32 $0xFFFFD800  }
0xa4: {  	[spmem:s17] =	stream.indirect.scatter.add.f32 [tilespmem:s15], [sflag:$0x5], $0x80, s10, s7, $0xb8;
	[tilespmem:$0x1FF80] =	vst v63  }
0xa5: {  	_ =	swait.ge [sflag:s6], $0x2800  }
0xa6: {  	[sflag:s6] =	ssyncset.done $0x0  }
0xa7: {  	s11 =	simm.s32 $0x18670;
	[sflag:s6] =	ssyncadd.s32 $0xFFFFD800  }
0xa8: {  	[tilespmem:s15], [sflag:$0x2] =	stream.indirect.gather [hbm4b:s1+s7], $0x80, s11, s7, $0xb8;
	[tilespmem:$0x1FF80] =	vst v63  }
0xa9: {  	_ =	swait.ge [sflag:s9], $0x2800  }
0xaa: {  	[sflag:s9] =	ssyncset.done $0x0  }
0xab: {  	s3 =	simm.s32 $0x15E50;
	[sflag:s9] =	ssyncadd.s32 $0xFFFFD800  }
0xac: {  	[spmem:s17] =	stream.indirect.scatter.add.f32 [tilespmem:s30], [sflag:$0x5], $0x80, s3, s7, $0xb8;
	[tilespmem:$0x1FF80] =	vst v63  }
0xad: {  	_ =	swait.ge [sflag:s6], $0x2800  }
0xae: {  	[sflag:s6] =	ssyncset.done $0x0  }
0xaf: {  	s10 =	simm.s32 $0x186C0;
	[sflag:s6] =	ssyncadd.s32 $0xFFFFD800  }
0xb0: {  	[tilespmem:s30], [sflag:$0x3] =	stream.indirect.gather [hbm4b:s1+s7], $0x80, s10, s7, $0xb8;
	[tilespmem:$0x1FF80] =	vst v63  }
0xb1: {  	_ =	swait.ge [sflag:s4], $0x2800  }
0xb2: {  	[sflag:s4] =	ssyncset.done $0x0  }
0xb3: {  	[sflag:s4] =	ssyncadd.s32 $0xFFFFD800  }
0xb4: {  	[spmem:s17] =	stream.indirect.scatter.add.f32 [tilespmem:s31], [sflag:$0x5], $0x80, s5, s7, $0xb8;
	[tilespmem:$0x1FF80] =	vst v63  }
0xb5: {  	_ =	swait.ge [sflag:s6], $0x2800  }
0xb6: {  	[sflag:s6] =	ssyncset.done $0x0  }
0xb7: {  	[sflag:s6] =	ssyncadd.s32 $0xFFFFD800  }
0xb8: {  	_ =	swait.ge [sflag:s13], $0x2800  }
0xb9: {  	[sflag:s13] =	ssyncset.done $0x0  }
0xba: {  	[sflag:s13] =	ssyncadd.s32 $0xFFFFD800  }
0xbb: {  	[spmem:s17] =	stream.indirect.scatter.add.f32 [tilespmem:s15], [sflag:$0x5], $0x80, s12, s7, $0xb8;
	[tilespmem:$0x1FF80] =	vst v63  }
0xbc: {  	_ =	swait.ge [sflag:s6], $0x2800  }
0xbd: {  	[sflag:s6] =	ssyncset.done $0x0  }
0xbe: {  	[sflag:s6] =	ssyncadd.s32 $0xFFFFD800  }
0xbf: {  	_ =	swait.ge [sflag:s9], $0x2800  }
0xc0: {  	[sflag:s9] =	ssyncset.done $0x0  }
0xc1: {  	[sflag:s9] =	ssyncadd.s32 $0xFFFFD800  }
0xc2: {  	[spmem:s17] =	stream.indirect.scatter.add.f32 [tilespmem:s30], [sflag:$0x5], $0x80, s18, s7, $0xb8;
	[tilespmem:$0x1FF80] =	vst v63  }
0xc3: {  	_ =	swait.ge [sflag:s6], $0x2800  }
0xc4: {  	[sflag:s6] =	ssyncset.done $0x0  }
0xc5: {  	[sflag:s6] =	ssyncadd.s32 $0xFFFFD800  }
0xc6: {  	[bflag:$0x0] =	sbarrier.arrive $0xFFFF  }
0xc7: {  	[tilespmem:s15], [sflag:$0x5] =	stream.linear.gather [spmem:s21], $0x2800, $0x38;
	[tilespmem:$0x1FF80] =	vst v63  }
0xc8: {  	_ =	swait.ge [sflag:s6], $0x2800  }
0xc9: {  	[sflag:s6] =	ssyncset.done $0x0  }
0xca: {  	s11 =	rddreg [dreg:$0x5];
	[sflag:s6] =	ssyncadd.s32 $0xFFFFD800  }
0xcb: {  	[hbm4b:s11+s2] =	stream.linear.scatter [tilespmem:s15], [sflag:$0x2], $0x2800, $0x38;
	[tilespmem:$0x1FF80] =	vst v63  }
0xcc: {  	_ = 	snop  }
0xcd: {  	[tilespmem:s30], [sflag:$0x5] =	stream.linear.gather [spmem:s22], $0x2800, $0x38;
	[tilespmem:$0x1FF80] =	vst v63  }
0xce: {  	_ =	swait.ge [sflag:s6], $0x2800  }
0xcf: {  	[sflag:s6] =	ssyncset.done $0x0  }
0xd0: {  	s3 =	rddreg [dreg:$0x6];
	[sflag:s6] =	ssyncadd.s32 $0xFFFFD800  }
0xd1: {  	[hbm4b:s3+s2] =	stream.linear.scatter [tilespmem:s30], [sflag:$0x3], $0x2800, $0x38;
	[tilespmem:$0x1FF80] =	vst v63  }
0xd2: {  	_ =	swait.ge [sflag:s13], $0x2800  }
0xd3: {  	[sflag:s13] =	ssyncset.done $0x0  }
0xd4: {  	[sflag:s13] =	ssyncadd.s32 $0xFFFFD800  }
0xd5: {  	[tilespmem:s15], [sflag:$0x5] =	stream.linear.gather [spmem:s23], $0x2800, $0x38;
	[tilespmem:$0x1FF80] =	vst v63  }
0xd6: {  	_ =	swait.ge [sflag:s6], $0x2800  }
0xd7: {  	[sflag:s6] =	ssyncset.done $0x0  }
0xd8: {  	s10 =	rddreg [dreg:$0x7];
	[sflag:s6] =	ssyncadd.s32 $0xFFFFD800  }
0xd9: {  	[hbm4b:s10+s2] =	stream.linear.scatter [tilespmem:s15], [sflag:$0x2], $0x2800, $0x38;
	[tilespmem:$0x1FF80] =	vst v63  }
0xda: {  	_ =	swait.ge [sflag:s9], $0x2800  }
0xdb: {  	[sflag:s9] =	ssyncset.done $0x0  }
0xdc: {  	[sflag:s9] =	ssyncadd.s32 $0xFFFFD800  }
0xdd: {  	[tilespmem:s30], [sflag:$0x5] =	stream.linear.gather [spmem:s24], $0x2800, $0x38;
	[tilespmem:$0x1FF80] =	vst v63  }
0xde: {  	_ =	swait.ge [sflag:s6], $0x2800  }
0xdf: {  	[sflag:s6] =	ssyncset.done $0x0  }
0xe0: {  	s11 =	rddreg [dreg:$0x8];
	[sflag:s6] =	ssyncadd.s32 $0xFFFFD800  }
0xe1: {  	[hbm4b:s11+s2] =	stream.linear.scatter [tilespmem:s30], [sflag:$0x3], $0x2800, $0x38;
	[tilespmem:$0x1FF80] =	vst v63  }
0xe2: {  	_ =	swait.ge [sflag:s13], $0x2800  }
0xe3: {  	[sflag:s13] =	ssyncset.done $0x0  }
0xe4: {  	[sflag:s13] =	ssyncadd.s32 $0xFFFFD800  }
0xe5: {  	[tilespmem:s15], [sflag:$0x5] =	stream.linear.gather [spmem:s25], $0x2800, $0x38;
	[tilespmem:$0x1FF80] =	vst v63  }
0xe6: {  	_ =	swait.ge [sflag:s6], $0x2800  }
0xe7: {  	[sflag:s6] =	ssyncset.done $0x0  }
0xe8: {  	s3 =	rddreg [dreg:$0x9];
	[sflag:s6] =	ssyncadd.s32 $0xFFFFD800  }
0xe9: {  	[hbm4b:s3+s2] =	stream.linear.scatter [tilespmem:s15], [sflag:$0x2], $0x2800, $0x38;
	[tilespmem:$0x1FF80] =	vst v63  }
0xea: {  	_ =	swait.ge [sflag:s9], $0x2800  }
0xeb: {  	[sflag:s9] =	ssyncset.done $0x0  }
0xec: {  	[sflag:s9] =	ssyncadd.s32 $0xFFFFD800  }
0xed: {  	[tilespmem:s30], [sflag:$0x5] =	stream.linear.gather [spmem:s26], $0x2800, $0x38;
	[tilespmem:$0x1FF80] =	vst v63  }
0xee: {  	_ =	swait.ge [sflag:s6], $0x2800  }
0xef: {  	[sflag:s6] =	ssyncset.done $0x0  }
0xf0: {  	s10 =	rddreg [dreg:$0xa];
	[sflag:s6] =	ssyncadd.s32 $0xFFFFD800  }
0xf1: {  	[hbm4b:s10+s2] =	stream.linear.scatter [tilespmem:s30], [sflag:$0x3], $0x2800, $0x38;
	[tilespmem:$0x1FF80] =	vst v63  }
0xf2: {  	_ =	swait.ge [sflag:s13], $0x2800  }
0xf3: {  	[sflag:s13] =	ssyncset.done $0x0  }
0xf4: {  	[sflag:s13] =	ssyncadd.s32 $0xFFFFD800  }
0xf5: {  	[tilespmem:s15], [sflag:$0x5] =	stream.linear.gather [spmem:s28], $0x2800, $0x38;
	[tilespmem:$0x1FF80] =	vst v63  }
0xf6: {  	_ =	swait.ge [sflag:s6], $0x2800  }
0xf7: {  	[sflag:s6] =	ssyncset.done $0x0  }
0xf8: {  	s0 =	simm.s32 @!p0 $0x3;
	s11 =	rddreg [dreg:$0xb];
	[sflag:s6] =	ssyncadd.s32 $0xFFFFD800  }
0xf9: {  	[hbm4b:s11+s2] =	stream.linear.scatter [tilespmem:s15], [sflag:$0x2], $0x2800, $0x38;
	[tilespmem:$0x1FF80] =	vst v63  }
0xfa: {  	_ =	swait.ge @!p0 [sflag:s0], $0x2800  }
0xfb: {  	[sflag:s0] =	ssyncset.done @!p0 $0x0  }
0xfc: {  	s3 =	simm.s32 @!p0 $0x5;
	[sflag:s0] =	ssyncadd.s32 @!p0 $0xFFFFD800;
	s0 =	simm.s32 @!p0 $0x1AF80  }
0xfd: {  	[tilespmem:s0], [sflag:$0x5] =	stream.linear.gather @!p0 [spmem:s29], $0x2800, $0x38;
	[tilespmem:$0x1FF80] =	vst v63  }
0xfe: {  	_ =	swait.ge @!p0 [sflag:s3], $0x2800  }
0xff: {  	[sflag:s3] =	ssyncset.done @!p0 $0x0  }
0x100: {  	s10 =	rddreg [dreg:$0xc];
	[sflag:s3] =	ssyncadd.s32 @!p0 $0xFFFFD800;
	s3 =	simm.s32 @!p0 $0x0  }
0x101: {  	[hbm4b:s10+s3] =	stream.linear.scatter @!p0 [tilespmem:s0], [sflag:$0x3], $0x2800, $0x38;
	[tilespmem:$0x1FF80] =	vst v63  }
0x102: {  	_ =	swait.ge [sflag:s13], $0x2800  }
0x103: {  	[sflag:s13] =	ssyncset.done $0x0  }
0x104: {  	[sflag:s13] =	ssyncadd.s32 $0xFFFFD800  }
0x105: {  	_ =	swait.ge [sflag:s9], $0x2800  }
0x106: {  	[sflag:s9] =	ssyncset.done $0x0  }
0x107: {  	[sflag:s9] =	ssyncadd.s32 $0xFFFFD800  }
0x108: {  	[bflag:$0x0] =	sbarrier.arrive $0xFFFF  }
0x109: {  	s11 =	simm.s32 $0x13880;
	s10 =	simm.s32 $0x0;
	s3 =	rddreg [dreg:$0xe]  }
0x10a: {  	[tilespmem:s11], [sflag:$0x1] =	stream.linear.gather [hbm4b:s3+s10], $0x2710, $0x38;
	[tilespmem:$0x1FF80] =	vst v63  }
0x10b: {  	s11 =	rddreg [dreg:$0xf];
	s3 =	sand.u32 $0xFE00, s10  }
0x10c: {  	[tilespmem:s14], [sflag:$0x1] =	stream.linear.gather [hbm4b:s11+s10], $0x2710, $0x38;
	[tilespmem:$0x1FF80] =	vst v63  }
0x10d: {  	s0 =	sshrl.u32 s3, $0x2;
	s11 =	sand.u32 $0x70, s10  }
0x10e: {  	s3 =	sor.u32 s11, s0;
	s0 =	simm.s32 $0x40  }
.LBB2_6:
0x10f: {  	p1 =	sne.s32 s0, $0x9FC0  }
0x110: {  	[tilespmem:s3+$0x18780] =	vst v0;
	s10 =	sadd.s32 $0x10, s10;
	s3 =	smov.u32 s0;
	s0 =	sadd.s32 $0x40, s0  }
.Ltmp2:
0x111: {  	(pc) =	sbr.rel @p1 .LBB2_6-.Ltmp2, $4  }
0x112: {  	_ = 	snop  }
0x113: {  	s3 =	sand.u32 $0xFE00, s3  }
0x114: {  	s11 =	sand.u32 $0x70, s10;
	s3 =	sshrl.u32 s3, $0x2  }
0x115: {  	s3 =	sor.u32 s11, s3  }
0x116: {  	[tilespmem:s3+$0x18780] =	vst v0  }
0x117: {  	[spmem:s21] =	stream.linear.scatter [tilespmem:s15], [sflag:$0x5], $0x2800, $0x38;
	[tilespmem:$0x1FF80] =	vst v63  }
0x118: {  	_ =	swait.ge [sflag:s6], $0x2800  }
0x119: {  	[sflag:s6] =	ssyncset.done $0x0  }
0x11a: {  	[sflag:s6] =	ssyncadd.s32 $0xFFFFD800  }
0x11b: {  	[spmem:s22] =	stream.linear.scatter [tilespmem:s15], [sflag:$0x5], $0x2800, $0x38;
	[tilespmem:$0x1FF80] =	vst v63  }
0x11c: {  	_ =	swait.ge [sflag:s6], $0x2800  }
0x11d: {  	[sflag:s6] =	ssyncset.done $0x0  }
0x11e: {  	[sflag:s6] =	ssyncadd.s32 $0xFFFFD800  }
0x11f: {  	[spmem:s23] =	stream.linear.scatter [tilespmem:s15], [sflag:$0x5], $0x2800, $0x38;
	[tilespmem:$0x1FF80] =	vst v63  }
0x120: {  	_ =	swait.ge [sflag:s6], $0x2800  }
0x121: {  	[sflag:s6] =	ssyncset.done $0x0  }
0x122: {  	[sflag:s6] =	ssyncadd.s32 $0xFFFFD800  }
0x123: {  	[spmem:s24] =	stream.linear.scatter [tilespmem:s15], [sflag:$0x5], $0x2800, $0x38;
	[tilespmem:$0x1FF80] =	vst v63  }
0x124: {  	_ =	swait.ge [sflag:s6], $0x2800  }
0x125: {  	[sflag:s6] =	ssyncset.done $0x0  }
0x126: {  	[sflag:s6] =	ssyncadd.s32 $0xFFFFD800  }
0x127: {  	[spmem:s25] =	stream.linear.scatter [tilespmem:s15], [sflag:$0x5], $0x2800, $0x38;
	[tilespmem:$0x1FF80] =	vst v63  }
0x128: {  	_ =	swait.ge [sflag:s6], $0x2800  }
0x129: {  	[sflag:s6] =	ssyncset.done $0x0  }
0x12a: {  	[sflag:s6] =	ssyncadd.s32 $0xFFFFD800  }
0x12b: {  	[spmem:s26] =	stream.linear.scatter [tilespmem:s15], [sflag:$0x5], $0x2800, $0x38;
	[tilespmem:$0x1FF80] =	vst v63  }
0x12c: {  	_ =	swait.ge [sflag:s6], $0x2800  }
0x12d: {  	[sflag:s6] =	ssyncset.done $0x0  }
0x12e: {  	[sflag:s6] =	ssyncadd.s32 $0xFFFFD800  }
0x12f: {  	[spmem:s28] =	stream.linear.scatter [tilespmem:s15], [sflag:$0x5], $0x2800, $0x38;
	[tilespmem:$0x1FF80] =	vst v63  }
0x130: {  	_ =	swait.ge [sflag:s6], $0x2800  }
0x131: {  	[sflag:s6] =	ssyncset.done $0x0  }
0x132: {  	s0 =	simm.s32 @!p0 $0x18780;
	[sflag:s6] =	ssyncadd.s32 $0xFFFFD800  }
0x133: {  	[spmem:s29] =	stream.linear.scatter @!p0 [tilespmem:s0], [sflag:$0x5], $0x2800, $0x38;
	[tilespmem:$0x1FF80] =	vst v63  }
0x134: {  	s0 =	simm.s32 @!p0 $0x5  }
0x135: {  	_ =	swait.ge @!p0 [sflag:s0], $0x2800  }
0x136: {  	[sflag:s0] =	ssyncset.done @!p0 $0x0  }
0x137: {  	[sflag:s0] =	ssyncadd.s32 @!p0 $0xFFFFD800  }
0x138: {  	[bflag:$0x0] =	sbarrier.arrive $0xFFFF  }
0x139: {  	_ =	swait.ge [sflag:s16], $0x2710  }
0x13a: {  	[sflag:s16] =	ssyncset.done $0x0  }
0x13b: {  	[sflag:s16] =	ssyncadd.s32 $0xFFFFD8F0  }
0x13c: {  	_ =	swait.ge [sflag:s16], $0x2710  }
0x13d: {  	[sflag:s16] =	ssyncset.done $0x0  }
0x13e: {  	[sflag:s16] =	ssyncadd.s32 $0xFFFFD8F0  }
0x13f: {  	[tilespmem:s15], [sflag:$0x2] =	stream.indirect.gather [hbm4b:s19+s7], $0x80, s14, s7, $0xb8;
	[tilespmem:$0x1FF80] =	vst v63  }
0x140: {  	s11 =	simm.s32 $0x16050  }
0x141: {  	[tilespmem:s30], [sflag:$0x3] =	stream.indirect.gather [hbm4b:s19+s7], $0x80, s11, s7, $0xb8;
	[tilespmem:$0x1FF80] =	vst v63  }
0x142: {  	s3 =	simm.s32 $0x160A0  }
0x143: {  	[tilespmem:s31], [sflag:$0x4] =	stream.indirect.gather [hbm4b:s19+s7], $0x80, s3, s7, $0xb8;
	[tilespmem:$0x1FF80] =	vst v63  }
0x144: {  	_ =	swait.ge [sflag:s13], $0x2800  }
0x145: {  	[sflag:s13] =	ssyncset.done $0x0  }
0x146: {  	s10 =	simm.s32 $0x13880;
	[sflag:s13] =	ssyncadd.s32 $0xFFFFD800  }
0x147: {  	[spmem:s17] =	stream.indirect.scatter.add.f32 [tilespmem:s15], [sflag:$0x5], $0x80, s10, s7, $0xb8;
	[tilespmem:$0x1FF80] =	vst v63  }
0x148: {  	_ =	swait.ge [sflag:s6], $0x2800  }
0x149: {  	[sflag:s6] =	ssyncset.done $0x0  }
0x14a: {  	s11 =	simm.s32 $0x160F0;
	[sflag:s6] =	ssyncadd.s32 $0xFFFFD800  }
0x14b: {  	[tilespmem:s15], [sflag:$0x2] =	stream.indirect.gather [hbm4b:s19+s7], $0x80, s11, s7, $0xb8;
	[tilespmem:$0x1FF80] =	vst v63  }
0x14c: {  	_ =	swait.ge [sflag:s9], $0x2800  }
0x14d: {  	[sflag:s9] =	ssyncset.done $0x0  }
0x14e: {  	s3 =	simm.s32 $0x138D0;
	[sflag:s9] =	ssyncadd.s32 $0xFFFFD800  }
0x14f: {  	[spmem:s17] =	stream.indirect.scatter.add.f32 [tilespmem:s30], [sflag:$0x5], $0x80, s3, s7, $0xb8;
	[tilespmem:$0x1FF80] =	vst v63  }
0x150: {  	_ =	swait.ge [sflag:s6], $0x2800  }
0x151: {  	[sflag:s6] =	ssyncset.done $0x0  }
0x152: {  	s10 =	simm.s32 $0x16140;
	[sflag:s6] =	ssyncadd.s32 $0xFFFFD800  }
0x153: {  	[tilespmem:s30], [sflag:$0x3] =	stream.indirect.gather [hbm4b:s19+s7], $0x80, s10, s7, $0xb8;
	[tilespmem:$0x1FF80] =	vst v63  }
0x154: {  	_ =	swait.ge [sflag:s4], $0x2800  }
0x155: {  	[sflag:s4] =	ssyncset.done $0x0  }
0x156: {  	s11 =	simm.s32 $0x13920;
	[sflag:s4] =	ssyncadd.s32 $0xFFFFD800  }
0x157: {  	[spmem:s17] =	stream.indirect.scatter.add.f32 [tilespmem:s31], [sflag:$0x5], $0x80, s11, s7, $0xb8;
	[tilespmem:$0x1FF80] =	vst v63  }
0x158: {  	_ =	swait.ge [sflag:s6], $0x2800  }
0x159: {  	[sflag:s6] =	ssyncset.done $0x0  }
0x15a: {  	s0 =	simm.s32 $0x16190;
	s10 =	simm.s32 $0x3C0;
	[sflag:s6] =	ssyncadd.s32 $0xFFFFD800  }
.LBB2_8:
0x15b: {  	[tilespmem:s31], [sflag:$0x4] =	stream.indirect.gather [hbm4b:s19+s7], $0x80, s0, s7, $0xb8;
	[tilespmem:$0x1FF80] =	vst v63  }
0x15c: {  	s0 =	smov.u32 s10  }
0x15d: {  	p1 =	sne.s32 s10, $0x9240;
	s10 =	sadd.s32 $0x3C0, s10;
	_ =	swait.ge [sflag:s13], $0x2800  }
0x15e: {  	s0 =	sshra.s32 s0, $0x2;
	[sflag:s13] =	ssyncset.done $0x0  }
0x15f: {  	s3 =	sadd.s32 $0x13880, s0;
	[sflag:s13] =	ssyncadd.s32 $0xFFFFD800  }
0x160: {  	[spmem:s17] =	stream.indirect.scatter.add.f32 [tilespmem:s15], [sflag:$0x5], $0x80, s3, s7, $0xb8;
	[tilespmem:$0x1FF80] =	vst v63  }
0x161: {  	_ =	swait.ge [sflag:s6], $0x2800  }
0x162: {  	[sflag:s6] =	ssyncset.done $0x0  }
0x163: {  	s3 =	sadd.s32 $0x160F0, s0;
	[sflag:s6] =	ssyncadd.s32 $0xFFFFD800  }
0x164: {  	[tilespmem:s15], [sflag:$0x2] =	stream.indirect.gather [hbm4b:s19+s7], $0x80, s3, s7, $0xb8;
	[tilespmem:$0x1FF80] =	vst v63  }
0x165: {  	_ =	swait.ge [sflag:s9], $0x2800  }
0x166: {  	[sflag:s9] =	ssyncset.done $0x0  }
0x167: {  	s3 =	sadd.s32 $0x138D0, s0;
	[sflag:s9] =	ssyncadd.s32 $0xFFFFD800  }
0x168: {  	[spmem:s17] =	stream.indirect.scatter.add.f32 [tilespmem:s30], [sflag:$0x5], $0x80, s3, s7, $0xb8;
	[tilespmem:$0x1FF80] =	vst v63  }
0x169: {  	_ =	swait.ge [sflag:s6], $0x2800  }
0x16a: {  	[sflag:s6] =	ssyncset.done $0x0  }
0x16b: {  	s3 =	sadd.s32 $0x16140, s0;
	[sflag:s6] =	ssyncadd.s32 $0xFFFFD800  }
0x16c: {  	[tilespmem:s30], [sflag:$0x3] =	stream.indirect.gather [hbm4b:s19+s7], $0x80, s3, s7, $0xb8;
	[tilespmem:$0x1FF80] =	vst v63  }
0x16d: {  	_ =	swait.ge [sflag:s4], $0x2800  }
0x16e: {  	[sflag:s4] =	ssyncset.done $0x0  }
.Ltmp3:
0x16f: {  	s3 =	sadd.s32 $0x13920, s0;
	[sflag:s4] =	ssyncadd.s32 $0xFFFFD800;
	(pc) =	sbr.rel @p1 .LBB2_8-.Ltmp3, $4  }
0x170: {  	[spmem:s17] =	stream.indirect.scatter.add.f32 [tilespmem:s31], [sflag:$0x5], $0x80, s3, s7, $0xb8;
	[tilespmem:$0x1FF80] =	vst v63  }
0x171: {  	_ =	swait.ge [sflag:s6], $0x2800  }
0x172: {  	[sflag:s6] =	ssyncset.done $0x0  }
0x173: {  	s0 =	sadd.s32 $0x16190, s0;
	[sflag:s6] =	ssyncadd.s32 $0xFFFFD800  }
0x174: {  	[tilespmem:s31], [sflag:$0x4] =	stream.indirect.gather [hbm4b:s19+s7], $0x80, s0, s7, $0xb8;
	[tilespmem:$0x1FF80] =	vst v63  }
0x175: {  	_ =	swait.ge [sflag:s13], $0x2800  }
0x176: {  	[sflag:s13] =	ssyncset.done $0x0  }
0x177: {  	s10 =	simm.s32 $0x15E00;
	[sflag:s13] =	ssyncadd.s32 $0xFFFFD800  }
0x178: {  	[spmem:s17] =	stream.indirect.scatter.add.f32 [tilespmem:s15], [sflag:$0x5], $0x80, s10, s7, $0xb8;
	[tilespmem:$0x1FF80] =	vst v63  }
0x179: {  	_ =	swait.ge [sflag:s6], $0x2800  }
0x17a: {  	[sflag:s6] =	ssyncset.done $0x0  }
0x17b: {  	s11 =	simm.s32 $0x18670;
	[sflag:s6] =	ssyncadd.s32 $0xFFFFD800  }
0x17c: {  	[tilespmem:s15], [sflag:$0x2] =	stream.indirect.gather [hbm4b:s19+s7], $0x80, s11, s7, $0xb8;
	[tilespmem:$0x1FF80] =	vst v63  }
0x17d: {  	_ =	swait.ge [sflag:s9], $0x2800  }
0x17e: {  	[sflag:s9] =	ssyncset.done $0x0  }
0x17f: {  	s3 =	simm.s32 $0x15E50;
	[sflag:s9] =	ssyncadd.s32 $0xFFFFD800  }
0x180: {  	[spmem:s17] =	stream.indirect.scatter.add.f32 [tilespmem:s30], [sflag:$0x5], $0x80, s3, s7, $0xb8;
	[tilespmem:$0x1FF80] =	vst v63  }
0x181: {  	_ =	swait.ge [sflag:s6], $0x2800  }
0x182: {  	[sflag:s6] =	ssyncset.done $0x0  }
0x183: {  	s10 =	simm.s32 $0x186C0;
	[sflag:s6] =	ssyncadd.s32 $0xFFFFD800  }
0x184: {  	[tilespmem:s30], [sflag:$0x3] =	stream.indirect.gather [hbm4b:s19+s7], $0x80, s10, s7, $0xb8;
	[tilespmem:$0x1FF80] =	vst v63  }
0x185: {  	_ =	swait.ge [sflag:s4], $0x2800  }
0x186: {  	[sflag:s4] =	ssyncset.done $0x0  }
0x187: {  	[sflag:s4] =	ssyncadd.s32 $0xFFFFD800  }
0x188: {  	[spmem:s17] =	stream.indirect.scatter.add.f32 [tilespmem:s31], [sflag:$0x5], $0x80, s5, s7, $0xb8;
	[tilespmem:$0x1FF80] =	vst v63  }
0x189: {  	_ =	swait.ge [sflag:s6], $0x2800  }
0x18a: {  	[sflag:s6] =	ssyncset.done $0x0  }
0x18b: {  	[sflag:s6] =	ssyncadd.s32 $0xFFFFD800  }
0x18c: {  	_ =	swait.ge [sflag:s13], $0x2800  }
0x18d: {  	[sflag:s13] =	ssyncset.done $0x0  }
0x18e: {  	[sflag:s13] =	ssyncadd.s32 $0xFFFFD800  }
0x18f: {  	[spmem:s17] =	stream.indirect.scatter.add.f32 [tilespmem:s15], [sflag:$0x5], $0x80, s12, s7, $0xb8;
	[tilespmem:$0x1FF80] =	vst v63  }
0x190: {  	_ =	swait.ge [sflag:s6], $0x2800  }
0x191: {  	[sflag:s6] =	ssyncset.done $0x0  }
0x192: {  	[sflag:s6] =	ssyncadd.s32 $0xFFFFD800  }
0x193: {  	_ =	swait.ge [sflag:s9], $0x2800  }
0x194: {  	[sflag:s9] =	ssyncset.done $0x0  }
0x195: {  	[sflag:s9] =	ssyncadd.s32 $0xFFFFD800  }
0x196: {  	[spmem:s17] =	stream.indirect.scatter.add.f32 [tilespmem:s30], [sflag:$0x5], $0x80, s18, s7, $0xb8;
	[tilespmem:$0x1FF80] =	vst v63  }
0x197: {  	_ =	swait.ge [sflag:s6], $0x2800  }
0x198: {  	[sflag:s6] =	ssyncset.done $0x0  }
0x199: {  	[sflag:s6] =	ssyncadd.s32 $0xFFFFD800  }
0x19a: {  	[bflag:$0x0] =	sbarrier.arrive $0xFFFF  }
0x19b: {  	[tilespmem:s15], [sflag:$0x5] =	stream.linear.gather [spmem:s21], $0x2800, $0x38;
	[tilespmem:$0x1FF80] =	vst v63  }
0x19c: {  	_ =	swait.ge [sflag:s6], $0x2800  }
0x19d: {  	[sflag:s6] =	ssyncset.done $0x0  }
0x19e: {  	s11 =	rddreg [dreg:$0x13];
	[sflag:s6] =	ssyncadd.s32 $0xFFFFD800  }
0x19f: {  	[hbm4b:s11+s2] =	stream.linear.scatter [tilespmem:s15], [sflag:$0x2], $0x2800, $0x38;
	[tilespmem:$0x1FF80] =	vst v63  }
0x1a0: {  	_ = 	snop  }
0x1a1: {  	[tilespmem:s30], [sflag:$0x5] =	stream.linear.gather [spmem:s22], $0x2800, $0x38;
	[tilespmem:$0x1FF80] =	vst v63  }
0x1a2: {  	_ =	swait.ge [sflag:s6], $0x2800  }
0x1a3: {  	[sflag:s6] =	ssyncset.done $0x0  }
0x1a4: {  	s3 =	rddreg [dreg:$0x14];
	[sflag:s6] =	ssyncadd.s32 $0xFFFFD800  }
0x1a5: {  	[hbm4b:s3+s2] =	stream.linear.scatter [tilespmem:s30], [sflag:$0x3], $0x2800, $0x38;
	[tilespmem:$0x1FF80] =	vst v63  }
0x1a6: {  	_ =	swait.ge [sflag:s13], $0x2800  }
0x1a7: {  	[sflag:s13] =	ssyncset.done $0x0  }
0x1a8: {  	[sflag:s13] =	ssyncadd.s32 $0xFFFFD800  }
0x1a9: {  	[tilespmem:s15], [sflag:$0x5] =	stream.linear.gather [spmem:s23], $0x2800, $0x38;
	[tilespmem:$0x1FF80] =	vst v63  }
0x1aa: {  	_ =	swait.ge [sflag:s6], $0x2800  }
0x1ab: {  	[sflag:s6] =	ssyncset.done $0x0  }
0x1ac: {  	s10 =	rddreg [dreg:$0x15];
	[sflag:s6] =	ssyncadd.s32 $0xFFFFD800  }
0x1ad: {  	[hbm4b:s10+s2] =	stream.linear.scatter [tilespmem:s15], [sflag:$0x2], $0x2800, $0x38;
	[tilespmem:$0x1FF80] =	vst v63  }
0x1ae: {  	_ =	swait.ge [sflag:s9], $0x2800  }
0x1af: {  	[sflag:s9] =	ssyncset.done $0x0  }
0x1b0: {  	[sflag:s9] =	ssyncadd.s32 $0xFFFFD800  }
0x1b1: {  	[tilespmem:s30], [sflag:$0x5] =	stream.linear.gather [spmem:s24], $0x2800, $0x38;
	[tilespmem:$0x1FF80] =	vst v63  }
0x1b2: {  	_ =	swait.ge [sflag:s6], $0x2800  }
0x1b3: {  	[sflag:s6] =	ssyncset.done $0x0  }
0x1b4: {  	s11 =	rddreg [dreg:$0x16];
	[sflag:s6] =	ssyncadd.s32 $0xFFFFD800  }
0x1b5: {  	[hbm4b:s11+s2] =	stream.linear.scatter [tilespmem:s30], [sflag:$0x3], $0x2800, $0x38;
	[tilespmem:$0x1FF80] =	vst v63  }
0x1b6: {  	_ =	swait.ge [sflag:s13], $0x2800  }
0x1b7: {  	[sflag:s13] =	ssyncset.done $0x0  }
0x1b8: {  	[sflag:s13] =	ssyncadd.s32 $0xFFFFD800  }
0x1b9: {  	[tilespmem:s15], [sflag:$0x5] =	stream.linear.gather [spmem:s25], $0x2800, $0x38;
	[tilespmem:$0x1FF80] =	vst v63  }
0x1ba: {  	_ =	swait.ge [sflag:s6], $0x2800  }
0x1bb: {  	[sflag:s6] =	ssyncset.done $0x0  }
0x1bc: {  	s3 =	rddreg [dreg:$0x17];
	[sflag:s6] =	ssyncadd.s32 $0xFFFFD800  }
0x1bd: {  	[hbm4b:s3+s2] =	stream.linear.scatter [tilespmem:s15], [sflag:$0x2], $0x2800, $0x38;
	[tilespmem:$0x1FF80] =	vst v63  }
0x1be: {  	_ =	swait.ge [sflag:s9], $0x2800  }
0x1bf: {  	[sflag:s9] =	ssyncset.done $0x0  }
0x1c0: {  	[sflag:s9] =	ssyncadd.s32 $0xFFFFD800  }
0x1c1: {  	[tilespmem:s30], [sflag:$0x5] =	stream.linear.gather [spmem:s26], $0x2800, $0x38;
	[tilespmem:$0x1FF80] =	vst v63  }
0x1c2: {  	_ =	swait.ge [sflag:s6], $0x2800  }
0x1c3: {  	[sflag:s6] =	ssyncset.done $0x0  }
0x1c4: {  	s10 =	rddreg [dreg:$0x18];
	[sflag:s6] =	ssyncadd.s32 $0xFFFFD800  }
0x1c5: {  	[hbm4b:s10+s2] =	stream.linear.scatter [tilespmem:s30], [sflag:$0x3], $0x2800, $0x38;
	[tilespmem:$0x1FF80] =	vst v63  }
0x1c6: {  	_ =	swait.ge [sflag:s13], $0x2800  }
0x1c7: {  	[sflag:s13] =	ssyncset.done $0x0  }
0x1c8: {  	[sflag:s13] =	ssyncadd.s32 $0xFFFFD800  }
0x1c9: {  	[tilespmem:s15], [sflag:$0x5] =	stream.linear.gather [spmem:s28], $0x2800, $0x38;
	[tilespmem:$0x1FF80] =	vst v63  }
0x1ca: {  	_ =	swait.ge [sflag:s6], $0x2800  }
0x1cb: {  	[sflag:s6] =	ssyncset.done $0x0  }
0x1cc: {  	s0 =	simm.s32 @!p0 $0x3;
	s11 =	rddreg [dreg:$0x19];
	[sflag:s6] =	ssyncadd.s32 $0xFFFFD800  }
0x1cd: {  	[hbm4b:s11+s2] =	stream.linear.scatter [tilespmem:s15], [sflag:$0x2], $0x2800, $0x38;
	[tilespmem:$0x1FF80] =	vst v63  }
0x1ce: {  	_ =	swait.ge @!p0 [sflag:s0], $0x2800  }
0x1cf: {  	[sflag:s0] =	ssyncset.done @!p0 $0x0  }
0x1d0: {  	s3 =	simm.s32 @!p0 $0x5;
	[sflag:s0] =	ssyncadd.s32 @!p0 $0xFFFFD800;
	s0 =	simm.s32 @!p0 $0x1AF80  }
0x1d1: {  	[tilespmem:s0], [sflag:$0x5] =	stream.linear.gather @!p0 [spmem:s29], $0x2800, $0x38;
	[tilespmem:$0x1FF80] =	vst v63  }
0x1d2: {  	_ =	swait.ge @!p0 [sflag:s3], $0x2800  }
0x1d3: {  	[sflag:s3] =	ssyncset.done @!p0 $0x0  }
0x1d4: {  	s10 =	rddreg [dreg:$0x1a];
	[sflag:s3] =	ssyncadd.s32 @!p0 $0xFFFFD800;
	s3 =	simm.s32 @!p0 $0x0  }
0x1d5: {  	[hbm4b:s10+s3] =	stream.linear.scatter @!p0 [tilespmem:s0], [sflag:$0x3], $0x2800, $0x38;
	[tilespmem:$0x1FF80] =	vst v63  }
0x1d6: {  	_ =	swait.ge [sflag:s13], $0x2800  }
0x1d7: {  	[sflag:s13] =	ssyncset.done $0x0  }
0x1d8: {  	[sflag:s13] =	ssyncadd.s32 $0xFFFFD800  }
0x1d9: {  	_ =	swait.ge [sflag:s9], $0x2800  }
0x1da: {  	[sflag:s9] =	ssyncset.done $0x0  }
0x1db: {  	[sflag:s9] =	ssyncadd.s32 $0xFFFFD800  }
0x1dc: {  	[bflag:$0x0] =	sbarrier.arrive $0xFFFF  }
0x1dd: {  	s11 =	simm.s32 $0x13880;
	s10 =	simm.s32 $0x0;
	s3 =	rddreg [dreg:$0x10]  }
0x1de: {  	[tilespmem:s11], [sflag:$0x1] =	stream.linear.gather [hbm4b:s3+s10], $0x2710, $0x38;
	[tilespmem:$0x1FF80] =	vst v63  }
0x1df: {  	s11 =	rddreg [dreg:$0x11];
	s3 =	sand.u32 $0xFE00, s10  }
0x1e0: {  	[tilespmem:s14], [sflag:$0x1] =	stream.linear.gather [hbm4b:s11+s10], $0x2710, $0x38;
	[tilespmem:$0x1FF80] =	vst v63  }
0x1e1: {  	s0 =	sshrl.u32 s3, $0x2;
	s11 =	sand.u32 $0x70, s10  }
0x1e2: {  	s3 =	sor.u32 s11, s0;
	s0 =	simm.s32 $0x40  }
.LBB2_10:
0x1e3: {  	p1 =	sne.s32 s0, $0x9FC0  }
0x1e4: {  	[tilespmem:s3+$0x18780] =	vst v0;
	s10 =	sadd.s32 $0x10, s10;
	s3 =	smov.u32 s0;
	s0 =	sadd.s32 $0x40, s0  }
.Ltmp4:
0x1e5: {  	(pc) =	sbr.rel @p1 .LBB2_10-.Ltmp4, $4  }
0x1e6: {  	_ = 	snop  }
0x1e7: {  	s3 =	sand.u32 $0xFE00, s3  }
0x1e8: {  	s11 =	sand.u32 $0x70, s10;
	s3 =	sshrl.u32 s3, $0x2  }
0x1e9: {  	s3 =	sor.u32 s11, s3  }
0x1ea: {  	[tilespmem:s3+$0x18780] =	vst v0  }
0x1eb: {  	[spmem:s21] =	stream.linear.scatter [tilespmem:s15], [sflag:$0x5], $0x2800, $0x38;
	[tilespmem:$0x1FF80] =	vst v63  }
0x1ec: {  	_ =	swait.ge [sflag:s6], $0x2800  }
0x1ed: {  	[sflag:s6] =	ssyncset.done $0x0  }
0x1ee: {  	[sflag:s6] =	ssyncadd.s32 $0xFFFFD800  }
0x1ef: {  	[spmem:s22] =	stream.linear.scatter [tilespmem:s15], [sflag:$0x5], $0x2800, $0x38;
	[tilespmem:$0x1FF80] =	vst v63  }
0x1f0: {  	_ =	swait.ge [sflag:s6], $0x2800  }
0x1f1: {  	[sflag:s6] =	ssyncset.done $0x0  }
0x1f2: {  	[sflag:s6] =	ssyncadd.s32 $0xFFFFD800  }
0x1f3: {  	[spmem:s23] =	stream.linear.scatter [tilespmem:s15], [sflag:$0x5], $0x2800, $0x38;
	[tilespmem:$0x1FF80] =	vst v63  }
0x1f4: {  	_ =	swait.ge [sflag:s6], $0x2800  }
0x1f5: {  	[sflag:s6] =	ssyncset.done $0x0  }
0x1f6: {  	[sflag:s6] =	ssyncadd.s32 $0xFFFFD800  }
0x1f7: {  	[spmem:s24] =	stream.linear.scatter [tilespmem:s15], [sflag:$0x5], $0x2800, $0x38;
	[tilespmem:$0x1FF80] =	vst v63  }
0x1f8: {  	_ =	swait.ge [sflag:s6], $0x2800  }
0x1f9: {  	[sflag:s6] =	ssyncset.done $0x0  }
0x1fa: {  	[sflag:s6] =	ssyncadd.s32 $0xFFFFD800  }
0x1fb: {  	[spmem:s25] =	stream.linear.scatter [tilespmem:s15], [sflag:$0x5], $0x2800, $0x38;
	[tilespmem:$0x1FF80] =	vst v63  }
0x1fc: {  	_ =	swait.ge [sflag:s6], $0x2800  }
0x1fd: {  	[sflag:s6] =	ssyncset.done $0x0  }
0x1fe: {  	[sflag:s6] =	ssyncadd.s32 $0xFFFFD800  }
0x1ff: {  	[spmem:s26] =	stream.linear.scatter [tilespmem:s15], [sflag:$0x5], $0x2800, $0x38;
	[tilespmem:$0x1FF80] =	vst v63  }
0x200: {  	_ =	swait.ge [sflag:s6], $0x2800  }
0x201: {  	[sflag:s6] =	ssyncset.done $0x0  }
0x202: {  	[sflag:s6] =	ssyncadd.s32 $0xFFFFD800  }
0x203: {  	[spmem:s28] =	stream.linear.scatter [tilespmem:s15], [sflag:$0x5], $0x2800, $0x38;
	[tilespmem:$0x1FF80] =	vst v63  }
0x204: {  	_ =	swait.ge [sflag:s6], $0x2800  }
0x205: {  	[sflag:s6] =	ssyncset.done $0x0  }
0x206: {  	s0 =	simm.s32 @!p0 $0x18780;
	[sflag:s6] =	ssyncadd.s32 $0xFFFFD800  }
0x207: {  	[spmem:s29] =	stream.linear.scatter @!p0 [tilespmem:s0], [sflag:$0x5], $0x2800, $0x38;
	[tilespmem:$0x1FF80] =	vst v63  }
0x208: {  	s0 =	simm.s32 @!p0 $0x5  }
0x209: {  	_ =	swait.ge @!p0 [sflag:s0], $0x2800  }
0x20a: {  	[sflag:s0] =	ssyncset.done @!p0 $0x0  }
0x20b: {  	[sflag:s0] =	ssyncadd.s32 @!p0 $0xFFFFD800  }
0x20c: {  	[bflag:$0x0] =	sbarrier.arrive $0xFFFF  }
0x20d: {  	_ =	swait.ge [sflag:s16], $0x2710  }
0x20e: {  	[sflag:s16] =	ssyncset.done $0x0  }
0x20f: {  	[sflag:s16] =	ssyncadd.s32 $0xFFFFD8F0  }
0x210: {  	_ =	swait.ge [sflag:s16], $0x2710  }
0x211: {  	[sflag:s16] =	ssyncset.done $0x0  }
0x212: {  	[sflag:s16] =	ssyncadd.s32 $0xFFFFD8F0  }
0x213: {  	[tilespmem:s15], [sflag:$0x2] =	stream.indirect.gather [hbm4b:s20+s7], $0x80, s14, s7, $0xb8;
	[tilespmem:$0x1FF80] =	vst v63  }
0x214: {  	s11 =	simm.s32 $0x16050  }
0x215: {  	[tilespmem:s30], [sflag:$0x3] =	stream.indirect.gather [hbm4b:s20+s7], $0x80, s11, s7, $0xb8;
	[tilespmem:$0x1FF80] =	vst v63  }
0x216: {  	s3 =	simm.s32 $0x160A0  }
0x217: {  	[tilespmem:s31], [sflag:$0x4] =	stream.indirect.gather [hbm4b:s20+s7], $0x80, s3, s7, $0xb8;
	[tilespmem:$0x1FF80] =	vst v63  }
0x218: {  	_ =	swait.ge [sflag:s13], $0x2800  }
0x219: {  	[sflag:s13] =	ssyncset.done $0x0  }
0x21a: {  	s10 =	simm.s32 $0x13880;
	[sflag:s13] =	ssyncadd.s32 $0xFFFFD800  }
0x21b: {  	[spmem:s17] =	stream.indirect.scatter.add.f32 [tilespmem:s15], [sflag:$0x5], $0x80, s10, s7, $0xb8;
	[tilespmem:$0x1FF80] =	vst v63  }
0x21c: {  	_ =	swait.ge [sflag:s6], $0x2800  }
0x21d: {  	[sflag:s6] =	ssyncset.done $0x0  }
0x21e: {  	s11 =	simm.s32 $0x160F0;
	[sflag:s6] =	ssyncadd.s32 $0xFFFFD800  }
0x21f: {  	[tilespmem:s15], [sflag:$0x2] =	stream.indirect.gather [hbm4b:s20+s7], $0x80, s11, s7, $0xb8;
	[tilespmem:$0x1FF80] =	vst v63  }
0x220: {  	_ =	swait.ge [sflag:s9], $0x2800  }
0x221: {  	[sflag:s9] =	ssyncset.done $0x0  }
0x222: {  	s3 =	simm.s32 $0x138D0;
	[sflag:s9] =	ssyncadd.s32 $0xFFFFD800  }
0x223: {  	[spmem:s17] =	stream.indirect.scatter.add.f32 [tilespmem:s30], [sflag:$0x5], $0x80, s3, s7, $0xb8;
	[tilespmem:$0x1FF80] =	vst v63  }
0x224: {  	_ =	swait.ge [sflag:s6], $0x2800  }
0x225: {  	[sflag:s6] =	ssyncset.done $0x0  }
0x226: {  	s10 =	simm.s32 $0x16140;
	[sflag:s6] =	ssyncadd.s32 $0xFFFFD800  }
0x227: {  	[tilespmem:s30], [sflag:$0x3] =	stream.indirect.gather [hbm4b:s20+s7], $0x80, s10, s7, $0xb8;
	[tilespmem:$0x1FF80] =	vst v63  }
0x228: {  	_ =	swait.ge [sflag:s4], $0x2800  }
0x229: {  	[sflag:s4] =	ssyncset.done $0x0  }
0x22a: {  	s11 =	simm.s32 $0x13920;
	[sflag:s4] =	ssyncadd.s32 $0xFFFFD800  }
0x22b: {  	[spmem:s17] =	stream.indirect.scatter.add.f32 [tilespmem:s31], [sflag:$0x5], $0x80, s11, s7, $0xb8;
	[tilespmem:$0x1FF80] =	vst v63  }
0x22c: {  	_ =	swait.ge [sflag:s6], $0x2800  }
0x22d: {  	[sflag:s6] =	ssyncset.done $0x0  }
0x22e: {  	s0 =	simm.s32 $0x16190;
	s10 =	simm.s32 $0x3C0;
	[sflag:s6] =	ssyncadd.s32 $0xFFFFD800  }
.LBB2_12:
0x22f: {  	[tilespmem:s31], [sflag:$0x4] =	stream.indirect.gather [hbm4b:s20+s7], $0x80, s0, s7, $0xb8;
	[tilespmem:$0x1FF80] =	vst v63  }
0x230: {  	s0 =	smov.u32 s10  }
0x231: {  	p1 =	sne.s32 s10, $0x9240;
	s10 =	sadd.s32 $0x3C0, s10;
	_ =	swait.ge [sflag:s13], $0x2800  }
0x232: {  	s0 =	sshra.s32 s0, $0x2;
	[sflag:s13] =	ssyncset.done $0x0  }
0x233: {  	s3 =	sadd.s32 $0x13880, s0;
	[sflag:s13] =	ssyncadd.s32 $0xFFFFD800  }
0x234: {  	[spmem:s17] =	stream.indirect.scatter.add.f32 [tilespmem:s15], [sflag:$0x5], $0x80, s3, s7, $0xb8;
	[tilespmem:$0x1FF80] =	vst v63  }
0x235: {  	_ =	swait.ge [sflag:s6], $0x2800  }
0x236: {  	[sflag:s6] =	ssyncset.done $0x0  }
0x237: {  	s3 =	sadd.s32 $0x160F0, s0;
	[sflag:s6] =	ssyncadd.s32 $0xFFFFD800  }
0x238: {  	[tilespmem:s15], [sflag:$0x2] =	stream.indirect.gather [hbm4b:s20+s7], $0x80, s3, s7, $0xb8;
	[tilespmem:$0x1FF80] =	vst v63  }
0x239: {  	_ =	swait.ge [sflag:s9], $0x2800  }
0x23a: {  	[sflag:s9] =	ssyncset.done $0x0  }
0x23b: {  	s3 =	sadd.s32 $0x138D0, s0;
	[sflag:s9] =	ssyncadd.s32 $0xFFFFD800  }
0x23c: {  	[spmem:s17] =	stream.indirect.scatter.add.f32 [tilespmem:s30], [sflag:$0x5], $0x80, s3, s7, $0xb8;
	[tilespmem:$0x1FF80] =	vst v63  }
0x23d: {  	_ =	swait.ge [sflag:s6], $0x2800  }
0x23e: {  	[sflag:s6] =	ssyncset.done $0x0  }
0x23f: {  	s3 =	sadd.s32 $0x16140, s0;
	[sflag:s6] =	ssyncadd.s32 $0xFFFFD800  }
0x240: {  	[tilespmem:s30], [sflag:$0x3] =	stream.indirect.gather [hbm4b:s20+s7], $0x80, s3, s7, $0xb8;
	[tilespmem:$0x1FF80] =	vst v63  }
0x241: {  	_ =	swait.ge [sflag:s4], $0x2800  }
0x242: {  	[sflag:s4] =	ssyncset.done $0x0  }
.Ltmp5:
0x243: {  	s3 =	sadd.s32 $0x13920, s0;
	[sflag:s4] =	ssyncadd.s32 $0xFFFFD800;
	(pc) =	sbr.rel @p1 .LBB2_12-.Ltmp5, $4  }
0x244: {  	[spmem:s17] =	stream.indirect.scatter.add.f32 [tilespmem:s31], [sflag:$0x5], $0x80, s3, s7, $0xb8;
	[tilespmem:$0x1FF80] =	vst v63  }
0x245: {  	_ =	swait.ge [sflag:s6], $0x2800  }
0x246: {  	[sflag:s6] =	ssyncset.done $0x0  }
0x247: {  	s0 =	sadd.s32 $0x16190, s0;
	[sflag:s6] =	ssyncadd.s32 $0xFFFFD800  }
0x248: {  	[tilespmem:s31], [sflag:$0x4] =	stream.indirect.gather [hbm4b:s20+s7], $0x80, s0, s7, $0xb8;
	[tilespmem:$0x1FF80] =	vst v63  }
0x249: {  	_ =	swait.ge [sflag:s13], $0x2800  }
0x24a: {  	[sflag:s13] =	ssyncset.done $0x0  }
0x24b: {  	s3 =	simm.s32 $0x15E00;
	[sflag:s13] =	ssyncadd.s32 $0xFFFFD800  }
0x24c: {  	[spmem:s17] =	stream.indirect.scatter.add.f32 [tilespmem:s15], [sflag:$0x5], $0x80, s3, s7, $0xb8;
	[tilespmem:$0x1FF80] =	vst v63  }
0x24d: {  	_ =	swait.ge [sflag:s6], $0x2800  }
0x24e: {  	[sflag:s6] =	ssyncset.done $0x0  }
0x24f: {  	s10 =	simm.s32 $0x18670;
	[sflag:s6] =	ssyncadd.s32 $0xFFFFD800  }
0x250: {  	[tilespmem:s15], [sflag:$0x2] =	stream.indirect.gather [hbm4b:s20+s7], $0x80, s10, s7, $0xb8;
	[tilespmem:$0x1FF80] =	vst v63  }
0x251: {  	_ =	swait.ge [sflag:s9], $0x2800  }
0x252: {  	[sflag:s9] =	ssyncset.done $0x0  }
0x253: {  	s11 =	simm.s32 $0x15E50;
	[sflag:s9] =	ssyncadd.s32 $0xFFFFD800  }
0x254: {  	[spmem:s17] =	stream.indirect.scatter.add.f32 [tilespmem:s30], [sflag:$0x5], $0x80, s11, s7, $0xb8;
	[tilespmem:$0x1FF80] =	vst v63  }
0x255: {  	_ =	swait.ge [sflag:s6], $0x2800  }
0x256: {  	[sflag:s6] =	ssyncset.done $0x0  }
0x257: {  	s3 =	simm.s32 $0x186C0;
	[sflag:s6] =	ssyncadd.s32 $0xFFFFD800  }
0x258: {  	[tilespmem:s30], [sflag:$0x3] =	stream.indirect.gather [hbm4b:s20+s7], $0x80, s3, s7, $0xb8;
	[tilespmem:$0x1FF80] =	vst v63  }
0x259: {  	_ =	swait.ge [sflag:s4], $0x2800  }
0x25a: {  	[sflag:s4] =	ssyncset.done $0x0  }
0x25b: {  	[sflag:s4] =	ssyncadd.s32 $0xFFFFD800  }
0x25c: {  	[spmem:s17] =	stream.indirect.scatter.add.f32 [tilespmem:s31], [sflag:$0x5], $0x80, s5, s7, $0xb8;
	[tilespmem:$0x1FF80] =	vst v63  }
0x25d: {  	_ =	swait.ge [sflag:s6], $0x2800  }
0x25e: {  	[sflag:s6] =	ssyncset.done $0x0  }
0x25f: {  	[sflag:s6] =	ssyncadd.s32 $0xFFFFD800  }
0x260: {  	_ =	swait.ge [sflag:s13], $0x2800  }
0x261: {  	[sflag:s13] =	ssyncset.done $0x0  }
0x262: {  	[sflag:s13] =	ssyncadd.s32 $0xFFFFD800  }
0x263: {  	[spmem:s17] =	stream.indirect.scatter.add.f32 [tilespmem:s15], [sflag:$0x5], $0x80, s12, s7, $0xb8;
	[tilespmem:$0x1FF80] =	vst v63  }
0x264: {  	_ =	swait.ge [sflag:s6], $0x2800  }
0x265: {  	[sflag:s6] =	ssyncset.done $0x0  }
0x266: {  	[sflag:s6] =	ssyncadd.s32 $0xFFFFD800  }
0x267: {  	_ =	swait.ge [sflag:s9], $0x2800  }
0x268: {  	[sflag:s9] =	ssyncset.done $0x0  }
0x269: {  	[sflag:s9] =	ssyncadd.s32 $0xFFFFD800  }
0x26a: {  	[spmem:s17] =	stream.indirect.scatter.add.f32 [tilespmem:s30], [sflag:$0x5], $0x80, s18, s7, $0xb8;
	[tilespmem:$0x1FF80] =	vst v63  }
0x26b: {  	_ =	swait.ge [sflag:s6], $0x2800  }
0x26c: {  	[sflag:s6] =	ssyncset.done $0x0  }
0x26d: {  	[sflag:s6] =	ssyncadd.s32 $0xFFFFD800  }
0x26e: {  	[bflag:$0x0] =	sbarrier.arrive $0xFFFF  }
0x26f: {  	[tilespmem:s15], [sflag:$0x5] =	stream.linear.gather [spmem:s21], $0x2800, $0x38;
	[tilespmem:$0x1FF80] =	vst v63  }
0x270: {  	_ =	swait.ge [sflag:s6], $0x2800  }
0x271: {  	[sflag:s6] =	ssyncset.done $0x0  }
0x272: {  	s10 =	rddreg [dreg:$0x1b];
	[sflag:s6] =	ssyncadd.s32 $0xFFFFD800  }
0x273: {  	[hbm4b:s10+s2] =	stream.linear.scatter [tilespmem:s15], [sflag:$0x2], $0x2800, $0x38;
	[tilespmem:$0x1FF80] =	vst v63  }
0x274: {  	_ = 	snop  }
0x275: {  	[tilespmem:s30], [sflag:$0x5] =	stream.linear.gather [spmem:s22], $0x2800, $0x38;
	[tilespmem:$0x1FF80] =	vst v63  }
0x276: {  	_ =	swait.ge [sflag:s6], $0x2800  }
0x277: {  	[sflag:s6] =	ssyncset.done $0x0  }
0x278: {  	s11 =	rddreg [dreg:$0x1c];
	[sflag:s6] =	ssyncadd.s32 $0xFFFFD800  }
0x279: {  	[hbm4b:s11+s2] =	stream.linear.scatter [tilespmem:s30], [sflag:$0x3], $0x2800, $0x38;
	[tilespmem:$0x1FF80] =	vst v63  }
0x27a: {  	_ =	swait.ge [sflag:s13], $0x2800  }
0x27b: {  	[sflag:s13] =	ssyncset.done $0x0  }
0x27c: {  	[sflag:s13] =	ssyncadd.s32 $0xFFFFD800  }
0x27d: {  	[tilespmem:s15], [sflag:$0x5] =	stream.linear.gather [spmem:s23], $0x2800, $0x38;
	[tilespmem:$0x1FF80] =	vst v63  }
0x27e: {  	_ =	swait.ge [sflag:s6], $0x2800  }
0x27f: {  	[sflag:s6] =	ssyncset.done $0x0  }
0x280: {  	s3 =	rddreg [dreg:$0x1d];
	[sflag:s6] =	ssyncadd.s32 $0xFFFFD800  }
0x281: {  	[hbm4b:s3+s2] =	stream.linear.scatter [tilespmem:s15], [sflag:$0x2], $0x2800, $0x38;
	[tilespmem:$0x1FF80] =	vst v63  }
0x282: {  	_ =	swait.ge [sflag:s9], $0x2800  }
0x283: {  	[sflag:s9] =	ssyncset.done $0x0  }
0x284: {  	[sflag:s9] =	ssyncadd.s32 $0xFFFFD800  }
0x285: {  	[tilespmem:s30], [sflag:$0x5] =	stream.linear.gather [spmem:s24], $0x2800, $0x38;
	[tilespmem:$0x1FF80] =	vst v63  }
0x286: {  	_ =	swait.ge [sflag:s6], $0x2800  }
0x287: {  	[sflag:s6] =	ssyncset.done $0x0  }
0x288: {  	s10 =	rddreg [dreg:$0x1e];
	[sflag:s6] =	ssyncadd.s32 $0xFFFFD800  }
0x289: {  	[hbm4b:s10+s2] =	stream.linear.scatter [tilespmem:s30], [sflag:$0x3], $0x2800, $0x38;
	[tilespmem:$0x1FF80] =	vst v63  }
0x28a: {  	_ =	swait.ge [sflag:s13], $0x2800  }
0x28b: {  	[sflag:s13] =	ssyncset.done $0x0  }
0x28c: {  	[sflag:s13] =	ssyncadd.s32 $0xFFFFD800  }
0x28d: {  	[tilespmem:s15], [sflag:$0x5] =	stream.linear.gather [spmem:s25], $0x2800, $0x38;
	[tilespmem:$0x1FF80] =	vst v63  }
0x28e: {  	_ =	swait.ge [sflag:s6], $0x2800  }
0x28f: {  	[sflag:s6] =	ssyncset.done $0x0  }
0x290: {  	s11 =	rddreg [dreg:$0x1f];
	[sflag:s6] =	ssyncadd.s32 $0xFFFFD800  }
0x291: {  	[hbm4b:s11+s2] =	stream.linear.scatter [tilespmem:s15], [sflag:$0x2], $0x2800, $0x38;
	[tilespmem:$0x1FF80] =	vst v63  }
0x292: {  	_ =	swait.ge [sflag:s9], $0x2800  }
0x293: {  	[sflag:s9] =	ssyncset.done $0x0  }
0x294: {  	[sflag:s9] =	ssyncadd.s32 $0xFFFFD800  }
0x295: {  	[tilespmem:s30], [sflag:$0x5] =	stream.linear.gather [spmem:s26], $0x2800, $0x38;
	[tilespmem:$0x1FF80] =	vst v63  }
0x296: {  	_ =	swait.ge [sflag:s6], $0x2800  }
0x297: {  	s3 =	sld [smem:$0x7FB]  }
0x298: {  	[sflag:s6] =	ssyncset.done $0x0  }
0x299: {  	[sflag:s6] =	ssyncadd.s32 $0xFFFFD800  }
0x29a: {  	[hbm4b:s3+s2] =	stream.linear.scatter [tilespmem:s30], [sflag:$0x3], $0x2800, $0x38;
	[tilespmem:$0x1FF80] =	vst v63  }
0x29b: {  	_ =	swait.ge [sflag:s13], $0x2800  }
0x29c: {  	[sflag:s13] =	ssyncset.done $0x0  }
0x29d: {  	[sflag:s13] =	ssyncadd.s32 $0xFFFFD800  }
0x29e: {  	[tilespmem:s15], [sflag:$0x5] =	stream.linear.gather [spmem:s28], $0x2800, $0x38;
	[tilespmem:$0x1FF80] =	vst v63  }
0x29f: {  	_ =	swait.ge [sflag:s6], $0x2800  }
0x2a0: {  	s10 =	sld [smem:$0x7FC]  }
0x2a1: {  	[sflag:s6] =	ssyncset.done $0x0  }
0x2a2: {  	s0 =	simm.s32 @!p0 $0x3;
	[sflag:s6] =	ssyncadd.s32 $0xFFFFD800  }
0x2a3: {  	[hbm4b:s10+s2] =	stream.linear.scatter [tilespmem:s15], [sflag:$0x2], $0x2800, $0x38;
	[tilespmem:$0x1FF80] =	vst v63  }
0x2a4: {  	_ =	swait.ge @!p0 [sflag:s0], $0x2800  }
0x2a5: {  	[sflag:s0] =	ssyncset.done @!p0 $0x0  }
0x2a6: {  	s3 =	simm.s32 @!p0 $0x5;
	[sflag:s0] =	ssyncadd.s32 @!p0 $0xFFFFD800;
	s0 =	simm.s32 @!p0 $0x1AF80  }
0x2a7: {  	[tilespmem:s0], [sflag:$0x5] =	stream.linear.gather @!p0 [spmem:s29], $0x2800, $0x38;
	[tilespmem:$0x1FF80] =	vst v63  }
0x2a8: {  	_ =	swait.ge @!p0 [sflag:s3], $0x2800  }
0x2a9: {  	s10 =	sld [smem:$0x7FD]  }
0x2aa: {  	[sflag:s3] =	ssyncset.done @!p0 $0x0  }
0x2ab: {  	[sflag:s3] =	ssyncadd.s32 @!p0 $0xFFFFD800;
	s3 =	simm.s32 @!p0 $0x0  }
0x2ac: {  	[hbm4b:s10+s3] =	stream.linear.scatter @!p0 [tilespmem:s0], [sflag:$0x3], $0x2800, $0x38;
	[tilespmem:$0x1FF80] =	vst v63  }
0x2ad: {  	_ =	swait.ge [sflag:s13], $0x2800  }
0x2ae: {  	[sflag:s13] =	ssyncset.done $0x0  }
0x2af: {  	[sflag:s13] =	ssyncadd.s32 $0xFFFFD800  }
0x2b0: {  	_ =	swait.ge [sflag:s9], $0x2800  }
0x2b1: {  	s8 =	sadd.s32 $0x1, s8;
	s11 =	rddreg [dreg:$0x12]  }
0x2b2: {  	p1 =	sne.s32 s8, s11  }
.Ltmp6:
0x2b3: {  	_ = 	snop;
	(pc) =	sbr.rel @p1 .LBB2_1-.Ltmp6, $3  }
0x2b4: {  	[sflag:s9] =	ssyncset.done $0x0  }
0x2b5: {  	[sflag:s9] =	ssyncadd.s32 $0xFFFFD800  }
0x2b6: {  	[bflag:$0x0] =	sbarrier.arrive $0xFFFF;
	_ =	sdelay $0x1  }
0x2b7: {  	_ =	sfence.sel $0x180000  }
0x2b8: {  	[bflag:$0x0] =	sbarrier.arrive $0xFFFF  }
0x2b9: {  	_ =	strace $0x9000004A  }
0x2ba: {  	s0 =	stileid.u32;
	[bflag:$0x2] =	sbarrier.arrive $0xFFFF  }
0x2bb: {  	p0 =	sne.s32 s0, $0x0;
	s0 =	rddreg [dreg:$0x3]  }
0x2bc: {  	s0 =	sadd.s32 @!p0 $0x100000, s0  }
0x2bd: {  	[sflag:s0] =	ssyncadd.tile.s32 @!p0 $0x1;
	_ =	shalt  }
.Lfunc_end2:
_tile_overlayer_lowered:
.L_overlay_start_2:
0x2be: {  	(tag) =	ssettag $0x2  }
0x2bf: {  	s0 =	rddreg [dreg:$0x0];
	s2 =	stileid.u32  }
0x2c0: {  	s1 =	rddreg [dreg:$0x1];
	p0 =	sne.s32 s2, $0x0  }
0x2c1: {  	s3 =	rddreg [dreg:$0x2];
	[bflag:$0x3] =	sbarrier.arrive $0xFFFF;
	s2 =	simm.s32 @!p0 $0x1C05  }
0x2c2: {  	[timem:s3], [sflag:s2] =	dma.local @!p0 [hbm:s0], s1  }
0x2c3: {  	s0 =	simm.s32 @!p0 $0x5  }
0x2c4: {  	_ =	swait.ge @!p0 [sflag:s0], s1  }
0x2c5: {  	s1 =	ssub.s32 @!p0 $0x0, s1;
	[sflag:s0] =	ssyncset.done @!p0 $0x0  }
0x2c6: {  	[sflag:s0] =	ssyncadd.s32 @!p0 s1  }
0x2c7: {  	[bflag:$0x3] =	sbarrier.arrive $0xFFFF  }
0x2c8: {  	_ =	shalt  }

</sc_bundles>
